<compile_context>
chip_gen: v7x
topology: tpu7x:2x2x1
jax: 0.10.2.dev20260603
libtpu: 0.0.44.dev20260713+nightly
codegen_flags: <defaults>
</compile_context>

<pallas_src>
import functools

import jax
import jax.numpy as jnp
from jax import lax
from jax.experimental import pallas as pl
from jax.experimental.pallas import tpu as pltpu
from jax.experimental.pallas import tpu_sc as plsc

F = 16
G = 4096
B = 8
E = 524288
C = 32
ROWS = B * F * G


_EB = 4096
_NBLK = E // _EB


def _tc1_body(ts_ref, dt_ref, lam_ref, t_ref, bid_ref, sid_ref, feat_ref,
              contrib_ref, ridx_ref):
    t = t_ref[0, 0, :]
    bid = bid_ref[0, 0, :]
    sid = sid_ref[0, 0, :]
    ts = jnp.zeros((_EB,), jnp.float32)
    dt = jnp.zeros((_EB,), jnp.float32)
    for b in range(B):
        ts = jnp.where(bid == b, ts_ref[b], ts)
        dt = jnp.where(bid == b, dt_ref[b], dt)
    rel = (t - ts) / dt
    frame_f = jnp.clip(jnp.ceil(rel) - 1.0, 0.0, F - 1.0)
    tau = ts + (frame_f + 1.0) * dt
    d = tau - t
    lam = lam_ref[0, :]
    w = jnp.exp(-d[:, None] * lam[None, :])
    cw = feat_ref[...] * w
    for k in range(4):
        contrib_ref[:, pl.ds(32 * k, 32)] = cw[1024 * k:1024 * (k + 1), :]
    frame = frame_f.astype(jnp.int32)
    ridx_ref[0, 0, :] = (bid * F + frame) * G + sid


def _tc1(times3, bids3, sids3, features, t_start, dt_frame, lam2):
    return pl.pallas_call(
        _tc1_body,
        grid=(_NBLK,),
        in_specs=[
            pl.BlockSpec(memory_space=pltpu.SMEM),
            pl.BlockSpec(memory_space=pltpu.SMEM),
            pl.BlockSpec((1, C), lambda i: (0, 0)),
            pl.BlockSpec((1, 1, _EB), lambda i: (i, 0, 0)),
            pl.BlockSpec((1, 1, _EB), lambda i: (i, 0, 0)),
            pl.BlockSpec((1, 1, _EB), lambda i: (i, 0, 0)),
            pl.BlockSpec((_EB, C), lambda i: (i, 0)),
        ],
        out_specs=[
            pl.BlockSpec((_EB // 4, 128), lambda i: (i, 0)),
            pl.BlockSpec((1, 1, _EB), lambda i: (i, 0, 0)),
        ],
        out_shape=[
            jax.ShapeDtypeStruct((E // 4, 128), jnp.float32),
            jax.ShapeDtypeStruct((_NBLK, 1, _EB), jnp.int32),
        ],
    )(t_start, dt_frame, lam2, times3, bids3, sids3, features)



_NC = 2
_NS = 16
_PASS_ROWS = 32768
_NPASS = ROWS // _PASS_ROWS
_NPC = _NPASS // _NC
_PROWS = _PASS_ROWS // 4
_SROWS = _PROWS + 8
_ESL = E // _NS
_SEG = 8192
_TRASH = _SEG + 128
_NSEG = _ESL // _SEG
_DR = _PROWS // _NS


def _sc_body(contrib_hbm, ridx_hbm, acc_hbm, spacc, rchunk, ids_seg, rows_v,
             staged, locb, pids, sem):
    cid = lax.axis_index("c")
    sid = lax.axis_index("s")
    slice_base = sid * _ESL
    iota = lax.broadcasted_iota(jnp.int32, (16,), 0)

    def _zinit(i, _):
        z = jnp.zeros((16,), jnp.float32)
        for k in range(8):
            staged[i, pl.ds(k * 16, 16)] = z
        return 0

    lax.fori_loop(0, 128, _zinit, 0)

    def _pass(q, _):
        base_row = (cid * _NPC + q) * _PASS_ROWS
        pbase = (cid * _NPC + q) * _PROWS
        for k in range(_DR // 128):
            pltpu.sync_copy(staged, spacc.at[pl.ds(sid * _DR + k * 128, 128)])
        plsc.subcore_barrier()

        def _segment(seg, _2):
            seg_base = slice_base + seg * _SEG
            pltpu.sync_copy(ridx_hbm.at[pl.ds(seg_base, _SEG)], rchunk)

            def _scan(i, carry, base_row=base_row):
                cnt, gid = carry
                r = rchunk[pl.ds(i * 16, 16)]
                loc = r - base_row
                s_lo = plsc.bitcast(loc, jnp.uint32) >> 31
                s_hi = plsc.bitcast(loc - _PASS_ROWS, jnp.uint32) >> 31
                oki = (s_hi * (1 - s_lo)).astype(jnp.int32)
                pos = cnt + plsc.cumsum(oki) - 1
                posf = pos * oki + _TRASH * (1 - oki)
                plsc.store_scatter(ids_seg, [posf], gid)
                return cnt + jnp.sum(oki), gid + 16

            cnt, _ = lax.fori_loop(0, _SEG // 16, _scan,
                                   (jnp.int32(0), seg_base + iota),
                                   unroll=4)
            for j in range(8):
                plsc.store_scatter(
                    ids_seg, [cnt + j * 16 + iota],
                    jnp.full((16,), seg_base, jnp.int32))

            def _blk(blk, _, base_row=base_row, seg_base=seg_base, cnt=cnt):
                def _pids(g, c):
                    gids = ids_seg[pl.ds(blk * 128 + g * 16, 16)]
                    pids[0, pl.ds(g * 16, 16)] = ((gids >> 12) << 10) | (
                        gids & 1023)
                    return c

                lax.fori_loop(0, 8, _pids, 0)
                pltpu.async_copy(contrib_hbm.at[pids.at[0]], rows_v,
                                 sem).wait()

                def _group(g, fill):
                    gids = ids_seg[pl.ds(blk * 128 + g * 16, 16)]
                    locs = plsc.load_gather(rchunk, [gids - seg_base])
                    locs = locs - base_row
                    s_lo = plsc.bitcast(locs, jnp.uint32) >> 31
                    s_hi = plsc.bitcast(locs - _PASS_ROWS, jnp.uint32) >> 31
                    posn = blk * 128 + g * 16 + iota
                    real = plsc.bitcast(posn - cnt, jnp.uint32) >> 31
                    inb = (s_hi * (1 - s_lo) * real).astype(jnp.int32)
                    locf = locs * inb
                    lane0 = ((locf >> 13) * 32) * inb
                    src0 = ((gids >> 10) & 3) * 32
                    if fill:
                        locb[0, pl.ds(g * 16, 16)] = (
                            (locf & 8191) * inb + _PROWS * (1 - inb))
                    z = jnp.zeros((16,), jnp.float32)
                    for t in range(16):
                        e = g * 16 + t
                        l0 = lane0[t]
                        ev = jnp.full((16,), e, jnp.int32)
                        if fill:
                            s0 = src0[t]
                            v0 = plsc.load_gather(rows_v, [ev, s0 + iota])
                            v1 = plsc.load_gather(rows_v,
                                                  [ev, s0 + 16 + iota])
                            plsc.store_scatter(staged, [ev, l0 + iota], v0)
                            plsc.store_scatter(staged, [ev, l0 + 16 + iota],
                                               v1)
                        else:
                            plsc.store_scatter(staged, [ev, l0 + iota], z)
                            plsc.store_scatter(staged, [ev, l0 + 16 + iota],
                                               z)
                    return fill

                lax.fori_loop(0, 8, lambda g, c: _group(g, True) and 0, 0)
                pltpu.sync_copy(staged, spacc.at[locb.at[0]], add=True)
                lax.fori_loop(0, 8, lambda g, c: _group(g, False) or 0, 0)
                return 0

            lax.fori_loop(0, (cnt + 127) // 128, _blk, 0)
            return 0

        lax.fori_loop(0, _NSEG, _segment, 0)
        plsc.subcore_barrier()
        pltpu.sync_copy(spacc.at[pl.ds(sid * _DR, _DR)],
                        acc_hbm.at[pl.ds(pbase + sid * _DR, _DR)])
        plsc.subcore_barrier()
        return 0

    lax.fori_loop(0, _NPC, _pass, 0)


@functools.cache
def _sc_accum():
    return pl.kernel(
        _sc_body,
        out_type=jax.ShapeDtypeStruct((ROWS // 4, 128), jnp.float32),
        mesh=plsc.VectorSubcoreMesh(core_axis_name="c",
                                    subcore_axis_name="s"),
        compiler_params=pltpu.CompilerParams(needs_layout_passes=False),
        scratch_types=[
            pltpu.VMEM_SHARED((_SROWS, 128), jnp.float32),
            pltpu.VMEM((_SEG,), jnp.int32),
            pltpu.VMEM((_SEG + 144,), jnp.int32),
            pltpu.VMEM((128, 128), jnp.float32),
            pltpu.VMEM((128, 128), jnp.float32),
            pltpu.VMEM((1, 128), jnp.int32),
            pltpu.VMEM((1, 128), jnp.int32),
            pltpu.SemaphoreType.DMA,
        ],
    )



_GB = 512
_NGB = G // _GB


def _tc2_body(dec_ref, *refs):
    acc_refs = refs[:4]
    y_ref = refs[4]
    dec = dec_ref[0, 0, 0, :]
    xs = [acc_refs[i][...] for i in range(4)]

    def frame_slice(f):
        grp = (f // 8) * 2 + (f % 2)
        r = (f % 8) // 2
        return xs[grp][:, 32 * r:32 * (r + 1)]

    cur = frame_slice(0)
    y_ref[0, 0] = cur
    for f in range(1, F):
        cur = cur * dec[None, :] + frame_slice(f)
        y_ref[0, f] = cur


def _tc2(dec4, accp):
    nrb = _GB

    def _mk_map(a, s):
        def _map(b, g, a=a, s=s):
            row_blk = ((2 * b + a) * 8192 + s * 4096) // nrb + g
            return (row_blk, 0)
        return _map

    in_specs = [pl.BlockSpec((1, 1, 1, C), lambda b, g: (b, 0, 0, 0))]
    for a in range(2):
        for s in range(2):
            in_specs.append(pl.BlockSpec((nrb, 128), _mk_map(a, s)))
    return pl.pallas_call(
        _tc2_body,
        grid=(B, _NGB),
        in_specs=in_specs,
        out_specs=pl.BlockSpec((1, F, _GB, C), lambda b, g: (b, 0, g, 0)),
        out_shape=jax.ShapeDtypeStruct((B, F, G, C), jnp.float32),
    )(dec4, *([accp] * 4))


def kernel(features, times, segment_ids, batch_ids, t_start, t_stop,
           decay_rate):
    lam = jax.nn.softplus(decay_rate)
    dt_frame = (t_stop - t_start) / F
    dec4 = jnp.exp(-dt_frame[:, None] * lam[None, :]).reshape(B, 1, 1, C)
    times3 = times.reshape(_NBLK, 1, _EB)
    bids3 = batch_ids.reshape(_NBLK, 1, _EB)
    sids3 = segment_ids.reshape(_NBLK, 1, _EB)
    contrib, ridx3 = _tc1(times3, bids3, sids3, features, t_start, dt_frame,
                          lam.reshape(1, C))
    accp = _sc_accum()(contrib, ridx3.reshape(E))
    return _tc2(dec4, accp)

# --- scband reference (transcript-rebuilt; emitter-appended) ---
"""Pipeline reference for scband-grid-ema-interpolate-39685497815537 (READ-ONLY COPY).

The authoritative reference and input builder live on the scoring server;
editing this copy changes nothing except your own understanding.
"""

import jax, jax.numpy as jnp
import numpy as np

NUM_FRAMES = 16
GRID_SIZE = 4096
NUM_BATCH = 8
NUM_EVENTS = 524288
NUM_CHANNELS = 32


def setup_inputs(seed: int = 0) -> dict:
    key = jax.random.key(seed)
    k1, k2, k3, k4 = jax.random.split(key, 4)
    features = jax.random.normal(k1, (NUM_EVENTS, NUM_CHANNELS), dtype=jnp.float32)
    times = jax.random.uniform(k2, (NUM_EVENTS,), dtype=jnp.float32)
    segment_ids = jax.random.randint(k3, (NUM_EVENTS,), 0, GRID_SIZE, dtype=jnp.int32)
    batch_ids = jax.random.randint(k4, (NUM_EVENTS,), 0, NUM_BATCH, dtype=jnp.int32)
    t_start = jnp.zeros((NUM_BATCH,), jnp.float32)
    t_stop = jnp.ones((NUM_BATCH,), jnp.float32)
    # learned parameter: decay_rate, shape (C,), zeros-initialized (softplus(0)=ln 2)
    decay_rate = jnp.zeros((NUM_CHANNELS,), jnp.float32)
    return {"features": features, "times": times, "segment_ids": segment_ids,
            "batch_ids": batch_ids, "t_start": t_start, "t_stop": t_stop,
            "decay_rate": decay_rate}


def _grid_ema_interpolate(features, times, lam, segment_ids, batch_ids, t_start, t_stop):
    # lam: positive per-channel decay rate [C]
    dt_frame = (t_stop - t_start) / NUM_FRAMES            # [B]
    dt_e = dt_frame[batch_ids]                            # [E]
    rel = (times - t_start[batch_ids]) / dt_e             # event time in frame units
    # first frame j with frame-time tau_j = t_start + (j+1)*dt_frame >= t
    frame_idx = jnp.clip(jnp.ceil(jax.lax.stop_gradient(rel)) - 1.0, 0.0, NUM_FRAMES - 1.0).astype(jnp.int32)
    tau = t_start[batch_ids] + (frame_idx.astype(jnp.float32) + 1.0) * dt_e
    w = jnp.exp(-(tau - times)[:, None] * lam[None, :])   # [E, C] decay from event to its frame
    contrib = features * w
    flat_idx = (batch_ids * NUM_FRAMES + frame_idx) * GRID_SIZE + segment_ids
    acc = jnp.zeros((NUM_BATCH * NUM_FRAMES * GRID_SIZE, NUM_CHANNELS), jnp.float32)
    acc = acc.at[flat_idx].add(contrib)                   # scatter-add events onto grid
    acc = acc.reshape(NUM_BATCH, NUM_FRAMES, GRID_SIZE, NUM_CHANNELS)
    # EMA recurrence across frames: y_j = y_{j-1} * exp(-lam*dt_frame) + acc_j
    decay = jnp.exp(-dt_frame[:, None, None] * lam[None, None, :])  # [B,1,C]
    xs = jnp.transpose(acc, (1, 0, 2, 3))                 # [F,B,G,C]

    def step(carry, x):
        carry = carry * decay + x
        return carry, carry

    init = jnp.zeros((NUM_BATCH, GRID_SIZE, NUM_CHANNELS), jnp.float32)
    _, ys = jax.lax.scan(step, init, xs)
    return jnp.transpose(ys, (1, 0, 2, 3))                # [B, F, G, C]


def reference(features, times, segment_ids, batch_ids, t_start, t_stop, decay_rate):
    lam = jax.nn.softplus(decay_rate)  # decay_rate_activation='softplus'
    return _grid_ema_interpolate(features, times, lam, segment_ids, batch_ids, t_start, t_stop)

if __name__ == "__main__":
    import jax
    _d = setup_inputs()
    print(jax.jit(kernel)(*tuple(_d.values())))

</pallas_src>

<mosaic_0001>
#map = affine_map<(d0, d1) -> (0, 0)>
#map1 = affine_map<(d0, d1) -> (0)>
module attributes {stable_mosaic.version = 14 : i64} {
  func.func @_sc_body(%arg0: i32, %arg1: i32, %arg2: memref<131072x128xf32, #tpu.memory_space<hbm>>, %arg3: memref<524288xi32, #tpu.memory_space<hbm>>, %arg4: memref<131072x128xf32, #tpu.memory_space<hbm>>, %arg5: memref<8200x128xf32, #tpu.memory_space<vmem_shared>>, %arg6: memref<8192xi32, #tpu.memory_space<vmem>>, %arg7: memref<8336xi32, #tpu.memory_space<vmem>>, %arg8: memref<128x128xf32, #tpu.memory_space<vmem>>, %arg9: memref<128x128xf32, #tpu.memory_space<vmem>>, %arg10: memref<1x128xi32, #tpu.memory_space<vmem>>, %arg11: memref<1x128xi32, #tpu.memory_space<vmem>>, %arg12: memref<!tpu.dma_semaphore, #tpu.memory_space<semaphore_mem>>) attributes {dimension_semantics = [#tpu.dimension_semantics<core_parallel>, #tpu.dimension_semantics<subcore_parallel>], iteration_bounds = array<i64: 2, 16>, scalar_prefetch = 0 : i64, scratch_operands = 8 : i64, tpu.core_type = #tpu.core_type<sc_vector_subcore>, window_params = [{transform_indices = #map}, {transform_indices = #map1}, {transform_indices = #map}]} {
    %mul3A = arith.constant 32768 : i32
    %mul3A_0 = arith.muli %arg1, %mul3A : i32
    %iota3A = tpu.iota {dimensions = array<i32: 0>} : vector<16xi32>
    %scan3A = arith.constant 0 : i32
    %scan3A_1 = arith.constant 0 : i32
    %scan3A_2 = arith.constant 128 : i32
    %scan3A_3 = arith.addi %scan3A_1, %scan3A_2 : i32
    %scan3A_4 = arith.constant 1 : i32
    %scan3A_5 = scf.for %scan3A_14 = %scan3A_1 to %scan3A_3 step %scan3A_4 iter_args(%scan3A_15 = %scan3A) -> (i32)  : i32 {
      %broadcast_in_dim3A = arith.constant 0.000000e+00 : f32
      %broadcast_in_dim3A_16 = vector.broadcast %broadcast_in_dim3A : f32 to vector<16xf32>
      %swap3A = arith.index_cast %scan3A_14 : i32 to index
      %swap3A_17 = arith.constant 0 : index
      %swap3A_18 = tpu.vector_load %arg9[%swap3A, %swap3A_17] {strides = array<i32>} : memref<128x128xf32, #tpu.memory_space<vmem>>, vector<16xf32>,
      tpu.vector_store %arg9[%swap3A, %swap3A_17], %broadcast_in_dim3A_16 {strides = array<i32>} : memref<128x128xf32, #tpu.memory_space<vmem>>, vector<16xf32>,
      %swap3A_19 = arith.index_cast %scan3A_14 : i32 to index
      %swap3A_20 = arith.constant 16 : index
      %swap3A_21 = tpu.vector_load %arg9[%swap3A_19, %swap3A_20] {strides = array<i32>} : memref<128x128xf32, #tpu.memory_space<vmem>>, vector<16xf32>,
      tpu.vector_store %arg9[%swap3A_19, %swap3A_20], %broadcast_in_dim3A_16 {strides = array<i32>} : memref<128x128xf32, #tpu.memory_space<vmem>>, vector<16xf32>,
      %swap3A_22 = arith.index_cast %scan3A_14 : i32 to index
      %swap3A_23 = arith.constant 32 : index
      %swap3A_24 = tpu.vector_load %arg9[%swap3A_22, %swap3A_23] {strides = array<i32>} : memref<128x128xf32, #tpu.memory_space<vmem>>, vector<16xf32>,
      tpu.vector_store %arg9[%swap3A_22, %swap3A_23], %broadcast_in_dim3A_16 {strides = array<i32>} : memref<128x128xf32, #tpu.memory_space<vmem>>, vector<16xf32>,
      %swap3A_25 = arith.index_cast %scan3A_14 : i32 to index
      %swap3A_26 = arith.constant 48 : index
      %swap3A_27 = tpu.vector_load %arg9[%swap3A_25, %swap3A_26] {strides = array<i32>} : memref<128x128xf32, #tpu.memory_space<vmem>>, vector<16xf32>,
      tpu.vector_store %arg9[%swap3A_25, %swap3A_26], %broadcast_in_dim3A_16 {strides = array<i32>} : memref<128x128xf32, #tpu.memory_space<vmem>>, vector<16xf32>,
      %swap3A_28 = arith.index_cast %scan3A_14 : i32 to index
      %swap3A_29 = arith.constant 64 : index
      %swap3A_30 = tpu.vector_load %arg9[%swap3A_28, %swap3A_29] {strides = array<i32>} : memref<128x128xf32, #tpu.memory_space<vmem>>, vector<16xf32>,
      tpu.vector_store %arg9[%swap3A_28, %swap3A_29], %broadcast_in_dim3A_16 {strides = array<i32>} : memref<128x128xf32, #tpu.memory_space<vmem>>, vector<16xf32>,
      %swap3A_31 = arith.index_cast %scan3A_14 : i32 to index
      %swap3A_32 = arith.constant 80 : index
      %swap3A_33 = tpu.vector_load %arg9[%swap3A_31, %swap3A_32] {strides = array<i32>} : memref<128x128xf32, #tpu.memory_space<vmem>>, vector<16xf32>,
      tpu.vector_store %arg9[%swap3A_31, %swap3A_32], %broadcast_in_dim3A_16 {strides = array<i32>} : memref<128x128xf32, #tpu.memory_space<vmem>>, vector<16xf32>,
      %swap3A_34 = arith.index_cast %scan3A_14 : i32 to index
      %swap3A_35 = arith.constant 96 : index
      %swap3A_36 = tpu.vector_load %arg9[%swap3A_34, %swap3A_35] {strides = array<i32>} : memref<128x128xf32, #tpu.memory_space<vmem>>, vector<16xf32>,
      tpu.vector_store %arg9[%swap3A_34, %swap3A_35], %broadcast_in_dim3A_16 {strides = array<i32>} : memref<128x128xf32, #tpu.memory_space<vmem>>, vector<16xf32>,
      %swap3A_37 = arith.index_cast %scan3A_14 : i32 to index
      %swap3A_38 = arith.constant 112 : index
      %swap3A_39 = tpu.vector_load %arg9[%swap3A_37, %swap3A_38] {strides = array<i32>} : memref<128x128xf32, #tpu.memory_space<vmem>>, vector<16xf32>,
      tpu.vector_store %arg9[%swap3A_37, %swap3A_38], %broadcast_in_dim3A_16 {strides = array<i32>} : memref<128x128xf32, #tpu.memory_space<vmem>>, vector<16xf32>,
      %scan3A_40 = arith.constant 0 : i32
      scf.yield %scan3A_40 : i32
    }
    %scan3A_6 = arith.constant 128 : i32
    %scan3A_7 = arith.constant 0 : i32
    %scan3A_8 = arith.constant 0 : i32
    %scan3A_9 = arith.constant 8 : i32
    %scan3A_10 = arith.addi %scan3A_8, %scan3A_9 : i32
    %scan3A_11 = arith.constant 1 : i32
    %scan3A_12 = scf.for %scan3A_14 = %scan3A_8 to %scan3A_10 step %scan3A_11 iter_args(%scan3A_15 = %scan3A_7) -> (i32)  : i32 {
      %mul3A_16 = arith.constant 8 : i32
      %mul3A_17 = arith.muli %arg0, %mul3A_16 : i32
      %add3A = arith.addi %mul3A_17, %scan3A_14 : i32
      %mul3A_18 = arith.constant 32768 : i32
      %mul3A_19 = arith.muli %add3A, %mul3A_18 : i32
      %mul3A_20 = arith.constant 8 : i32
      %mul3A_21 = arith.muli %arg0, %mul3A_20 : i32
      %add3A_22 = arith.addi %mul3A_21, %scan3A_14 : i32
      %mul3A_23 = arith.constant 8192 : i32
      %mul3A_24 = arith.muli %add3A_22, %mul3A_23 : i32
      %mul3A_25 = arith.constant 512 : i32
      %mul3A_26 = arith.muli %arg1, %mul3A_25 : i32
      %add3A_27 = arith.constant 0 : i32
      %add3A_28 = arith.addi %mul3A_26, %add3A_27 : i32
      "tpu.region"() ({
        %run_scoped3A = tpu.sem_alloc : memref<!tpu.dma_semaphore, #tpu.memory_space<semaphore_mem>>
        %dma_start3A = arith.constant 0 : i32
        %dma_start3A_56 = tpu.memref_slice %arg5[%add3A_28, %dma_start3A] : memref<8200x128xf32, #tpu.memory_space<vmem_shared>> -> memref<128x128xf32, #tpu.memory_space<vmem_shared>>
        %dma_start3A_57 = arith.constant 0 : i32
        %dma_start3A_58 = tpu.memref_slice %arg5[%add3A_28, %dma_start3A_57] : memref<8200x128xf32, #tpu.memory_space<vmem_shared>> -> memref<128x128xf32, #tpu.memory_space<vmem_shared>>
        tpu.enqueue_dma source(%arg9 : memref<128x128xf32, #tpu.memory_space<vmem>>) target(%dma_start3A_58 : memref<128x128xf32, #tpu.memory_space<vmem_shared>>) target_semaphore(%run_scoped3A : memref<!tpu.dma_semaphore, #tpu.memory_space<semaphore_mem>>)
        %dma_wait3A = arith.constant 0 : i32
        %dma_wait3A_59 = tpu.memref_slice %arg5[%add3A_28, %dma_wait3A] : memref<8200x128xf32, #tpu.memory_space<vmem_shared>> -> memref<128x128xf32, #tpu.memory_space<vmem_shared>>
        %dma_wait3A_60 = arith.constant 0 : i32
        %dma_wait3A_61 = tpu.memref_slice %arg5[%add3A_28, %dma_wait3A_60] : memref<8200x128xf32, #tpu.memory_space<vmem_shared>> -> memref<128x128xf32, #tpu.memory_space<vmem_shared>>
        tpu.wait_dma2 semaphore(%run_scoped3A : memref<!tpu.dma_semaphore, #tpu.memory_space<semaphore_mem>>) src(%arg9 : memref<128x128xf32, #tpu.memory_space<vmem>>) dst(%dma_wait3A_61 : memref<128x128xf32, #tpu.memory_space<vmem_shared>>)
        tpu.yield
      }) : () -> ()
      %mul3A_29 = arith.constant 512 : i32
      %mul3A_30 = arith.muli %arg1, %mul3A_29 : i32
      %add3A_31 = arith.constant 128 : i32
      %add3A_32 = arith.addi %mul3A_30, %add3A_31 : i32
      "tpu.region"() ({
        %run_scoped3A = tpu.sem_alloc : memref<!tpu.dma_semaphore, #tpu.memory_space<semaphore_mem>>
        %dma_start3A = arith.constant 0 : i32
        %dma_start3A_56 = tpu.memref_slice %arg5[%add3A_32, %dma_start3A] : memref<8200x128xf32, #tpu.memory_space<vmem_shared>> -> memref<128x128xf32, #tpu.memory_space<vmem_shared>>
        %dma_start3A_57 = arith.constant 0 : i32
        %dma_start3A_58 = tpu.memref_slice %arg5[%add3A_32, %dma_start3A_57] : memref<8200x128xf32, #tpu.memory_space<vmem_shared>> -> memref<128x128xf32, #tpu.memory_space<vmem_shared>>
        tpu.enqueue_dma source(%arg9 : memref<128x128xf32, #tpu.memory_space<vmem>>) target(%dma_start3A_58 : memref<128x128xf32, #tpu.memory_space<vmem_shared>>) target_semaphore(%run_scoped3A : memref<!tpu.dma_semaphore, #tpu.memory_space<semaphore_mem>>)
        %dma_wait3A = arith.constant 0 : i32
        %dma_wait3A_59 = tpu.memref_slice %arg5[%add3A_32, %dma_wait3A] : memref<8200x128xf32, #tpu.memory_space<vmem_shared>> -> memref<128x128xf32, #tpu.memory_space<vmem_shared>>
        %dma_wait3A_60 = arith.constant 0 : i32
        %dma_wait3A_61 = tpu.memref_slice %arg5[%add3A_32, %dma_wait3A_60] : memref<8200x128xf32, #tpu.memory_space<vmem_shared>> -> memref<128x128xf32, #tpu.memory_space<vmem_shared>>
        tpu.wait_dma2 semaphore(%run_scoped3A : memref<!tpu.dma_semaphore, #tpu.memory_space<semaphore_mem>>) src(%arg9 : memref<128x128xf32, #tpu.memory_space<vmem>>) dst(%dma_wait3A_61 : memref<128x128xf32, #tpu.memory_space<vmem_shared>>)
        tpu.yield
      }) : () -> ()
      %mul3A_33 = arith.constant 512 : i32
      %mul3A_34 = arith.muli %arg1, %mul3A_33 : i32
      %add3A_35 = arith.constant 256 : i32
      %add3A_36 = arith.addi %mul3A_34, %add3A_35 : i32
      "tpu.region"() ({
        %run_scoped3A = tpu.sem_alloc : memref<!tpu.dma_semaphore, #tpu.memory_space<semaphore_mem>>
        %dma_start3A = arith.constant 0 : i32
        %dma_start3A_56 = tpu.memref_slice %arg5[%add3A_36, %dma_start3A] : memref<8200x128xf32, #tpu.memory_space<vmem_shared>> -> memref<128x128xf32, #tpu.memory_space<vmem_shared>>
        %dma_start3A_57 = arith.constant 0 : i32
        %dma_start3A_58 = tpu.memref_slice %arg5[%add3A_36, %dma_start3A_57] : memref<8200x128xf32, #tpu.memory_space<vmem_shared>> -> memref<128x128xf32, #tpu.memory_space<vmem_shared>>
        tpu.enqueue_dma source(%arg9 : memref<128x128xf32, #tpu.memory_space<vmem>>) target(%dma_start3A_58 : memref<128x128xf32, #tpu.memory_space<vmem_shared>>) target_semaphore(%run_scoped3A : memref<!tpu.dma_semaphore, #tpu.memory_space<semaphore_mem>>)
        %dma_wait3A = arith.constant 0 : i32
        %dma_wait3A_59 = tpu.memref_slice %arg5[%add3A_36, %dma_wait3A] : memref<8200x128xf32, #tpu.memory_space<vmem_shared>> -> memref<128x128xf32, #tpu.memory_space<vmem_shared>>
        %dma_wait3A_60 = arith.constant 0 : i32
        %dma_wait3A_61 = tpu.memref_slice %arg5[%add3A_36, %dma_wait3A_60] : memref<8200x128xf32, #tpu.memory_space<vmem_shared>> -> memref<128x128xf32, #tpu.memory_space<vmem_shared>>
        tpu.wait_dma2 semaphore(%run_scoped3A : memref<!tpu.dma_semaphore, #tpu.memory_space<semaphore_mem>>) src(%arg9 : memref<128x128xf32, #tpu.memory_space<vmem>>) dst(%dma_wait3A_61 : memref<128x128xf32, #tpu.memory_space<vmem_shared>>)
        tpu.yield
      }) : () -> ()
      %mul3A_37 = arith.constant 512 : i32
      %mul3A_38 = arith.muli %arg1, %mul3A_37 : i32
      %add3A_39 = arith.constant 384 : i32
      %add3A_40 = arith.addi %mul3A_38, %add3A_39 : i32
      "tpu.region"() ({
        %run_scoped3A = tpu.sem_alloc : memref<!tpu.dma_semaphore, #tpu.memory_space<semaphore_mem>>
        %dma_start3A = arith.constant 0 : i32
        %dma_start3A_56 = tpu.memref_slice %arg5[%add3A_40, %dma_start3A] : memref<8200x128xf32, #tpu.memory_space<vmem_shared>> -> memref<128x128xf32, #tpu.memory_space<vmem_shared>>
        %dma_start3A_57 = arith.constant 0 : i32
        %dma_start3A_58 = tpu.memref_slice %arg5[%add3A_40, %dma_start3A_57] : memref<8200x128xf32, #tpu.memory_space<vmem_shared>> -> memref<128x128xf32, #tpu.memory_space<vmem_shared>>
        tpu.enqueue_dma source(%arg9 : memref<128x128xf32, #tpu.memory_space<vmem>>) target(%dma_start3A_58 : memref<128x128xf32, #tpu.memory_space<vmem_shared>>) target_semaphore(%run_scoped3A : memref<!tpu.dma_semaphore, #tpu.memory_space<semaphore_mem>>)
        %dma_wait3A = arith.constant 0 : i32
        %dma_wait3A_59 = tpu.memref_slice %arg5[%add3A_40, %dma_wait3A] : memref<8200x128xf32, #tpu.memory_space<vmem_shared>> -> memref<128x128xf32, #tpu.memory_space<vmem_shared>>
        %dma_wait3A_60 = arith.constant 0 : i32
        %dma_wait3A_61 = tpu.memref_slice %arg5[%add3A_40, %dma_wait3A_60] : memref<8200x128xf32, #tpu.memory_space<vmem_shared>> -> memref<128x128xf32, #tpu.memory_space<vmem_shared>>
        tpu.wait_dma2 semaphore(%run_scoped3A : memref<!tpu.dma_semaphore, #tpu.memory_space<semaphore_mem>>) src(%arg9 : memref<128x128xf32, #tpu.memory_space<vmem>>) dst(%dma_wait3A_61 : memref<128x128xf32, #tpu.memory_space<vmem_shared>>)
        tpu.yield
      }) : () -> ()
      %barrier3A = arith.constant 0 : index
      tpu.barrier barrier_id(%barrier3A)
      %scan3A_41 = arith.constant 0 : i32
      %scan3A_42 = arith.constant 0 : i32
      %scan3A_43 = arith.constant 4 : i32
      %scan3A_44 = arith.addi %scan3A_42, %scan3A_43 : i32
      %scan3A_45 = arith.constant 1 : i32
      %scan3A_46 = scf.for %scan3A_56 = %scan3A_42 to %scan3A_44 step %scan3A_45 iter_args(%scan3A_57 = %scan3A_41) -> (i32)  : i32 {
        %mul3A_58 = arith.constant 8192 : i32
        %mul3A_59 = arith.muli %scan3A_56, %mul3A_58 : i32
        %add3A_60 = arith.addi %mul3A_0, %mul3A_59 : i32
        "tpu.region"() ({
          %run_scoped3A = tpu.sem_alloc : memref<!tpu.dma_semaphore, #tpu.memory_space<semaphore_mem>>
          %dma_start3A = tpu.memref_slice %arg3[%add3A_60] : memref<524288xi32, #tpu.memory_space<hbm>> -> memref<8192xi32, #tpu.memory_space<hbm>>
          %dma_start3A_139 = tpu.memref_slice %arg3[%add3A_60] : memref<524288xi32, #tpu.memory_space<hbm>> -> memref<8192xi32, #tpu.memory_space<hbm>>
          tpu.enqueue_dma source(%dma_start3A_139 : memref<8192xi32, #tpu.memory_space<hbm>>) target(%arg6 : memref<8192xi32, #tpu.memory_space<vmem>>) target_semaphore(%run_scoped3A : memref<!tpu.dma_semaphore, #tpu.memory_space<semaphore_mem>>)
          %dma_wait3A = tpu.memref_slice %arg3[%add3A_60] : memref<524288xi32, #tpu.memory_space<hbm>> -> memref<8192xi32, #tpu.memory_space<hbm>>
          %dma_wait3A_140 = tpu.memref_slice %arg3[%add3A_60] : memref<524288xi32, #tpu.memory_space<hbm>> -> memref<8192xi32, #tpu.memory_space<hbm>>
          tpu.wait_dma2 semaphore(%run_scoped3A : memref<!tpu.dma_semaphore, #tpu.memory_space<semaphore_mem>>) src(%dma_wait3A_140 : memref<8192xi32, #tpu.memory_space<hbm>>) dst(%arg6 : memref<8192xi32, #tpu.memory_space<vmem>>)
          tpu.yield
        }) : () -> ()
        %add3A_61 = vector.broadcast %add3A_60 : i32 to vector<16xi32>
        %add3A_62 = arith.addi %add3A_61, %iota3A : vector<16xi32>
        %scan3A_63 = arith.constant 0 : i32
        %scan3A_64 = arith.constant 0 : i32
        %scan3A_65 = arith.constant 512 : i32
        %scan3A_66 = arith.addi %scan3A_64, %scan3A_65 : i32
        %scan3A_67 = arith.constant 4 : i32
        %scan3A_68:2 = scf.for %scan3A_139 = %scan3A_64 to %scan3A_66 step %scan3A_67 iter_args(%scan3A_140 = %scan3A_63, %scan3A_141 = %add3A_62) -> (i32, vector<16xi32>)  : i32 {
          %mul3A_142 = arith.constant 16 : i32
          %mul3A_143 = arith.muli %scan3A_139, %mul3A_142 : i32
          %get3A = arith.index_cast %mul3A_143 : i32 to index
          %get3A_144 = tpu.vector_load %arg6[%get3A] {strides = array<i32>} : memref<8192xi32, #tpu.memory_space<vmem>>, vector<16xi32>,
          %sub3A_145 = vector.broadcast %mul3A_19 : i32 to vector<16xi32>
          %sub3A_146 = arith.subi %get3A_144, %sub3A_145 : vector<16xi32>
          %bitcast3A = vector.bitcast %sub3A_146 : vector<16xi32> to vector<16xi32>
          %shift_right_logical3A = arith.constant 31 : i32
          %shift_right_logical3A_147 = vector.broadcast %shift_right_logical3A : i32 to vector<16xi32>
          %shift_right_logical3A_148 = arith.shrui %bitcast3A, %shift_right_logical3A_147 : vector<16xi32>
          %sub3A_149 = arith.constant 32768 : i32
          %sub3A_150 = vector.broadcast %sub3A_149 : i32 to vector<16xi32>
          %sub3A_151 = arith.subi %sub3A_146, %sub3A_150 : vector<16xi32>
          %bitcast3A_152 = vector.bitcast %sub3A_151 : vector<16xi32> to vector<16xi32>
          %shift_right_logical3A_153 = arith.constant 31 : i32
          %shift_right_logical3A_154 = vector.broadcast %shift_right_logical3A_153 : i32 to vector<16xi32>
          %shift_right_logical3A_155 = arith.shrui %bitcast3A_152, %shift_right_logical3A_154 : vector<16xi32>
          %sub3A_156 = arith.constant 1 : i32
          %sub3A_157 = vector.broadcast %sub3A_156 : i32 to vector<16xi32>
          %sub3A_158 = arith.subi %sub3A_157, %shift_right_logical3A_148 : vector<16xi32>
          %mul3A_159 = arith.muli %shift_right_logical3A_155, %sub3A_158 : vector<16xi32>
          %broadcast_in_dim3A_160 = arith.constant true
          %broadcast_in_dim3A_161 = vector.broadcast %broadcast_in_dim3A_160 : i1 to vector<16xi1>
          %masked_cumsum3A = tpu.scan <sum>, %mul3A_159 masked %broadcast_in_dim3A_161 : vector<16xi32>, vector<16xi1> -> vector<16xi32>
          %add3A_162 = vector.broadcast %scan3A_140 : i32 to vector<16xi32>
          %add3A_163 = arith.addi %add3A_162, %masked_cumsum3A : vector<16xi32>
          %sub3A_164 = arith.constant 1 : i32
          %sub3A_165 = vector.broadcast %sub3A_164 : i32 to vector<16xi32>
          %sub3A_166 = arith.subi %add3A_163, %sub3A_165 : vector<16xi32>
          %mul3A_167 = arith.muli %sub3A_166, %mul3A_159 : vector<16xi32>
          %sub3A_168 = arith.constant 1 : i32
          %sub3A_169 = vector.broadcast %sub3A_168 : i32 to vector<16xi32>
          %sub3A_170 = arith.subi %sub3A_169, %mul3A_159 : vector<16xi32>
          %mul3A_171 = arith.constant 8320 : i32
          %mul3A_172 = vector.broadcast %mul3A_171 : i32 to vector<16xi32>
          %mul3A_173 = arith.muli %mul3A_172, %sub3A_170 : vector<16xi32>
          %add3A_174 = arith.addi %mul3A_167, %mul3A_173 : vector<16xi32>
          tpu.vector_store_idx %arg7[%add3A_174], %scan3A_141 : memref<8336xi32, #tpu.memory_space<vmem>>[vector<16xi32>], vector<16xi32>,
          %reduce_sum3A = arith.constant true
          %reduce_sum3A_175 = vector.broadcast %reduce_sum3A : i1 to vector<16xi1>
          %reduce_sum3A_176 = tpu.scan <sum>, %mul3A_159 masked %reduce_sum3A_175 : vector<16xi32>, vector<16xi1> -> vector<16xi32>
          %reduce_sum3A_177 = vector.extract %reduce_sum3A_176[15] : i32 from vector<16xi32>
          %add3A_178 = arith.addi %scan3A_140, %reduce_sum3A_177 : i32
          %add3A_179 = arith.constant 16 : i32
          %add3A_180 = vector.broadcast %add3A_179 : i32 to vector<16xi32>
          %add3A_181 = arith.addi %scan3A_141, %add3A_180 : vector<16xi32>
          %scan3A_182 = arith.constant 1 : i32
          %scan3A_183 = arith.addi %scan3A_139, %scan3A_182 : i32
          %mul3A_184 = arith.constant 16 : i32
          %mul3A_185 = arith.muli %scan3A_183, %mul3A_184 : i32
          %get3A_186 = arith.index_cast %mul3A_185 : i32 to index
          %get3A_187 = tpu.vector_load %arg6[%get3A_186] {strides = array<i32>} : memref<8192xi32, #tpu.memory_space<vmem>>, vector<16xi32>,
          %sub3A_188 = vector.broadcast %mul3A_19 : i32 to vector<16xi32>
          %sub3A_189 = arith.subi %get3A_187, %sub3A_188 : vector<16xi32>
          %bitcast3A_190 = vector.bitcast %sub3A_189 : vector<16xi32> to vector<16xi32>
          %shift_right_logical3A_191 = arith.constant 31 : i32
          %shift_right_logical3A_192 = vector.broadcast %shift_right_logical3A_191 : i32 to vector<16xi32>
          %shift_right_logical3A_193 = arith.shrui %bitcast3A_190, %shift_right_logical3A_192 : vector<16xi32>
          %sub3A_194 = arith.constant 32768 : i32
          %sub3A_195 = vector.broadcast %sub3A_194 : i32 to vector<16xi32>
          %sub3A_196 = arith.subi %sub3A_189, %sub3A_195 : vector<16xi32>
          %bitcast3A_197 = vector.bitcast %sub3A_196 : vector<16xi32> to vector<16xi32>
          %shift_right_logical3A_198 = arith.constant 31 : i32
          %shift_right_logical3A_199 = vector.broadcast %shift_right_logical3A_198 : i32 to vector<16xi32>
          %shift_right_logical3A_200 = arith.shrui %bitcast3A_197, %shift_right_logical3A_199 : vector<16xi32>
          %sub3A_201 = arith.constant 1 : i32
          %sub3A_202 = vector.broadcast %sub3A_201 : i32 to vector<16xi32>
          %sub3A_203 = arith.subi %sub3A_202, %shift_right_logical3A_193 : vector<16xi32>
          %mul3A_204 = arith.muli %shift_right_logical3A_200, %sub3A_203 : vector<16xi32>
          %broadcast_in_dim3A_205 = arith.constant true
          %broadcast_in_dim3A_206 = vector.broadcast %broadcast_in_dim3A_205 : i1 to vector<16xi1>
          %masked_cumsum3A_207 = tpu.scan <sum>, %mul3A_204 masked %broadcast_in_dim3A_206 : vector<16xi32>, vector<16xi1> -> vector<16xi32>
          %add3A_208 = vector.broadcast %add3A_178 : i32 to vector<16xi32>
          %add3A_209 = arith.addi %add3A_208, %masked_cumsum3A_207 : vector<16xi32>
          %sub3A_210 = arith.constant 1 : i32
          %sub3A_211 = vector.broadcast %sub3A_210 : i32 to vector<16xi32>
          %sub3A_212 = arith.subi %add3A_209, %sub3A_211 : vector<16xi32>
          %mul3A_213 = arith.muli %sub3A_212, %mul3A_204 : vector<16xi32>
          %sub3A_214 = arith.constant 1 : i32
          %sub3A_215 = vector.broadcast %sub3A_214 : i32 to vector<16xi32>
          %sub3A_216 = arith.subi %sub3A_215, %mul3A_204 : vector<16xi32>
          %mul3A_217 = arith.constant 8320 : i32
          %mul3A_218 = vector.broadcast %mul3A_217 : i32 to vector<16xi32>
          %mul3A_219 = arith.muli %mul3A_218, %sub3A_216 : vector<16xi32>
          %add3A_220 = arith.addi %mul3A_213, %mul3A_219 : vector<16xi32>
          tpu.vector_store_idx %arg7[%add3A_220], %add3A_181 : memref<8336xi32, #tpu.memory_space<vmem>>[vector<16xi32>], vector<16xi32>,
          %reduce_sum3A_221 = arith.constant true
          %reduce_sum3A_222 = vector.broadcast %reduce_sum3A_221 : i1 to vector<16xi1>
          %reduce_sum3A_223 = tpu.scan <sum>, %mul3A_204 masked %reduce_sum3A_222 : vector<16xi32>, vector<16xi1> -> vector<16xi32>
          %reduce_sum3A_224 = vector.extract %reduce_sum3A_223[15] : i32 from vector<16xi32>
          %add3A_225 = arith.addi %add3A_178, %reduce_sum3A_224 : i32
          %add3A_226 = arith.constant 16 : i32
          %add3A_227 = vector.broadcast %add3A_226 : i32 to vector<16xi32>
          %add3A_228 = arith.addi %add3A_181, %add3A_227 : vector<16xi32>
          %scan3A_229 = arith.constant 2 : i32
          %scan3A_230 = arith.addi %scan3A_139, %scan3A_229 : i32
          %mul3A_231 = arith.constant 16 : i32
          %mul3A_232 = arith.muli %scan3A_230, %mul3A_231 : i32
          %get3A_233 = arith.index_cast %mul3A_232 : i32 to index
          %get3A_234 = tpu.vector_load %arg6[%get3A_233] {strides = array<i32>} : memref<8192xi32, #tpu.memory_space<vmem>>, vector<16xi32>,
          %sub3A_235 = vector.broadcast %mul3A_19 : i32 to vector<16xi32>
          %sub3A_236 = arith.subi %get3A_234, %sub3A_235 : vector<16xi32>
          %bitcast3A_237 = vector.bitcast %sub3A_236 : vector<16xi32> to vector<16xi32>
          %shift_right_logical3A_238 = arith.constant 31 : i32
          %shift_right_logical3A_239 = vector.broadcast %shift_right_logical3A_238 : i32 to vector<16xi32>
          %shift_right_logical3A_240 = arith.shrui %bitcast3A_237, %shift_right_logical3A_239 : vector<16xi32>
          %sub3A_241 = arith.constant 32768 : i32
          %sub3A_242 = vector.broadcast %sub3A_241 : i32 to vector<16xi32>
          %sub3A_243 = arith.subi %sub3A_236, %sub3A_242 : vector<16xi32>
          %bitcast3A_244 = vector.bitcast %sub3A_243 : vector<16xi32> to vector<16xi32>
          %shift_right_logical3A_245 = arith.constant 31 : i32
          %shift_right_logical3A_246 = vector.broadcast %shift_right_logical3A_245 : i32 to vector<16xi32>
          %shift_right_logical3A_247 = arith.shrui %bitcast3A_244, %shift_right_logical3A_246 : vector<16xi32>
          %sub3A_248 = arith.constant 1 : i32
          %sub3A_249 = vector.broadcast %sub3A_248 : i32 to vector<16xi32>
          %sub3A_250 = arith.subi %sub3A_249, %shift_right_logical3A_240 : vector<16xi32>
          %mul3A_251 = arith.muli %shift_right_logical3A_247, %sub3A_250 : vector<16xi32>
          %broadcast_in_dim3A_252 = arith.constant true
          %broadcast_in_dim3A_253 = vector.broadcast %broadcast_in_dim3A_252 : i1 to vector<16xi1>
          %masked_cumsum3A_254 = tpu.scan <sum>, %mul3A_251 masked %broadcast_in_dim3A_253 : vector<16xi32>, vector<16xi1> -> vector<16xi32>
          %add3A_255 = vector.broadcast %add3A_225 : i32 to vector<16xi32>
          %add3A_256 = arith.addi %add3A_255, %masked_cumsum3A_254 : vector<16xi32>
          %sub3A_257 = arith.constant 1 : i32
          %sub3A_258 = vector.broadcast %sub3A_257 : i32 to vector<16xi32>
          %sub3A_259 = arith.subi %add3A_256, %sub3A_258 : vector<16xi32>
          %mul3A_260 = arith.muli %sub3A_259, %mul3A_251 : vector<16xi32>
          %sub3A_261 = arith.constant 1 : i32
          %sub3A_262 = vector.broadcast %sub3A_261 : i32 to vector<16xi32>
          %sub3A_263 = arith.subi %sub3A_262, %mul3A_251 : vector<16xi32>
          %mul3A_264 = arith.constant 8320 : i32
          %mul3A_265 = vector.broadcast %mul3A_264 : i32 to vector<16xi32>
          %mul3A_266 = arith.muli %mul3A_265, %sub3A_263 : vector<16xi32>
          %add3A_267 = arith.addi %mul3A_260, %mul3A_266 : vector<16xi32>
          tpu.vector_store_idx %arg7[%add3A_267], %add3A_228 : memref<8336xi32, #tpu.memory_space<vmem>>[vector<16xi32>], vector<16xi32>,
          %reduce_sum3A_268 = arith.constant true
          %reduce_sum3A_269 = vector.broadcast %reduce_sum3A_268 : i1 to vector<16xi1>
          %reduce_sum3A_270 = tpu.scan <sum>, %mul3A_251 masked %reduce_sum3A_269 : vector<16xi32>, vector<16xi1> -> vector<16xi32>
          %reduce_sum3A_271 = vector.extract %reduce_sum3A_270[15] : i32 from vector<16xi32>
          %add3A_272 = arith.addi %add3A_225, %reduce_sum3A_271 : i32
          %add3A_273 = arith.constant 16 : i32
          %add3A_274 = vector.broadcast %add3A_273 : i32 to vector<16xi32>
          %add3A_275 = arith.addi %add3A_228, %add3A_274 : vector<16xi32>
          %scan3A_276 = arith.constant 3 : i32
          %scan3A_277 = arith.addi %scan3A_139, %scan3A_276 : i32
          %mul3A_278 = arith.constant 16 : i32
          %mul3A_279 = arith.muli %scan3A_277, %mul3A_278 : i32
          %get3A_280 = arith.index_cast %mul3A_279 : i32 to index
          %get3A_281 = tpu.vector_load %arg6[%get3A_280] {strides = array<i32>} : memref<8192xi32, #tpu.memory_space<vmem>>, vector<16xi32>,
          %sub3A_282 = vector.broadcast %mul3A_19 : i32 to vector<16xi32>
          %sub3A_283 = arith.subi %get3A_281, %sub3A_282 : vector<16xi32>
          %bitcast3A_284 = vector.bitcast %sub3A_283 : vector<16xi32> to vector<16xi32>
          %shift_right_logical3A_285 = arith.constant 31 : i32
          %shift_right_logical3A_286 = vector.broadcast %shift_right_logical3A_285 : i32 to vector<16xi32>
          %shift_right_logical3A_287 = arith.shrui %bitcast3A_284, %shift_right_logical3A_286 : vector<16xi32>
          %sub3A_288 = arith.constant 32768 : i32
          %sub3A_289 = vector.broadcast %sub3A_288 : i32 to vector<16xi32>
          %sub3A_290 = arith.subi %sub3A_283, %sub3A_289 : vector<16xi32>
          %bitcast3A_291 = vector.bitcast %sub3A_290 : vector<16xi32> to vector<16xi32>
          %shift_right_logical3A_292 = arith.constant 31 : i32
          %shift_right_logical3A_293 = vector.broadcast %shift_right_logical3A_292 : i32 to vector<16xi32>
          %shift_right_logical3A_294 = arith.shrui %bitcast3A_291, %shift_right_logical3A_293 : vector<16xi32>
          %sub3A_295 = arith.constant 1 : i32
          %sub3A_296 = vector.broadcast %sub3A_295 : i32 to vector<16xi32>
          %sub3A_297 = arith.subi %sub3A_296, %shift_right_logical3A_287 : vector<16xi32>
          %mul3A_298 = arith.muli %shift_right_logical3A_294, %sub3A_297 : vector<16xi32>
          %broadcast_in_dim3A_299 = arith.constant true
          %broadcast_in_dim3A_300 = vector.broadcast %broadcast_in_dim3A_299 : i1 to vector<16xi1>
          %masked_cumsum3A_301 = tpu.scan <sum>, %mul3A_298 masked %broadcast_in_dim3A_300 : vector<16xi32>, vector<16xi1> -> vector<16xi32>
          %add3A_302 = vector.broadcast %add3A_272 : i32 to vector<16xi32>
          %add3A_303 = arith.addi %add3A_302, %masked_cumsum3A_301 : vector<16xi32>
          %sub3A_304 = arith.constant 1 : i32
          %sub3A_305 = vector.broadcast %sub3A_304 : i32 to vector<16xi32>
          %sub3A_306 = arith.subi %add3A_303, %sub3A_305 : vector<16xi32>
          %mul3A_307 = arith.muli %sub3A_306, %mul3A_298 : vector<16xi32>
          %sub3A_308 = arith.constant 1 : i32
          %sub3A_309 = vector.broadcast %sub3A_308 : i32 to vector<16xi32>
          %sub3A_310 = arith.subi %sub3A_309, %mul3A_298 : vector<16xi32>
          %mul3A_311 = arith.constant 8320 : i32
          %mul3A_312 = vector.broadcast %mul3A_311 : i32 to vector<16xi32>
          %mul3A_313 = arith.muli %mul3A_312, %sub3A_310 : vector<16xi32>
          %add3A_314 = arith.addi %mul3A_307, %mul3A_313 : vector<16xi32>
          tpu.vector_store_idx %arg7[%add3A_314], %add3A_275 : memref<8336xi32, #tpu.memory_space<vmem>>[vector<16xi32>], vector<16xi32>,
          %reduce_sum3A_315 = arith.constant true
          %reduce_sum3A_316 = vector.broadcast %reduce_sum3A_315 : i1 to vector<16xi1>
          %reduce_sum3A_317 = tpu.scan <sum>, %mul3A_298 masked %reduce_sum3A_316 : vector<16xi32>, vector<16xi1> -> vector<16xi32>
          %reduce_sum3A_318 = vector.extract %reduce_sum3A_317[15] : i32 from vector<16xi32>
          %add3A_319 = arith.addi %add3A_272, %reduce_sum3A_318 : i32
          %add3A_320 = arith.constant 16 : i32
          %add3A_321 = vector.broadcast %add3A_320 : i32 to vector<16xi32>
          %add3A_322 = arith.addi %add3A_275, %add3A_321 : vector<16xi32>
          scf.yield %add3A_319, %add3A_322 : i32, vector<16xi32>
        }
        %scan3A_69 = arith.constant 512 : i32
        %add3A_70 = arith.constant 0 : i32
        %add3A_71 = arith.addi %scan3A_68#0, %add3A_70 : i32
        %add3A_72 = vector.broadcast %add3A_71 : i32 to vector<16xi32>
        %add3A_73 = arith.addi %add3A_72, %iota3A : vector<16xi32>
        %broadcast_in_dim3A = vector.broadcast %add3A_60 : i32 to vector<16xi32>
        tpu.vector_store_idx %arg7[%add3A_73], %broadcast_in_dim3A : memref<8336xi32, #tpu.memory_space<vmem>>[vector<16xi32>], vector<16xi32>,
        %add3A_74 = arith.constant 16 : i32
        %add3A_75 = arith.addi %scan3A_68#0, %add3A_74 : i32
        %add3A_76 = vector.broadcast %add3A_75 : i32 to vector<16xi32>
        %add3A_77 = arith.addi %add3A_76, %iota3A : vector<16xi32>
        %broadcast_in_dim3A_78 = vector.broadcast %add3A_60 : i32 to vector<16xi32>
        tpu.vector_store_idx %arg7[%add3A_77], %broadcast_in_dim3A_78 : memref<8336xi32, #tpu.memory_space<vmem>>[vector<16xi32>], vector<16xi32>,
        %add3A_79 = arith.constant 32 : i32
        %add3A_80 = arith.addi %scan3A_68#0, %add3A_79 : i32
        %add3A_81 = vector.broadcast %add3A_80 : i32 to vector<16xi32>
        %add3A_82 = arith.addi %add3A_81, %iota3A : vector<16xi32>
        %broadcast_in_dim3A_83 = vector.broadcast %add3A_60 : i32 to vector<16xi32>
        tpu.vector_store_idx %arg7[%add3A_82], %broadcast_in_dim3A_83 : memref<8336xi32, #tpu.memory_space<vmem>>[vector<16xi32>], vector<16xi32>,
        %add3A_84 = arith.constant 48 : i32
        %add3A_85 = arith.addi %scan3A_68#0, %add3A_84 : i32
        %add3A_86 = vector.broadcast %add3A_85 : i32 to vector<16xi32>
        %add3A_87 = arith.addi %add3A_86, %iota3A : vector<16xi32>
        %broadcast_in_dim3A_88 = vector.broadcast %add3A_60 : i32 to vector<16xi32>
        tpu.vector_store_idx %arg7[%add3A_87], %broadcast_in_dim3A_88 : memref<8336xi32, #tpu.memory_space<vmem>>[vector<16xi32>], vector<16xi32>,
        %add3A_89 = arith.constant 64 : i32
        %add3A_90 = arith.addi %scan3A_68#0, %add3A_89 : i32
        %add3A_91 = vector.broadcast %add3A_90 : i32 to vector<16xi32>
        %add3A_92 = arith.addi %add3A_91, %iota3A : vector<16xi32>
        %broadcast_in_dim3A_93 = vector.broadcast %add3A_60 : i32 to vector<16xi32>
        tpu.vector_store_idx %arg7[%add3A_92], %broadcast_in_dim3A_93 : memref<8336xi32, #tpu.memory_space<vmem>>[vector<16xi32>], vector<16xi32>,
        %add3A_94 = arith.constant 80 : i32
        %add3A_95 = arith.addi %scan3A_68#0, %add3A_94 : i32
        %add3A_96 = vector.broadcast %add3A_95 : i32 to vector<16xi32>
        %add3A_97 = arith.addi %add3A_96, %iota3A : vector<16xi32>
        %broadcast_in_dim3A_98 = vector.broadcast %add3A_60 : i32 to vector<16xi32>
        tpu.vector_store_idx %arg7[%add3A_97], %broadcast_in_dim3A_98 : memref<8336xi32, #tpu.memory_space<vmem>>[vector<16xi32>], vector<16xi32>,
        %add3A_99 = arith.constant 96 : i32
        %add3A_100 = arith.addi %scan3A_68#0, %add3A_99 : i32
        %add3A_101 = vector.broadcast %add3A_100 : i32 to vector<16xi32>
        %add3A_102 = arith.addi %add3A_101, %iota3A : vector<16xi32>
        %broadcast_in_dim3A_103 = vector.broadcast %add3A_60 : i32 to vector<16xi32>
        tpu.vector_store_idx %arg7[%add3A_102], %broadcast_in_dim3A_103 : memref<8336xi32, #tpu.memory_space<vmem>>[vector<16xi32>], vector<16xi32>,
        %add3A_104 = arith.constant 112 : i32
        %add3A_105 = arith.addi %scan3A_68#0, %add3A_104 : i32
        %add3A_106 = vector.broadcast %add3A_105 : i32 to vector<16xi32>
        %add3A_107 = arith.addi %add3A_106, %iota3A : vector<16xi32>
        %broadcast_in_dim3A_108 = vector.broadcast %add3A_60 : i32 to vector<16xi32>
        tpu.vector_store_idx %arg7[%add3A_107], %broadcast_in_dim3A_108 : memref<8336xi32, #tpu.memory_space<vmem>>[vector<16xi32>], vector<16xi32>,
        %add3A_109 = arith.constant 127 : i32
        %add3A_110 = arith.addi %scan3A_68#0, %add3A_109 : i32
        %jit3A = arith.constant 128 : i32
        %div3A = arith.divsi %add3A_110, %jit3A : i32
        %sign3A = arith.constant 0 : i32
        %sign3A_111 = arith.cmpi sgt, %add3A_110, %sign3A : i32
        %sign3A_112 = arith.extui %sign3A_111 : i1 to i32
        %sign3A_113 = arith.constant 0 : i32
        %sign3A_114 = arith.cmpi slt, %add3A_110, %sign3A_113 : i32
        %sign3A_115 = arith.extui %sign3A_114 : i1 to i32
        %sign3A_116 = arith.subi %sign3A_112, %sign3A_115 : i32
        %sign3A_117 = arith.constant 0 : i32
        %sign3A_118 = arith.cmpi sgt, %jit3A, %sign3A_117 : i32
        %sign3A_119 = arith.extui %sign3A_118 : i1 to i32
        %sign3A_120 = arith.constant 0 : i32
        %sign3A_121 = arith.cmpi slt, %jit3A, %sign3A_120 : i32
        %sign3A_122 = arith.extui %sign3A_121 : i1 to i32
        %sign3A_123 = arith.subi %sign3A_119, %sign3A_122 : i32
        %ne3A = arith.cmpi ne, %sign3A_116, %sign3A_123 : i32
        %rem3A = arith.remsi %add3A_110, %jit3A : i32
        %ne3A_124 = arith.constant 0 : i32
        %ne3A_125 = arith.cmpi ne, %rem3A, %ne3A_124 : i32
        %and3A = arith.andi %ne3A, %ne3A_125 : i1
        %sub3A = arith.constant 1 : i32
        %sub3A_126 = arith.subi %div3A, %sub3A : i32
        %select_n3A = arith.select %and3A, %sub3A_126, %div3A : i32
        %while3A = arith.constant 0 : i32
        %while3A_127 = arith.constant 0 : i32
        %while3A_128 = arith.subi %select_n3A, %while3A : i32
        %while3A_129 = arith.addi %while3A, %while3A_128 : i32
        %while3A_130 = arith.constant 1 : i32
        %while3A_131 = arith.divsi %while3A_128, %while3A_130 : i32
        %while3A_132 = arith.muli %while3A_131, %while3A_130 : i32
        %while3A_133 = arith.addi %while3A, %while3A_132 : i32
        %while3A_134 = arith.constant 1 : i32
        %while3A_135 = scf.for %while3A_139 = %while3A to %while3A_133 step %while3A_134 iter_args(%while3A_140 = %while3A_127) -> (i32)  : i32 {
          %scan3A_141 = arith.constant 0 : i32
          %scan3A_142 = arith.constant 0 : i32
          %scan3A_143 = arith.constant 8 : i32
          %scan3A_144 = arith.addi %scan3A_142, %scan3A_143 : i32
          %scan3A_145 = arith.constant 1 : i32
          scf.for %scan3A_174 = %scan3A_142 to %scan3A_144 step %scan3A_145  : i32 {
            %mul3A_175 = arith.constant 128 : i32
            %mul3A_176 = arith.muli %while3A_139, %mul3A_175 : i32
            %mul3A_177 = arith.constant 16 : i32
            %mul3A_178 = arith.muli %scan3A_174, %mul3A_177 : i32
            %add3A_179 = arith.addi %mul3A_176, %mul3A_178 : i32
            %get3A = arith.index_cast %add3A_179 : i32 to index
            %get3A_180 = tpu.vector_load %arg7[%get3A] {strides = array<i32>} : memref<8336xi32, #tpu.memory_space<vmem>>, vector<16xi32>,
            %shift_right_arithmetic3A = arith.constant 12 : i32
            %shift_right_arithmetic3A_181 = vector.broadcast %shift_right_arithmetic3A : i32 to vector<16xi32>
            %shift_right_arithmetic3A_182 = arith.shrsi %get3A_180, %shift_right_arithmetic3A_181 : vector<16xi32>
            %shift_left3A = arith.constant 10 : i32
            %shift_left3A_183 = vector.broadcast %shift_left3A : i32 to vector<16xi32>
            %shift_left3A_184 = arith.shli %shift_right_arithmetic3A_182, %shift_left3A_183 : vector<16xi32>
            %and3A_185 = arith.constant 1023 : i32
            %and3A_186 = vector.broadcast %and3A_185 : i32 to vector<16xi32>
            %and3A_187 = arith.andi %get3A_180, %and3A_186 : vector<16xi32>
            %or3A = arith.ori %shift_left3A_184, %and3A_187 : vector<16xi32>
            %mul3A_188 = arith.constant 16 : i32
            %mul3A_189 = arith.muli %scan3A_174, %mul3A_188 : i32
            %swap3A = arith.constant 0 : i32
            %swap3A_190 = arith.index_cast %swap3A : i32 to index
            %swap3A_191 = arith.index_cast %mul3A_189 : i32 to index
            %swap3A_192 = tpu.vector_load %arg11[%swap3A_190, %swap3A_191] {strides = array<i32>} : memref<1x128xi32, #tpu.memory_space<vmem>>, vector<16xi32>,
            tpu.vector_store %arg11[%swap3A_190, %swap3A_191], %or3A {strides = array<i32>} : memref<1x128xi32, #tpu.memory_space<vmem>>, vector<16xi32>,
          }
          %scan3A_146 = arith.constant 8 : i32
          %dma_start3A = arith.constant 0 : i32
          %dma_start3A_147 = arith.constant 0 : i32
          %dma_start3A_148 = tpu.memref_slice %arg11[%dma_start3A, %dma_start3A_147] : memref<1x128xi32, #tpu.memory_space<vmem>> -> memref<1x128xi32, #tpu.memory_space<vmem>>
          %dma_start3A_149 = tpu.memref_squeeze %dma_start3A_148 : memref<1x128xi32, #tpu.memory_space<vmem>> -> memref<128xi32, #tpu.memory_space<vmem>>
          %dma_start3A_150 = arith.constant 0 : i32
          %dma_start3A_151 = arith.constant 0 : i32
          %dma_start3A_152 = tpu.memref_slice %arg2[%dma_start3A_150, %dma_start3A_151] : memref<131072x128xf32, #tpu.memory_space<hbm>> -> memref<131072x128xf32, #tpu.memory_space<hbm>>
          tpu.enqueue_indirect_dma source(%dma_start3A_152 : memref<131072x128xf32, #tpu.memory_space<hbm>>) target(%arg8 : memref<128x128xf32, #tpu.memory_space<vmem>>) offsets(%dma_start3A_149 : memref<128xi32, #tpu.memory_space<vmem>>) semaphore(%arg12 : memref<!tpu.dma_semaphore, #tpu.memory_space<semaphore_mem>>)
          %dma_wait3A = arith.constant 0 : i32
          %dma_wait3A_153 = arith.constant 0 : i32
          %dma_wait3A_154 = tpu.memref_slice %arg11[%dma_wait3A, %dma_wait3A_153] : memref<1x128xi32, #tpu.memory_space<vmem>> -> memref<1x128xi32, #tpu.memory_space<vmem>>
          %dma_wait3A_155 = tpu.memref_squeeze %dma_wait3A_154 : memref<1x128xi32, #tpu.memory_space<vmem>> -> memref<128xi32, #tpu.memory_space<vmem>>
          %dma_wait3A_156 = arith.constant 0 : i32
          %dma_wait3A_157 = arith.constant 0 : i32
          %dma_wait3A_158 = tpu.memref_slice %arg2[%dma_wait3A_156, %dma_wait3A_157] : memref<131072x128xf32, #tpu.memory_space<hbm>> -> memref<131072x128xf32, #tpu.memory_space<hbm>>
          tpu.wait_indirect_dma semaphore(%arg12 : memref<!tpu.dma_semaphore, #tpu.memory_space<semaphore_mem>>) src(%dma_wait3A_158 : memref<131072x128xf32, #tpu.memory_space<hbm>>) dst(%arg8 : memref<128x128xf32, #tpu.memory_space<vmem>>)
          %scan3A_159 = arith.constant 0 : i32
          %scan3A_160 = arith.constant 0 : i32
          %scan3A_161 = arith.constant 8 : i32
          %scan3A_162 = arith.addi %scan3A_160, %scan3A_161 : i32
          %scan3A_163 = arith.constant 1 : i32
          %scan3A_164 = scf.for %scan3A_174 = %scan3A_160 to %scan3A_162 step %scan3A_163 iter_args(%scan3A_175 = %scan3A_159) -> (i32)  : i32 {
            %mul3A_176 = arith.constant 128 : i32
            %mul3A_177 = arith.muli %while3A_139, %mul3A_176 : i32
            %mul3A_178 = arith.constant 16 : i32
            %mul3A_179 = arith.muli %scan3A_174, %mul3A_178 : i32
            %add3A_180 = arith.addi %mul3A_177, %mul3A_179 : i32
            %get3A = arith.index_cast %add3A_180 : i32 to index
            %get3A_181 = tpu.vector_load %arg7[%get3A] {strides = array<i32>} : memref<8336xi32, #tpu.memory_space<vmem>>, vector<16xi32>,
            %sub3A_182 = vector.broadcast %add3A_60 : i32 to vector<16xi32>
            %sub3A_183 = arith.subi %get3A_181, %sub3A_182 : vector<16xi32>
            %gather3A = tpu.vector_load_idx %arg6[%sub3A_183] : memref<8192xi32, #tpu.memory_space<vmem>>[vector<16xi32>], vector<16xi32>,
            %sub3A_184 = vector.broadcast %mul3A_19 : i32 to vector<16xi32>
            %sub3A_185 = arith.subi %gather3A, %sub3A_184 : vector<16xi32>
            %bitcast3A = vector.bitcast %sub3A_185 : vector<16xi32> to vector<16xi32>
            %shift_right_logical3A = arith.constant 31 : i32
            %shift_right_logical3A_186 = vector.broadcast %shift_right_logical3A : i32 to vector<16xi32>
            %shift_right_logical3A_187 = arith.shrui %bitcast3A, %shift_right_logical3A_186 : vector<16xi32>
            %sub3A_188 = arith.constant 32768 : i32
            %sub3A_189 = vector.broadcast %sub3A_188 : i32 to vector<16xi32>
            %sub3A_190 = arith.subi %sub3A_185, %sub3A_189 : vector<16xi32>
            %bitcast3A_191 = vector.bitcast %sub3A_190 : vector<16xi32> to vector<16xi32>
            %shift_right_logical3A_192 = arith.constant 31 : i32
            %shift_right_logical3A_193 = vector.broadcast %shift_right_logical3A_192 : i32 to vector<16xi32>
            %shift_right_logical3A_194 = arith.shrui %bitcast3A_191, %shift_right_logical3A_193 : vector<16xi32>
            %mul3A_195 = arith.constant 128 : i32
            %mul3A_196 = arith.muli %while3A_139, %mul3A_195 : i32
            %mul3A_197 = arith.constant 16 : i32
            %mul3A_198 = arith.muli %scan3A_174, %mul3A_197 : i32
            %add3A_199 = arith.addi %mul3A_196, %mul3A_198 : i32
            %add3A_200 = vector.broadcast %add3A_199 : i32 to vector<16xi32>
            %add3A_201 = arith.addi %add3A_200, %iota3A : vector<16xi32>
            %sub3A_202 = vector.broadcast %scan3A_68#0 : i32 to vector<16xi32>
            %sub3A_203 = arith.subi %add3A_201, %sub3A_202 : vector<16xi32>
            %bitcast3A_204 = vector.bitcast %sub3A_203 : vector<16xi32> to vector<16xi32>
            %shift_right_logical3A_205 = arith.constant 31 : i32
            %shift_right_logical3A_206 = vector.broadcast %shift_right_logical3A_205 : i32 to vector<16xi32>
            %shift_right_logical3A_207 = arith.shrui %bitcast3A_204, %shift_right_logical3A_206 : vector<16xi32>
            %sub3A_208 = arith.constant 1 : i32
            %sub3A_209 = vector.broadcast %sub3A_208 : i32 to vector<16xi32>
            %sub3A_210 = arith.subi %sub3A_209, %shift_right_logical3A_187 : vector<16xi32>
            %mul3A_211 = arith.muli %shift_right_logical3A_194, %sub3A_210 : vector<16xi32>
            %mul3A_212 = arith.muli %mul3A_211, %shift_right_logical3A_207 : vector<16xi32>
            %mul3A_213 = arith.muli %sub3A_185, %mul3A_212 : vector<16xi32>
            %shift_right_arithmetic3A = arith.constant 13 : i32
            %shift_right_arithmetic3A_214 = vector.broadcast %shift_right_arithmetic3A : i32 to vector<16xi32>
            %shift_right_arithmetic3A_215 = arith.shrsi %mul3A_213, %shift_right_arithmetic3A_214 : vector<16xi32>
            %mul3A_216 = arith.constant 32 : i32
            %mul3A_217 = vector.broadcast %mul3A_216 : i32 to vector<16xi32>
            %mul3A_218 = arith.muli %shift_right_arithmetic3A_215, %mul3A_217 : vector<16xi32>
            %mul3A_219 = arith.muli %mul3A_218, %mul3A_212 : vector<16xi32>
            %shift_right_arithmetic3A_220 = arith.constant 10 : i32
            %shift_right_arithmetic3A_221 = vector.broadcast %shift_right_arithmetic3A_220 : i32 to vector<16xi32>
            %shift_right_arithmetic3A_222 = arith.shrsi %get3A_181, %shift_right_arithmetic3A_221 : vector<16xi32>
            %and3A_223 = arith.constant 3 : i32
            %and3A_224 = vector.broadcast %and3A_223 : i32 to vector<16xi32>
            %and3A_225 = arith.andi %shift_right_arithmetic3A_222, %and3A_224 : vector<16xi32>
            %mul3A_226 = arith.constant 32 : i32
            %mul3A_227 = vector.broadcast %mul3A_226 : i32 to vector<16xi32>
            %mul3A_228 = arith.muli %and3A_225, %mul3A_227 : vector<16xi32>
            %and3A_229 = arith.constant 8191 : i32
            %and3A_230 = vector.broadcast %and3A_229 : i32 to vector<16xi32>
            %and3A_231 = arith.andi %mul3A_213, %and3A_230 : vector<16xi32>
            %mul3A_232 = arith.muli %and3A_231, %mul3A_212 : vector<16xi32>
            %sub3A_233 = arith.constant 1 : i32
            %sub3A_234 = vector.broadcast %sub3A_233 : i32 to vector<16xi32>
            %sub3A_235 = arith.subi %sub3A_234, %mul3A_212 : vector<16xi32>
            %mul3A_236 = arith.constant 8192 : i32
            %mul3A_237 = vector.broadcast %mul3A_236 : i32 to vector<16xi32>
            %mul3A_238 = arith.muli %mul3A_237, %sub3A_235 : vector<16xi32>
            %add3A_239 = arith.addi %mul3A_232, %mul3A_238 : vector<16xi32>
            %mul3A_240 = arith.constant 16 : i32
            %mul3A_241 = arith.muli %scan3A_174, %mul3A_240 : i32
            %swap3A = arith.constant 0 : i32
            %swap3A_242 = arith.index_cast %swap3A : i32 to index
            %swap3A_243 = arith.index_cast %mul3A_241 : i32 to index
            %swap3A_244 = tpu.vector_load %arg10[%swap3A_242, %swap3A_243] {strides = array<i32>} : memref<1x128xi32, #tpu.memory_space<vmem>>, vector<16xi32>,
            tpu.vector_store %arg10[%swap3A_242, %swap3A_243], %add3A_239 {strides = array<i32>} : memref<1x128xi32, #tpu.memory_space<vmem>>, vector<16xi32>,
            %broadcast_in_dim3A_245 = arith.constant 0.000000e+00 : f32
            %broadcast_in_dim3A_246 = vector.broadcast %broadcast_in_dim3A_245 : f32 to vector<16xf32>
            %mul3A_247 = arith.constant 16 : i32
            %mul3A_248 = arith.muli %scan3A_174, %mul3A_247 : i32
            %add3A_249 = arith.constant 0 : i32
            %add3A_250 = arith.addi %mul3A_248, %add3A_249 : i32
            %slice3A = vector.extract_strided_slice %mul3A_219 {offsets = [0], sizes = [1], strides = [1]} : vector<16xi32> to vector<1xi32>
            %squeeze3A = vector.extract %slice3A[0] : i32 from vector<1xi32>
            %broadcast_in_dim3A_251 = vector.broadcast %add3A_250 : i32 to vector<16xi32>
            %slice3A_252 = vector.extract_strided_slice %mul3A_228 {offsets = [0], sizes = [1], strides = [1]} : vector<16xi32> to vector<1xi32>
            %squeeze3A_253 = vector.extract %slice3A_252[0] : i32 from vector<1xi32>
            %add3A_254 = vector.broadcast %squeeze3A_253 : i32 to vector<16xi32>
            %add3A_255 = arith.addi %add3A_254, %iota3A : vector<16xi32>
            %gather3A_256 = tpu.vector_load_idx %arg8[%broadcast_in_dim3A_251, %add3A_255] : memref<128x128xf32, #tpu.memory_space<vmem>>[vector<16xi32>, vector<16xi32>], vector<16xf32>,
            %add3A_257 = arith.constant 16 : i32
            %add3A_258 = arith.addi %squeeze3A_253, %add3A_257 : i32
            %add3A_259 = vector.broadcast %add3A_258 : i32 to vector<16xi32>
            %add3A_260 = arith.addi %add3A_259, %iota3A : vector<16xi32>
            %gather3A_261 = tpu.vector_load_idx %arg8[%broadcast_in_dim3A_251, %add3A_260] : memref<128x128xf32, #tpu.memory_space<vmem>>[vector<16xi32>, vector<16xi32>], vector<16xf32>,
            %add3A_262 = vector.broadcast %squeeze3A : i32 to vector<16xi32>
            %add3A_263 = arith.addi %add3A_262, %iota3A : vector<16xi32>
            tpu.vector_store_idx %arg9[%broadcast_in_dim3A_251, %add3A_263], %gather3A_256 : memref<128x128xf32, #tpu.memory_space<vmem>>[vector<16xi32>, vector<16xi32>], vector<16xf32>,
            %add3A_264 = arith.constant 16 : i32
            %add3A_265 = arith.addi %squeeze3A, %add3A_264 : i32
            %add3A_266 = vector.broadcast %add3A_265 : i32 to vector<16xi32>
            %add3A_267 = arith.addi %add3A_266, %iota3A : vector<16xi32>
            tpu.vector_store_idx %arg9[%broadcast_in_dim3A_251, %add3A_267], %gather3A_261 : memref<128x128xf32, #tpu.memory_space<vmem>>[vector<16xi32>, vector<16xi32>], vector<16xf32>,
            %mul3A_268 = arith.constant 16 : i32
            %mul3A_269 = arith.muli %scan3A_174, %mul3A_268 : i32
            %add3A_270 = arith.constant 1 : i32
            %add3A_271 = arith.addi %mul3A_269, %add3A_270 : i32
            %slice3A_272 = vector.extract_strided_slice %mul3A_219 {offsets = [1], sizes = [1], strides = [1]} : vector<16xi32> to vector<1xi32>
            %squeeze3A_273 = vector.extract %slice3A_272[0] : i32 from vector<1xi32>
            %broadcast_in_dim3A_274 = vector.broadcast %add3A_271 : i32 to vector<16xi32>
            %slice3A_275 = vector.extract_strided_slice %mul3A_228 {offsets = [1], sizes = [1], strides = [1]} : vector<16xi32> to vector<1xi32>
            %squeeze3A_276 = vector.extract %slice3A_275[0] : i32 from vector<1xi32>
            %add3A_277 = vector.broadcast %squeeze3A_276 : i32 to vector<16xi32>
            %add3A_278 = arith.addi %add3A_277, %iota3A : vector<16xi32>
            %gather3A_279 = tpu.vector_load_idx %arg8[%broadcast_in_dim3A_274, %add3A_278] : memref<128x128xf32, #tpu.memory_space<vmem>>[vector<16xi32>, vector<16xi32>], vector<16xf32>,
            %add3A_280 = arith.constant 16 : i32
            %add3A_281 = arith.addi %squeeze3A_276, %add3A_280 : i32
            %add3A_282 = vector.broadcast %add3A_281 : i32 to vector<16xi32>
            %add3A_283 = arith.addi %add3A_282, %iota3A : vector<16xi32>
            %gather3A_284 = tpu.vector_load_idx %arg8[%broadcast_in_dim3A_274, %add3A_283] : memref<128x128xf32, #tpu.memory_space<vmem>>[vector<16xi32>, vector<16xi32>], vector<16xf32>,
            %add3A_285 = vector.broadcast %squeeze3A_273 : i32 to vector<16xi32>
            %add3A_286 = arith.addi %add3A_285, %iota3A : vector<16xi32>
            tpu.vector_store_idx %arg9[%broadcast_in_dim3A_274, %add3A_286], %gather3A_279 : memref<128x128xf32, #tpu.memory_space<vmem>>[vector<16xi32>, vector<16xi32>], vector<16xf32>,
            %add3A_287 = arith.constant 16 : i32
            %add3A_288 = arith.addi %squeeze3A_273, %add3A_287 : i32
            %add3A_289 = vector.broadcast %add3A_288 : i32 to vector<16xi32>
            %add3A_290 = arith.addi %add3A_289, %iota3A : vector<16xi32>
            tpu.vector_store_idx %arg9[%broadcast_in_dim3A_274, %add3A_290], %gather3A_284 : memref<128x128xf32, #tpu.memory_space<vmem>>[vector<16xi32>, vector<16xi32>], vector<16xf32>,
            %mul3A_291 = arith.constant 16 : i32
            %mul3A_292 = arith.muli %scan3A_174, %mul3A_291 : i32
            %add3A_293 = arith.constant 2 : i32
            %add3A_294 = arith.addi %mul3A_292, %add3A_293 : i32
            %slice3A_295 = vector.extract_strided_slice %mul3A_219 {offsets = [2], sizes = [1], strides = [1]} : vector<16xi32> to vector<1xi32>
            %squeeze3A_296 = vector.extract %slice3A_295[0] : i32 from vector<1xi32>
            %broadcast_in_dim3A_297 = vector.broadcast %add3A_294 : i32 to vector<16xi32>
            %slice3A_298 = vector.extract_strided_slice %mul3A_228 {offsets = [2], sizes = [1], strides = [1]} : vector<16xi32> to vector<1xi32>
            %squeeze3A_299 = vector.extract %slice3A_298[0] : i32 from vector<1xi32>
            %add3A_300 = vector.broadcast %squeeze3A_299 : i32 to vector<16xi32>
            %add3A_301 = arith.addi %add3A_300, %iota3A : vector<16xi32>
            %gather3A_302 = tpu.vector_load_idx %arg8[%broadcast_in_dim3A_297, %add3A_301] : memref<128x128xf32, #tpu.memory_space<vmem>>[vector<16xi32>, vector<16xi32>], vector<16xf32>,
            %add3A_303 = arith.constant 16 : i32
            %add3A_304 = arith.addi %squeeze3A_299, %add3A_303 : i32
            %add3A_305 = vector.broadcast %add3A_304 : i32 to vector<16xi32>
            %add3A_306 = arith.addi %add3A_305, %iota3A : vector<16xi32>
            %gather3A_307 = tpu.vector_load_idx %arg8[%broadcast_in_dim3A_297, %add3A_306] : memref<128x128xf32, #tpu.memory_space<vmem>>[vector<16xi32>, vector<16xi32>], vector<16xf32>,
            %add3A_308 = vector.broadcast %squeeze3A_296 : i32 to vector<16xi32>
            %add3A_309 = arith.addi %add3A_308, %iota3A : vector<16xi32>
            tpu.vector_store_idx %arg9[%broadcast_in_dim3A_297, %add3A_309], %gather3A_302 : memref<128x128xf32, #tpu.memory_space<vmem>>[vector<16xi32>, vector<16xi32>], vector<16xf32>,
            %add3A_310 = arith.constant 16 : i32
            %add3A_311 = arith.addi %squeeze3A_296, %add3A_310 : i32
            %add3A_312 = vector.broadcast %add3A_311 : i32 to vector<16xi32>
            %add3A_313 = arith.addi %add3A_312, %iota3A : vector<16xi32>
            tpu.vector_store_idx %arg9[%broadcast_in_dim3A_297, %add3A_313], %gather3A_307 : memref<128x128xf32, #tpu.memory_space<vmem>>[vector<16xi32>, vector<16xi32>], vector<16xf32>,
            %mul3A_314 = arith.constant 16 : i32
            %mul3A_315 = arith.muli %scan3A_174, %mul3A_314 : i32
            %add3A_316 = arith.constant 3 : i32
            %add3A_317 = arith.addi %mul3A_315, %add3A_316 : i32
            %slice3A_318 = vector.extract_strided_slice %mul3A_219 {offsets = [3], sizes = [1], strides = [1]} : vector<16xi32> to vector<1xi32>
            %squeeze3A_319 = vector.extract %slice3A_318[0] : i32 from vector<1xi32>
            %broadcast_in_dim3A_320 = vector.broadcast %add3A_317 : i32 to vector<16xi32>
            %slice3A_321 = vector.extract_strided_slice %mul3A_228 {offsets = [3], sizes = [1], strides = [1]} : vector<16xi32> to vector<1xi32>
            %squeeze3A_322 = vector.extract %slice3A_321[0] : i32 from vector<1xi32>
            %add3A_323 = vector.broadcast %squeeze3A_322 : i32 to vector<16xi32>
            %add3A_324 = arith.addi %add3A_323, %iota3A : vector<16xi32>
            %gather3A_325 = tpu.vector_load_idx %arg8[%broadcast_in_dim3A_320, %add3A_324] : memref<128x128xf32, #tpu.memory_space<vmem>>[vector<16xi32>, vector<16xi32>], vector<16xf32>,
            %add3A_326 = arith.constant 16 : i32
            %add3A_327 = arith.addi %squeeze3A_322, %add3A_326 : i32
            %add3A_328 = vector.broadcast %add3A_327 : i32 to vector<16xi32>
            %add3A_329 = arith.addi %add3A_328, %iota3A : vector<16xi32>
            %gather3A_330 = tpu.vector_load_idx %arg8[%broadcast_in_dim3A_320, %add3A_329] : memref<128x128xf32, #tpu.memory_space<vmem>>[vector<16xi32>, vector<16xi32>], vector<16xf32>,
            %add3A_331 = vector.broadcast %squeeze3A_319 : i32 to vector<16xi32>
            %add3A_332 = arith.addi %add3A_331, %iota3A : vector<16xi32>
            tpu.vector_store_idx %arg9[%broadcast_in_dim3A_320, %add3A_332], %gather3A_325 : memref<128x128xf32, #tpu.memory_space<vmem>>[vector<16xi32>, vector<16xi32>], vector<16xf32>,
            %add3A_333 = arith.constant 16 : i32
            %add3A_334 = arith.addi %squeeze3A_319, %add3A_333 : i32
            %add3A_335 = vector.broadcast %add3A_334 : i32 to vector<16xi32>
            %add3A_336 = arith.addi %add3A_335, %iota3A : vector<16xi32>
            tpu.vector_store_idx %arg9[%broadcast_in_dim3A_320, %add3A_336], %gather3A_330 : memref<128x128xf32, #tpu.memory_space<vmem>>[vector<16xi32>, vector<16xi32>], vector<16xf32>,
            %mul3A_337 = arith.constant 16 : i32
            %mul3A_338 = arith.muli %scan3A_174, %mul3A_337 : i32
            %add3A_339 = arith.constant 4 : i32
            %add3A_340 = arith.addi %mul3A_338, %add3A_339 : i32
            %slice3A_341 = vector.extract_strided_slice %mul3A_219 {offsets = [4], sizes = [1], strides = [1]} : vector<16xi32> to vector<1xi32>
            %squeeze3A_342 = vector.extract %slice3A_341[0] : i32 from vector<1xi32>
            %broadcast_in_dim3A_343 = vector.broadcast %add3A_340 : i32 to vector<16xi32>
            %slice3A_344 = vector.extract_strided_slice %mul3A_228 {offsets = [4], sizes = [1], strides = [1]} : vector<16xi32> to vector<1xi32>
            %squeeze3A_345 = vector.extract %slice3A_344[0] : i32 from vector<1xi32>
            %add3A_346 = vector.broadcast %squeeze3A_345 : i32 to vector<16xi32>
            %add3A_347 = arith.addi %add3A_346, %iota3A : vector<16xi32>
            %gather3A_348 = tpu.vector_load_idx %arg8[%broadcast_in_dim3A_343, %add3A_347] : memref<128x128xf32, #tpu.memory_space<vmem>>[vector<16xi32>, vector<16xi32>], vector<16xf32>,
            %add3A_349 = arith.constant 16 : i32
            %add3A_350 = arith.addi %squeeze3A_345, %add3A_349 : i32
            %add3A_351 = vector.broadcast %add3A_350 : i32 to vector<16xi32>
            %add3A_352 = arith.addi %add3A_351, %iota3A : vector<16xi32>
            %gather3A_353 = tpu.vector_load_idx %arg8[%broadcast_in_dim3A_343, %add3A_352] : memref<128x128xf32, #tpu.memory_space<vmem>>[vector<16xi32>, vector<16xi32>], vector<16xf32>,
            %add3A_354 = vector.broadcast %squeeze3A_342 : i32 to vector<16xi32>
            %add3A_355 = arith.addi %add3A_354, %iota3A : vector<16xi32>
            tpu.vector_store_idx %arg9[%broadcast_in_dim3A_343, %add3A_355], %gather3A_348 : memref<128x128xf32, #tpu.memory_space<vmem>>[vector<16xi32>, vector<16xi32>], vector<16xf32>,
            %add3A_356 = arith.constant 16 : i32
            %add3A_357 = arith.addi %squeeze3A_342, %add3A_356 : i32
            %add3A_358 = vector.broadcast %add3A_357 : i32 to vector<16xi32>
            %add3A_359 = arith.addi %add3A_358, %iota3A : vector<16xi32>
            tpu.vector_store_idx %arg9[%broadcast_in_dim3A_343, %add3A_359], %gather3A_353 : memref<128x128xf32, #tpu.memory_space<vmem>>[vector<16xi32>, vector<16xi32>], vector<16xf32>,
            %mul3A_360 = arith.constant 16 : i32
            %mul3A_361 = arith.muli %scan3A_174, %mul3A_360 : i32
            %add3A_362 = arith.constant 5 : i32
            %add3A_363 = arith.addi %mul3A_361, %add3A_362 : i32
            %slice3A_364 = vector.extract_strided_slice %mul3A_219 {offsets = [5], sizes = [1], strides = [1]} : vector<16xi32> to vector<1xi32>
            %squeeze3A_365 = vector.extract %slice3A_364[0] : i32 from vector<1xi32>
            %broadcast_in_dim3A_366 = vector.broadcast %add3A_363 : i32 to vector<16xi32>
            %slice3A_367 = vector.extract_strided_slice %mul3A_228 {offsets = [5], sizes = [1], strides = [1]} : vector<16xi32> to vector<1xi32>
            %squeeze3A_368 = vector.extract %slice3A_367[0] : i32 from vector<1xi32>
            %add3A_369 = vector.broadcast %squeeze3A_368 : i32 to vector<16xi32>
            %add3A_370 = arith.addi %add3A_369, %iota3A : vector<16xi32>
            %gather3A_371 = tpu.vector_load_idx %arg8[%broadcast_in_dim3A_366, %add3A_370] : memref<128x128xf32, #tpu.memory_space<vmem>>[vector<16xi32>, vector<16xi32>], vector<16xf32>,
            %add3A_372 = arith.constant 16 : i32
            %add3A_373 = arith.addi %squeeze3A_368, %add3A_372 : i32
            %add3A_374 = vector.broadcast %add3A_373 : i32 to vector<16xi32>
            %add3A_375 = arith.addi %add3A_374, %iota3A : vector<16xi32>
            %gather3A_376 = tpu.vector_load_idx %arg8[%broadcast_in_dim3A_366, %add3A_375] : memref<128x128xf32, #tpu.memory_space<vmem>>[vector<16xi32>, vector<16xi32>], vector<16xf32>,
            %add3A_377 = vector.broadcast %squeeze3A_365 : i32 to vector<16xi32>
            %add3A_378 = arith.addi %add3A_377, %iota3A : vector<16xi32>
            tpu.vector_store_idx %arg9[%broadcast_in_dim3A_366, %add3A_378], %gather3A_371 : memref<128x128xf32, #tpu.memory_space<vmem>>[vector<16xi32>, vector<16xi32>], vector<16xf32>,
            %add3A_379 = arith.constant 16 : i32
            %add3A_380 = arith.addi %squeeze3A_365, %add3A_379 : i32
            %add3A_381 = vector.broadcast %add3A_380 : i32 to vector<16xi32>
            %add3A_382 = arith.addi %add3A_381, %iota3A : vector<16xi32>
            tpu.vector_store_idx %arg9[%broadcast_in_dim3A_366, %add3A_382], %gather3A_376 : memref<128x128xf32, #tpu.memory_space<vmem>>[vector<16xi32>, vector<16xi32>], vector<16xf32>,
            %mul3A_383 = arith.constant 16 : i32
            %mul3A_384 = arith.muli %scan3A_174, %mul3A_383 : i32
            %add3A_385 = arith.constant 6 : i32
            %add3A_386 = arith.addi %mul3A_384, %add3A_385 : i32
            %slice3A_387 = vector.extract_strided_slice %mul3A_219 {offsets = [6], sizes = [1], strides = [1]} : vector<16xi32> to vector<1xi32>
            %squeeze3A_388 = vector.extract %slice3A_387[0] : i32 from vector<1xi32>
            %broadcast_in_dim3A_389 = vector.broadcast %add3A_386 : i32 to vector<16xi32>
            %slice3A_390 = vector.extract_strided_slice %mul3A_228 {offsets = [6], sizes = [1], strides = [1]} : vector<16xi32> to vector<1xi32>
            %squeeze3A_391 = vector.extract %slice3A_390[0] : i32 from vector<1xi32>
            %add3A_392 = vector.broadcast %squeeze3A_391 : i32 to vector<16xi32>
            %add3A_393 = arith.addi %add3A_392, %iota3A : vector<16xi32>
            %gather3A_394 = tpu.vector_load_idx %arg8[%broadcast_in_dim3A_389, %add3A_393] : memref<128x128xf32, #tpu.memory_space<vmem>>[vector<16xi32>, vector<16xi32>], vector<16xf32>,
            %add3A_395 = arith.constant 16 : i32
            %add3A_396 = arith.addi %squeeze3A_391, %add3A_395 : i32
            %add3A_397 = vector.broadcast %add3A_396 : i32 to vector<16xi32>
            %add3A_398 = arith.addi %add3A_397, %iota3A : vector<16xi32>
            %gather3A_399 = tpu.vector_load_idx %arg8[%broadcast_in_dim3A_389, %add3A_398] : memref<128x128xf32, #tpu.memory_space<vmem>>[vector<16xi32>, vector<16xi32>], vector<16xf32>,
            %add3A_400 = vector.broadcast %squeeze3A_388 : i32 to vector<16xi32>
            %add3A_401 = arith.addi %add3A_400, %iota3A : vector<16xi32>
            tpu.vector_store_idx %arg9[%broadcast_in_dim3A_389, %add3A_401], %gather3A_394 : memref<128x128xf32, #tpu.memory_space<vmem>>[vector<16xi32>, vector<16xi32>], vector<16xf32>,
            %add3A_402 = arith.constant 16 : i32
            %add3A_403 = arith.addi %squeeze3A_388, %add3A_402 : i32
            %add3A_404 = vector.broadcast %add3A_403 : i32 to vector<16xi32>
            %add3A_405 = arith.addi %add3A_404, %iota3A : vector<16xi32>
            tpu.vector_store_idx %arg9[%broadcast_in_dim3A_389, %add3A_405], %gather3A_399 : memref<128x128xf32, #tpu.memory_space<vmem>>[vector<16xi32>, vector<16xi32>], vector<16xf32>,
            %mul3A_406 = arith.constant 16 : i32
            %mul3A_407 = arith.muli %scan3A_174, %mul3A_406 : i32
            %add3A_408 = arith.constant 7 : i32
            %add3A_409 = arith.addi %mul3A_407, %add3A_408 : i32
            %slice3A_410 = vector.extract_strided_slice %mul3A_219 {offsets = [7], sizes = [1], strides = [1]} : vector<16xi32> to vector<1xi32>
            %squeeze3A_411 = vector.extract %slice3A_410[0] : i32 from vector<1xi32>
            %broadcast_in_dim3A_412 = vector.broadcast %add3A_409 : i32 to vector<16xi32>
            %slice3A_413 = vector.extract_strided_slice %mul3A_228 {offsets = [7], sizes = [1], strides = [1]} : vector<16xi32> to vector<1xi32>
            %squeeze3A_414 = vector.extract %slice3A_413[0] : i32 from vector<1xi32>
            %add3A_415 = vector.broadcast %squeeze3A_414 : i32 to vector<16xi32>
            %add3A_416 = arith.addi %add3A_415, %iota3A : vector<16xi32>
            %gather3A_417 = tpu.vector_load_idx %arg8[%broadcast_in_dim3A_412, %add3A_416] : memref<128x128xf32, #tpu.memory_space<vmem>>[vector<16xi32>, vector<16xi32>], vector<16xf32>,
            %add3A_418 = arith.constant 16 : i32
            %add3A_419 = arith.addi %squeeze3A_414, %add3A_418 : i32
            %add3A_420 = vector.broadcast %add3A_419 : i32 to vector<16xi32>
            %add3A_421 = arith.addi %add3A_420, %iota3A : vector<16xi32>
            %gather3A_422 = tpu.vector_load_idx %arg8[%broadcast_in_dim3A_412, %add3A_421] : memref<128x128xf32, #tpu.memory_space<vmem>>[vector<16xi32>, vector<16xi32>], vector<16xf32>,
            %add3A_423 = vector.broadcast %squeeze3A_411 : i32 to vector<16xi32>
            %add3A_424 = arith.addi %add3A_423, %iota3A : vector<16xi32>
            tpu.vector_store_idx %arg9[%broadcast_in_dim3A_412, %add3A_424], %gather3A_417 : memref<128x128xf32, #tpu.memory_space<vmem>>[vector<16xi32>, vector<16xi32>], vector<16xf32>,
            %add3A_425 = arith.constant 16 : i32
            %add3A_426 = arith.addi %squeeze3A_411, %add3A_425 : i32
            %add3A_427 = vector.broadcast %add3A_426 : i32 to vector<16xi32>
            %add3A_428 = arith.addi %add3A_427, %iota3A : vector<16xi32>
            tpu.vector_store_idx %arg9[%broadcast_in_dim3A_412, %add3A_428], %gather3A_422 : memref<128x128xf32, #tpu.memory_space<vmem>>[vector<16xi32>, vector<16xi32>], vector<16xf32>,
            %mul3A_429 = arith.constant 16 : i32
            %mul3A_430 = arith.muli %scan3A_174, %mul3A_429 : i32
            %add3A_431 = arith.constant 8 : i32
            %add3A_432 = arith.addi %mul3A_430, %add3A_431 : i32
            %slice3A_433 = vector.extract_strided_slice %mul3A_219 {offsets = [8], sizes = [1], strides = [1]} : vector<16xi32> to vector<1xi32>
            %squeeze3A_434 = vector.extract %slice3A_433[0] : i32 from vector<1xi32>
            %broadcast_in_dim3A_435 = vector.broadcast %add3A_432 : i32 to vector<16xi32>
            %slice3A_436 = vector.extract_strided_slice %mul3A_228 {offsets = [8], sizes = [1], strides = [1]} : vector<16xi32> to vector<1xi32>
            %squeeze3A_437 = vector.extract %slice3A_436[0] : i32 from vector<1xi32>
            %add3A_438 = vector.broadcast %squeeze3A_437 : i32 to vector<16xi32>
            %add3A_439 = arith.addi %add3A_438, %iota3A : vector<16xi32>
            %gather3A_440 = tpu.vector_load_idx %arg8[%broadcast_in_dim3A_435, %add3A_439] : memref<128x128xf32, #tpu.memory_space<vmem>>[vector<16xi32>, vector<16xi32>], vector<16xf32>,
            %add3A_441 = arith.constant 16 : i32
            %add3A_442 = arith.addi %squeeze3A_437, %add3A_441 : i32
            %add3A_443 = vector.broadcast %add3A_442 : i32 to vector<16xi32>
            %add3A_444 = arith.addi %add3A_443, %iota3A : vector<16xi32>
            %gather3A_445 = tpu.vector_load_idx %arg8[%broadcast_in_dim3A_435, %add3A_444] : memref<128x128xf32, #tpu.memory_space<vmem>>[vector<16xi32>, vector<16xi32>], vector<16xf32>,
            %add3A_446 = vector.broadcast %squeeze3A_434 : i32 to vector<16xi32>
            %add3A_447 = arith.addi %add3A_446, %iota3A : vector<16xi32>
            tpu.vector_store_idx %arg9[%broadcast_in_dim3A_435, %add3A_447], %gather3A_440 : memref<128x128xf32, #tpu.memory_space<vmem>>[vector<16xi32>, vector<16xi32>], vector<16xf32>,
            %add3A_448 = arith.constant 16 : i32
            %add3A_449 = arith.addi %squeeze3A_434, %add3A_448 : i32
            %add3A_450 = vector.broadcast %add3A_449 : i32 to vector<16xi32>
            %add3A_451 = arith.addi %add3A_450, %iota3A : vector<16xi32>
            tpu.vector_store_idx %arg9[%broadcast_in_dim3A_435, %add3A_451], %gather3A_445 : memref<128x128xf32, #tpu.memory_space<vmem>>[vector<16xi32>, vector<16xi32>], vector<16xf32>,
            %mul3A_452 = arith.constant 16 : i32
            %mul3A_453 = arith.muli %scan3A_174, %mul3A_452 : i32
            %add3A_454 = arith.constant 9 : i32
            %add3A_455 = arith.addi %mul3A_453, %add3A_454 : i32
            %slice3A_456 = vector.extract_strided_slice %mul3A_219 {offsets = [9], sizes = [1], strides = [1]} : vector<16xi32> to vector<1xi32>
            %squeeze3A_457 = vector.extract %slice3A_456[0] : i32 from vector<1xi32>
            %broadcast_in_dim3A_458 = vector.broadcast %add3A_455 : i32 to vector<16xi32>
            %slice3A_459 = vector.extract_strided_slice %mul3A_228 {offsets = [9], sizes = [1], strides = [1]} : vector<16xi32> to vector<1xi32>
            %squeeze3A_460 = vector.extract %slice3A_459[0] : i32 from vector<1xi32>
            %add3A_461 = vector.broadcast %squeeze3A_460 : i32 to vector<16xi32>
            %add3A_462 = arith.addi %add3A_461, %iota3A : vector<16xi32>
            %gather3A_463 = tpu.vector_load_idx %arg8[%broadcast_in_dim3A_458, %add3A_462] : memref<128x128xf32, #tpu.memory_space<vmem>>[vector<16xi32>, vector<16xi32>], vector<16xf32>,
            %add3A_464 = arith.constant 16 : i32
            %add3A_465 = arith.addi %squeeze3A_460, %add3A_464 : i32
            %add3A_466 = vector.broadcast %add3A_465 : i32 to vector<16xi32>
            %add3A_467 = arith.addi %add3A_466, %iota3A : vector<16xi32>
            %gather3A_468 = tpu.vector_load_idx %arg8[%broadcast_in_dim3A_458, %add3A_467] : memref<128x128xf32, #tpu.memory_space<vmem>>[vector<16xi32>, vector<16xi32>], vector<16xf32>,
            %add3A_469 = vector.broadcast %squeeze3A_457 : i32 to vector<16xi32>
            %add3A_470 = arith.addi %add3A_469, %iota3A : vector<16xi32>
            tpu.vector_store_idx %arg9[%broadcast_in_dim3A_458, %add3A_470], %gather3A_463 : memref<128x128xf32, #tpu.memory_space<vmem>>[vector<16xi32>, vector<16xi32>], vector<16xf32>,
            %add3A_471 = arith.constant 16 : i32
            %add3A_472 = arith.addi %squeeze3A_457, %add3A_471 : i32
            %add3A_473 = vector.broadcast %add3A_472 : i32 to vector<16xi32>
            %add3A_474 = arith.addi %add3A_473, %iota3A : vector<16xi32>
            tpu.vector_store_idx %arg9[%broadcast_in_dim3A_458, %add3A_474], %gather3A_468 : memref<128x128xf32, #tpu.memory_space<vmem>>[vector<16xi32>, vector<16xi32>], vector<16xf32>,
            %mul3A_475 = arith.constant 16 : i32
            %mul3A_476 = arith.muli %scan3A_174, %mul3A_475 : i32
            %add3A_477 = arith.constant 10 : i32
            %add3A_478 = arith.addi %mul3A_476, %add3A_477 : i32
            %slice3A_479 = vector.extract_strided_slice %mul3A_219 {offsets = [10], sizes = [1], strides = [1]} : vector<16xi32> to vector<1xi32>
            %squeeze3A_480 = vector.extract %slice3A_479[0] : i32 from vector<1xi32>
            %broadcast_in_dim3A_481 = vector.broadcast %add3A_478 : i32 to vector<16xi32>
            %slice3A_482 = vector.extract_strided_slice %mul3A_228 {offsets = [10], sizes = [1], strides = [1]} : vector<16xi32> to vector<1xi32>
            %squeeze3A_483 = vector.extract %slice3A_482[0] : i32 from vector<1xi32>
            %add3A_484 = vector.broadcast %squeeze3A_483 : i32 to vector<16xi32>
            %add3A_485 = arith.addi %add3A_484, %iota3A : vector<16xi32>
            %gather3A_486 = tpu.vector_load_idx %arg8[%broadcast_in_dim3A_481, %add3A_485] : memref<128x128xf32, #tpu.memory_space<vmem>>[vector<16xi32>, vector<16xi32>], vector<16xf32>,
            %add3A_487 = arith.constant 16 : i32
            %add3A_488 = arith.addi %squeeze3A_483, %add3A_487 : i32
            %add3A_489 = vector.broadcast %add3A_488 : i32 to vector<16xi32>
            %add3A_490 = arith.addi %add3A_489, %iota3A : vector<16xi32>
            %gather3A_491 = tpu.vector_load_idx %arg8[%broadcast_in_dim3A_481, %add3A_490] : memref<128x128xf32, #tpu.memory_space<vmem>>[vector<16xi32>, vector<16xi32>], vector<16xf32>,
            %add3A_492 = vector.broadcast %squeeze3A_480 : i32 to vector<16xi32>
            %add3A_493 = arith.addi %add3A_492, %iota3A : vector<16xi32>
            tpu.vector_store_idx %arg9[%broadcast_in_dim3A_481, %add3A_493], %gather3A_486 : memref<128x128xf32, #tpu.memory_space<vmem>>[vector<16xi32>, vector<16xi32>], vector<16xf32>,
            %add3A_494 = arith.constant 16 : i32
            %add3A_495 = arith.addi %squeeze3A_480, %add3A_494 : i32
            %add3A_496 = vector.broadcast %add3A_495 : i32 to vector<16xi32>
            %add3A_497 = arith.addi %add3A_496, %iota3A : vector<16xi32>
            tpu.vector_store_idx %arg9[%broadcast_in_dim3A_481, %add3A_497], %gather3A_491 : memref<128x128xf32, #tpu.memory_space<vmem>>[vector<16xi32>, vector<16xi32>], vector<16xf32>,
            %mul3A_498 = arith.constant 16 : i32
            %mul3A_499 = arith.muli %scan3A_174, %mul3A_498 : i32
            %add3A_500 = arith.constant 11 : i32
            %add3A_501 = arith.addi %mul3A_499, %add3A_500 : i32
            %slice3A_502 = vector.extract_strided_slice %mul3A_219 {offsets = [11], sizes = [1], strides = [1]} : vector<16xi32> to vector<1xi32>
            %squeeze3A_503 = vector.extract %slice3A_502[0] : i32 from vector<1xi32>
            %broadcast_in_dim3A_504 = vector.broadcast %add3A_501 : i32 to vector<16xi32>
            %slice3A_505 = vector.extract_strided_slice %mul3A_228 {offsets = [11], sizes = [1], strides = [1]} : vector<16xi32> to vector<1xi32>
            %squeeze3A_506 = vector.extract %slice3A_505[0] : i32 from vector<1xi32>
            %add3A_507 = vector.broadcast %squeeze3A_506 : i32 to vector<16xi32>
            %add3A_508 = arith.addi %add3A_507, %iota3A : vector<16xi32>
            %gather3A_509 = tpu.vector_load_idx %arg8[%broadcast_in_dim3A_504, %add3A_508] : memref<128x128xf32, #tpu.memory_space<vmem>>[vector<16xi32>, vector<16xi32>], vector<16xf32>,
            %add3A_510 = arith.constant 16 : i32
            %add3A_511 = arith.addi %squeeze3A_506, %add3A_510 : i32
            %add3A_512 = vector.broadcast %add3A_511 : i32 to vector<16xi32>
            %add3A_513 = arith.addi %add3A_512, %iota3A : vector<16xi32>
            %gather3A_514 = tpu.vector_load_idx %arg8[%broadcast_in_dim3A_504, %add3A_513] : memref<128x128xf32, #tpu.memory_space<vmem>>[vector<16xi32>, vector<16xi32>], vector<16xf32>,
            %add3A_515 = vector.broadcast %squeeze3A_503 : i32 to vector<16xi32>
            %add3A_516 = arith.addi %add3A_515, %iota3A : vector<16xi32>
            tpu.vector_store_idx %arg9[%broadcast_in_dim3A_504, %add3A_516], %gather3A_509 : memref<128x128xf32, #tpu.memory_space<vmem>>[vector<16xi32>, vector<16xi32>], vector<16xf32>,
            %add3A_517 = arith.constant 16 : i32
            %add3A_518 = arith.addi %squeeze3A_503, %add3A_517 : i32
            %add3A_519 = vector.broadcast %add3A_518 : i32 to vector<16xi32>
            %add3A_520 = arith.addi %add3A_519, %iota3A : vector<16xi32>
            tpu.vector_store_idx %arg9[%broadcast_in_dim3A_504, %add3A_520], %gather3A_514 : memref<128x128xf32, #tpu.memory_space<vmem>>[vector<16xi32>, vector<16xi32>], vector<16xf32>,
            %mul3A_521 = arith.constant 16 : i32
            %mul3A_522 = arith.muli %scan3A_174, %mul3A_521 : i32
            %add3A_523 = arith.constant 12 : i32
            %add3A_524 = arith.addi %mul3A_522, %add3A_523 : i32
            %slice3A_525 = vector.extract_strided_slice %mul3A_219 {offsets = [12], sizes = [1], strides = [1]} : vector<16xi32> to vector<1xi32>
            %squeeze3A_526 = vector.extract %slice3A_525[0] : i32 from vector<1xi32>
            %broadcast_in_dim3A_527 = vector.broadcast %add3A_524 : i32 to vector<16xi32>
            %slice3A_528 = vector.extract_strided_slice %mul3A_228 {offsets = [12], sizes = [1], strides = [1]} : vector<16xi32> to vector<1xi32>
            %squeeze3A_529 = vector.extract %slice3A_528[0] : i32 from vector<1xi32>
            %add3A_530 = vector.broadcast %squeeze3A_529 : i32 to vector<16xi32>
            %add3A_531 = arith.addi %add3A_530, %iota3A : vector<16xi32>
            %gather3A_532 = tpu.vector_load_idx %arg8[%broadcast_in_dim3A_527, %add3A_531] : memref<128x128xf32, #tpu.memory_space<vmem>>[vector<16xi32>, vector<16xi32>], vector<16xf32>,
            %add3A_533 = arith.constant 16 : i32
            %add3A_534 = arith.addi %squeeze3A_529, %add3A_533 : i32
            %add3A_535 = vector.broadcast %add3A_534 : i32 to vector<16xi32>
            %add3A_536 = arith.addi %add3A_535, %iota3A : vector<16xi32>
            %gather3A_537 = tpu.vector_load_idx %arg8[%broadcast_in_dim3A_527, %add3A_536] : memref<128x128xf32, #tpu.memory_space<vmem>>[vector<16xi32>, vector<16xi32>], vector<16xf32>,
            %add3A_538 = vector.broadcast %squeeze3A_526 : i32 to vector<16xi32>
            %add3A_539 = arith.addi %add3A_538, %iota3A : vector<16xi32>
            tpu.vector_store_idx %arg9[%broadcast_in_dim3A_527, %add3A_539], %gather3A_532 : memref<128x128xf32, #tpu.memory_space<vmem>>[vector<16xi32>, vector<16xi32>], vector<16xf32>,
            %add3A_540 = arith.constant 16 : i32
            %add3A_541 = arith.addi %squeeze3A_526, %add3A_540 : i32
            %add3A_542 = vector.broadcast %add3A_541 : i32 to vector<16xi32>
            %add3A_543 = arith.addi %add3A_542, %iota3A : vector<16xi32>
            tpu.vector_store_idx %arg9[%broadcast_in_dim3A_527, %add3A_543], %gather3A_537 : memref<128x128xf32, #tpu.memory_space<vmem>>[vector<16xi32>, vector<16xi32>], vector<16xf32>,
            %mul3A_544 = arith.constant 16 : i32
            %mul3A_545 = arith.muli %scan3A_174, %mul3A_544 : i32
            %add3A_546 = arith.constant 13 : i32
            %add3A_547 = arith.addi %mul3A_545, %add3A_546 : i32
            %slice3A_548 = vector.extract_strided_slice %mul3A_219 {offsets = [13], sizes = [1], strides = [1]} : vector<16xi32> to vector<1xi32>
            %squeeze3A_549 = vector.extract %slice3A_548[0] : i32 from vector<1xi32>
            %broadcast_in_dim3A_550 = vector.broadcast %add3A_547 : i32 to vector<16xi32>
            %slice3A_551 = vector.extract_strided_slice %mul3A_228 {offsets = [13], sizes = [1], strides = [1]} : vector<16xi32> to vector<1xi32>
            %squeeze3A_552 = vector.extract %slice3A_551[0] : i32 from vector<1xi32>
            %add3A_553 = vector.broadcast %squeeze3A_552 : i32 to vector<16xi32>
            %add3A_554 = arith.addi %add3A_553, %iota3A : vector<16xi32>
            %gather3A_555 = tpu.vector_load_idx %arg8[%broadcast_in_dim3A_550, %add3A_554] : memref<128x128xf32, #tpu.memory_space<vmem>>[vector<16xi32>, vector<16xi32>], vector<16xf32>,
            %add3A_556 = arith.constant 16 : i32
            %add3A_557 = arith.addi %squeeze3A_552, %add3A_556 : i32
            %add3A_558 = vector.broadcast %add3A_557 : i32 to vector<16xi32>
            %add3A_559 = arith.addi %add3A_558, %iota3A : vector<16xi32>
            %gather3A_560 = tpu.vector_load_idx %arg8[%broadcast_in_dim3A_550, %add3A_559] : memref<128x128xf32, #tpu.memory_space<vmem>>[vector<16xi32>, vector<16xi32>], vector<16xf32>,
            %add3A_561 = vector.broadcast %squeeze3A_549 : i32 to vector<16xi32>
            %add3A_562 = arith.addi %add3A_561, %iota3A : vector<16xi32>
            tpu.vector_store_idx %arg9[%broadcast_in_dim3A_550, %add3A_562], %gather3A_555 : memref<128x128xf32, #tpu.memory_space<vmem>>[vector<16xi32>, vector<16xi32>], vector<16xf32>,
            %add3A_563 = arith.constant 16 : i32
            %add3A_564 = arith.addi %squeeze3A_549, %add3A_563 : i32
            %add3A_565 = vector.broadcast %add3A_564 : i32 to vector<16xi32>
            %add3A_566 = arith.addi %add3A_565, %iota3A : vector<16xi32>
            tpu.vector_store_idx %arg9[%broadcast_in_dim3A_550, %add3A_566], %gather3A_560 : memref<128x128xf32, #tpu.memory_space<vmem>>[vector<16xi32>, vector<16xi32>], vector<16xf32>,
            %mul3A_567 = arith.constant 16 : i32
            %mul3A_568 = arith.muli %scan3A_174, %mul3A_567 : i32
            %add3A_569 = arith.constant 14 : i32
            %add3A_570 = arith.addi %mul3A_568, %add3A_569 : i32
            %slice3A_571 = vector.extract_strided_slice %mul3A_219 {offsets = [14], sizes = [1], strides = [1]} : vector<16xi32> to vector<1xi32>
            %squeeze3A_572 = vector.extract %slice3A_571[0] : i32 from vector<1xi32>
            %broadcast_in_dim3A_573 = vector.broadcast %add3A_570 : i32 to vector<16xi32>
            %slice3A_574 = vector.extract_strided_slice %mul3A_228 {offsets = [14], sizes = [1], strides = [1]} : vector<16xi32> to vector<1xi32>
            %squeeze3A_575 = vector.extract %slice3A_574[0] : i32 from vector<1xi32>
            %add3A_576 = vector.broadcast %squeeze3A_575 : i32 to vector<16xi32>
            %add3A_577 = arith.addi %add3A_576, %iota3A : vector<16xi32>
            %gather3A_578 = tpu.vector_load_idx %arg8[%broadcast_in_dim3A_573, %add3A_577] : memref<128x128xf32, #tpu.memory_space<vmem>>[vector<16xi32>, vector<16xi32>], vector<16xf32>,
            %add3A_579 = arith.constant 16 : i32
            %add3A_580 = arith.addi %squeeze3A_575, %add3A_579 : i32
            %add3A_581 = vector.broadcast %add3A_580 : i32 to vector<16xi32>
            %add3A_582 = arith.addi %add3A_581, %iota3A : vector<16xi32>
            %gather3A_583 = tpu.vector_load_idx %arg8[%broadcast_in_dim3A_573, %add3A_582] : memref<128x128xf32, #tpu.memory_space<vmem>>[vector<16xi32>, vector<16xi32>], vector<16xf32>,
            %add3A_584 = vector.broadcast %squeeze3A_572 : i32 to vector<16xi32>
            %add3A_585 = arith.addi %add3A_584, %iota3A : vector<16xi32>
            tpu.vector_store_idx %arg9[%broadcast_in_dim3A_573, %add3A_585], %gather3A_578 : memref<128x128xf32, #tpu.memory_space<vmem>>[vector<16xi32>, vector<16xi32>], vector<16xf32>,
            %add3A_586 = arith.constant 16 : i32
            %add3A_587 = arith.addi %squeeze3A_572, %add3A_586 : i32
            %add3A_588 = vector.broadcast %add3A_587 : i32 to vector<16xi32>
            %add3A_589 = arith.addi %add3A_588, %iota3A : vector<16xi32>
            tpu.vector_store_idx %arg9[%broadcast_in_dim3A_573, %add3A_589], %gather3A_583 : memref<128x128xf32, #tpu.memory_space<vmem>>[vector<16xi32>, vector<16xi32>], vector<16xf32>,
            %mul3A_590 = arith.constant 16 : i32
            %mul3A_591 = arith.muli %scan3A_174, %mul3A_590 : i32
            %add3A_592 = arith.constant 15 : i32
            %add3A_593 = arith.addi %mul3A_591, %add3A_592 : i32
            %slice3A_594 = vector.extract_strided_slice %mul3A_219 {offsets = [15], sizes = [1], strides = [1]} : vector<16xi32> to vector<1xi32>
            %squeeze3A_595 = vector.extract %slice3A_594[0] : i32 from vector<1xi32>
            %broadcast_in_dim3A_596 = vector.broadcast %add3A_593 : i32 to vector<16xi32>
            %slice3A_597 = vector.extract_strided_slice %mul3A_228 {offsets = [15], sizes = [1], strides = [1]} : vector<16xi32> to vector<1xi32>
            %squeeze3A_598 = vector.extract %slice3A_597[0] : i32 from vector<1xi32>
            %add3A_599 = vector.broadcast %squeeze3A_598 : i32 to vector<16xi32>
            %add3A_600 = arith.addi %add3A_599, %iota3A : vector<16xi32>
            %gather3A_601 = tpu.vector_load_idx %arg8[%broadcast_in_dim3A_596, %add3A_600] : memref<128x128xf32, #tpu.memory_space<vmem>>[vector<16xi32>, vector<16xi32>], vector<16xf32>,
            %add3A_602 = arith.constant 16 : i32
            %add3A_603 = arith.addi %squeeze3A_598, %add3A_602 : i32
            %add3A_604 = vector.broadcast %add3A_603 : i32 to vector<16xi32>
            %add3A_605 = arith.addi %add3A_604, %iota3A : vector<16xi32>
            %gather3A_606 = tpu.vector_load_idx %arg8[%broadcast_in_dim3A_596, %add3A_605] : memref<128x128xf32, #tpu.memory_space<vmem>>[vector<16xi32>, vector<16xi32>], vector<16xf32>,
            %add3A_607 = vector.broadcast %squeeze3A_595 : i32 to vector<16xi32>
            %add3A_608 = arith.addi %add3A_607, %iota3A : vector<16xi32>
            tpu.vector_store_idx %arg9[%broadcast_in_dim3A_596, %add3A_608], %gather3A_601 : memref<128x128xf32, #tpu.memory_space<vmem>>[vector<16xi32>, vector<16xi32>], vector<16xf32>,
            %add3A_609 = arith.constant 16 : i32
            %add3A_610 = arith.addi %squeeze3A_595, %add3A_609 : i32
            %add3A_611 = vector.broadcast %add3A_610 : i32 to vector<16xi32>
            %add3A_612 = arith.addi %add3A_611, %iota3A : vector<16xi32>
            tpu.vector_store_idx %arg9[%broadcast_in_dim3A_596, %add3A_612], %gather3A_606 : memref<128x128xf32, #tpu.memory_space<vmem>>[vector<16xi32>, vector<16xi32>], vector<16xf32>,
            %scan3A_613 = arith.constant 0 : i32
            scf.yield %scan3A_613 : i32
          }
          %scan3A_165 = arith.constant 8 : i32
          %run_scoped3A = arith.constant 0 : i32
          "tpu.region"() ({
            %run_scoped3A_174 = tpu.sem_alloc : memref<!tpu.dma_semaphore, #tpu.memory_space<semaphore_mem>>
            %dma_start3A_175 = arith.constant 0 : i32
            %dma_start3A_176 = tpu.memref_slice %arg10[%run_scoped3A, %dma_start3A_175] : memref<1x128xi32, #tpu.memory_space<vmem>> -> memref<1x128xi32, #tpu.memory_space<vmem>>
            %dma_start3A_177 = tpu.memref_squeeze %dma_start3A_176 : memref<1x128xi32, #tpu.memory_space<vmem>> -> memref<128xi32, #tpu.memory_space<vmem>>
            %dma_start3A_178 = arith.constant 0 : i32
            %dma_start3A_179 = arith.constant 0 : i32
            %dma_start3A_180 = tpu.memref_slice %arg5[%dma_start3A_178, %dma_start3A_179] : memref<8200x128xf32, #tpu.memory_space<vmem_shared>> -> memref<8200x128xf32, #tpu.memory_space<vmem_shared>>
            tpu.enqueue_indirect_dma source(%arg9 : memref<128x128xf32, #tpu.memory_space<vmem>>) target(%dma_start3A_180 : memref<8200x128xf32, #tpu.memory_space<vmem_shared>>) offsets(%dma_start3A_177 : memref<128xi32, #tpu.memory_space<vmem>>) semaphore(%run_scoped3A_174 : memref<!tpu.dma_semaphore, #tpu.memory_space<semaphore_mem>>) {add = true}
            %dma_wait3A_181 = arith.constant 0 : i32
            %dma_wait3A_182 = tpu.memref_slice %arg10[%run_scoped3A, %dma_wait3A_181] : memref<1x128xi32, #tpu.memory_space<vmem>> -> memref<1x128xi32, #tpu.memory_space<vmem>>
            %dma_wait3A_183 = tpu.memref_squeeze %dma_wait3A_182 : memref<1x128xi32, #tpu.memory_space<vmem>> -> memref<128xi32, #tpu.memory_space<vmem>>
            %dma_wait3A_184 = arith.constant 0 : i32
            %dma_wait3A_185 = arith.constant 0 : i32
            %dma_wait3A_186 = tpu.memref_slice %arg5[%dma_wait3A_184, %dma_wait3A_185] : memref<8200x128xf32, #tpu.memory_space<vmem_shared>> -> memref<8200x128xf32, #tpu.memory_space<vmem_shared>>
            tpu.wait_indirect_dma semaphore(%run_scoped3A_174 : memref<!tpu.dma_semaphore, #tpu.memory_space<semaphore_mem>>) src(%arg9 : memref<128x128xf32, #tpu.memory_space<vmem>>) dst(%dma_wait3A_186 : memref<8200x128xf32, #tpu.memory_space<vmem_shared>>)
            tpu.yield
          }) : () -> ()
          %scan3A_166 = arith.constant 0 : i32
          %scan3A_167 = arith.constant 0 : i32
          %scan3A_168 = arith.constant 8 : i32
          %scan3A_169 = arith.addi %scan3A_167, %scan3A_168 : i32
          %scan3A_170 = arith.constant 1 : i32
          %scan3A_171 = scf.for %scan3A_174 = %scan3A_167 to %scan3A_169 step %scan3A_170 iter_args(%scan3A_175 = %scan3A_166) -> (i32)  : i32 {
            %mul3A_176 = arith.constant 128 : i32
            %mul3A_177 = arith.muli %while3A_139, %mul3A_176 : i32
            %mul3A_178 = arith.constant 16 : i32
            %mul3A_179 = arith.muli %scan3A_174, %mul3A_178 : i32
            %add3A_180 = arith.addi %mul3A_177, %mul3A_179 : i32
            %get3A = arith.index_cast %add3A_180 : i32 to index
            %get3A_181 = tpu.vector_load %arg7[%get3A] {strides = array<i32>} : memref<8336xi32, #tpu.memory_space<vmem>>, vector<16xi32>,
            %sub3A_182 = vector.broadcast %add3A_60 : i32 to vector<16xi32>
            %sub3A_183 = arith.subi %get3A_181, %sub3A_182 : vector<16xi32>
            %gather3A = tpu.vector_load_idx %arg6[%sub3A_183] : memref<8192xi32, #tpu.memory_space<vmem>>[vector<16xi32>], vector<16xi32>,
            %sub3A_184 = vector.broadcast %mul3A_19 : i32 to vector<16xi32>
            %sub3A_185 = arith.subi %gather3A, %sub3A_184 : vector<16xi32>
            %bitcast3A = vector.bitcast %sub3A_185 : vector<16xi32> to vector<16xi32>
            %shift_right_logical3A = arith.constant 31 : i32
            %shift_right_logical3A_186 = vector.broadcast %shift_right_logical3A : i32 to vector<16xi32>
            %shift_right_logical3A_187 = arith.shrui %bitcast3A, %shift_right_logical3A_186 : vector<16xi32>
            %sub3A_188 = arith.constant 32768 : i32
            %sub3A_189 = vector.broadcast %sub3A_188 : i32 to vector<16xi32>
            %sub3A_190 = arith.subi %sub3A_185, %sub3A_189 : vector<16xi32>
            %bitcast3A_191 = vector.bitcast %sub3A_190 : vector<16xi32> to vector<16xi32>
            %shift_right_logical3A_192 = arith.constant 31 : i32
            %shift_right_logical3A_193 = vector.broadcast %shift_right_logical3A_192 : i32 to vector<16xi32>
            %shift_right_logical3A_194 = arith.shrui %bitcast3A_191, %shift_right_logical3A_193 : vector<16xi32>
            %mul3A_195 = arith.constant 128 : i32
            %mul3A_196 = arith.muli %while3A_139, %mul3A_195 : i32
            %mul3A_197 = arith.constant 16 : i32
            %mul3A_198 = arith.muli %scan3A_174, %mul3A_197 : i32
            %add3A_199 = arith.addi %mul3A_196, %mul3A_198 : i32
            %add3A_200 = vector.broadcast %add3A_199 : i32 to vector<16xi32>
            %add3A_201 = arith.addi %add3A_200, %iota3A : vector<16xi32>
            %sub3A_202 = vector.broadcast %scan3A_68#0 : i32 to vector<16xi32>
            %sub3A_203 = arith.subi %add3A_201, %sub3A_202 : vector<16xi32>
            %bitcast3A_204 = vector.bitcast %sub3A_203 : vector<16xi32> to vector<16xi32>
            %shift_right_logical3A_205 = arith.constant 31 : i32
            %shift_right_logical3A_206 = vector.broadcast %shift_right_logical3A_205 : i32 to vector<16xi32>
            %shift_right_logical3A_207 = arith.shrui %bitcast3A_204, %shift_right_logical3A_206 : vector<16xi32>
            %sub3A_208 = arith.constant 1 : i32
            %sub3A_209 = vector.broadcast %sub3A_208 : i32 to vector<16xi32>
            %sub3A_210 = arith.subi %sub3A_209, %shift_right_logical3A_187 : vector<16xi32>
            %mul3A_211 = arith.muli %shift_right_logical3A_194, %sub3A_210 : vector<16xi32>
            %mul3A_212 = arith.muli %mul3A_211, %shift_right_logical3A_207 : vector<16xi32>
            %mul3A_213 = arith.muli %sub3A_185, %mul3A_212 : vector<16xi32>
            %shift_right_arithmetic3A = arith.constant 13 : i32
            %shift_right_arithmetic3A_214 = vector.broadcast %shift_right_arithmetic3A : i32 to vector<16xi32>
            %shift_right_arithmetic3A_215 = arith.shrsi %mul3A_213, %shift_right_arithmetic3A_214 : vector<16xi32>
            %mul3A_216 = arith.constant 32 : i32
            %mul3A_217 = vector.broadcast %mul3A_216 : i32 to vector<16xi32>
            %mul3A_218 = arith.muli %shift_right_arithmetic3A_215, %mul3A_217 : vector<16xi32>
            %mul3A_219 = arith.muli %mul3A_218, %mul3A_212 : vector<16xi32>
            %shift_right_arithmetic3A_220 = arith.constant 10 : i32
            %shift_right_arithmetic3A_221 = vector.broadcast %shift_right_arithmetic3A_220 : i32 to vector<16xi32>
            %shift_right_arithmetic3A_222 = arith.shrsi %get3A_181, %shift_right_arithmetic3A_221 : vector<16xi32>
            %and3A_223 = arith.constant 3 : i32
            %and3A_224 = vector.broadcast %and3A_223 : i32 to vector<16xi32>
            %and3A_225 = arith.andi %shift_right_arithmetic3A_222, %and3A_224 : vector<16xi32>
            %mul3A_226 = arith.constant 32 : i32
            %mul3A_227 = vector.broadcast %mul3A_226 : i32 to vector<16xi32>
            %mul3A_228 = arith.muli %and3A_225, %mul3A_227 : vector<16xi32>
            %broadcast_in_dim3A_229 = arith.constant 0.000000e+00 : f32
            %broadcast_in_dim3A_230 = vector.broadcast %broadcast_in_dim3A_229 : f32 to vector<16xf32>
            %mul3A_231 = arith.constant 16 : i32
            %mul3A_232 = arith.muli %scan3A_174, %mul3A_231 : i32
            %add3A_233 = arith.constant 0 : i32
            %add3A_234 = arith.addi %mul3A_232, %add3A_233 : i32
            %slice3A = vector.extract_strided_slice %mul3A_219 {offsets = [0], sizes = [1], strides = [1]} : vector<16xi32> to vector<1xi32>
            %squeeze3A = vector.extract %slice3A[0] : i32 from vector<1xi32>
            %broadcast_in_dim3A_235 = vector.broadcast %add3A_234 : i32 to vector<16xi32>
            %add3A_236 = vector.broadcast %squeeze3A : i32 to vector<16xi32>
            %add3A_237 = arith.addi %add3A_236, %iota3A : vector<16xi32>
            tpu.vector_store_idx %arg9[%broadcast_in_dim3A_235, %add3A_237], %broadcast_in_dim3A_230 : memref<128x128xf32, #tpu.memory_space<vmem>>[vector<16xi32>, vector<16xi32>], vector<16xf32>,
            %add3A_238 = arith.constant 16 : i32
            %add3A_239 = arith.addi %squeeze3A, %add3A_238 : i32
            %add3A_240 = vector.broadcast %add3A_239 : i32 to vector<16xi32>
            %add3A_241 = arith.addi %add3A_240, %iota3A : vector<16xi32>
            tpu.vector_store_idx %arg9[%broadcast_in_dim3A_235, %add3A_241], %broadcast_in_dim3A_230 : memref<128x128xf32, #tpu.memory_space<vmem>>[vector<16xi32>, vector<16xi32>], vector<16xf32>,
            %mul3A_242 = arith.constant 16 : i32
            %mul3A_243 = arith.muli %scan3A_174, %mul3A_242 : i32
            %add3A_244 = arith.constant 1 : i32
            %add3A_245 = arith.addi %mul3A_243, %add3A_244 : i32
            %slice3A_246 = vector.extract_strided_slice %mul3A_219 {offsets = [1], sizes = [1], strides = [1]} : vector<16xi32> to vector<1xi32>
            %squeeze3A_247 = vector.extract %slice3A_246[0] : i32 from vector<1xi32>
            %broadcast_in_dim3A_248 = vector.broadcast %add3A_245 : i32 to vector<16xi32>
            %add3A_249 = vector.broadcast %squeeze3A_247 : i32 to vector<16xi32>
            %add3A_250 = arith.addi %add3A_249, %iota3A : vector<16xi32>
            tpu.vector_store_idx %arg9[%broadcast_in_dim3A_248, %add3A_250], %broadcast_in_dim3A_230 : memref<128x128xf32, #tpu.memory_space<vmem>>[vector<16xi32>, vector<16xi32>], vector<16xf32>,
            %add3A_251 = arith.constant 16 : i32
            %add3A_252 = arith.addi %squeeze3A_247, %add3A_251 : i32
            %add3A_253 = vector.broadcast %add3A_252 : i32 to vector<16xi32>
            %add3A_254 = arith.addi %add3A_253, %iota3A : vector<16xi32>
            tpu.vector_store_idx %arg9[%broadcast_in_dim3A_248, %add3A_254], %broadcast_in_dim3A_230 : memref<128x128xf32, #tpu.memory_space<vmem>>[vector<16xi32>, vector<16xi32>], vector<16xf32>,
            %mul3A_255 = arith.constant 16 : i32
            %mul3A_256 = arith.muli %scan3A_174, %mul3A_255 : i32
            %add3A_257 = arith.constant 2 : i32
            %add3A_258 = arith.addi %mul3A_256, %add3A_257 : i32
            %slice3A_259 = vector.extract_strided_slice %mul3A_219 {offsets = [2], sizes = [1], strides = [1]} : vector<16xi32> to vector<1xi32>
            %squeeze3A_260 = vector.extract %slice3A_259[0] : i32 from vector<1xi32>
            %broadcast_in_dim3A_261 = vector.broadcast %add3A_258 : i32 to vector<16xi32>
            %add3A_262 = vector.broadcast %squeeze3A_260 : i32 to vector<16xi32>
            %add3A_263 = arith.addi %add3A_262, %iota3A : vector<16xi32>
            tpu.vector_store_idx %arg9[%broadcast_in_dim3A_261, %add3A_263], %broadcast_in_dim3A_230 : memref<128x128xf32, #tpu.memory_space<vmem>>[vector<16xi32>, vector<16xi32>], vector<16xf32>,
            %add3A_264 = arith.constant 16 : i32
            %add3A_265 = arith.addi %squeeze3A_260, %add3A_264 : i32
            %add3A_266 = vector.broadcast %add3A_265 : i32 to vector<16xi32>
            %add3A_267 = arith.addi %add3A_266, %iota3A : vector<16xi32>
            tpu.vector_store_idx %arg9[%broadcast_in_dim3A_261, %add3A_267], %broadcast_in_dim3A_230 : memref<128x128xf32, #tpu.memory_space<vmem>>[vector<16xi32>, vector<16xi32>], vector<16xf32>,
            %mul3A_268 = arith.constant 16 : i32
            %mul3A_269 = arith.muli %scan3A_174, %mul3A_268 : i32
            %add3A_270 = arith.constant 3 : i32
            %add3A_271 = arith.addi %mul3A_269, %add3A_270 : i32
            %slice3A_272 = vector.extract_strided_slice %mul3A_219 {offsets = [3], sizes = [1], strides = [1]} : vector<16xi32> to vector<1xi32>
            %squeeze3A_273 = vector.extract %slice3A_272[0] : i32 from vector<1xi32>
            %broadcast_in_dim3A_274 = vector.broadcast %add3A_271 : i32 to vector<16xi32>
            %add3A_275 = vector.broadcast %squeeze3A_273 : i32 to vector<16xi32>
            %add3A_276 = arith.addi %add3A_275, %iota3A : vector<16xi32>
            tpu.vector_store_idx %arg9[%broadcast_in_dim3A_274, %add3A_276], %broadcast_in_dim3A_230 : memref<128x128xf32, #tpu.memory_space<vmem>>[vector<16xi32>, vector<16xi32>], vector<16xf32>,
            %add3A_277 = arith.constant 16 : i32
            %add3A_278 = arith.addi %squeeze3A_273, %add3A_277 : i32
            %add3A_279 = vector.broadcast %add3A_278 : i32 to vector<16xi32>
            %add3A_280 = arith.addi %add3A_279, %iota3A : vector<16xi32>
            tpu.vector_store_idx %arg9[%broadcast_in_dim3A_274, %add3A_280], %broadcast_in_dim3A_230 : memref<128x128xf32, #tpu.memory_space<vmem>>[vector<16xi32>, vector<16xi32>], vector<16xf32>,
            %mul3A_281 = arith.constant 16 : i32
            %mul3A_282 = arith.muli %scan3A_174, %mul3A_281 : i32
            %add3A_283 = arith.constant 4 : i32
            %add3A_284 = arith.addi %mul3A_282, %add3A_283 : i32
            %slice3A_285 = vector.extract_strided_slice %mul3A_219 {offsets = [4], sizes = [1], strides = [1]} : vector<16xi32> to vector<1xi32>
            %squeeze3A_286 = vector.extract %slice3A_285[0] : i32 from vector<1xi32>
            %broadcast_in_dim3A_287 = vector.broadcast %add3A_284 : i32 to vector<16xi32>
            %add3A_288 = vector.broadcast %squeeze3A_286 : i32 to vector<16xi32>
            %add3A_289 = arith.addi %add3A_288, %iota3A : vector<16xi32>
            tpu.vector_store_idx %arg9[%broadcast_in_dim3A_287, %add3A_289], %broadcast_in_dim3A_230 : memref<128x128xf32, #tpu.memory_space<vmem>>[vector<16xi32>, vector<16xi32>], vector<16xf32>,
            %add3A_290 = arith.constant 16 : i32
            %add3A_291 = arith.addi %squeeze3A_286, %add3A_290 : i32
            %add3A_292 = vector.broadcast %add3A_291 : i32 to vector<16xi32>
            %add3A_293 = arith.addi %add3A_292, %iota3A : vector<16xi32>
            tpu.vector_store_idx %arg9[%broadcast_in_dim3A_287, %add3A_293], %broadcast_in_dim3A_230 : memref<128x128xf32, #tpu.memory_space<vmem>>[vector<16xi32>, vector<16xi32>], vector<16xf32>,
            %mul3A_294 = arith.constant 16 : i32
            %mul3A_295 = arith.muli %scan3A_174, %mul3A_294 : i32
            %add3A_296 = arith.constant 5 : i32
            %add3A_297 = arith.addi %mul3A_295, %add3A_296 : i32
            %slice3A_298 = vector.extract_strided_slice %mul3A_219 {offsets = [5], sizes = [1], strides = [1]} : vector<16xi32> to vector<1xi32>
            %squeeze3A_299 = vector.extract %slice3A_298[0] : i32 from vector<1xi32>
            %broadcast_in_dim3A_300 = vector.broadcast %add3A_297 : i32 to vector<16xi32>
            %add3A_301 = vector.broadcast %squeeze3A_299 : i32 to vector<16xi32>
            %add3A_302 = arith.addi %add3A_301, %iota3A : vector<16xi32>
            tpu.vector_store_idx %arg9[%broadcast_in_dim3A_300, %add3A_302], %broadcast_in_dim3A_230 : memref<128x128xf32, #tpu.memory_space<vmem>>[vector<16xi32>, vector<16xi32>], vector<16xf32>,
            %add3A_303 = arith.constant 16 : i32
            %add3A_304 = arith.addi %squeeze3A_299, %add3A_303 : i32
            %add3A_305 = vector.broadcast %add3A_304 : i32 to vector<16xi32>
            %add3A_306 = arith.addi %add3A_305, %iota3A : vector<16xi32>
            tpu.vector_store_idx %arg9[%broadcast_in_dim3A_300, %add3A_306], %broadcast_in_dim3A_230 : memref<128x128xf32, #tpu.memory_space<vmem>>[vector<16xi32>, vector<16xi32>], vector<16xf32>,
            %mul3A_307 = arith.constant 16 : i32
            %mul3A_308 = arith.muli %scan3A_174, %mul3A_307 : i32
            %add3A_309 = arith.constant 6 : i32
            %add3A_310 = arith.addi %mul3A_308, %add3A_309 : i32
            %slice3A_311 = vector.extract_strided_slice %mul3A_219 {offsets = [6], sizes = [1], strides = [1]} : vector<16xi32> to vector<1xi32>
            %squeeze3A_312 = vector.extract %slice3A_311[0] : i32 from vector<1xi32>
            %broadcast_in_dim3A_313 = vector.broadcast %add3A_310 : i32 to vector<16xi32>
            %add3A_314 = vector.broadcast %squeeze3A_312 : i32 to vector<16xi32>
            %add3A_315 = arith.addi %add3A_314, %iota3A : vector<16xi32>
            tpu.vector_store_idx %arg9[%broadcast_in_dim3A_313, %add3A_315], %broadcast_in_dim3A_230 : memref<128x128xf32, #tpu.memory_space<vmem>>[vector<16xi32>, vector<16xi32>], vector<16xf32>,
            %add3A_316 = arith.constant 16 : i32
            %add3A_317 = arith.addi %squeeze3A_312, %add3A_316 : i32
            %add3A_318 = vector.broadcast %add3A_317 : i32 to vector<16xi32>
            %add3A_319 = arith.addi %add3A_318, %iota3A : vector<16xi32>
            tpu.vector_store_idx %arg9[%broadcast_in_dim3A_313, %add3A_319], %broadcast_in_dim3A_230 : memref<128x128xf32, #tpu.memory_space<vmem>>[vector<16xi32>, vector<16xi32>], vector<16xf32>,
            %mul3A_320 = arith.constant 16 : i32
            %mul3A_321 = arith.muli %scan3A_174, %mul3A_320 : i32
            %add3A_322 = arith.constant 7 : i32
            %add3A_323 = arith.addi %mul3A_321, %add3A_322 : i32
            %slice3A_324 = vector.extract_strided_slice %mul3A_219 {offsets = [7], sizes = [1], strides = [1]} : vector<16xi32> to vector<1xi32>
            %squeeze3A_325 = vector.extract %slice3A_324[0] : i32 from vector<1xi32>
            %broadcast_in_dim3A_326 = vector.broadcast %add3A_323 : i32 to vector<16xi32>
            %add3A_327 = vector.broadcast %squeeze3A_325 : i32 to vector<16xi32>
            %add3A_328 = arith.addi %add3A_327, %iota3A : vector<16xi32>
            tpu.vector_store_idx %arg9[%broadcast_in_dim3A_326, %add3A_328], %broadcast_in_dim3A_230 : memref<128x128xf32, #tpu.memory_space<vmem>>[vector<16xi32>, vector<16xi32>], vector<16xf32>,
            %add3A_329 = arith.constant 16 : i32
            %add3A_330 = arith.addi %squeeze3A_325, %add3A_329 : i32
            %add3A_331 = vector.broadcast %add3A_330 : i32 to vector<16xi32>
            %add3A_332 = arith.addi %add3A_331, %iota3A : vector<16xi32>
            tpu.vector_store_idx %arg9[%broadcast_in_dim3A_326, %add3A_332], %broadcast_in_dim3A_230 : memref<128x128xf32, #tpu.memory_space<vmem>>[vector<16xi32>, vector<16xi32>], vector<16xf32>,
            %mul3A_333 = arith.constant 16 : i32
            %mul3A_334 = arith.muli %scan3A_174, %mul3A_333 : i32
            %add3A_335 = arith.constant 8 : i32
            %add3A_336 = arith.addi %mul3A_334, %add3A_335 : i32
            %slice3A_337 = vector.extract_strided_slice %mul3A_219 {offsets = [8], sizes = [1], strides = [1]} : vector<16xi32> to vector<1xi32>
            %squeeze3A_338 = vector.extract %slice3A_337[0] : i32 from vector<1xi32>
            %broadcast_in_dim3A_339 = vector.broadcast %add3A_336 : i32 to vector<16xi32>
            %add3A_340 = vector.broadcast %squeeze3A_338 : i32 to vector<16xi32>
            %add3A_341 = arith.addi %add3A_340, %iota3A : vector<16xi32>
            tpu.vector_store_idx %arg9[%broadcast_in_dim3A_339, %add3A_341], %broadcast_in_dim3A_230 : memref<128x128xf32, #tpu.memory_space<vmem>>[vector<16xi32>, vector<16xi32>], vector<16xf32>,
            %add3A_342 = arith.constant 16 : i32
            %add3A_343 = arith.addi %squeeze3A_338, %add3A_342 : i32
            %add3A_344 = vector.broadcast %add3A_343 : i32 to vector<16xi32>
            %add3A_345 = arith.addi %add3A_344, %iota3A : vector<16xi32>
            tpu.vector_store_idx %arg9[%broadcast_in_dim3A_339, %add3A_345], %broadcast_in_dim3A_230 : memref<128x128xf32, #tpu.memory_space<vmem>>[vector<16xi32>, vector<16xi32>], vector<16xf32>,
            %mul3A_346 = arith.constant 16 : i32
            %mul3A_347 = arith.muli %scan3A_174, %mul3A_346 : i32
            %add3A_348 = arith.constant 9 : i32
            %add3A_349 = arith.addi %mul3A_347, %add3A_348 : i32
            %slice3A_350 = vector.extract_strided_slice %mul3A_219 {offsets = [9], sizes = [1], strides = [1]} : vector<16xi32> to vector<1xi32>
            %squeeze3A_351 = vector.extract %slice3A_350[0] : i32 from vector<1xi32>
            %broadcast_in_dim3A_352 = vector.broadcast %add3A_349 : i32 to vector<16xi32>
            %add3A_353 = vector.broadcast %squeeze3A_351 : i32 to vector<16xi32>
            %add3A_354 = arith.addi %add3A_353, %iota3A : vector<16xi32>
            tpu.vector_store_idx %arg9[%broadcast_in_dim3A_352, %add3A_354], %broadcast_in_dim3A_230 : memref<128x128xf32, #tpu.memory_space<vmem>>[vector<16xi32>, vector<16xi32>], vector<16xf32>,
            %add3A_355 = arith.constant 16 : i32
            %add3A_356 = arith.addi %squeeze3A_351, %add3A_355 : i32
            %add3A_357 = vector.broadcast %add3A_356 : i32 to vector<16xi32>
            %add3A_358 = arith.addi %add3A_357, %iota3A : vector<16xi32>
            tpu.vector_store_idx %arg9[%broadcast_in_dim3A_352, %add3A_358], %broadcast_in_dim3A_230 : memref<128x128xf32, #tpu.memory_space<vmem>>[vector<16xi32>, vector<16xi32>], vector<16xf32>,
            %mul3A_359 = arith.constant 16 : i32
            %mul3A_360 = arith.muli %scan3A_174, %mul3A_359 : i32
            %add3A_361 = arith.constant 10 : i32
            %add3A_362 = arith.addi %mul3A_360, %add3A_361 : i32
            %slice3A_363 = vector.extract_strided_slice %mul3A_219 {offsets = [10], sizes = [1], strides = [1]} : vector<16xi32> to vector<1xi32>
            %squeeze3A_364 = vector.extract %slice3A_363[0] : i32 from vector<1xi32>
            %broadcast_in_dim3A_365 = vector.broadcast %add3A_362 : i32 to vector<16xi32>
            %add3A_366 = vector.broadcast %squeeze3A_364 : i32 to vector<16xi32>
            %add3A_367 = arith.addi %add3A_366, %iota3A : vector<16xi32>
            tpu.vector_store_idx %arg9[%broadcast_in_dim3A_365, %add3A_367], %broadcast_in_dim3A_230 : memref<128x128xf32, #tpu.memory_space<vmem>>[vector<16xi32>, vector<16xi32>], vector<16xf32>,
            %add3A_368 = arith.constant 16 : i32
            %add3A_369 = arith.addi %squeeze3A_364, %add3A_368 : i32
            %add3A_370 = vector.broadcast %add3A_369 : i32 to vector<16xi32>
            %add3A_371 = arith.addi %add3A_370, %iota3A : vector<16xi32>
            tpu.vector_store_idx %arg9[%broadcast_in_dim3A_365, %add3A_371], %broadcast_in_dim3A_230 : memref<128x128xf32, #tpu.memory_space<vmem>>[vector<16xi32>, vector<16xi32>], vector<16xf32>,
            %mul3A_372 = arith.constant 16 : i32
            %mul3A_373 = arith.muli %scan3A_174, %mul3A_372 : i32
            %add3A_374 = arith.constant 11 : i32
            %add3A_375 = arith.addi %mul3A_373, %add3A_374 : i32
            %slice3A_376 = vector.extract_strided_slice %mul3A_219 {offsets = [11], sizes = [1], strides = [1]} : vector<16xi32> to vector<1xi32>
            %squeeze3A_377 = vector.extract %slice3A_376[0] : i32 from vector<1xi32>
            %broadcast_in_dim3A_378 = vector.broadcast %add3A_375 : i32 to vector<16xi32>
            %add3A_379 = vector.broadcast %squeeze3A_377 : i32 to vector<16xi32>
            %add3A_380 = arith.addi %add3A_379, %iota3A : vector<16xi32>
            tpu.vector_store_idx %arg9[%broadcast_in_dim3A_378, %add3A_380], %broadcast_in_dim3A_230 : memref<128x128xf32, #tpu.memory_space<vmem>>[vector<16xi32>, vector<16xi32>], vector<16xf32>,
            %add3A_381 = arith.constant 16 : i32
            %add3A_382 = arith.addi %squeeze3A_377, %add3A_381 : i32
            %add3A_383 = vector.broadcast %add3A_382 : i32 to vector<16xi32>
            %add3A_384 = arith.addi %add3A_383, %iota3A : vector<16xi32>
            tpu.vector_store_idx %arg9[%broadcast_in_dim3A_378, %add3A_384], %broadcast_in_dim3A_230 : memref<128x128xf32, #tpu.memory_space<vmem>>[vector<16xi32>, vector<16xi32>], vector<16xf32>,
            %mul3A_385 = arith.constant 16 : i32
            %mul3A_386 = arith.muli %scan3A_174, %mul3A_385 : i32
            %add3A_387 = arith.constant 12 : i32
            %add3A_388 = arith.addi %mul3A_386, %add3A_387 : i32
            %slice3A_389 = vector.extract_strided_slice %mul3A_219 {offsets = [12], sizes = [1], strides = [1]} : vector<16xi32> to vector<1xi32>
            %squeeze3A_390 = vector.extract %slice3A_389[0] : i32 from vector<1xi32>
            %broadcast_in_dim3A_391 = vector.broadcast %add3A_388 : i32 to vector<16xi32>
            %add3A_392 = vector.broadcast %squeeze3A_390 : i32 to vector<16xi32>
            %add3A_393 = arith.addi %add3A_392, %iota3A : vector<16xi32>
            tpu.vector_store_idx %arg9[%broadcast_in_dim3A_391, %add3A_393], %broadcast_in_dim3A_230 : memref<128x128xf32, #tpu.memory_space<vmem>>[vector<16xi32>, vector<16xi32>], vector<16xf32>,
            %add3A_394 = arith.constant 16 : i32
            %add3A_395 = arith.addi %squeeze3A_390, %add3A_394 : i32
            %add3A_396 = vector.broadcast %add3A_395 : i32 to vector<16xi32>
            %add3A_397 = arith.addi %add3A_396, %iota3A : vector<16xi32>
            tpu.vector_store_idx %arg9[%broadcast_in_dim3A_391, %add3A_397], %broadcast_in_dim3A_230 : memref<128x128xf32, #tpu.memory_space<vmem>>[vector<16xi32>, vector<16xi32>], vector<16xf32>,
            %mul3A_398 = arith.constant 16 : i32
            %mul3A_399 = arith.muli %scan3A_174, %mul3A_398 : i32
            %add3A_400 = arith.constant 13 : i32
            %add3A_401 = arith.addi %mul3A_399, %add3A_400 : i32
            %slice3A_402 = vector.extract_strided_slice %mul3A_219 {offsets = [13], sizes = [1], strides = [1]} : vector<16xi32> to vector<1xi32>
            %squeeze3A_403 = vector.extract %slice3A_402[0] : i32 from vector<1xi32>
            %broadcast_in_dim3A_404 = vector.broadcast %add3A_401 : i32 to vector<16xi32>
            %add3A_405 = vector.broadcast %squeeze3A_403 : i32 to vector<16xi32>
            %add3A_406 = arith.addi %add3A_405, %iota3A : vector<16xi32>
            tpu.vector_store_idx %arg9[%broadcast_in_dim3A_404, %add3A_406], %broadcast_in_dim3A_230 : memref<128x128xf32, #tpu.memory_space<vmem>>[vector<16xi32>, vector<16xi32>], vector<16xf32>,
            %add3A_407 = arith.constant 16 : i32
            %add3A_408 = arith.addi %squeeze3A_403, %add3A_407 : i32
            %add3A_409 = vector.broadcast %add3A_408 : i32 to vector<16xi32>
            %add3A_410 = arith.addi %add3A_409, %iota3A : vector<16xi32>
            tpu.vector_store_idx %arg9[%broadcast_in_dim3A_404, %add3A_410], %broadcast_in_dim3A_230 : memref<128x128xf32, #tpu.memory_space<vmem>>[vector<16xi32>, vector<16xi32>], vector<16xf32>,
            %mul3A_411 = arith.constant 16 : i32
            %mul3A_412 = arith.muli %scan3A_174, %mul3A_411 : i32
            %add3A_413 = arith.constant 14 : i32
            %add3A_414 = arith.addi %mul3A_412, %add3A_413 : i32
            %slice3A_415 = vector.extract_strided_slice %mul3A_219 {offsets = [14], sizes = [1], strides = [1]} : vector<16xi32> to vector<1xi32>
            %squeeze3A_416 = vector.extract %slice3A_415[0] : i32 from vector<1xi32>
            %broadcast_in_dim3A_417 = vector.broadcast %add3A_414 : i32 to vector<16xi32>
            %add3A_418 = vector.broadcast %squeeze3A_416 : i32 to vector<16xi32>
            %add3A_419 = arith.addi %add3A_418, %iota3A : vector<16xi32>
            tpu.vector_store_idx %arg9[%broadcast_in_dim3A_417, %add3A_419], %broadcast_in_dim3A_230 : memref<128x128xf32, #tpu.memory_space<vmem>>[vector<16xi32>, vector<16xi32>], vector<16xf32>,
            %add3A_420 = arith.constant 16 : i32
            %add3A_421 = arith.addi %squeeze3A_416, %add3A_420 : i32
            %add3A_422 = vector.broadcast %add3A_421 : i32 to vector<16xi32>
            %add3A_423 = arith.addi %add3A_422, %iota3A : vector<16xi32>
            tpu.vector_store_idx %arg9[%broadcast_in_dim3A_417, %add3A_423], %broadcast_in_dim3A_230 : memref<128x128xf32, #tpu.memory_space<vmem>>[vector<16xi32>, vector<16xi32>], vector<16xf32>,
            %mul3A_424 = arith.constant 16 : i32
            %mul3A_425 = arith.muli %scan3A_174, %mul3A_424 : i32
            %add3A_426 = arith.constant 15 : i32
            %add3A_427 = arith.addi %mul3A_425, %add3A_426 : i32
            %slice3A_428 = vector.extract_strided_slice %mul3A_219 {offsets = [15], sizes = [1], strides = [1]} : vector<16xi32> to vector<1xi32>
            %squeeze3A_429 = vector.extract %slice3A_428[0] : i32 from vector<1xi32>
            %broadcast_in_dim3A_430 = vector.broadcast %add3A_427 : i32 to vector<16xi32>
            %add3A_431 = vector.broadcast %squeeze3A_429 : i32 to vector<16xi32>
            %add3A_432 = arith.addi %add3A_431, %iota3A : vector<16xi32>
            tpu.vector_store_idx %arg9[%broadcast_in_dim3A_430, %add3A_432], %broadcast_in_dim3A_230 : memref<128x128xf32, #tpu.memory_space<vmem>>[vector<16xi32>, vector<16xi32>], vector<16xf32>,
            %add3A_433 = arith.constant 16 : i32
            %add3A_434 = arith.addi %squeeze3A_429, %add3A_433 : i32
            %add3A_435 = vector.broadcast %add3A_434 : i32 to vector<16xi32>
            %add3A_436 = arith.addi %add3A_435, %iota3A : vector<16xi32>
            tpu.vector_store_idx %arg9[%broadcast_in_dim3A_430, %add3A_436], %broadcast_in_dim3A_230 : memref<128x128xf32, #tpu.memory_space<vmem>>[vector<16xi32>, vector<16xi32>], vector<16xf32>,
            %scan3A_437 = arith.constant 0 : i32
            scf.yield %scan3A_437 : i32
          }
          %scan3A_172 = arith.constant 8 : i32
          %while3A_173 = arith.constant 0 : i32
          scf.yield %while3A_173 : i32
        }
        %while3A_136 = arith.constant 1 : i32
        %while3A_137 = scf.for %while3A_139 = %while3A_133 to %while3A_129 step %while3A_136 iter_args(%while3A_140 = %while3A_135) -> (i32)  : i32 {
          %scan3A_141 = arith.constant 0 : i32
          %scan3A_142 = arith.constant 0 : i32
          %scan3A_143 = arith.constant 8 : i32
          %scan3A_144 = arith.addi %scan3A_142, %scan3A_143 : i32
          %scan3A_145 = arith.constant 1 : i32
          scf.for %scan3A_174 = %scan3A_142 to %scan3A_144 step %scan3A_145  : i32 {
            %mul3A_175 = arith.constant 128 : i32
            %mul3A_176 = arith.muli %while3A_139, %mul3A_175 : i32
            %mul3A_177 = arith.constant 16 : i32
            %mul3A_178 = arith.muli %scan3A_174, %mul3A_177 : i32
            %add3A_179 = arith.addi %mul3A_176, %mul3A_178 : i32
            %get3A = arith.index_cast %add3A_179 : i32 to index
            %get3A_180 = tpu.vector_load %arg7[%get3A] {strides = array<i32>} : memref<8336xi32, #tpu.memory_space<vmem>>, vector<16xi32>,
            %shift_right_arithmetic3A = arith.constant 12 : i32
            %shift_right_arithmetic3A_181 = vector.broadcast %shift_right_arithmetic3A : i32 to vector<16xi32>
            %shift_right_arithmetic3A_182 = arith.shrsi %get3A_180, %shift_right_arithmetic3A_181 : vector<16xi32>
            %shift_left3A = arith.constant 10 : i32
            %shift_left3A_183 = vector.broadcast %shift_left3A : i32 to vector<16xi32>
            %shift_left3A_184 = arith.shli %shift_right_arithmetic3A_182, %shift_left3A_183 : vector<16xi32>
            %and3A_185 = arith.constant 1023 : i32
            %and3A_186 = vector.broadcast %and3A_185 : i32 to vector<16xi32>
            %and3A_187 = arith.andi %get3A_180, %and3A_186 : vector<16xi32>
            %or3A = arith.ori %shift_left3A_184, %and3A_187 : vector<16xi32>
            %mul3A_188 = arith.constant 16 : i32
            %mul3A_189 = arith.muli %scan3A_174, %mul3A_188 : i32
            %swap3A = arith.constant 0 : i32
            %swap3A_190 = arith.index_cast %swap3A : i32 to index
            %swap3A_191 = arith.index_cast %mul3A_189 : i32 to index
            %swap3A_192 = tpu.vector_load %arg11[%swap3A_190, %swap3A_191] {strides = array<i32>} : memref<1x128xi32, #tpu.memory_space<vmem>>, vector<16xi32>,
            tpu.vector_store %arg11[%swap3A_190, %swap3A_191], %or3A {strides = array<i32>} : memref<1x128xi32, #tpu.memory_space<vmem>>, vector<16xi32>,
          }
          %scan3A_146 = arith.constant 8 : i32
          %dma_start3A = arith.constant 0 : i32
          %dma_start3A_147 = arith.constant 0 : i32
          %dma_start3A_148 = tpu.memref_slice %arg11[%dma_start3A, %dma_start3A_147] : memref<1x128xi32, #tpu.memory_space<vmem>> -> memref<1x128xi32, #tpu.memory_space<vmem>>
          %dma_start3A_149 = tpu.memref_squeeze %dma_start3A_148 : memref<1x128xi32, #tpu.memory_space<vmem>> -> memref<128xi32, #tpu.memory_space<vmem>>
          %dma_start3A_150 = arith.constant 0 : i32
          %dma_start3A_151 = arith.constant 0 : i32
          %dma_start3A_152 = tpu.memref_slice %arg2[%dma_start3A_150, %dma_start3A_151] : memref<131072x128xf32, #tpu.memory_space<hbm>> -> memref<131072x128xf32, #tpu.memory_space<hbm>>
          tpu.enqueue_indirect_dma source(%dma_start3A_152 : memref<131072x128xf32, #tpu.memory_space<hbm>>) target(%arg8 : memref<128x128xf32, #tpu.memory_space<vmem>>) offsets(%dma_start3A_149 : memref<128xi32, #tpu.memory_space<vmem>>) semaphore(%arg12 : memref<!tpu.dma_semaphore, #tpu.memory_space<semaphore_mem>>)
          %dma_wait3A = arith.constant 0 : i32
          %dma_wait3A_153 = arith.constant 0 : i32
          %dma_wait3A_154 = tpu.memref_slice %arg11[%dma_wait3A, %dma_wait3A_153] : memref<1x128xi32, #tpu.memory_space<vmem>> -> memref<1x128xi32, #tpu.memory_space<vmem>>
          %dma_wait3A_155 = tpu.memref_squeeze %dma_wait3A_154 : memref<1x128xi32, #tpu.memory_space<vmem>> -> memref<128xi32, #tpu.memory_space<vmem>>
          %dma_wait3A_156 = arith.constant 0 : i32
          %dma_wait3A_157 = arith.constant 0 : i32
          %dma_wait3A_158 = tpu.memref_slice %arg2[%dma_wait3A_156, %dma_wait3A_157] : memref<131072x128xf32, #tpu.memory_space<hbm>> -> memref<131072x128xf32, #tpu.memory_space<hbm>>
          tpu.wait_indirect_dma semaphore(%arg12 : memref<!tpu.dma_semaphore, #tpu.memory_space<semaphore_mem>>) src(%dma_wait3A_158 : memref<131072x128xf32, #tpu.memory_space<hbm>>) dst(%arg8 : memref<128x128xf32, #tpu.memory_space<vmem>>)
          %scan3A_159 = arith.constant 0 : i32
          %scan3A_160 = arith.constant 0 : i32
          %scan3A_161 = arith.constant 8 : i32
          %scan3A_162 = arith.addi %scan3A_160, %scan3A_161 : i32
          %scan3A_163 = arith.constant 1 : i32
          %scan3A_164 = scf.for %scan3A_174 = %scan3A_160 to %scan3A_162 step %scan3A_163 iter_args(%scan3A_175 = %scan3A_159) -> (i32)  : i32 {
            %mul3A_176 = arith.constant 128 : i32
            %mul3A_177 = arith.muli %while3A_139, %mul3A_176 : i32
            %mul3A_178 = arith.constant 16 : i32
            %mul3A_179 = arith.muli %scan3A_174, %mul3A_178 : i32
            %add3A_180 = arith.addi %mul3A_177, %mul3A_179 : i32
            %get3A = arith.index_cast %add3A_180 : i32 to index
            %get3A_181 = tpu.vector_load %arg7[%get3A] {strides = array<i32>} : memref<8336xi32, #tpu.memory_space<vmem>>, vector<16xi32>,
            %sub3A_182 = vector.broadcast %add3A_60 : i32 to vector<16xi32>
            %sub3A_183 = arith.subi %get3A_181, %sub3A_182 : vector<16xi32>
            %gather3A = tpu.vector_load_idx %arg6[%sub3A_183] : memref<8192xi32, #tpu.memory_space<vmem>>[vector<16xi32>], vector<16xi32>,
            %sub3A_184 = vector.broadcast %mul3A_19 : i32 to vector<16xi32>
            %sub3A_185 = arith.subi %gather3A, %sub3A_184 : vector<16xi32>
            %bitcast3A = vector.bitcast %sub3A_185 : vector<16xi32> to vector<16xi32>
            %shift_right_logical3A = arith.constant 31 : i32
            %shift_right_logical3A_186 = vector.broadcast %shift_right_logical3A : i32 to vector<16xi32>
            %shift_right_logical3A_187 = arith.shrui %bitcast3A, %shift_right_logical3A_186 : vector<16xi32>
            %sub3A_188 = arith.constant 32768 : i32
            %sub3A_189 = vector.broadcast %sub3A_188 : i32 to vector<16xi32>
            %sub3A_190 = arith.subi %sub3A_185, %sub3A_189 : vector<16xi32>
            %bitcast3A_191 = vector.bitcast %sub3A_190 : vector<16xi32> to vector<16xi32>
            %shift_right_logical3A_192 = arith.constant 31 : i32
            %shift_right_logical3A_193 = vector.broadcast %shift_right_logical3A_192 : i32 to vector<16xi32>
            %shift_right_logical3A_194 = arith.shrui %bitcast3A_191, %shift_right_logical3A_193 : vector<16xi32>
            %mul3A_195 = arith.constant 128 : i32
            %mul3A_196 = arith.muli %while3A_139, %mul3A_195 : i32
            %mul3A_197 = arith.constant 16 : i32
            %mul3A_198 = arith.muli %scan3A_174, %mul3A_197 : i32
            %add3A_199 = arith.addi %mul3A_196, %mul3A_198 : i32
            %add3A_200 = vector.broadcast %add3A_199 : i32 to vector<16xi32>
            %add3A_201 = arith.addi %add3A_200, %iota3A : vector<16xi32>
            %sub3A_202 = vector.broadcast %scan3A_68#0 : i32 to vector<16xi32>
            %sub3A_203 = arith.subi %add3A_201, %sub3A_202 : vector<16xi32>
            %bitcast3A_204 = vector.bitcast %sub3A_203 : vector<16xi32> to vector<16xi32>
            %shift_right_logical3A_205 = arith.constant 31 : i32
            %shift_right_logical3A_206 = vector.broadcast %shift_right_logical3A_205 : i32 to vector<16xi32>
            %shift_right_logical3A_207 = arith.shrui %bitcast3A_204, %shift_right_logical3A_206 : vector<16xi32>
            %sub3A_208 = arith.constant 1 : i32
            %sub3A_209 = vector.broadcast %sub3A_208 : i32 to vector<16xi32>
            %sub3A_210 = arith.subi %sub3A_209, %shift_right_logical3A_187 : vector<16xi32>
            %mul3A_211 = arith.muli %shift_right_logical3A_194, %sub3A_210 : vector<16xi32>
            %mul3A_212 = arith.muli %mul3A_211, %shift_right_logical3A_207 : vector<16xi32>
            %mul3A_213 = arith.muli %sub3A_185, %mul3A_212 : vector<16xi32>
            %shift_right_arithmetic3A = arith.constant 13 : i32
            %shift_right_arithmetic3A_214 = vector.broadcast %shift_right_arithmetic3A : i32 to vector<16xi32>
            %shift_right_arithmetic3A_215 = arith.shrsi %mul3A_213, %shift_right_arithmetic3A_214 : vector<16xi32>
            %mul3A_216 = arith.constant 32 : i32
            %mul3A_217 = vector.broadcast %mul3A_216 : i32 to vector<16xi32>
            %mul3A_218 = arith.muli %shift_right_arithmetic3A_215, %mul3A_217 : vector<16xi32>
            %mul3A_219 = arith.muli %mul3A_218, %mul3A_212 : vector<16xi32>
            %shift_right_arithmetic3A_220 = arith.constant 10 : i32
            %shift_right_arithmetic3A_221 = vector.broadcast %shift_right_arithmetic3A_220 : i32 to vector<16xi32>
            %shift_right_arithmetic3A_222 = arith.shrsi %get3A_181, %shift_right_arithmetic3A_221 : vector<16xi32>
            %and3A_223 = arith.constant 3 : i32
            %and3A_224 = vector.broadcast %and3A_223 : i32 to vector<16xi32>
            %and3A_225 = arith.andi %shift_right_arithmetic3A_222, %and3A_224 : vector<16xi32>
            %mul3A_226 = arith.constant 32 : i32
            %mul3A_227 = vector.broadcast %mul3A_226 : i32 to vector<16xi32>
            %mul3A_228 = arith.muli %and3A_225, %mul3A_227 : vector<16xi32>
            %and3A_229 = arith.constant 8191 : i32
            %and3A_230 = vector.broadcast %and3A_229 : i32 to vector<16xi32>
            %and3A_231 = arith.andi %mul3A_213, %and3A_230 : vector<16xi32>
            %mul3A_232 = arith.muli %and3A_231, %mul3A_212 : vector<16xi32>
            %sub3A_233 = arith.constant 1 : i32
            %sub3A_234 = vector.broadcast %sub3A_233 : i32 to vector<16xi32>
            %sub3A_235 = arith.subi %sub3A_234, %mul3A_212 : vector<16xi32>
            %mul3A_236 = arith.constant 8192 : i32
            %mul3A_237 = vector.broadcast %mul3A_236 : i32 to vector<16xi32>
            %mul3A_238 = arith.muli %mul3A_237, %sub3A_235 : vector<16xi32>
            %add3A_239 = arith.addi %mul3A_232, %mul3A_238 : vector<16xi32>
            %mul3A_240 = arith.constant 16 : i32
            %mul3A_241 = arith.muli %scan3A_174, %mul3A_240 : i32
            %swap3A = arith.constant 0 : i32
            %swap3A_242 = arith.index_cast %swap3A : i32 to index
            %swap3A_243 = arith.index_cast %mul3A_241 : i32 to index
            %swap3A_244 = tpu.vector_load %arg10[%swap3A_242, %swap3A_243] {strides = array<i32>} : memref<1x128xi32, #tpu.memory_space<vmem>>, vector<16xi32>,
            tpu.vector_store %arg10[%swap3A_242, %swap3A_243], %add3A_239 {strides = array<i32>} : memref<1x128xi32, #tpu.memory_space<vmem>>, vector<16xi32>,
            %broadcast_in_dim3A_245 = arith.constant 0.000000e+00 : f32
            %broadcast_in_dim3A_246 = vector.broadcast %broadcast_in_dim3A_245 : f32 to vector<16xf32>
            %mul3A_247 = arith.constant 16 : i32
            %mul3A_248 = arith.muli %scan3A_174, %mul3A_247 : i32
            %add3A_249 = arith.constant 0 : i32
            %add3A_250 = arith.addi %mul3A_248, %add3A_249 : i32
            %slice3A = vector.extract_strided_slice %mul3A_219 {offsets = [0], sizes = [1], strides = [1]} : vector<16xi32> to vector<1xi32>
            %squeeze3A = vector.extract %slice3A[0] : i32 from vector<1xi32>
            %broadcast_in_dim3A_251 = vector.broadcast %add3A_250 : i32 to vector<16xi32>
            %slice3A_252 = vector.extract_strided_slice %mul3A_228 {offsets = [0], sizes = [1], strides = [1]} : vector<16xi32> to vector<1xi32>
            %squeeze3A_253 = vector.extract %slice3A_252[0] : i32 from vector<1xi32>
            %add3A_254 = vector.broadcast %squeeze3A_253 : i32 to vector<16xi32>
            %add3A_255 = arith.addi %add3A_254, %iota3A : vector<16xi32>
            %gather3A_256 = tpu.vector_load_idx %arg8[%broadcast_in_dim3A_251, %add3A_255] : memref<128x128xf32, #tpu.memory_space<vmem>>[vector<16xi32>, vector<16xi32>], vector<16xf32>,
            %add3A_257 = arith.constant 16 : i32
            %add3A_258 = arith.addi %squeeze3A_253, %add3A_257 : i32
            %add3A_259 = vector.broadcast %add3A_258 : i32 to vector<16xi32>
            %add3A_260 = arith.addi %add3A_259, %iota3A : vector<16xi32>
            %gather3A_261 = tpu.vector_load_idx %arg8[%broadcast_in_dim3A_251, %add3A_260] : memref<128x128xf32, #tpu.memory_space<vmem>>[vector<16xi32>, vector<16xi32>], vector<16xf32>,
            %add3A_262 = vector.broadcast %squeeze3A : i32 to vector<16xi32>
            %add3A_263 = arith.addi %add3A_262, %iota3A : vector<16xi32>
            tpu.vector_store_idx %arg9[%broadcast_in_dim3A_251, %add3A_263], %gather3A_256 : memref<128x128xf32, #tpu.memory_space<vmem>>[vector<16xi32>, vector<16xi32>], vector<16xf32>,
            %add3A_264 = arith.constant 16 : i32
            %add3A_265 = arith.addi %squeeze3A, %add3A_264 : i32
            %add3A_266 = vector.broadcast %add3A_265 : i32 to vector<16xi32>
            %add3A_267 = arith.addi %add3A_266, %iota3A : vector<16xi32>
            tpu.vector_store_idx %arg9[%broadcast_in_dim3A_251, %add3A_267], %gather3A_261 : memref<128x128xf32, #tpu.memory_space<vmem>>[vector<16xi32>, vector<16xi32>], vector<16xf32>,
            %mul3A_268 = arith.constant 16 : i32
            %mul3A_269 = arith.muli %scan3A_174, %mul3A_268 : i32
            %add3A_270 = arith.constant 1 : i32
            %add3A_271 = arith.addi %mul3A_269, %add3A_270 : i32
            %slice3A_272 = vector.extract_strided_slice %mul3A_219 {offsets = [1], sizes = [1], strides = [1]} : vector<16xi32> to vector<1xi32>
            %squeeze3A_273 = vector.extract %slice3A_272[0] : i32 from vector<1xi32>
            %broadcast_in_dim3A_274 = vector.broadcast %add3A_271 : i32 to vector<16xi32>
            %slice3A_275 = vector.extract_strided_slice %mul3A_228 {offsets = [1], sizes = [1], strides = [1]} : vector<16xi32> to vector<1xi32>
            %squeeze3A_276 = vector.extract %slice3A_275[0] : i32 from vector<1xi32>
            %add3A_277 = vector.broadcast %squeeze3A_276 : i32 to vector<16xi32>
            %add3A_278 = arith.addi %add3A_277, %iota3A : vector<16xi32>
            %gather3A_279 = tpu.vector_load_idx %arg8[%broadcast_in_dim3A_274, %add3A_278] : memref<128x128xf32, #tpu.memory_space<vmem>>[vector<16xi32>, vector<16xi32>], vector<16xf32>,
            %add3A_280 = arith.constant 16 : i32
            %add3A_281 = arith.addi %squeeze3A_276, %add3A_280 : i32
            %add3A_282 = vector.broadcast %add3A_281 : i32 to vector<16xi32>
            %add3A_283 = arith.addi %add3A_282, %iota3A : vector<16xi32>
            %gather3A_284 = tpu.vector_load_idx %arg8[%broadcast_in_dim3A_274, %add3A_283] : memref<128x128xf32, #tpu.memory_space<vmem>>[vector<16xi32>, vector<16xi32>], vector<16xf32>,
            %add3A_285 = vector.broadcast %squeeze3A_273 : i32 to vector<16xi32>
            %add3A_286 = arith.addi %add3A_285, %iota3A : vector<16xi32>
            tpu.vector_store_idx %arg9[%broadcast_in_dim3A_274, %add3A_286], %gather3A_279 : memref<128x128xf32, #tpu.memory_space<vmem>>[vector<16xi32>, vector<16xi32>], vector<16xf32>,
            %add3A_287 = arith.constant 16 : i32
            %add3A_288 = arith.addi %squeeze3A_273, %add3A_287 : i32
            %add3A_289 = vector.broadcast %add3A_288 : i32 to vector<16xi32>
            %add3A_290 = arith.addi %add3A_289, %iota3A : vector<16xi32>
            tpu.vector_store_idx %arg9[%broadcast_in_dim3A_274, %add3A_290], %gather3A_284 : memref<128x128xf32, #tpu.memory_space<vmem>>[vector<16xi32>, vector<16xi32>], vector<16xf32>,
            %mul3A_291 = arith.constant 16 : i32
            %mul3A_292 = arith.muli %scan3A_174, %mul3A_291 : i32
            %add3A_293 = arith.constant 2 : i32
            %add3A_294 = arith.addi %mul3A_292, %add3A_293 : i32
            %slice3A_295 = vector.extract_strided_slice %mul3A_219 {offsets = [2], sizes = [1], strides = [1]} : vector<16xi32> to vector<1xi32>
            %squeeze3A_296 = vector.extract %slice3A_295[0] : i32 from vector<1xi32>
            %broadcast_in_dim3A_297 = vector.broadcast %add3A_294 : i32 to vector<16xi32>
            %slice3A_298 = vector.extract_strided_slice %mul3A_228 {offsets = [2], sizes = [1], strides = [1]} : vector<16xi32> to vector<1xi32>
            %squeeze3A_299 = vector.extract %slice3A_298[0] : i32 from vector<1xi32>
            %add3A_300 = vector.broadcast %squeeze3A_299 : i32 to vector<16xi32>
            %add3A_301 = arith.addi %add3A_300, %iota3A : vector<16xi32>
            %gather3A_302 = tpu.vector_load_idx %arg8[%broadcast_in_dim3A_297, %add3A_301] : memref<128x128xf32, #tpu.memory_space<vmem>>[vector<16xi32>, vector<16xi32>], vector<16xf32>,
            %add3A_303 = arith.constant 16 : i32
            %add3A_304 = arith.addi %squeeze3A_299, %add3A_303 : i32
            %add3A_305 = vector.broadcast %add3A_304 : i32 to vector<16xi32>
            %add3A_306 = arith.addi %add3A_305, %iota3A : vector<16xi32>
            %gather3A_307 = tpu.vector_load_idx %arg8[%broadcast_in_dim3A_297, %add3A_306] : memref<128x128xf32, #tpu.memory_space<vmem>>[vector<16xi32>, vector<16xi32>], vector<16xf32>,
            %add3A_308 = vector.broadcast %squeeze3A_296 : i32 to vector<16xi32>
            %add3A_309 = arith.addi %add3A_308, %iota3A : vector<16xi32>
            tpu.vector_store_idx %arg9[%broadcast_in_dim3A_297, %add3A_309], %gather3A_302 : memref<128x128xf32, #tpu.memory_space<vmem>>[vector<16xi32>, vector<16xi32>], vector<16xf32>,
            %add3A_310 = arith.constant 16 : i32
            %add3A_311 = arith.addi %squeeze3A_296, %add3A_310 : i32
            %add3A_312 = vector.broadcast %add3A_311 : i32 to vector<16xi32>
            %add3A_313 = arith.addi %add3A_312, %iota3A : vector<16xi32>
            tpu.vector_store_idx %arg9[%broadcast_in_dim3A_297, %add3A_313], %gather3A_307 : memref<128x128xf32, #tpu.memory_space<vmem>>[vector<16xi32>, vector<16xi32>], vector<16xf32>,
            %mul3A_314 = arith.constant 16 : i32
            %mul3A_315 = arith.muli %scan3A_174, %mul3A_314 : i32
            %add3A_316 = arith.constant 3 : i32
            %add3A_317 = arith.addi %mul3A_315, %add3A_316 : i32
            %slice3A_318 = vector.extract_strided_slice %mul3A_219 {offsets = [3], sizes = [1], strides = [1]} : vector<16xi32> to vector<1xi32>
            %squeeze3A_319 = vector.extract %slice3A_318[0] : i32 from vector<1xi32>
            %broadcast_in_dim3A_320 = vector.broadcast %add3A_317 : i32 to vector<16xi32>
            %slice3A_321 = vector.extract_strided_slice %mul3A_228 {offsets = [3], sizes = [1], strides = [1]} : vector<16xi32> to vector<1xi32>
            %squeeze3A_322 = vector.extract %slice3A_321[0] : i32 from vector<1xi32>
            %add3A_323 = vector.broadcast %squeeze3A_322 : i32 to vector<16xi32>
            %add3A_324 = arith.addi %add3A_323, %iota3A : vector<16xi32>
            %gather3A_325 = tpu.vector_load_idx %arg8[%broadcast_in_dim3A_320, %add3A_324] : memref<128x128xf32, #tpu.memory_space<vmem>>[vector<16xi32>, vector<16xi32>], vector<16xf32>,
            %add3A_326 = arith.constant 16 : i32
            %add3A_327 = arith.addi %squeeze3A_322, %add3A_326 : i32
            %add3A_328 = vector.broadcast %add3A_327 : i32 to vector<16xi32>
            %add3A_329 = arith.addi %add3A_328, %iota3A : vector<16xi32>
            %gather3A_330 = tpu.vector_load_idx %arg8[%broadcast_in_dim3A_320, %add3A_329] : memref<128x128xf32, #tpu.memory_space<vmem>>[vector<16xi32>, vector<16xi32>], vector<16xf32>,
            %add3A_331 = vector.broadcast %squeeze3A_319 : i32 to vector<16xi32>
            %add3A_332 = arith.addi %add3A_331, %iota3A : vector<16xi32>
            tpu.vector_store_idx %arg9[%broadcast_in_dim3A_320, %add3A_332], %gather3A_325 : memref<128x128xf32, #tpu.memory_space<vmem>>[vector<16xi32>, vector<16xi32>], vector<16xf32>,
            %add3A_333 = arith.constant 16 : i32
            %add3A_334 = arith.addi %squeeze3A_319, %add3A_333 : i32
            %add3A_335 = vector.broadcast %add3A_334 : i32 to vector<16xi32>
            %add3A_336 = arith.addi %add3A_335, %iota3A : vector<16xi32>
            tpu.vector_store_idx %arg9[%broadcast_in_dim3A_320, %add3A_336], %gather3A_330 : memref<128x128xf32, #tpu.memory_space<vmem>>[vector<16xi32>, vector<16xi32>], vector<16xf32>,
            %mul3A_337 = arith.constant 16 : i32
            %mul3A_338 = arith.muli %scan3A_174, %mul3A_337 : i32
            %add3A_339 = arith.constant 4 : i32
            %add3A_340 = arith.addi %mul3A_338, %add3A_339 : i32
            %slice3A_341 = vector.extract_strided_slice %mul3A_219 {offsets = [4], sizes = [1], strides = [1]} : vector<16xi32> to vector<1xi32>
            %squeeze3A_342 = vector.extract %slice3A_341[0] : i32 from vector<1xi32>
            %broadcast_in_dim3A_343 = vector.broadcast %add3A_340 : i32 to vector<16xi32>
            %slice3A_344 = vector.extract_strided_slice %mul3A_228 {offsets = [4], sizes = [1], strides = [1]} : vector<16xi32> to vector<1xi32>
            %squeeze3A_345 = vector.extract %slice3A_344[0] : i32 from vector<1xi32>
            %add3A_346 = vector.broadcast %squeeze3A_345 : i32 to vector<16xi32>
            %add3A_347 = arith.addi %add3A_346, %iota3A : vector<16xi32>
            %gather3A_348 = tpu.vector_load_idx %arg8[%broadcast_in_dim3A_343, %add3A_347] : memref<128x128xf32, #tpu.memory_space<vmem>>[vector<16xi32>, vector<16xi32>], vector<16xf32>,
            %add3A_349 = arith.constant 16 : i32
            %add3A_350 = arith.addi %squeeze3A_345, %add3A_349 : i32
            %add3A_351 = vector.broadcast %add3A_350 : i32 to vector<16xi32>
            %add3A_352 = arith.addi %add3A_351, %iota3A : vector<16xi32>
            %gather3A_353 = tpu.vector_load_idx %arg8[%broadcast_in_dim3A_343, %add3A_352] : memref<128x128xf32, #tpu.memory_space<vmem>>[vector<16xi32>, vector<16xi32>], vector<16xf32>,
            %add3A_354 = vector.broadcast %squeeze3A_342 : i32 to vector<16xi32>
            %add3A_355 = arith.addi %add3A_354, %iota3A : vector<16xi32>
            tpu.vector_store_idx %arg9[%broadcast_in_dim3A_343, %add3A_355], %gather3A_348 : memref<128x128xf32, #tpu.memory_space<vmem>>[vector<16xi32>, vector<16xi32>], vector<16xf32>,
            %add3A_356 = arith.constant 16 : i32
            %add3A_357 = arith.addi %squeeze3A_342, %add3A_356 : i32
            %add3A_358 = vector.broadcast %add3A_357 : i32 to vector<16xi32>
            %add3A_359 = arith.addi %add3A_358, %iota3A : vector<16xi32>
            tpu.vector_store_idx %arg9[%broadcast_in_dim3A_343, %add3A_359], %gather3A_353 : memref<128x128xf32, #tpu.memory_space<vmem>>[vector<16xi32>, vector<16xi32>], vector<16xf32>,
            %mul3A_360 = arith.constant 16 : i32
            %mul3A_361 = arith.muli %scan3A_174, %mul3A_360 : i32
            %add3A_362 = arith.constant 5 : i32
            %add3A_363 = arith.addi %mul3A_361, %add3A_362 : i32
            %slice3A_364 = vector.extract_strided_slice %mul3A_219 {offsets = [5], sizes = [1], strides = [1]} : vector<16xi32> to vector<1xi32>
            %squeeze3A_365 = vector.extract %slice3A_364[0] : i32 from vector<1xi32>
            %broadcast_in_dim3A_366 = vector.broadcast %add3A_363 : i32 to vector<16xi32>
            %slice3A_367 = vector.extract_strided_slice %mul3A_228 {offsets = [5], sizes = [1], strides = [1]} : vector<16xi32> to vector<1xi32>
            %squeeze3A_368 = vector.extract %slice3A_367[0] : i32 from vector<1xi32>
            %add3A_369 = vector.broadcast %squeeze3A_368 : i32 to vector<16xi32>
            %add3A_370 = arith.addi %add3A_369, %iota3A : vector<16xi32>
            %gather3A_371 = tpu.vector_load_idx %arg8[%broadcast_in_dim3A_366, %add3A_370] : memref<128x128xf32, #tpu.memory_space<vmem>>[vector<16xi32>, vector<16xi32>], vector<16xf32>,
            %add3A_372 = arith.constant 16 : i32
            %add3A_373 = arith.addi %squeeze3A_368, %add3A_372 : i32
            %add3A_374 = vector.broadcast %add3A_373 : i32 to vector<16xi32>
            %add3A_375 = arith.addi %add3A_374, %iota3A : vector<16xi32>
            %gather3A_376 = tpu.vector_load_idx %arg8[%broadcast_in_dim3A_366, %add3A_375] : memref<128x128xf32, #tpu.memory_space<vmem>>[vector<16xi32>, vector<16xi32>], vector<16xf32>,
            %add3A_377 = vector.broadcast %squeeze3A_365 : i32 to vector<16xi32>
            %add3A_378 = arith.addi %add3A_377, %iota3A : vector<16xi32>
            tpu.vector_store_idx %arg9[%broadcast_in_dim3A_366, %add3A_378], %gather3A_371 : memref<128x128xf32, #tpu.memory_space<vmem>>[vector<16xi32>, vector<16xi32>], vector<16xf32>,
            %add3A_379 = arith.constant 16 : i32
            %add3A_380 = arith.addi %squeeze3A_365, %add3A_379 : i32
            %add3A_381 = vector.broadcast %add3A_380 : i32 to vector<16xi32>
            %add3A_382 = arith.addi %add3A_381, %iota3A : vector<16xi32>
            tpu.vector_store_idx %arg9[%broadcast_in_dim3A_366, %add3A_382], %gather3A_376 : memref<128x128xf32, #tpu.memory_space<vmem>>[vector<16xi32>, vector<16xi32>], vector<16xf32>,
            %mul3A_383 = arith.constant 16 : i32
            %mul3A_384 = arith.muli %scan3A_174, %mul3A_383 : i32
            %add3A_385 = arith.constant 6 : i32
            %add3A_386 = arith.addi %mul3A_384, %add3A_385 : i32
            %slice3A_387 = vector.extract_strided_slice %mul3A_219 {offsets = [6], sizes = [1], strides = [1]} : vector<16xi32> to vector<1xi32>
            %squeeze3A_388 = vector.extract %slice3A_387[0] : i32 from vector<1xi32>
            %broadcast_in_dim3A_389 = vector.broadcast %add3A_386 : i32 to vector<16xi32>
            %slice3A_390 = vector.extract_strided_slice %mul3A_228 {offsets = [6], sizes = [1], strides = [1]} : vector<16xi32> to vector<1xi32>
            %squeeze3A_391 = vector.extract %slice3A_390[0] : i32 from vector<1xi32>
            %add3A_392 = vector.broadcast %squeeze3A_391 : i32 to vector<16xi32>
            %add3A_393 = arith.addi %add3A_392, %iota3A : vector<16xi32>
            %gather3A_394 = tpu.vector_load_idx %arg8[%broadcast_in_dim3A_389, %add3A_393] : memref<128x128xf32, #tpu.memory_space<vmem>>[vector<16xi32>, vector<16xi32>], vector<16xf32>,
            %add3A_395 = arith.constant 16 : i32
            %add3A_396 = arith.addi %squeeze3A_391, %add3A_395 : i32
            %add3A_397 = vector.broadcast %add3A_396 : i32 to vector<16xi32>
            %add3A_398 = arith.addi %add3A_397, %iota3A : vector<16xi32>
            %gather3A_399 = tpu.vector_load_idx %arg8[%broadcast_in_dim3A_389, %add3A_398] : memref<128x128xf32, #tpu.memory_space<vmem>>[vector<16xi32>, vector<16xi32>], vector<16xf32>,
            %add3A_400 = vector.broadcast %squeeze3A_388 : i32 to vector<16xi32>
            %add3A_401 = arith.addi %add3A_400, %iota3A : vector<16xi32>
            tpu.vector_store_idx %arg9[%broadcast_in_dim3A_389, %add3A_401], %gather3A_394 : memref<128x128xf32, #tpu.memory_space<vmem>>[vector<16xi32>, vector<16xi32>], vector<16xf32>,
            %add3A_402 = arith.constant 16 : i32
            %add3A_403 = arith.addi %squeeze3A_388, %add3A_402 : i32
            %add3A_404 = vector.broadcast %add3A_403 : i32 to vector<16xi32>
            %add3A_405 = arith.addi %add3A_404, %iota3A : vector<16xi32>
            tpu.vector_store_idx %arg9[%broadcast_in_dim3A_389, %add3A_405], %gather3A_399 : memref<128x128xf32, #tpu.memory_space<vmem>>[vector<16xi32>, vector<16xi32>], vector<16xf32>,
            %mul3A_406 = arith.constant 16 : i32
            %mul3A_407 = arith.muli %scan3A_174, %mul3A_406 : i32
            %add3A_408 = arith.constant 7 : i32
            %add3A_409 = arith.addi %mul3A_407, %add3A_408 : i32
            %slice3A_410 = vector.extract_strided_slice %mul3A_219 {offsets = [7], sizes = [1], strides = [1]} : vector<16xi32> to vector<1xi32>
            %squeeze3A_411 = vector.extract %slice3A_410[0] : i32 from vector<1xi32>
            %broadcast_in_dim3A_412 = vector.broadcast %add3A_409 : i32 to vector<16xi32>
            %slice3A_413 = vector.extract_strided_slice %mul3A_228 {offsets = [7], sizes = [1], strides = [1]} : vector<16xi32> to vector<1xi32>
            %squeeze3A_414 = vector.extract %slice3A_413[0] : i32 from vector<1xi32>
            %add3A_415 = vector.broadcast %squeeze3A_414 : i32 to vector<16xi32>
            %add3A_416 = arith.addi %add3A_415, %iota3A : vector<16xi32>
            %gather3A_417 = tpu.vector_load_idx %arg8[%broadcast_in_dim3A_412, %add3A_416] : memref<128x128xf32, #tpu.memory_space<vmem>>[vector<16xi32>, vector<16xi32>], vector<16xf32>,
            %add3A_418 = arith.constant 16 : i32
            %add3A_419 = arith.addi %squeeze3A_414, %add3A_418 : i32
            %add3A_420 = vector.broadcast %add3A_419 : i32 to vector<16xi32>
            %add3A_421 = arith.addi %add3A_420, %iota3A : vector<16xi32>
            %gather3A_422 = tpu.vector_load_idx %arg8[%broadcast_in_dim3A_412, %add3A_421] : memref<128x128xf32, #tpu.memory_space<vmem>>[vector<16xi32>, vector<16xi32>], vector<16xf32>,
            %add3A_423 = vector.broadcast %squeeze3A_411 : i32 to vector<16xi32>
            %add3A_424 = arith.addi %add3A_423, %iota3A : vector<16xi32>
            tpu.vector_store_idx %arg9[%broadcast_in_dim3A_412, %add3A_424], %gather3A_417 : memref<128x128xf32, #tpu.memory_space<vmem>>[vector<16xi32>, vector<16xi32>], vector<16xf32>,
            %add3A_425 = arith.constant 16 : i32
            %add3A_426 = arith.addi %squeeze3A_411, %add3A_425 : i32
            %add3A_427 = vector.broadcast %add3A_426 : i32 to vector<16xi32>
            %add3A_428 = arith.addi %add3A_427, %iota3A : vector<16xi32>
            tpu.vector_store_idx %arg9[%broadcast_in_dim3A_412, %add3A_428], %gather3A_422 : memref<128x128xf32, #tpu.memory_space<vmem>>[vector<16xi32>, vector<16xi32>], vector<16xf32>,
            %mul3A_429 = arith.constant 16 : i32
            %mul3A_430 = arith.muli %scan3A_174, %mul3A_429 : i32
            %add3A_431 = arith.constant 8 : i32
            %add3A_432 = arith.addi %mul3A_430, %add3A_431 : i32
            %slice3A_433 = vector.extract_strided_slice %mul3A_219 {offsets = [8], sizes = [1], strides = [1]} : vector<16xi32> to vector<1xi32>
            %squeeze3A_434 = vector.extract %slice3A_433[0] : i32 from vector<1xi32>
            %broadcast_in_dim3A_435 = vector.broadcast %add3A_432 : i32 to vector<16xi32>
            %slice3A_436 = vector.extract_strided_slice %mul3A_228 {offsets = [8], sizes = [1], strides = [1]} : vector<16xi32> to vector<1xi32>
            %squeeze3A_437 = vector.extract %slice3A_436[0] : i32 from vector<1xi32>
            %add3A_438 = vector.broadcast %squeeze3A_437 : i32 to vector<16xi32>
            %add3A_439 = arith.addi %add3A_438, %iota3A : vector<16xi32>
            %gather3A_440 = tpu.vector_load_idx %arg8[%broadcast_in_dim3A_435, %add3A_439] : memref<128x128xf32, #tpu.memory_space<vmem>>[vector<16xi32>, vector<16xi32>], vector<16xf32>,
            %add3A_441 = arith.constant 16 : i32
            %add3A_442 = arith.addi %squeeze3A_437, %add3A_441 : i32
            %add3A_443 = vector.broadcast %add3A_442 : i32 to vector<16xi32>
            %add3A_444 = arith.addi %add3A_443, %iota3A : vector<16xi32>
            %gather3A_445 = tpu.vector_load_idx %arg8[%broadcast_in_dim3A_435, %add3A_444] : memref<128x128xf32, #tpu.memory_space<vmem>>[vector<16xi32>, vector<16xi32>], vector<16xf32>,
            %add3A_446 = vector.broadcast %squeeze3A_434 : i32 to vector<16xi32>
            %add3A_447 = arith.addi %add3A_446, %iota3A : vector<16xi32>
            tpu.vector_store_idx %arg9[%broadcast_in_dim3A_435, %add3A_447], %gather3A_440 : memref<128x128xf32, #tpu.memory_space<vmem>>[vector<16xi32>, vector<16xi32>], vector<16xf32>,
            %add3A_448 = arith.constant 16 : i32
            %add3A_449 = arith.addi %squeeze3A_434, %add3A_448 : i32
            %add3A_450 = vector.broadcast %add3A_449 : i32 to vector<16xi32>
            %add3A_451 = arith.addi %add3A_450, %iota3A : vector<16xi32>
            tpu.vector_store_idx %arg9[%broadcast_in_dim3A_435, %add3A_451], %gather3A_445 : memref<128x128xf32, #tpu.memory_space<vmem>>[vector<16xi32>, vector<16xi32>], vector<16xf32>,
            %mul3A_452 = arith.constant 16 : i32
            %mul3A_453 = arith.muli %scan3A_174, %mul3A_452 : i32
            %add3A_454 = arith.constant 9 : i32
            %add3A_455 = arith.addi %mul3A_453, %add3A_454 : i32
            %slice3A_456 = vector.extract_strided_slice %mul3A_219 {offsets = [9], sizes = [1], strides = [1]} : vector<16xi32> to vector<1xi32>
            %squeeze3A_457 = vector.extract %slice3A_456[0] : i32 from vector<1xi32>
            %broadcast_in_dim3A_458 = vector.broadcast %add3A_455 : i32 to vector<16xi32>
            %slice3A_459 = vector.extract_strided_slice %mul3A_228 {offsets = [9], sizes = [1], strides = [1]} : vector<16xi32> to vector<1xi32>
            %squeeze3A_460 = vector.extract %slice3A_459[0] : i32 from vector<1xi32>
            %add3A_461 = vector.broadcast %squeeze3A_460 : i32 to vector<16xi32>
            %add3A_462 = arith.addi %add3A_461, %iota3A : vector<16xi32>
            %gather3A_463 = tpu.vector_load_idx %arg8[%broadcast_in_dim3A_458, %add3A_462] : memref<128x128xf32, #tpu.memory_space<vmem>>[vector<16xi32>, vector<16xi32>], vector<16xf32>,
            %add3A_464 = arith.constant 16 : i32
            %add3A_465 = arith.addi %squeeze3A_460, %add3A_464 : i32
            %add3A_466 = vector.broadcast %add3A_465 : i32 to vector<16xi32>
            %add3A_467 = arith.addi %add3A_466, %iota3A : vector<16xi32>
            %gather3A_468 = tpu.vector_load_idx %arg8[%broadcast_in_dim3A_458, %add3A_467] : memref<128x128xf32, #tpu.memory_space<vmem>>[vector<16xi32>, vector<16xi32>], vector<16xf32>,
            %add3A_469 = vector.broadcast %squeeze3A_457 : i32 to vector<16xi32>
            %add3A_470 = arith.addi %add3A_469, %iota3A : vector<16xi32>
            tpu.vector_store_idx %arg9[%broadcast_in_dim3A_458, %add3A_470], %gather3A_463 : memref<128x128xf32, #tpu.memory_space<vmem>>[vector<16xi32>, vector<16xi32>], vector<16xf32>,
            %add3A_471 = arith.constant 16 : i32
            %add3A_472 = arith.addi %squeeze3A_457, %add3A_471 : i32
            %add3A_473 = vector.broadcast %add3A_472 : i32 to vector<16xi32>
            %add3A_474 = arith.addi %add3A_473, %iota3A : vector<16xi32>
            tpu.vector_store_idx %arg9[%broadcast_in_dim3A_458, %add3A_474], %gather3A_468 : memref<128x128xf32, #tpu.memory_space<vmem>>[vector<16xi32>, vector<16xi32>], vector<16xf32>,
            %mul3A_475 = arith.constant 16 : i32
            %mul3A_476 = arith.muli %scan3A_174, %mul3A_475 : i32
            %add3A_477 = arith.constant 10 : i32
            %add3A_478 = arith.addi %mul3A_476, %add3A_477 : i32
            %slice3A_479 = vector.extract_strided_slice %mul3A_219 {offsets = [10], sizes = [1], strides = [1]} : vector<16xi32> to vector<1xi32>
            %squeeze3A_480 = vector.extract %slice3A_479[0] : i32 from vector<1xi32>
            %broadcast_in_dim3A_481 = vector.broadcast %add3A_478 : i32 to vector<16xi32>
            %slice3A_482 = vector.extract_strided_slice %mul3A_228 {offsets = [10], sizes = [1], strides = [1]} : vector<16xi32> to vector<1xi32>
            %squeeze3A_483 = vector.extract %slice3A_482[0] : i32 from vector<1xi32>
            %add3A_484 = vector.broadcast %squeeze3A_483 : i32 to vector<16xi32>
            %add3A_485 = arith.addi %add3A_484, %iota3A : vector<16xi32>
            %gather3A_486 = tpu.vector_load_idx %arg8[%broadcast_in_dim3A_481, %add3A_485] : memref<128x128xf32, #tpu.memory_space<vmem>>[vector<16xi32>, vector<16xi32>], vector<16xf32>,
            %add3A_487 = arith.constant 16 : i32
            %add3A_488 = arith.addi %squeeze3A_483, %add3A_487 : i32
            %add3A_489 = vector.broadcast %add3A_488 : i32 to vector<16xi32>
            %add3A_490 = arith.addi %add3A_489, %iota3A : vector<16xi32>
            %gather3A_491 = tpu.vector_load_idx %arg8[%broadcast_in_dim3A_481, %add3A_490] : memref<128x128xf32, #tpu.memory_space<vmem>>[vector<16xi32>, vector<16xi32>], vector<16xf32>,
            %add3A_492 = vector.broadcast %squeeze3A_480 : i32 to vector<16xi32>
            %add3A_493 = arith.addi %add3A_492, %iota3A : vector<16xi32>
            tpu.vector_store_idx %arg9[%broadcast_in_dim3A_481, %add3A_493], %gather3A_486 : memref<128x128xf32, #tpu.memory_space<vmem>>[vector<16xi32>, vector<16xi32>], vector<16xf32>,
            %add3A_494 = arith.constant 16 : i32
            %add3A_495 = arith.addi %squeeze3A_480, %add3A_494 : i32
            %add3A_496 = vector.broadcast %add3A_495 : i32 to vector<16xi32>
            %add3A_497 = arith.addi %add3A_496, %iota3A : vector<16xi32>
            tpu.vector_store_idx %arg9[%broadcast_in_dim3A_481, %add3A_497], %gather3A_491 : memref<128x128xf32, #tpu.memory_space<vmem>>[vector<16xi32>, vector<16xi32>], vector<16xf32>,
            %mul3A_498 = arith.constant 16 : i32
            %mul3A_499 = arith.muli %scan3A_174, %mul3A_498 : i32
            %add3A_500 = arith.constant 11 : i32
            %add3A_501 = arith.addi %mul3A_499, %add3A_500 : i32
            %slice3A_502 = vector.extract_strided_slice %mul3A_219 {offsets = [11], sizes = [1], strides = [1]} : vector<16xi32> to vector<1xi32>
            %squeeze3A_503 = vector.extract %slice3A_502[0] : i32 from vector<1xi32>
            %broadcast_in_dim3A_504 = vector.broadcast %add3A_501 : i32 to vector<16xi32>
            %slice3A_505 = vector.extract_strided_slice %mul3A_228 {offsets = [11], sizes = [1], strides = [1]} : vector<16xi32> to vector<1xi32>
            %squeeze3A_506 = vector.extract %slice3A_505[0] : i32 from vector<1xi32>
            %add3A_507 = vector.broadcast %squeeze3A_506 : i32 to vector<16xi32>
            %add3A_508 = arith.addi %add3A_507, %iota3A : vector<16xi32>
            %gather3A_509 = tpu.vector_load_idx %arg8[%broadcast_in_dim3A_504, %add3A_508] : memref<128x128xf32, #tpu.memory_space<vmem>>[vector<16xi32>, vector<16xi32>], vector<16xf32>,
            %add3A_510 = arith.constant 16 : i32
            %add3A_511 = arith.addi %squeeze3A_506, %add3A_510 : i32
            %add3A_512 = vector.broadcast %add3A_511 : i32 to vector<16xi32>
            %add3A_513 = arith.addi %add3A_512, %iota3A : vector<16xi32>
            %gather3A_514 = tpu.vector_load_idx %arg8[%broadcast_in_dim3A_504, %add3A_513] : memref<128x128xf32, #tpu.memory_space<vmem>>[vector<16xi32>, vector<16xi32>], vector<16xf32>,
            %add3A_515 = vector.broadcast %squeeze3A_503 : i32 to vector<16xi32>
            %add3A_516 = arith.addi %add3A_515, %iota3A : vector<16xi32>
            tpu.vector_store_idx %arg9[%broadcast_in_dim3A_504, %add3A_516], %gather3A_509 : memref<128x128xf32, #tpu.memory_space<vmem>>[vector<16xi32>, vector<16xi32>], vector<16xf32>,
            %add3A_517 = arith.constant 16 : i32
            %add3A_518 = arith.addi %squeeze3A_503, %add3A_517 : i32
            %add3A_519 = vector.broadcast %add3A_518 : i32 to vector<16xi32>
            %add3A_520 = arith.addi %add3A_519, %iota3A : vector<16xi32>
            tpu.vector_store_idx %arg9[%broadcast_in_dim3A_504, %add3A_520], %gather3A_514 : memref<128x128xf32, #tpu.memory_space<vmem>>[vector<16xi32>, vector<16xi32>], vector<16xf32>,
            %mul3A_521 = arith.constant 16 : i32
            %mul3A_522 = arith.muli %scan3A_174, %mul3A_521 : i32
            %add3A_523 = arith.constant 12 : i32
            %add3A_524 = arith.addi %mul3A_522, %add3A_523 : i32
            %slice3A_525 = vector.extract_strided_slice %mul3A_219 {offsets = [12], sizes = [1], strides = [1]} : vector<16xi32> to vector<1xi32>
            %squeeze3A_526 = vector.extract %slice3A_525[0] : i32 from vector<1xi32>
            %broadcast_in_dim3A_527 = vector.broadcast %add3A_524 : i32 to vector<16xi32>
            %slice3A_528 = vector.extract_strided_slice %mul3A_228 {offsets = [12], sizes = [1], strides = [1]} : vector<16xi32> to vector<1xi32>
            %squeeze3A_529 = vector.extract %slice3A_528[0] : i32 from vector<1xi32>
            %add3A_530 = vector.broadcast %squeeze3A_529 : i32 to vector<16xi32>
            %add3A_531 = arith.addi %add3A_530, %iota3A : vector<16xi32>
            %gather3A_532 = tpu.vector_load_idx %arg8[%broadcast_in_dim3A_527, %add3A_531] : memref<128x128xf32, #tpu.memory_space<vmem>>[vector<16xi32>, vector<16xi32>], vector<16xf32>,
            %add3A_533 = arith.constant 16 : i32
            %add3A_534 = arith.addi %squeeze3A_529, %add3A_533 : i32
            %add3A_535 = vector.broadcast %add3A_534 : i32 to vector<16xi32>
            %add3A_536 = arith.addi %add3A_535, %iota3A : vector<16xi32>
            %gather3A_537 = tpu.vector_load_idx %arg8[%broadcast_in_dim3A_527, %add3A_536] : memref<128x128xf32, #tpu.memory_space<vmem>>[vector<16xi32>, vector<16xi32>], vector<16xf32>,
            %add3A_538 = vector.broadcast %squeeze3A_526 : i32 to vector<16xi32>
            %add3A_539 = arith.addi %add3A_538, %iota3A : vector<16xi32>
            tpu.vector_store_idx %arg9[%broadcast_in_dim3A_527, %add3A_539], %gather3A_532 : memref<128x128xf32, #tpu.memory_space<vmem>>[vector<16xi32>, vector<16xi32>], vector<16xf32>,
            %add3A_540 = arith.constant 16 : i32
            %add3A_541 = arith.addi %squeeze3A_526, %add3A_540 : i32
            %add3A_542 = vector.broadcast %add3A_541 : i32 to vector<16xi32>
            %add3A_543 = arith.addi %add3A_542, %iota3A : vector<16xi32>
            tpu.vector_store_idx %arg9[%broadcast_in_dim3A_527, %add3A_543], %gather3A_537 : memref<128x128xf32, #tpu.memory_space<vmem>>[vector<16xi32>, vector<16xi32>], vector<16xf32>,
            %mul3A_544 = arith.constant 16 : i32
            %mul3A_545 = arith.muli %scan3A_174, %mul3A_544 : i32
            %add3A_546 = arith.constant 13 : i32
            %add3A_547 = arith.addi %mul3A_545, %add3A_546 : i32
            %slice3A_548 = vector.extract_strided_slice %mul3A_219 {offsets = [13], sizes = [1], strides = [1]} : vector<16xi32> to vector<1xi32>
            %squeeze3A_549 = vector.extract %slice3A_548[0] : i32 from vector<1xi32>
            %broadcast_in_dim3A_550 = vector.broadcast %add3A_547 : i32 to vector<16xi32>
            %slice3A_551 = vector.extract_strided_slice %mul3A_228 {offsets = [13], sizes = [1], strides = [1]} : vector<16xi32> to vector<1xi32>
            %squeeze3A_552 = vector.extract %slice3A_551[0] : i32 from vector<1xi32>
            %add3A_553 = vector.broadcast %squeeze3A_552 : i32 to vector<16xi32>
            %add3A_554 = arith.addi %add3A_553, %iota3A : vector<16xi32>
            %gather3A_555 = tpu.vector_load_idx %arg8[%broadcast_in_dim3A_550, %add3A_554] : memref<128x128xf32, #tpu.memory_space<vmem>>[vector<16xi32>, vector<16xi32>], vector<16xf32>,
            %add3A_556 = arith.constant 16 : i32
            %add3A_557 = arith.addi %squeeze3A_552, %add3A_556 : i32
            %add3A_558 = vector.broadcast %add3A_557 : i32 to vector<16xi32>
            %add3A_559 = arith.addi %add3A_558, %iota3A : vector<16xi32>
            %gather3A_560 = tpu.vector_load_idx %arg8[%broadcast_in_dim3A_550, %add3A_559] : memref<128x128xf32, #tpu.memory_space<vmem>>[vector<16xi32>, vector<16xi32>], vector<16xf32>,
            %add3A_561 = vector.broadcast %squeeze3A_549 : i32 to vector<16xi32>
            %add3A_562 = arith.addi %add3A_561, %iota3A : vector<16xi32>
            tpu.vector_store_idx %arg9[%broadcast_in_dim3A_550, %add3A_562], %gather3A_555 : memref<128x128xf32, #tpu.memory_space<vmem>>[vector<16xi32>, vector<16xi32>], vector<16xf32>,
            %add3A_563 = arith.constant 16 : i32
            %add3A_564 = arith.addi %squeeze3A_549, %add3A_563 : i32
            %add3A_565 = vector.broadcast %add3A_564 : i32 to vector<16xi32>
            %add3A_566 = arith.addi %add3A_565, %iota3A : vector<16xi32>
            tpu.vector_store_idx %arg9[%broadcast_in_dim3A_550, %add3A_566], %gather3A_560 : memref<128x128xf32, #tpu.memory_space<vmem>>[vector<16xi32>, vector<16xi32>], vector<16xf32>,
            %mul3A_567 = arith.constant 16 : i32
            %mul3A_568 = arith.muli %scan3A_174, %mul3A_567 : i32
            %add3A_569 = arith.constant 14 : i32
            %add3A_570 = arith.addi %mul3A_568, %add3A_569 : i32
            %slice3A_571 = vector.extract_strided_slice %mul3A_219 {offsets = [14], sizes = [1], strides = [1]} : vector<16xi32> to vector<1xi32>
            %squeeze3A_572 = vector.extract %slice3A_571[0] : i32 from vector<1xi32>
            %broadcast_in_dim3A_573 = vector.broadcast %add3A_570 : i32 to vector<16xi32>
            %slice3A_574 = vector.extract_strided_slice %mul3A_228 {offsets = [14], sizes = [1], strides = [1]} : vector<16xi32> to vector<1xi32>
            %squeeze3A_575 = vector.extract %slice3A_574[0] : i32 from vector<1xi32>
            %add3A_576 = vector.broadcast %squeeze3A_575 : i32 to vector<16xi32>
            %add3A_577 = arith.addi %add3A_576, %iota3A : vector<16xi32>
            %gather3A_578 = tpu.vector_load_idx %arg8[%broadcast_in_dim3A_573, %add3A_577] : memref<128x128xf32, #tpu.memory_space<vmem>>[vector<16xi32>, vector<16xi32>], vector<16xf32>,
            %add3A_579 = arith.constant 16 : i32
            %add3A_580 = arith.addi %squeeze3A_575, %add3A_579 : i32
            %add3A_581 = vector.broadcast %add3A_580 : i32 to vector<16xi32>
            %add3A_582 = arith.addi %add3A_581, %iota3A : vector<16xi32>
            %gather3A_583 = tpu.vector_load_idx %arg8[%broadcast_in_dim3A_573, %add3A_582] : memref<128x128xf32, #tpu.memory_space<vmem>>[vector<16xi32>, vector<16xi32>], vector<16xf32>,
            %add3A_584 = vector.broadcast %squeeze3A_572 : i32 to vector<16xi32>
            %add3A_585 = arith.addi %add3A_584, %iota3A : vector<16xi32>
            tpu.vector_store_idx %arg9[%broadcast_in_dim3A_573, %add3A_585], %gather3A_578 : memref<128x128xf32, #tpu.memory_space<vmem>>[vector<16xi32>, vector<16xi32>], vector<16xf32>,
            %add3A_586 = arith.constant 16 : i32
            %add3A_587 = arith.addi %squeeze3A_572, %add3A_586 : i32
            %add3A_588 = vector.broadcast %add3A_587 : i32 to vector<16xi32>
            %add3A_589 = arith.addi %add3A_588, %iota3A : vector<16xi32>
            tpu.vector_store_idx %arg9[%broadcast_in_dim3A_573, %add3A_589], %gather3A_583 : memref<128x128xf32, #tpu.memory_space<vmem>>[vector<16xi32>, vector<16xi32>], vector<16xf32>,
            %mul3A_590 = arith.constant 16 : i32
            %mul3A_591 = arith.muli %scan3A_174, %mul3A_590 : i32
            %add3A_592 = arith.constant 15 : i32
            %add3A_593 = arith.addi %mul3A_591, %add3A_592 : i32
            %slice3A_594 = vector.extract_strided_slice %mul3A_219 {offsets = [15], sizes = [1], strides = [1]} : vector<16xi32> to vector<1xi32>
            %squeeze3A_595 = vector.extract %slice3A_594[0] : i32 from vector<1xi32>
            %broadcast_in_dim3A_596 = vector.broadcast %add3A_593 : i32 to vector<16xi32>
            %slice3A_597 = vector.extract_strided_slice %mul3A_228 {offsets = [15], sizes = [1], strides = [1]} : vector<16xi32> to vector<1xi32>
            %squeeze3A_598 = vector.extract %slice3A_597[0] : i32 from vector<1xi32>
            %add3A_599 = vector.broadcast %squeeze3A_598 : i32 to vector<16xi32>
            %add3A_600 = arith.addi %add3A_599, %iota3A : vector<16xi32>
            %gather3A_601 = tpu.vector_load_idx %arg8[%broadcast_in_dim3A_596, %add3A_600] : memref<128x128xf32, #tpu.memory_space<vmem>>[vector<16xi32>, vector<16xi32>], vector<16xf32>,
            %add3A_602 = arith.constant 16 : i32
            %add3A_603 = arith.addi %squeeze3A_598, %add3A_602 : i32
            %add3A_604 = vector.broadcast %add3A_603 : i32 to vector<16xi32>
            %add3A_605 = arith.addi %add3A_604, %iota3A : vector<16xi32>
            %gather3A_606 = tpu.vector_load_idx %arg8[%broadcast_in_dim3A_596, %add3A_605] : memref<128x128xf32, #tpu.memory_space<vmem>>[vector<16xi32>, vector<16xi32>], vector<16xf32>,
            %add3A_607 = vector.broadcast %squeeze3A_595 : i32 to vector<16xi32>
            %add3A_608 = arith.addi %add3A_607, %iota3A : vector<16xi32>
            tpu.vector_store_idx %arg9[%broadcast_in_dim3A_596, %add3A_608], %gather3A_601 : memref<128x128xf32, #tpu.memory_space<vmem>>[vector<16xi32>, vector<16xi32>], vector<16xf32>,
            %add3A_609 = arith.constant 16 : i32
            %add3A_610 = arith.addi %squeeze3A_595, %add3A_609 : i32
            %add3A_611 = vector.broadcast %add3A_610 : i32 to vector<16xi32>
            %add3A_612 = arith.addi %add3A_611, %iota3A : vector<16xi32>
            tpu.vector_store_idx %arg9[%broadcast_in_dim3A_596, %add3A_612], %gather3A_606 : memref<128x128xf32, #tpu.memory_space<vmem>>[vector<16xi32>, vector<16xi32>], vector<16xf32>,
            %scan3A_613 = arith.constant 0 : i32
            scf.yield %scan3A_613 : i32
          }
          %scan3A_165 = arith.constant 8 : i32
          %run_scoped3A = arith.constant 0 : i32
          "tpu.region"() ({
            %run_scoped3A_174 = tpu.sem_alloc : memref<!tpu.dma_semaphore, #tpu.memory_space<semaphore_mem>>
            %dma_start3A_175 = arith.constant 0 : i32
            %dma_start3A_176 = tpu.memref_slice %arg10[%run_scoped3A, %dma_start3A_175] : memref<1x128xi32, #tpu.memory_space<vmem>> -> memref<1x128xi32, #tpu.memory_space<vmem>>
            %dma_start3A_177 = tpu.memref_squeeze %dma_start3A_176 : memref<1x128xi32, #tpu.memory_space<vmem>> -> memref<128xi32, #tpu.memory_space<vmem>>
            %dma_start3A_178 = arith.constant 0 : i32
            %dma_start3A_179 = arith.constant 0 : i32
            %dma_start3A_180 = tpu.memref_slice %arg5[%dma_start3A_178, %dma_start3A_179] : memref<8200x128xf32, #tpu.memory_space<vmem_shared>> -> memref<8200x128xf32, #tpu.memory_space<vmem_shared>>
            tpu.enqueue_indirect_dma source(%arg9 : memref<128x128xf32, #tpu.memory_space<vmem>>) target(%dma_start3A_180 : memref<8200x128xf32, #tpu.memory_space<vmem_shared>>) offsets(%dma_start3A_177 : memref<128xi32, #tpu.memory_space<vmem>>) semaphore(%run_scoped3A_174 : memref<!tpu.dma_semaphore, #tpu.memory_space<semaphore_mem>>) {add = true}
            %dma_wait3A_181 = arith.constant 0 : i32
            %dma_wait3A_182 = tpu.memref_slice %arg10[%run_scoped3A, %dma_wait3A_181] : memref<1x128xi32, #tpu.memory_space<vmem>> -> memref<1x128xi32, #tpu.memory_space<vmem>>
            %dma_wait3A_183 = tpu.memref_squeeze %dma_wait3A_182 : memref<1x128xi32, #tpu.memory_space<vmem>> -> memref<128xi32, #tpu.memory_space<vmem>>
            %dma_wait3A_184 = arith.constant 0 : i32
            %dma_wait3A_185 = arith.constant 0 : i32
            %dma_wait3A_186 = tpu.memref_slice %arg5[%dma_wait3A_184, %dma_wait3A_185] : memref<8200x128xf32, #tpu.memory_space<vmem_shared>> -> memref<8200x128xf32, #tpu.memory_space<vmem_shared>>
            tpu.wait_indirect_dma semaphore(%run_scoped3A_174 : memref<!tpu.dma_semaphore, #tpu.memory_space<semaphore_mem>>) src(%arg9 : memref<128x128xf32, #tpu.memory_space<vmem>>) dst(%dma_wait3A_186 : memref<8200x128xf32, #tpu.memory_space<vmem_shared>>)
            tpu.yield
          }) : () -> ()
          %scan3A_166 = arith.constant 0 : i32
          %scan3A_167 = arith.constant 0 : i32
          %scan3A_168 = arith.constant 8 : i32
          %scan3A_169 = arith.addi %scan3A_167, %scan3A_168 : i32
          %scan3A_170 = arith.constant 1 : i32
          %scan3A_171 = scf.for %scan3A_174 = %scan3A_167 to %scan3A_169 step %scan3A_170 iter_args(%scan3A_175 = %scan3A_166) -> (i32)  : i32 {
            %mul3A_176 = arith.constant 128 : i32
            %mul3A_177 = arith.muli %while3A_139, %mul3A_176 : i32
            %mul3A_178 = arith.constant 16 : i32
            %mul3A_179 = arith.muli %scan3A_174, %mul3A_178 : i32
            %add3A_180 = arith.addi %mul3A_177, %mul3A_179 : i32
            %get3A = arith.index_cast %add3A_180 : i32 to index
            %get3A_181 = tpu.vector_load %arg7[%get3A] {strides = array<i32>} : memref<8336xi32, #tpu.memory_space<vmem>>, vector<16xi32>,
            %sub3A_182 = vector.broadcast %add3A_60 : i32 to vector<16xi32>
            %sub3A_183 = arith.subi %get3A_181, %sub3A_182 : vector<16xi32>
            %gather3A = tpu.vector_load_idx %arg6[%sub3A_183] : memref<8192xi32, #tpu.memory_space<vmem>>[vector<16xi32>], vector<16xi32>,
            %sub3A_184 = vector.broadcast %mul3A_19 : i32 to vector<16xi32>
            %sub3A_185 = arith.subi %gather3A, %sub3A_184 : vector<16xi32>
            %bitcast3A = vector.bitcast %sub3A_185 : vector<16xi32> to vector<16xi32>
            %shift_right_logical3A = arith.constant 31 : i32
            %shift_right_logical3A_186 = vector.broadcast %shift_right_logical3A : i32 to vector<16xi32>
            %shift_right_logical3A_187 = arith.shrui %bitcast3A, %shift_right_logical3A_186 : vector<16xi32>
            %sub3A_188 = arith.constant 32768 : i32
            %sub3A_189 = vector.broadcast %sub3A_188 : i32 to vector<16xi32>
            %sub3A_190 = arith.subi %sub3A_185, %sub3A_189 : vector<16xi32>
            %bitcast3A_191 = vector.bitcast %sub3A_190 : vector<16xi32> to vector<16xi32>
            %shift_right_logical3A_192 = arith.constant 31 : i32
            %shift_right_logical3A_193 = vector.broadcast %shift_right_logical3A_192 : i32 to vector<16xi32>
            %shift_right_logical3A_194 = arith.shrui %bitcast3A_191, %shift_right_logical3A_193 : vector<16xi32>
            %mul3A_195 = arith.constant 128 : i32
            %mul3A_196 = arith.muli %while3A_139, %mul3A_195 : i32
            %mul3A_197 = arith.constant 16 : i32
            %mul3A_198 = arith.muli %scan3A_174, %mul3A_197 : i32
            %add3A_199 = arith.addi %mul3A_196, %mul3A_198 : i32
            %add3A_200 = vector.broadcast %add3A_199 : i32 to vector<16xi32>
            %add3A_201 = arith.addi %add3A_200, %iota3A : vector<16xi32>
            %sub3A_202 = vector.broadcast %scan3A_68#0 : i32 to vector<16xi32>
            %sub3A_203 = arith.subi %add3A_201, %sub3A_202 : vector<16xi32>
            %bitcast3A_204 = vector.bitcast %sub3A_203 : vector<16xi32> to vector<16xi32>
            %shift_right_logical3A_205 = arith.constant 31 : i32
            %shift_right_logical3A_206 = vector.broadcast %shift_right_logical3A_205 : i32 to vector<16xi32>
            %shift_right_logical3A_207 = arith.shrui %bitcast3A_204, %shift_right_logical3A_206 : vector<16xi32>
            %sub3A_208 = arith.constant 1 : i32
            %sub3A_209 = vector.broadcast %sub3A_208 : i32 to vector<16xi32>
            %sub3A_210 = arith.subi %sub3A_209, %shift_right_logical3A_187 : vector<16xi32>
            %mul3A_211 = arith.muli %shift_right_logical3A_194, %sub3A_210 : vector<16xi32>
            %mul3A_212 = arith.muli %mul3A_211, %shift_right_logical3A_207 : vector<16xi32>
            %mul3A_213 = arith.muli %sub3A_185, %mul3A_212 : vector<16xi32>
            %shift_right_arithmetic3A = arith.constant 13 : i32
            %shift_right_arithmetic3A_214 = vector.broadcast %shift_right_arithmetic3A : i32 to vector<16xi32>
            %shift_right_arithmetic3A_215 = arith.shrsi %mul3A_213, %shift_right_arithmetic3A_214 : vector<16xi32>
            %mul3A_216 = arith.constant 32 : i32
            %mul3A_217 = vector.broadcast %mul3A_216 : i32 to vector<16xi32>
            %mul3A_218 = arith.muli %shift_right_arithmetic3A_215, %mul3A_217 : vector<16xi32>
            %mul3A_219 = arith.muli %mul3A_218, %mul3A_212 : vector<16xi32>
            %shift_right_arithmetic3A_220 = arith.constant 10 : i32
            %shift_right_arithmetic3A_221 = vector.broadcast %shift_right_arithmetic3A_220 : i32 to vector<16xi32>
            %shift_right_arithmetic3A_222 = arith.shrsi %get3A_181, %shift_right_arithmetic3A_221 : vector<16xi32>
            %and3A_223 = arith.constant 3 : i32
            %and3A_224 = vector.broadcast %and3A_223 : i32 to vector<16xi32>
            %and3A_225 = arith.andi %shift_right_arithmetic3A_222, %and3A_224 : vector<16xi32>
            %mul3A_226 = arith.constant 32 : i32
            %mul3A_227 = vector.broadcast %mul3A_226 : i32 to vector<16xi32>
            %mul3A_228 = arith.muli %and3A_225, %mul3A_227 : vector<16xi32>
            %broadcast_in_dim3A_229 = arith.constant 0.000000e+00 : f32
            %broadcast_in_dim3A_230 = vector.broadcast %broadcast_in_dim3A_229 : f32 to vector<16xf32>
            %mul3A_231 = arith.constant 16 : i32
            %mul3A_232 = arith.muli %scan3A_174, %mul3A_231 : i32
            %add3A_233 = arith.constant 0 : i32
            %add3A_234 = arith.addi %mul3A_232, %add3A_233 : i32
            %slice3A = vector.extract_strided_slice %mul3A_219 {offsets = [0], sizes = [1], strides = [1]} : vector<16xi32> to vector<1xi32>
            %squeeze3A = vector.extract %slice3A[0] : i32 from vector<1xi32>
            %broadcast_in_dim3A_235 = vector.broadcast %add3A_234 : i32 to vector<16xi32>
            %add3A_236 = vector.broadcast %squeeze3A : i32 to vector<16xi32>
            %add3A_237 = arith.addi %add3A_236, %iota3A : vector<16xi32>
            tpu.vector_store_idx %arg9[%broadcast_in_dim3A_235, %add3A_237], %broadcast_in_dim3A_230 : memref<128x128xf32, #tpu.memory_space<vmem>>[vector<16xi32>, vector<16xi32>], vector<16xf32>,
            %add3A_238 = arith.constant 16 : i32
            %add3A_239 = arith.addi %squeeze3A, %add3A_238 : i32
            %add3A_240 = vector.broadcast %add3A_239 : i32 to vector<16xi32>
            %add3A_241 = arith.addi %add3A_240, %iota3A : vector<16xi32>
            tpu.vector_store_idx %arg9[%broadcast_in_dim3A_235, %add3A_241], %broadcast_in_dim3A_230 : memref<128x128xf32, #tpu.memory_space<vmem>>[vector<16xi32>, vector<16xi32>], vector<16xf32>,
            %mul3A_242 = arith.constant 16 : i32
            %mul3A_243 = arith.muli %scan3A_174, %mul3A_242 : i32
            %add3A_244 = arith.constant 1 : i32
            %add3A_245 = arith.addi %mul3A_243, %add3A_244 : i32
            %slice3A_246 = vector.extract_strided_slice %mul3A_219 {offsets = [1], sizes = [1], strides = [1]} : vector<16xi32> to vector<1xi32>
            %squeeze3A_247 = vector.extract %slice3A_246[0] : i32 from vector<1xi32>
            %broadcast_in_dim3A_248 = vector.broadcast %add3A_245 : i32 to vector<16xi32>
            %add3A_249 = vector.broadcast %squeeze3A_247 : i32 to vector<16xi32>
            %add3A_250 = arith.addi %add3A_249, %iota3A : vector<16xi32>
            tpu.vector_store_idx %arg9[%broadcast_in_dim3A_248, %add3A_250], %broadcast_in_dim3A_230 : memref<128x128xf32, #tpu.memory_space<vmem>>[vector<16xi32>, vector<16xi32>], vector<16xf32>,
            %add3A_251 = arith.constant 16 : i32
            %add3A_252 = arith.addi %squeeze3A_247, %add3A_251 : i32
            %add3A_253 = vector.broadcast %add3A_252 : i32 to vector<16xi32>
            %add3A_254 = arith.addi %add3A_253, %iota3A : vector<16xi32>
            tpu.vector_store_idx %arg9[%broadcast_in_dim3A_248, %add3A_254], %broadcast_in_dim3A_230 : memref<128x128xf32, #tpu.memory_space<vmem>>[vector<16xi32>, vector<16xi32>], vector<16xf32>,
            %mul3A_255 = arith.constant 16 : i32
            %mul3A_256 = arith.muli %scan3A_174, %mul3A_255 : i32
            %add3A_257 = arith.constant 2 : i32
            %add3A_258 = arith.addi %mul3A_256, %add3A_257 : i32
            %slice3A_259 = vector.extract_strided_slice %mul3A_219 {offsets = [2], sizes = [1], strides = [1]} : vector<16xi32> to vector<1xi32>
            %squeeze3A_260 = vector.extract %slice3A_259[0] : i32 from vector<1xi32>
            %broadcast_in_dim3A_261 = vector.broadcast %add3A_258 : i32 to vector<16xi32>
            %add3A_262 = vector.broadcast %squeeze3A_260 : i32 to vector<16xi32>
            %add3A_263 = arith.addi %add3A_262, %iota3A : vector<16xi32>
            tpu.vector_store_idx %arg9[%broadcast_in_dim3A_261, %add3A_263], %broadcast_in_dim3A_230 : memref<128x128xf32, #tpu.memory_space<vmem>>[vector<16xi32>, vector<16xi32>], vector<16xf32>,
            %add3A_264 = arith.constant 16 : i32
            %add3A_265 = arith.addi %squeeze3A_260, %add3A_264 : i32
            %add3A_266 = vector.broadcast %add3A_265 : i32 to vector<16xi32>
            %add3A_267 = arith.addi %add3A_266, %iota3A : vector<16xi32>
            tpu.vector_store_idx %arg9[%broadcast_in_dim3A_261, %add3A_267], %broadcast_in_dim3A_230 : memref<128x128xf32, #tpu.memory_space<vmem>>[vector<16xi32>, vector<16xi32>], vector<16xf32>,
            %mul3A_268 = arith.constant 16 : i32
            %mul3A_269 = arith.muli %scan3A_174, %mul3A_268 : i32
            %add3A_270 = arith.constant 3 : i32
            %add3A_271 = arith.addi %mul3A_269, %add3A_270 : i32
            %slice3A_272 = vector.extract_strided_slice %mul3A_219 {offsets = [3], sizes = [1], strides = [1]} : vector<16xi32> to vector<1xi32>
            %squeeze3A_273 = vector.extract %slice3A_272[0] : i32 from vector<1xi32>
            %broadcast_in_dim3A_274 = vector.broadcast %add3A_271 : i32 to vector<16xi32>
            %add3A_275 = vector.broadcast %squeeze3A_273 : i32 to vector<16xi32>
            %add3A_276 = arith.addi %add3A_275, %iota3A : vector<16xi32>
            tpu.vector_store_idx %arg9[%broadcast_in_dim3A_274, %add3A_276], %broadcast_in_dim3A_230 : memref<128x128xf32, #tpu.memory_space<vmem>>[vector<16xi32>, vector<16xi32>], vector<16xf32>,
            %add3A_277 = arith.constant 16 : i32
            %add3A_278 = arith.addi %squeeze3A_273, %add3A_277 : i32
            %add3A_279 = vector.broadcast %add3A_278 : i32 to vector<16xi32>
            %add3A_280 = arith.addi %add3A_279, %iota3A : vector<16xi32>
            tpu.vector_store_idx %arg9[%broadcast_in_dim3A_274, %add3A_280], %broadcast_in_dim3A_230 : memref<128x128xf32, #tpu.memory_space<vmem>>[vector<16xi32>, vector<16xi32>], vector<16xf32>,
            %mul3A_281 = arith.constant 16 : i32
            %mul3A_282 = arith.muli %scan3A_174, %mul3A_281 : i32
            %add3A_283 = arith.constant 4 : i32
            %add3A_284 = arith.addi %mul3A_282, %add3A_283 : i32
            %slice3A_285 = vector.extract_strided_slice %mul3A_219 {offsets = [4], sizes = [1], strides = [1]} : vector<16xi32> to vector<1xi32>
            %squeeze3A_286 = vector.extract %slice3A_285[0] : i32 from vector<1xi32>
            %broadcast_in_dim3A_287 = vector.broadcast %add3A_284 : i32 to vector<16xi32>
            %add3A_288 = vector.broadcast %squeeze3A_286 : i32 to vector<16xi32>
            %add3A_289 = arith.addi %add3A_288, %iota3A : vector<16xi32>
            tpu.vector_store_idx %arg9[%broadcast_in_dim3A_287, %add3A_289], %broadcast_in_dim3A_230 : memref<128x128xf32, #tpu.memory_space<vmem>>[vector<16xi32>, vector<16xi32>], vector<16xf32>,
            %add3A_290 = arith.constant 16 : i32
            %add3A_291 = arith.addi %squeeze3A_286, %add3A_290 : i32
            %add3A_292 = vector.broadcast %add3A_291 : i32 to vector<16xi32>
            %add3A_293 = arith.addi %add3A_292, %iota3A : vector<16xi32>
            tpu.vector_store_idx %arg9[%broadcast_in_dim3A_287, %add3A_293], %broadcast_in_dim3A_230 : memref<128x128xf32, #tpu.memory_space<vmem>>[vector<16xi32>, vector<16xi32>], vector<16xf32>,
            %mul3A_294 = arith.constant 16 : i32
            %mul3A_295 = arith.muli %scan3A_174, %mul3A_294 : i32
            %add3A_296 = arith.constant 5 : i32
            %add3A_297 = arith.addi %mul3A_295, %add3A_296 : i32
            %slice3A_298 = vector.extract_strided_slice %mul3A_219 {offsets = [5], sizes = [1], strides = [1]} : vector<16xi32> to vector<1xi32>
            %squeeze3A_299 = vector.extract %slice3A_298[0] : i32 from vector<1xi32>
            %broadcast_in_dim3A_300 = vector.broadcast %add3A_297 : i32 to vector<16xi32>
            %add3A_301 = vector.broadcast %squeeze3A_299 : i32 to vector<16xi32>
            %add3A_302 = arith.addi %add3A_301, %iota3A : vector<16xi32>
            tpu.vector_store_idx %arg9[%broadcast_in_dim3A_300, %add3A_302], %broadcast_in_dim3A_230 : memref<128x128xf32, #tpu.memory_space<vmem>>[vector<16xi32>, vector<16xi32>], vector<16xf32>,
            %add3A_303 = arith.constant 16 : i32
            %add3A_304 = arith.addi %squeeze3A_299, %add3A_303 : i32
            %add3A_305 = vector.broadcast %add3A_304 : i32 to vector<16xi32>
            %add3A_306 = arith.addi %add3A_305, %iota3A : vector<16xi32>
            tpu.vector_store_idx %arg9[%broadcast_in_dim3A_300, %add3A_306], %broadcast_in_dim3A_230 : memref<128x128xf32, #tpu.memory_space<vmem>>[vector<16xi32>, vector<16xi32>], vector<16xf32>,
            %mul3A_307 = arith.constant 16 : i32
            %mul3A_308 = arith.muli %scan3A_174, %mul3A_307 : i32
            %add3A_309 = arith.constant 6 : i32
            %add3A_310 = arith.addi %mul3A_308, %add3A_309 : i32
            %slice3A_311 = vector.extract_strided_slice %mul3A_219 {offsets = [6], sizes = [1], strides = [1]} : vector<16xi32> to vector<1xi32>
            %squeeze3A_312 = vector.extract %slice3A_311[0] : i32 from vector<1xi32>
            %broadcast_in_dim3A_313 = vector.broadcast %add3A_310 : i32 to vector<16xi32>
            %add3A_314 = vector.broadcast %squeeze3A_312 : i32 to vector<16xi32>
            %add3A_315 = arith.addi %add3A_314, %iota3A : vector<16xi32>
            tpu.vector_store_idx %arg9[%broadcast_in_dim3A_313, %add3A_315], %broadcast_in_dim3A_230 : memref<128x128xf32, #tpu.memory_space<vmem>>[vector<16xi32>, vector<16xi32>], vector<16xf32>,
            %add3A_316 = arith.constant 16 : i32
            %add3A_317 = arith.addi %squeeze3A_312, %add3A_316 : i32
            %add3A_318 = vector.broadcast %add3A_317 : i32 to vector<16xi32>
            %add3A_319 = arith.addi %add3A_318, %iota3A : vector<16xi32>
            tpu.vector_store_idx %arg9[%broadcast_in_dim3A_313, %add3A_319], %broadcast_in_dim3A_230 : memref<128x128xf32, #tpu.memory_space<vmem>>[vector<16xi32>, vector<16xi32>], vector<16xf32>,
            %mul3A_320 = arith.constant 16 : i32
            %mul3A_321 = arith.muli %scan3A_174, %mul3A_320 : i32
            %add3A_322 = arith.constant 7 : i32
            %add3A_323 = arith.addi %mul3A_321, %add3A_322 : i32
            %slice3A_324 = vector.extract_strided_slice %mul3A_219 {offsets = [7], sizes = [1], strides = [1]} : vector<16xi32> to vector<1xi32>
            %squeeze3A_325 = vector.extract %slice3A_324[0] : i32 from vector<1xi32>
            %broadcast_in_dim3A_326 = vector.broadcast %add3A_323 : i32 to vector<16xi32>
            %add3A_327 = vector.broadcast %squeeze3A_325 : i32 to vector<16xi32>
            %add3A_328 = arith.addi %add3A_327, %iota3A : vector<16xi32>
            tpu.vector_store_idx %arg9[%broadcast_in_dim3A_326, %add3A_328], %broadcast_in_dim3A_230 : memref<128x128xf32, #tpu.memory_space<vmem>>[vector<16xi32>, vector<16xi32>], vector<16xf32>,
            %add3A_329 = arith.constant 16 : i32
            %add3A_330 = arith.addi %squeeze3A_325, %add3A_329 : i32
            %add3A_331 = vector.broadcast %add3A_330 : i32 to vector<16xi32>
            %add3A_332 = arith.addi %add3A_331, %iota3A : vector<16xi32>
            tpu.vector_store_idx %arg9[%broadcast_in_dim3A_326, %add3A_332], %broadcast_in_dim3A_230 : memref<128x128xf32, #tpu.memory_space<vmem>>[vector<16xi32>, vector<16xi32>], vector<16xf32>,
            %mul3A_333 = arith.constant 16 : i32
            %mul3A_334 = arith.muli %scan3A_174, %mul3A_333 : i32
            %add3A_335 = arith.constant 8 : i32
            %add3A_336 = arith.addi %mul3A_334, %add3A_335 : i32
            %slice3A_337 = vector.extract_strided_slice %mul3A_219 {offsets = [8], sizes = [1], strides = [1]} : vector<16xi32> to vector<1xi32>
            %squeeze3A_338 = vector.extract %slice3A_337[0] : i32 from vector<1xi32>
            %broadcast_in_dim3A_339 = vector.broadcast %add3A_336 : i32 to vector<16xi32>
            %add3A_340 = vector.broadcast %squeeze3A_338 : i32 to vector<16xi32>
            %add3A_341 = arith.addi %add3A_340, %iota3A : vector<16xi32>
            tpu.vector_store_idx %arg9[%broadcast_in_dim3A_339, %add3A_341], %broadcast_in_dim3A_230 : memref<128x128xf32, #tpu.memory_space<vmem>>[vector<16xi32>, vector<16xi32>], vector<16xf32>,
            %add3A_342 = arith.constant 16 : i32
            %add3A_343 = arith.addi %squeeze3A_338, %add3A_342 : i32
            %add3A_344 = vector.broadcast %add3A_343 : i32 to vector<16xi32>
            %add3A_345 = arith.addi %add3A_344, %iota3A : vector<16xi32>
            tpu.vector_store_idx %arg9[%broadcast_in_dim3A_339, %add3A_345], %broadcast_in_dim3A_230 : memref<128x128xf32, #tpu.memory_space<vmem>>[vector<16xi32>, vector<16xi32>], vector<16xf32>,
            %mul3A_346 = arith.constant 16 : i32
            %mul3A_347 = arith.muli %scan3A_174, %mul3A_346 : i32
            %add3A_348 = arith.constant 9 : i32
            %add3A_349 = arith.addi %mul3A_347, %add3A_348 : i32
            %slice3A_350 = vector.extract_strided_slice %mul3A_219 {offsets = [9], sizes = [1], strides = [1]} : vector<16xi32> to vector<1xi32>
            %squeeze3A_351 = vector.extract %slice3A_350[0] : i32 from vector<1xi32>
            %broadcast_in_dim3A_352 = vector.broadcast %add3A_349 : i32 to vector<16xi32>
            %add3A_353 = vector.broadcast %squeeze3A_351 : i32 to vector<16xi32>
            %add3A_354 = arith.addi %add3A_353, %iota3A : vector<16xi32>
            tpu.vector_store_idx %arg9[%broadcast_in_dim3A_352, %add3A_354], %broadcast_in_dim3A_230 : memref<128x128xf32, #tpu.memory_space<vmem>>[vector<16xi32>, vector<16xi32>], vector<16xf32>,
            %add3A_355 = arith.constant 16 : i32
            %add3A_356 = arith.addi %squeeze3A_351, %add3A_355 : i32
            %add3A_357 = vector.broadcast %add3A_356 : i32 to vector<16xi32>
            %add3A_358 = arith.addi %add3A_357, %iota3A : vector<16xi32>
            tpu.vector_store_idx %arg9[%broadcast_in_dim3A_352, %add3A_358], %broadcast_in_dim3A_230 : memref<128x128xf32, #tpu.memory_space<vmem>>[vector<16xi32>, vector<16xi32>], vector<16xf32>,
            %mul3A_359 = arith.constant 16 : i32
            %mul3A_360 = arith.muli %scan3A_174, %mul3A_359 : i32
            %add3A_361 = arith.constant 10 : i32
            %add3A_362 = arith.addi %mul3A_360, %add3A_361 : i32
            %slice3A_363 = vector.extract_strided_slice %mul3A_219 {offsets = [10], sizes = [1], strides = [1]} : vector<16xi32> to vector<1xi32>
            %squeeze3A_364 = vector.extract %slice3A_363[0] : i32 from vector<1xi32>
            %broadcast_in_dim3A_365 = vector.broadcast %add3A_362 : i32 to vector<16xi32>
            %add3A_366 = vector.broadcast %squeeze3A_364 : i32 to vector<16xi32>
            %add3A_367 = arith.addi %add3A_366, %iota3A : vector<16xi32>
            tpu.vector_store_idx %arg9[%broadcast_in_dim3A_365, %add3A_367], %broadcast_in_dim3A_230 : memref<128x128xf32, #tpu.memory_space<vmem>>[vector<16xi32>, vector<16xi32>], vector<16xf32>,
            %add3A_368 = arith.constant 16 : i32
            %add3A_369 = arith.addi %squeeze3A_364, %add3A_368 : i32
            %add3A_370 = vector.broadcast %add3A_369 : i32 to vector<16xi32>
            %add3A_371 = arith.addi %add3A_370, %iota3A : vector<16xi32>
            tpu.vector_store_idx %arg9[%broadcast_in_dim3A_365, %add3A_371], %broadcast_in_dim3A_230 : memref<128x128xf32, #tpu.memory_space<vmem>>[vector<16xi32>, vector<16xi32>], vector<16xf32>,
            %mul3A_372 = arith.constant 16 : i32
            %mul3A_373 = arith.muli %scan3A_174, %mul3A_372 : i32
            %add3A_374 = arith.constant 11 : i32
            %add3A_375 = arith.addi %mul3A_373, %add3A_374 : i32
            %slice3A_376 = vector.extract_strided_slice %mul3A_219 {offsets = [11], sizes = [1], strides = [1]} : vector<16xi32> to vector<1xi32>
            %squeeze3A_377 = vector.extract %slice3A_376[0] : i32 from vector<1xi32>
            %broadcast_in_dim3A_378 = vector.broadcast %add3A_375 : i32 to vector<16xi32>
            %add3A_379 = vector.broadcast %squeeze3A_377 : i32 to vector<16xi32>
            %add3A_380 = arith.addi %add3A_379, %iota3A : vector<16xi32>
            tpu.vector_store_idx %arg9[%broadcast_in_dim3A_378, %add3A_380], %broadcast_in_dim3A_230 : memref<128x128xf32, #tpu.memory_space<vmem>>[vector<16xi32>, vector<16xi32>], vector<16xf32>,
            %add3A_381 = arith.constant 16 : i32
            %add3A_382 = arith.addi %squeeze3A_377, %add3A_381 : i32
            %add3A_383 = vector.broadcast %add3A_382 : i32 to vector<16xi32>
            %add3A_384 = arith.addi %add3A_383, %iota3A : vector<16xi32>
            tpu.vector_store_idx %arg9[%broadcast_in_dim3A_378, %add3A_384], %broadcast_in_dim3A_230 : memref<128x128xf32, #tpu.memory_space<vmem>>[vector<16xi32>, vector<16xi32>], vector<16xf32>,
            %mul3A_385 = arith.constant 16 : i32
            %mul3A_386 = arith.muli %scan3A_174, %mul3A_385 : i32
            %add3A_387 = arith.constant 12 : i32
            %add3A_388 = arith.addi %mul3A_386, %add3A_387 : i32
            %slice3A_389 = vector.extract_strided_slice %mul3A_219 {offsets = [12], sizes = [1], strides = [1]} : vector<16xi32> to vector<1xi32>
            %squeeze3A_390 = vector.extract %slice3A_389[0] : i32 from vector<1xi32>
            %broadcast_in_dim3A_391 = vector.broadcast %add3A_388 : i32 to vector<16xi32>
            %add3A_392 = vector.broadcast %squeeze3A_390 : i32 to vector<16xi32>
            %add3A_393 = arith.addi %add3A_392, %iota3A : vector<16xi32>
            tpu.vector_store_idx %arg9[%broadcast_in_dim3A_391, %add3A_393], %broadcast_in_dim3A_230 : memref<128x128xf32, #tpu.memory_space<vmem>>[vector<16xi32>, vector<16xi32>], vector<16xf32>,
            %add3A_394 = arith.constant 16 : i32
            %add3A_395 = arith.addi %squeeze3A_390, %add3A_394 : i32
            %add3A_396 = vector.broadcast %add3A_395 : i32 to vector<16xi32>
            %add3A_397 = arith.addi %add3A_396, %iota3A : vector<16xi32>
            tpu.vector_store_idx %arg9[%broadcast_in_dim3A_391, %add3A_397], %broadcast_in_dim3A_230 : memref<128x128xf32, #tpu.memory_space<vmem>>[vector<16xi32>, vector<16xi32>], vector<16xf32>,
            %mul3A_398 = arith.constant 16 : i32
            %mul3A_399 = arith.muli %scan3A_174, %mul3A_398 : i32
            %add3A_400 = arith.constant 13 : i32
            %add3A_401 = arith.addi %mul3A_399, %add3A_400 : i32
            %slice3A_402 = vector.extract_strided_slice %mul3A_219 {offsets = [13], sizes = [1], strides = [1]} : vector<16xi32> to vector<1xi32>
            %squeeze3A_403 = vector.extract %slice3A_402[0] : i32 from vector<1xi32>
            %broadcast_in_dim3A_404 = vector.broadcast %add3A_401 : i32 to vector<16xi32>
            %add3A_405 = vector.broadcast %squeeze3A_403 : i32 to vector<16xi32>
            %add3A_406 = arith.addi %add3A_405, %iota3A : vector<16xi32>
            tpu.vector_store_idx %arg9[%broadcast_in_dim3A_404, %add3A_406], %broadcast_in_dim3A_230 : memref<128x128xf32, #tpu.memory_space<vmem>>[vector<16xi32>, vector<16xi32>], vector<16xf32>,
            %add3A_407 = arith.constant 16 : i32
            %add3A_408 = arith.addi %squeeze3A_403, %add3A_407 : i32
            %add3A_409 = vector.broadcast %add3A_408 : i32 to vector<16xi32>
            %add3A_410 = arith.addi %add3A_409, %iota3A : vector<16xi32>
            tpu.vector_store_idx %arg9[%broadcast_in_dim3A_404, %add3A_410], %broadcast_in_dim3A_230 : memref<128x128xf32, #tpu.memory_space<vmem>>[vector<16xi32>, vector<16xi32>], vector<16xf32>,
            %mul3A_411 = arith.constant 16 : i32
            %mul3A_412 = arith.muli %scan3A_174, %mul3A_411 : i32
            %add3A_413 = arith.constant 14 : i32
            %add3A_414 = arith.addi %mul3A_412, %add3A_413 : i32
            %slice3A_415 = vector.extract_strided_slice %mul3A_219 {offsets = [14], sizes = [1], strides = [1]} : vector<16xi32> to vector<1xi32>
            %squeeze3A_416 = vector.extract %slice3A_415[0] : i32 from vector<1xi32>
            %broadcast_in_dim3A_417 = vector.broadcast %add3A_414 : i32 to vector<16xi32>
            %add3A_418 = vector.broadcast %squeeze3A_416 : i32 to vector<16xi32>
            %add3A_419 = arith.addi %add3A_418, %iota3A : vector<16xi32>
            tpu.vector_store_idx %arg9[%broadcast_in_dim3A_417, %add3A_419], %broadcast_in_dim3A_230 : memref<128x128xf32, #tpu.memory_space<vmem>>[vector<16xi32>, vector<16xi32>], vector<16xf32>,
            %add3A_420 = arith.constant 16 : i32
            %add3A_421 = arith.addi %squeeze3A_416, %add3A_420 : i32
            %add3A_422 = vector.broadcast %add3A_421 : i32 to vector<16xi32>
            %add3A_423 = arith.addi %add3A_422, %iota3A : vector<16xi32>
            tpu.vector_store_idx %arg9[%broadcast_in_dim3A_417, %add3A_423], %broadcast_in_dim3A_230 : memref<128x128xf32, #tpu.memory_space<vmem>>[vector<16xi32>, vector<16xi32>], vector<16xf32>,
            %mul3A_424 = arith.constant 16 : i32
            %mul3A_425 = arith.muli %scan3A_174, %mul3A_424 : i32
            %add3A_426 = arith.constant 15 : i32
            %add3A_427 = arith.addi %mul3A_425, %add3A_426 : i32
            %slice3A_428 = vector.extract_strided_slice %mul3A_219 {offsets = [15], sizes = [1], strides = [1]} : vector<16xi32> to vector<1xi32>
            %squeeze3A_429 = vector.extract %slice3A_428[0] : i32 from vector<1xi32>
            %broadcast_in_dim3A_430 = vector.broadcast %add3A_427 : i32 to vector<16xi32>
            %add3A_431 = vector.broadcast %squeeze3A_429 : i32 to vector<16xi32>
            %add3A_432 = arith.addi %add3A_431, %iota3A : vector<16xi32>
            tpu.vector_store_idx %arg9[%broadcast_in_dim3A_430, %add3A_432], %broadcast_in_dim3A_230 : memref<128x128xf32, #tpu.memory_space<vmem>>[vector<16xi32>, vector<16xi32>], vector<16xf32>,
            %add3A_433 = arith.constant 16 : i32
            %add3A_434 = arith.addi %squeeze3A_429, %add3A_433 : i32
            %add3A_435 = vector.broadcast %add3A_434 : i32 to vector<16xi32>
            %add3A_436 = arith.addi %add3A_435, %iota3A : vector<16xi32>
            tpu.vector_store_idx %arg9[%broadcast_in_dim3A_430, %add3A_436], %broadcast_in_dim3A_230 : memref<128x128xf32, #tpu.memory_space<vmem>>[vector<16xi32>, vector<16xi32>], vector<16xf32>,
            %scan3A_437 = arith.constant 0 : i32
            scf.yield %scan3A_437 : i32
          }
          %scan3A_172 = arith.constant 8 : i32
          %while3A_173 = arith.constant 0 : i32
          scf.yield %while3A_173 : i32
        }
        %scan3A_138 = arith.constant 0 : i32
        scf.yield %scan3A_138 : i32
      }
      %scan3A_47 = arith.constant 4 : i32
      %barrier3A_48 = arith.constant 0 : index
      tpu.barrier barrier_id(%barrier3A_48)
      %mul3A_49 = arith.constant 512 : i32
      %mul3A_50 = arith.muli %arg1, %mul3A_49 : i32
      %mul3A_51 = arith.constant 512 : i32
      %mul3A_52 = arith.muli %arg1, %mul3A_51 : i32
      %add3A_53 = arith.addi %mul3A_24, %mul3A_52 : i32
      "tpu.region"() ({
        %run_scoped3A = tpu.sem_alloc : memref<!tpu.dma_semaphore, #tpu.memory_space<semaphore_mem>>
        %dma_start3A = arith.constant 0 : i32
        %dma_start3A_56 = tpu.memref_slice %arg4[%add3A_53, %dma_start3A] : memref<131072x128xf32, #tpu.memory_space<hbm>> -> memref<512x128xf32, #tpu.memory_space<hbm>>
        %dma_start3A_57 = arith.constant 0 : i32
        %dma_start3A_58 = tpu.memref_slice %arg5[%mul3A_50, %dma_start3A_57] : memref<8200x128xf32, #tpu.memory_space<vmem_shared>> -> memref<512x128xf32, #tpu.memory_space<vmem_shared>>
        tpu.enqueue_dma source(%dma_start3A_58 : memref<512x128xf32, #tpu.memory_space<vmem_shared>>) target(%dma_start3A_56 : memref<512x128xf32, #tpu.memory_space<hbm>>) target_semaphore(%run_scoped3A : memref<!tpu.dma_semaphore, #tpu.memory_space<semaphore_mem>>)
        %dma_wait3A = arith.constant 0 : i32
        %dma_wait3A_59 = tpu.memref_slice %arg4[%add3A_53, %dma_wait3A] : memref<131072x128xf32, #tpu.memory_space<hbm>> -> memref<512x128xf32, #tpu.memory_space<hbm>>
        %dma_wait3A_60 = arith.constant 0 : i32
        %dma_wait3A_61 = tpu.memref_slice %arg5[%mul3A_50, %dma_wait3A_60] : memref<8200x128xf32, #tpu.memory_space<vmem_shared>> -> memref<512x128xf32, #tpu.memory_space<vmem_shared>>
        tpu.wait_dma2 semaphore(%run_scoped3A : memref<!tpu.dma_semaphore, #tpu.memory_space<semaphore_mem>>) src(%dma_wait3A_61 : memref<512x128xf32, #tpu.memory_space<vmem_shared>>) dst(%dma_wait3A_59 : memref<512x128xf32, #tpu.memory_space<hbm>>)
        tpu.yield
      }) : () -> ()
      %barrier3A_54 = arith.constant 0 : index
      tpu.barrier barrier_id(%barrier3A_54)
      %scan3A_55 = arith.constant 0 : i32
      scf.yield %scan3A_55 : i32
    }
    %scan3A_13 = arith.constant 8 : i32
    return
  }
}

module attributes {stable_mosaic.version = 14 : i64} {
  func.func @_tc1_body(%arg0: i32, %arg1: memref<8xf32, #tpu.memory_space<smem>>, %arg2: memref<8xf32, #tpu.memory_space<smem>>, %arg3: memref<1x32xf32, #tpu.memory_space<vmem>>, %arg4: memref<1x1x4096xf32, #tpu.memory_space<vmem>>, %arg5: memref<1x1x4096xi32, #tpu.memory_space<vmem>>, %arg6: memref<1x1x4096xi32, #tpu.memory_space<vmem>>, %arg7: memref<4096x32xf32, #tpu.memory_space<vmem>>, %arg8: memref<1024x128xf32, #tpu.memory_space<vmem>>, %arg9: memref<1x1x4096xi32, #tpu.memory_space<vmem>>) attributes {dimension_semantics = [#tpu.dimension_semantics<arbitrary>], iteration_bounds = array<i64: 128>, scalar_prefetch = 0 : i64, scratch_operands = 0 : i64, tpu.core_type = #tpu.core_type<tc>, window_params = [{transform_indices = @transform_0, window_bounds = array<i64: 8>}, {transform_indices = @transform_1, window_bounds = array<i64: 8>}, {pipeline_mode = #tpu.pipeline_mode<synchronous>, transform_indices = @transform_2, window_bounds = array<i64: 1, 32>}, {transform_indices = @transform_3, window_bounds = array<i64: 1, 1, 4096>}, {transform_indices = @transform_4, window_bounds = array<i64: 1, 1, 4096>}, {transform_indices = @transform_5, window_bounds = array<i64: 1, 1, 4096>}, {transform_indices = @transform_6, window_bounds = array<i64: 4096, 32>}, {transform_indices = @transform_7, window_bounds = array<i64: 1024, 128>}, {transform_indices = @transform_8, window_bounds = array<i64: 1, 1, 4096>}]} {
    %get3A = arith.constant 0 : index
    %get3A_0 = arith.constant 0 : index
    %get3A_1 = arith.constant 0 : index
    %get3A_2 = vector.load %arg4[%get3A, %get3A_0, %get3A_1] : memref<1x1x4096xf32, #tpu.memory_space<vmem>>, vector<1x1x4096xf32>
    %get3A_3 = vector.shape_cast %get3A_2 : vector<1x1x4096xf32> to vector<4096xf32>
    %get3A_4 = arith.constant 0 : index
    %get3A_5 = arith.constant 0 : index
    %get3A_6 = arith.constant 0 : index
    %get3A_7 = vector.load %arg5[%get3A_4, %get3A_5, %get3A_6] : memref<1x1x4096xi32, #tpu.memory_space<vmem>>, vector<1x1x4096xi32>
    %get3A_8 = vector.shape_cast %get3A_7 : vector<1x1x4096xi32> to vector<4096xi32>
    %get3A_9 = arith.constant 0 : index
    %get3A_10 = arith.constant 0 : index
    %get3A_11 = arith.constant 0 : index
    %get3A_12 = vector.load %arg6[%get3A_9, %get3A_10, %get3A_11] : memref<1x1x4096xi32, #tpu.memory_space<vmem>>, vector<1x1x4096xi32>
    %get3A_13 = vector.shape_cast %get3A_12 : vector<1x1x4096xi32> to vector<4096xi32>
    %broadcast_in_dim3A = arith.constant 0.000000e+00 : f32
    %broadcast_in_dim3A_14 = vector.broadcast %broadcast_in_dim3A : f32 to vector<4096xf32>
    %broadcast_in_dim3A_15 = arith.constant 0.000000e+00 : f32
    %broadcast_in_dim3A_16 = vector.broadcast %broadcast_in_dim3A_15 : f32 to vector<4096xf32>
    %eq3A = arith.constant 0 : i32
    %eq3A_17 = vector.broadcast %eq3A : i32 to vector<4096xi32>
    %eq3A_18 = arith.cmpi eq, %get3A_8, %eq3A_17 : vector<4096xi32>
    %get3A_19 = arith.constant 0 : index
    %get3A_20 = memref.load %arg1[%get3A_19] : memref<8xf32, #tpu.memory_space<smem>>
    %broadcast_in_dim3A_21 = vector.broadcast %get3A_20 : f32 to vector<4096xf32>
    %select_n3A = arith.select %eq3A_18, %broadcast_in_dim3A_21, %broadcast_in_dim3A_14 : vector<4096xi1>, vector<4096xf32>
    %eq3A_22 = arith.constant 0 : i32
    %eq3A_23 = vector.broadcast %eq3A_22 : i32 to vector<4096xi32>
    %eq3A_24 = arith.cmpi eq, %get3A_8, %eq3A_23 : vector<4096xi32>
    %get3A_25 = arith.constant 0 : index
    %get3A_26 = memref.load %arg2[%get3A_25] : memref<8xf32, #tpu.memory_space<smem>>
    %broadcast_in_dim3A_27 = vector.broadcast %get3A_26 : f32 to vector<4096xf32>
    %select_n3A_28 = arith.select %eq3A_24, %broadcast_in_dim3A_27, %broadcast_in_dim3A_16 : vector<4096xi1>, vector<4096xf32>
    %eq3A_29 = arith.constant 1 : i32
    %eq3A_30 = vector.broadcast %eq3A_29 : i32 to vector<4096xi32>
    %eq3A_31 = arith.cmpi eq, %get3A_8, %eq3A_30 : vector<4096xi32>
    %get3A_32 = arith.constant 1 : index
    %get3A_33 = memref.load %arg1[%get3A_32] : memref<8xf32, #tpu.memory_space<smem>>
    %broadcast_in_dim3A_34 = vector.broadcast %get3A_33 : f32 to vector<4096xf32>
    %select_n3A_35 = arith.select %eq3A_31, %broadcast_in_dim3A_34, %select_n3A : vector<4096xi1>, vector<4096xf32>
    %eq3A_36 = arith.constant 1 : i32
    %eq3A_37 = vector.broadcast %eq3A_36 : i32 to vector<4096xi32>
    %eq3A_38 = arith.cmpi eq, %get3A_8, %eq3A_37 : vector<4096xi32>
    %get3A_39 = arith.constant 1 : index
    %get3A_40 = memref.load %arg2[%get3A_39] : memref<8xf32, #tpu.memory_space<smem>>
    %broadcast_in_dim3A_41 = vector.broadcast %get3A_40 : f32 to vector<4096xf32>
    %select_n3A_42 = arith.select %eq3A_38, %broadcast_in_dim3A_41, %select_n3A_28 : vector<4096xi1>, vector<4096xf32>
    %eq3A_43 = arith.constant 2 : i32
    %eq3A_44 = vector.broadcast %eq3A_43 : i32 to vector<4096xi32>
    %eq3A_45 = arith.cmpi eq, %get3A_8, %eq3A_44 : vector<4096xi32>
    %get3A_46 = arith.constant 2 : index
    %get3A_47 = memref.load %arg1[%get3A_46] : memref<8xf32, #tpu.memory_space<smem>>
    %broadcast_in_dim3A_48 = vector.broadcast %get3A_47 : f32 to vector<4096xf32>
    %select_n3A_49 = arith.select %eq3A_45, %broadcast_in_dim3A_48, %select_n3A_35 : vector<4096xi1>, vector<4096xf32>
    %eq3A_50 = arith.constant 2 : i32
    %eq3A_51 = vector.broadcast %eq3A_50 : i32 to vector<4096xi32>
    %eq3A_52 = arith.cmpi eq, %get3A_8, %eq3A_51 : vector<4096xi32>
    %get3A_53 = arith.constant 2 : index
    %get3A_54 = memref.load %arg2[%get3A_53] : memref<8xf32, #tpu.memory_space<smem>>
    %broadcast_in_dim3A_55 = vector.broadcast %get3A_54 : f32 to vector<4096xf32>
    %select_n3A_56 = arith.select %eq3A_52, %broadcast_in_dim3A_55, %select_n3A_42 : vector<4096xi1>, vector<4096xf32>
    %eq3A_57 = arith.constant 3 : i32
    %eq3A_58 = vector.broadcast %eq3A_57 : i32 to vector<4096xi32>
    %eq3A_59 = arith.cmpi eq, %get3A_8, %eq3A_58 : vector<4096xi32>
    %get3A_60 = arith.constant 3 : index
    %get3A_61 = memref.load %arg1[%get3A_60] : memref<8xf32, #tpu.memory_space<smem>>
    %broadcast_in_dim3A_62 = vector.broadcast %get3A_61 : f32 to vector<4096xf32>
    %select_n3A_63 = arith.select %eq3A_59, %broadcast_in_dim3A_62, %select_n3A_49 : vector<4096xi1>, vector<4096xf32>
    %eq3A_64 = arith.constant 3 : i32
    %eq3A_65 = vector.broadcast %eq3A_64 : i32 to vector<4096xi32>
    %eq3A_66 = arith.cmpi eq, %get3A_8, %eq3A_65 : vector<4096xi32>
    %get3A_67 = arith.constant 3 : index
    %get3A_68 = memref.load %arg2[%get3A_67] : memref<8xf32, #tpu.memory_space<smem>>
    %broadcast_in_dim3A_69 = vector.broadcast %get3A_68 : f32 to vector<4096xf32>
    %select_n3A_70 = arith.select %eq3A_66, %broadcast_in_dim3A_69, %select_n3A_56 : vector<4096xi1>, vector<4096xf32>
    %eq3A_71 = arith.constant 4 : i32
    %eq3A_72 = vector.broadcast %eq3A_71 : i32 to vector<4096xi32>
    %eq3A_73 = arith.cmpi eq, %get3A_8, %eq3A_72 : vector<4096xi32>
    %get3A_74 = arith.constant 4 : index
    %get3A_75 = memref.load %arg1[%get3A_74] : memref<8xf32, #tpu.memory_space<smem>>
    %broadcast_in_dim3A_76 = vector.broadcast %get3A_75 : f32 to vector<4096xf32>
    %select_n3A_77 = arith.select %eq3A_73, %broadcast_in_dim3A_76, %select_n3A_63 : vector<4096xi1>, vector<4096xf32>
    %eq3A_78 = arith.constant 4 : i32
    %eq3A_79 = vector.broadcast %eq3A_78 : i32 to vector<4096xi32>
    %eq3A_80 = arith.cmpi eq, %get3A_8, %eq3A_79 : vector<4096xi32>
    %get3A_81 = arith.constant 4 : index
    %get3A_82 = memref.load %arg2[%get3A_81] : memref<8xf32, #tpu.memory_space<smem>>
    %broadcast_in_dim3A_83 = vector.broadcast %get3A_82 : f32 to vector<4096xf32>
    %select_n3A_84 = arith.select %eq3A_80, %broadcast_in_dim3A_83, %select_n3A_70 : vector<4096xi1>, vector<4096xf32>
    %eq3A_85 = arith.constant 5 : i32
    %eq3A_86 = vector.broadcast %eq3A_85 : i32 to vector<4096xi32>
    %eq3A_87 = arith.cmpi eq, %get3A_8, %eq3A_86 : vector<4096xi32>
    %get3A_88 = arith.constant 5 : index
    %get3A_89 = memref.load %arg1[%get3A_88] : memref<8xf32, #tpu.memory_space<smem>>
    %broadcast_in_dim3A_90 = vector.broadcast %get3A_89 : f32 to vector<4096xf32>
    %select_n3A_91 = arith.select %eq3A_87, %broadcast_in_dim3A_90, %select_n3A_77 : vector<4096xi1>, vector<4096xf32>
    %eq3A_92 = arith.constant 5 : i32
    %eq3A_93 = vector.broadcast %eq3A_92 : i32 to vector<4096xi32>
    %eq3A_94 = arith.cmpi eq, %get3A_8, %eq3A_93 : vector<4096xi32>
    %get3A_95 = arith.constant 5 : index
    %get3A_96 = memref.load %arg2[%get3A_95] : memref<8xf32, #tpu.memory_space<smem>>
    %broadcast_in_dim3A_97 = vector.broadcast %get3A_96 : f32 to vector<4096xf32>
    %select_n3A_98 = arith.select %eq3A_94, %broadcast_in_dim3A_97, %select_n3A_84 : vector<4096xi1>, vector<4096xf32>
    %eq3A_99 = arith.constant 6 : i32
    %eq3A_100 = vector.broadcast %eq3A_99 : i32 to vector<4096xi32>
    %eq3A_101 = arith.cmpi eq, %get3A_8, %eq3A_100 : vector<4096xi32>
    %get3A_102 = arith.constant 6 : index
    %get3A_103 = memref.load %arg1[%get3A_102] : memref<8xf32, #tpu.memory_space<smem>>
    %broadcast_in_dim3A_104 = vector.broadcast %get3A_103 : f32 to vector<4096xf32>
    %select_n3A_105 = arith.select %eq3A_101, %broadcast_in_dim3A_104, %select_n3A_91 : vector<4096xi1>, vector<4096xf32>
    %eq3A_106 = arith.constant 6 : i32
    %eq3A_107 = vector.broadcast %eq3A_106 : i32 to vector<4096xi32>
    %eq3A_108 = arith.cmpi eq, %get3A_8, %eq3A_107 : vector<4096xi32>
    %get3A_109 = arith.constant 6 : index
    %get3A_110 = memref.load %arg2[%get3A_109] : memref<8xf32, #tpu.memory_space<smem>>
    %broadcast_in_dim3A_111 = vector.broadcast %get3A_110 : f32 to vector<4096xf32>
    %select_n3A_112 = arith.select %eq3A_108, %broadcast_in_dim3A_111, %select_n3A_98 : vector<4096xi1>, vector<4096xf32>
    %eq3A_113 = arith.constant 7 : i32
    %eq3A_114 = vector.broadcast %eq3A_113 : i32 to vector<4096xi32>
    %eq3A_115 = arith.cmpi eq, %get3A_8, %eq3A_114 : vector<4096xi32>
    %get3A_116 = arith.constant 7 : index
    %get3A_117 = memref.load %arg1[%get3A_116] : memref<8xf32, #tpu.memory_space<smem>>
    %broadcast_in_dim3A_118 = vector.broadcast %get3A_117 : f32 to vector<4096xf32>
    %select_n3A_119 = arith.select %eq3A_115, %broadcast_in_dim3A_118, %select_n3A_105 : vector<4096xi1>, vector<4096xf32>
    %eq3A_120 = arith.constant 7 : i32
    %eq3A_121 = vector.broadcast %eq3A_120 : i32 to vector<4096xi32>
    %eq3A_122 = arith.cmpi eq, %get3A_8, %eq3A_121 : vector<4096xi32>
    %get3A_123 = arith.constant 7 : index
    %get3A_124 = memref.load %arg2[%get3A_123] : memref<8xf32, #tpu.memory_space<smem>>
    %broadcast_in_dim3A_125 = vector.broadcast %get3A_124 : f32 to vector<4096xf32>
    %select_n3A_126 = arith.select %eq3A_122, %broadcast_in_dim3A_125, %select_n3A_112 : vector<4096xi1>, vector<4096xf32>
    %sub3A = arith.subf %get3A_3, %select_n3A_119 : vector<4096xf32>
    %div3A = arith.divf %sub3A, %select_n3A_126 : vector<4096xf32>
    %ceil3A = math.ceil %div3A : vector<4096xf32>
    %sub3A_127 = arith.constant 1.000000e+00 : f32
    %sub3A_128 = vector.broadcast %sub3A_127 : f32 to vector<4096xf32>
    %sub3A_129 = arith.subf %ceil3A, %sub3A_128 : vector<4096xf32>
    %jit3A = arith.constant 0.000000e+00 : f32
    %jit3A_130 = arith.constant 1.500000e+01 : f32
    %max3A = vector.broadcast %jit3A : f32 to vector<4096xf32>
    %max3A_131 = arith.maximumf %max3A, %sub3A_129 : vector<4096xf32>
    %min3A = vector.broadcast %jit3A_130 : f32 to vector<4096xf32>
    %min3A_132 = arith.minimumf %min3A, %max3A_131 : vector<4096xf32>
    %add3A = arith.constant 1.000000e+00 : f32
    %add3A_133 = vector.broadcast %add3A : f32 to vector<4096xf32>
    %add3A_134 = arith.addf %min3A_132, %add3A_133 : vector<4096xf32>
    %mul3A = arith.mulf %add3A_134, %select_n3A_126 : vector<4096xf32>
    %add3A_135 = arith.addf %select_n3A_119, %mul3A : vector<4096xf32>
    %sub3A_136 = arith.subf %add3A_135, %get3A_3 : vector<4096xf32>
    %get3A_137 = arith.constant 0 : index
    %get3A_138 = arith.constant 0 : index
    %get3A_139 = vector.load %arg3[%get3A_137, %get3A_138] : memref<1x32xf32, #tpu.memory_space<vmem>>, vector<1x32xf32>
    %get3A_140 = vector.shape_cast %get3A_139 : vector<1x32xf32> to vector<32xf32>
    %broadcast_in_dim3A_141 = vector.shape_cast %sub3A_136 : vector<4096xf32> to vector<4096x1xf32>
    %neg3A = arith.constant 0.000000e+00 : f32
    %neg3A_142 = vector.broadcast %neg3A : f32 to vector<4096x1xf32>
    %neg3A_143 = arith.subf %neg3A_142, %broadcast_in_dim3A_141 : vector<4096x1xf32>
    %broadcast_in_dim3A_144 = vector.shape_cast %get3A_140 : vector<32xf32> to vector<1x32xf32>
    %mul3A_145 = vector.broadcast %neg3A_143 : vector<4096x1xf32> to vector<4096x32xf32>
    %mul3A_146 = vector.broadcast %broadcast_in_dim3A_144 : vector<1x32xf32> to vector<4096x32xf32>
    %mul3A_147 = arith.mulf %mul3A_145, %mul3A_146 : vector<4096x32xf32>
    %exp3A = math.exp %mul3A_147 : vector<4096x32xf32>
    %get3A_148 = arith.constant 0 : index
    %get3A_149 = arith.constant 0 : index
    %get3A_150 = vector.load %arg7[%get3A_148, %get3A_149] : memref<4096x32xf32, #tpu.memory_space<vmem>>, vector<4096x32xf32>
    %mul3A_151 = arith.mulf %get3A_150, %exp3A : vector<4096x32xf32>
    %slice3A = vector.extract_strided_slice %mul3A_151 {offsets = [0, 0], sizes = [1024, 32], strides = [1, 1]} : vector<4096x32xf32> to vector<1024x32xf32>
    %swap3A = arith.constant 0 : index
    %swap3A_152 = arith.constant 0 : index
    %swap3A_153 = vector.load %arg8[%swap3A, %swap3A_152] : memref<1024x128xf32, #tpu.memory_space<vmem>>, vector<1024x32xf32>
    tpu.vector_store %arg8[%swap3A, %swap3A_152], %slice3A {strides = array<i32>} : memref<1024x128xf32, #tpu.memory_space<vmem>>, vector<1024x32xf32>,
    %slice3A_154 = vector.extract_strided_slice %mul3A_151 {offsets = [1024, 0], sizes = [1024, 32], strides = [1, 1]} : vector<4096x32xf32> to vector<1024x32xf32>
    %swap3A_155 = arith.constant 0 : index
    %swap3A_156 = arith.constant 32 : index
    %swap3A_157 = vector.load %arg8[%swap3A_155, %swap3A_156] : memref<1024x128xf32, #tpu.memory_space<vmem>>, vector<1024x32xf32>
    tpu.vector_store %arg8[%swap3A_155, %swap3A_156], %slice3A_154 {strides = array<i32>} : memref<1024x128xf32, #tpu.memory_space<vmem>>, vector<1024x32xf32>,
    %slice3A_158 = vector.extract_strided_slice %mul3A_151 {offsets = [2048, 0], sizes = [1024, 32], strides = [1, 1]} : vector<4096x32xf32> to vector<1024x32xf32>
    %swap3A_159 = arith.constant 0 : index
    %swap3A_160 = arith.constant 64 : index
    %swap3A_161 = vector.load %arg8[%swap3A_159, %swap3A_160] : memref<1024x128xf32, #tpu.memory_space<vmem>>, vector<1024x32xf32>
    tpu.vector_store %arg8[%swap3A_159, %swap3A_160], %slice3A_158 {strides = array<i32>} : memref<1024x128xf32, #tpu.memory_space<vmem>>, vector<1024x32xf32>,
    %slice3A_162 = vector.extract_strided_slice %mul3A_151 {offsets = [3072, 0], sizes = [1024, 32], strides = [1, 1]} : vector<4096x32xf32> to vector<1024x32xf32>
    %swap3A_163 = arith.constant 0 : index
    %swap3A_164 = arith.constant 96 : index
    %swap3A_165 = vector.load %arg8[%swap3A_163, %swap3A_164] : memref<1024x128xf32, #tpu.memory_space<vmem>>, vector<1024x32xf32>
    tpu.vector_store %arg8[%swap3A_163, %swap3A_164], %slice3A_162 {strides = array<i32>} : memref<1024x128xf32, #tpu.memory_space<vmem>>, vector<1024x32xf32>,
    %convert_element_type3A = arith.fptosi %min3A_132 : vector<4096xf32> to vector<4096xi32>
    %mul3A_166 = arith.constant 16 : i32
    %mul3A_167 = vector.broadcast %mul3A_166 : i32 to vector<4096xi32>
    %mul3A_168 = arith.muli %get3A_8, %mul3A_167 : vector<4096xi32>
    %add3A_169 = arith.addi %mul3A_168, %convert_element_type3A : vector<4096xi32>
    %mul3A_170 = arith.constant 4096 : i32
    %mul3A_171 = vector.broadcast %mul3A_170 : i32 to vector<4096xi32>
    %mul3A_172 = arith.muli %add3A_169, %mul3A_171 : vector<4096xi32>
    %add3A_173 = arith.addi %mul3A_172, %get3A_13 : vector<4096xi32>
    %swap3A_174 = arith.constant 0 : index
    %swap3A_175 = arith.constant 0 : index
    %swap3A_176 = arith.constant 0 : index
    %swap3A_177 = vector.load %arg9[%swap3A_174, %swap3A_175, %swap3A_176] : memref<1x1x4096xi32, #tpu.memory_space<vmem>>, vector<1x1x4096xi32>
    %swap3A_178 = vector.shape_cast %swap3A_177 : vector<1x1x4096xi32> to vector<4096xi32>
    %swap3A_179 = vector.shape_cast %add3A_173 : vector<4096xi32> to vector<1x1x4096xi32>
    tpu.vector_store %arg9[%swap3A_174, %swap3A_175, %swap3A_176], %swap3A_179 {strides = array<i32>} : memref<1x1x4096xi32, #tpu.memory_space<vmem>>, vector<1x1x4096xi32>,
    return
  }
  func.func @transform_0(%arg0: i32) -> i32 {
    %c0_i32 = arith.constant 0 : i32
    %c0_i32_0 = arith.constant 0 : i32
    return %c0_i32 : i32
  }
  func.func @transform_1(%arg0: i32) -> i32 {
    %c0_i32 = arith.constant 0 : i32
    %c0_i32_0 = arith.constant 0 : i32
    return %c0_i32 : i32
  }
  func.func @transform_2(%arg0: i32) -> (i32, i32) {
    %c0_i32 = arith.constant 0 : i32
    %c0_i32_0 = arith.constant 0 : i32
    %c0_i32_1 = arith.constant 0 : i32
    return %c0_i32, %c0_i32_0 : i32, i32
  }
  func.func @transform_3(%arg0: i32) -> (i32, i32, i32) {
    %c0_i32 = arith.constant 0 : i32
    %c0_i32_0 = arith.constant 0 : i32
    %c0_i32_1 = arith.constant 0 : i32
    return %arg0, %c0_i32, %c0_i32_0 : i32, i32, i32
  }
  func.func @transform_4(%arg0: i32) -> (i32, i32, i32) {
    %c0_i32 = arith.constant 0 : i32
    %c0_i32_0 = arith.constant 0 : i32
    %c0_i32_1 = arith.constant 0 : i32
    return %arg0, %c0_i32, %c0_i32_0 : i32, i32, i32
  }
  func.func @transform_5(%arg0: i32) -> (i32, i32, i32) {
    %c0_i32 = arith.constant 0 : i32
    %c0_i32_0 = arith.constant 0 : i32
    %c0_i32_1 = arith.constant 0 : i32
    return %arg0, %c0_i32, %c0_i32_0 : i32, i32, i32
  }
  func.func @transform_6(%arg0: i32) -> (i32, i32) {
    %c0_i32 = arith.constant 0 : i32
    %c0_i32_0 = arith.constant 0 : i32
    return %arg0, %c0_i32 : i32, i32
  }
  func.func @transform_7(%arg0: i32) -> (i32, i32) {
    %c0_i32 = arith.constant 0 : i32
    %c0_i32_0 = arith.constant 0 : i32
    return %arg0, %c0_i32 : i32, i32
  }
  func.func @transform_8(%arg0: i32) -> (i32, i32, i32) {
    %c0_i32 = arith.constant 0 : i32
    %c0_i32_0 = arith.constant 0 : i32
    %c0_i32_1 = arith.constant 0 : i32
    return %arg0, %c0_i32, %c0_i32_0 : i32, i32, i32
  }
}

module attributes {stable_mosaic.version = 14 : i64} {
  func.func @_tc2_body(%arg0: i32, %arg1: i32, %arg2: memref<1x1x1x32xf32, #tpu.memory_space<vmem>>, %arg3: memref<512x128xf32, #tpu.memory_space<vmem>>, %arg4: memref<512x128xf32, #tpu.memory_space<vmem>>, %arg5: memref<512x128xf32, #tpu.memory_space<vmem>>, %arg6: memref<512x128xf32, #tpu.memory_space<vmem>>, %arg7: memref<1x16x512x32xf32, #tpu.memory_space<vmem>>) attributes {dimension_semantics = [#tpu.dimension_semantics<arbitrary>, #tpu.dimension_semantics<arbitrary>], iteration_bounds = array<i64: 8, 8>, scalar_prefetch = 0 : i64, scratch_operands = 0 : i64, tpu.core_type = #tpu.core_type<tc>, window_params = [{transform_indices = @transform_0, window_bounds = array<i64: 1, 1, 1, 32>}, {transform_indices = @transform_1, window_bounds = array<i64: 512, 128>}, {transform_indices = @transform_2, window_bounds = array<i64: 512, 128>}, {transform_indices = @transform_3, window_bounds = array<i64: 512, 128>}, {transform_indices = @transform_4, window_bounds = array<i64: 512, 128>}, {transform_indices = @transform_5, window_bounds = array<i64: 1, 16, 512, 32>}]} {
    %get3A = arith.constant 0 : index
    %get3A_0 = arith.constant 0 : index
    %get3A_1 = arith.constant 0 : index
    %get3A_2 = arith.constant 0 : index
    %get3A_3 = vector.load %arg2[%get3A, %get3A_0, %get3A_1, %get3A_2] : memref<1x1x1x32xf32, #tpu.memory_space<vmem>>, vector<1x1x1x32xf32>
    %get3A_4 = vector.shape_cast %get3A_3 : vector<1x1x1x32xf32> to vector<32xf32>
    %get3A_5 = arith.constant 0 : index
    %get3A_6 = arith.constant 0 : index
    %get3A_7 = vector.load %arg3[%get3A_5, %get3A_6] : memref<512x128xf32, #tpu.memory_space<vmem>>, vector<512x128xf32>
    %get3A_8 = arith.constant 0 : index
    %get3A_9 = arith.constant 0 : index
    %get3A_10 = vector.load %arg4[%get3A_8, %get3A_9] : memref<512x128xf32, #tpu.memory_space<vmem>>, vector<512x128xf32>
    %get3A_11 = arith.constant 0 : index
    %get3A_12 = arith.constant 0 : index
    %get3A_13 = vector.load %arg5[%get3A_11, %get3A_12] : memref<512x128xf32, #tpu.memory_space<vmem>>, vector<512x128xf32>
    %get3A_14 = arith.constant 0 : index
    %get3A_15 = arith.constant 0 : index
    %get3A_16 = vector.load %arg6[%get3A_14, %get3A_15] : memref<512x128xf32, #tpu.memory_space<vmem>>, vector<512x128xf32>
    %slice3A = vector.extract_strided_slice %get3A_7 {offsets = [0, 0], sizes = [512, 32], strides = [1, 1]} : vector<512x128xf32> to vector<512x32xf32>
    %swap3A = arith.constant 0 : index
    %swap3A_17 = arith.constant 0 : index
    %swap3A_18 = arith.constant 0 : index
    %swap3A_19 = arith.constant 0 : index
    %swap3A_20 = vector.load %arg7[%swap3A, %swap3A_17, %swap3A_18, %swap3A_19] : memref<1x16x512x32xf32, #tpu.memory_space<vmem>>, vector<1x1x512x32xf32>
    %swap3A_21 = vector.shape_cast %swap3A_20 : vector<1x1x512x32xf32> to vector<512x32xf32>
    %swap3A_22 = vector.shape_cast %slice3A : vector<512x32xf32> to vector<1x1x512x32xf32>
    tpu.vector_store %arg7[%swap3A, %swap3A_17, %swap3A_18, %swap3A_19], %swap3A_22 {strides = array<i32>} : memref<1x16x512x32xf32, #tpu.memory_space<vmem>>, vector<1x1x512x32xf32>,
    %broadcast_in_dim3A = vector.shape_cast %get3A_4 : vector<32xf32> to vector<1x32xf32>
    %mul3A = vector.broadcast %broadcast_in_dim3A : vector<1x32xf32> to vector<512x32xf32>
    %mul3A_23 = arith.mulf %slice3A, %mul3A : vector<512x32xf32>
    %slice3A_24 = vector.extract_strided_slice %get3A_10 {offsets = [0, 0], sizes = [512, 32], strides = [1, 1]} : vector<512x128xf32> to vector<512x32xf32>
    %add3A = arith.addf %mul3A_23, %slice3A_24 : vector<512x32xf32>
    %swap3A_25 = arith.constant 0 : index
    %swap3A_26 = arith.constant 1 : index
    %swap3A_27 = arith.constant 0 : index
    %swap3A_28 = arith.constant 0 : index
    %swap3A_29 = vector.load %arg7[%swap3A_25, %swap3A_26, %swap3A_27, %swap3A_28] : memref<1x16x512x32xf32, #tpu.memory_space<vmem>>, vector<1x1x512x32xf32>
    %swap3A_30 = vector.shape_cast %swap3A_29 : vector<1x1x512x32xf32> to vector<512x32xf32>
    %swap3A_31 = vector.shape_cast %add3A : vector<512x32xf32> to vector<1x1x512x32xf32>
    tpu.vector_store %arg7[%swap3A_25, %swap3A_26, %swap3A_27, %swap3A_28], %swap3A_31 {strides = array<i32>} : memref<1x16x512x32xf32, #tpu.memory_space<vmem>>, vector<1x1x512x32xf32>,
    %broadcast_in_dim3A_32 = vector.shape_cast %get3A_4 : vector<32xf32> to vector<1x32xf32>
    %mul3A_33 = vector.broadcast %broadcast_in_dim3A_32 : vector<1x32xf32> to vector<512x32xf32>
    %mul3A_34 = arith.mulf %add3A, %mul3A_33 : vector<512x32xf32>
    %slice3A_35 = vector.extract_strided_slice %get3A_7 {offsets = [0, 32], sizes = [512, 32], strides = [1, 1]} : vector<512x128xf32> to vector<512x32xf32>
    %add3A_36 = arith.addf %mul3A_34, %slice3A_35 : vector<512x32xf32>
    %swap3A_37 = arith.constant 0 : index
    %swap3A_38 = arith.constant 2 : index
    %swap3A_39 = arith.constant 0 : index
    %swap3A_40 = arith.constant 0 : index
    %swap3A_41 = vector.load %arg7[%swap3A_37, %swap3A_38, %swap3A_39, %swap3A_40] : memref<1x16x512x32xf32, #tpu.memory_space<vmem>>, vector<1x1x512x32xf32>
    %swap3A_42 = vector.shape_cast %swap3A_41 : vector<1x1x512x32xf32> to vector<512x32xf32>
    %swap3A_43 = vector.shape_cast %add3A_36 : vector<512x32xf32> to vector<1x1x512x32xf32>
    tpu.vector_store %arg7[%swap3A_37, %swap3A_38, %swap3A_39, %swap3A_40], %swap3A_43 {strides = array<i32>} : memref<1x16x512x32xf32, #tpu.memory_space<vmem>>, vector<1x1x512x32xf32>,
    %broadcast_in_dim3A_44 = vector.shape_cast %get3A_4 : vector<32xf32> to vector<1x32xf32>
    %mul3A_45 = vector.broadcast %broadcast_in_dim3A_44 : vector<1x32xf32> to vector<512x32xf32>
    %mul3A_46 = arith.mulf %add3A_36, %mul3A_45 : vector<512x32xf32>
    %slice3A_47 = vector.extract_strided_slice %get3A_10 {offsets = [0, 32], sizes = [512, 32], strides = [1, 1]} : vector<512x128xf32> to vector<512x32xf32>
    %add3A_48 = arith.addf %mul3A_46, %slice3A_47 : vector<512x32xf32>
    %swap3A_49 = arith.constant 0 : index
    %swap3A_50 = arith.constant 3 : index
    %swap3A_51 = arith.constant 0 : index
    %swap3A_52 = arith.constant 0 : index
    %swap3A_53 = vector.load %arg7[%swap3A_49, %swap3A_50, %swap3A_51, %swap3A_52] : memref<1x16x512x32xf32, #tpu.memory_space<vmem>>, vector<1x1x512x32xf32>
    %swap3A_54 = vector.shape_cast %swap3A_53 : vector<1x1x512x32xf32> to vector<512x32xf32>
    %swap3A_55 = vector.shape_cast %add3A_48 : vector<512x32xf32> to vector<1x1x512x32xf32>
    tpu.vector_store %arg7[%swap3A_49, %swap3A_50, %swap3A_51, %swap3A_52], %swap3A_55 {strides = array<i32>} : memref<1x16x512x32xf32, #tpu.memory_space<vmem>>, vector<1x1x512x32xf32>,
    %broadcast_in_dim3A_56 = vector.shape_cast %get3A_4 : vector<32xf32> to vector<1x32xf32>
    %mul3A_57 = vector.broadcast %broadcast_in_dim3A_56 : vector<1x32xf32> to vector<512x32xf32>
    %mul3A_58 = arith.mulf %add3A_48, %mul3A_57 : vector<512x32xf32>
    %slice3A_59 = vector.extract_strided_slice %get3A_7 {offsets = [0, 64], sizes = [512, 32], strides = [1, 1]} : vector<512x128xf32> to vector<512x32xf32>
    %add3A_60 = arith.addf %mul3A_58, %slice3A_59 : vector<512x32xf32>
    %swap3A_61 = arith.constant 0 : index
    %swap3A_62 = arith.constant 4 : index
    %swap3A_63 = arith.constant 0 : index
    %swap3A_64 = arith.constant 0 : index
    %swap3A_65 = vector.load %arg7[%swap3A_61, %swap3A_62, %swap3A_63, %swap3A_64] : memref<1x16x512x32xf32, #tpu.memory_space<vmem>>, vector<1x1x512x32xf32>
    %swap3A_66 = vector.shape_cast %swap3A_65 : vector<1x1x512x32xf32> to vector<512x32xf32>
    %swap3A_67 = vector.shape_cast %add3A_60 : vector<512x32xf32> to vector<1x1x512x32xf32>
    tpu.vector_store %arg7[%swap3A_61, %swap3A_62, %swap3A_63, %swap3A_64], %swap3A_67 {strides = array<i32>} : memref<1x16x512x32xf32, #tpu.memory_space<vmem>>, vector<1x1x512x32xf32>,
    %broadcast_in_dim3A_68 = vector.shape_cast %get3A_4 : vector<32xf32> to vector<1x32xf32>
    %mul3A_69 = vector.broadcast %broadcast_in_dim3A_68 : vector<1x32xf32> to vector<512x32xf32>
    %mul3A_70 = arith.mulf %add3A_60, %mul3A_69 : vector<512x32xf32>
    %slice3A_71 = vector.extract_strided_slice %get3A_10 {offsets = [0, 64], sizes = [512, 32], strides = [1, 1]} : vector<512x128xf32> to vector<512x32xf32>
    %add3A_72 = arith.addf %mul3A_70, %slice3A_71 : vector<512x32xf32>
    %swap3A_73 = arith.constant 0 : index
    %swap3A_74 = arith.constant 5 : index
    %swap3A_75 = arith.constant 0 : index
    %swap3A_76 = arith.constant 0 : index
    %swap3A_77 = vector.load %arg7[%swap3A_73, %swap3A_74, %swap3A_75, %swap3A_76] : memref<1x16x512x32xf32, #tpu.memory_space<vmem>>, vector<1x1x512x32xf32>
    %swap3A_78 = vector.shape_cast %swap3A_77 : vector<1x1x512x32xf32> to vector<512x32xf32>
    %swap3A_79 = vector.shape_cast %add3A_72 : vector<512x32xf32> to vector<1x1x512x32xf32>
    tpu.vector_store %arg7[%swap3A_73, %swap3A_74, %swap3A_75, %swap3A_76], %swap3A_79 {strides = array<i32>} : memref<1x16x512x32xf32, #tpu.memory_space<vmem>>, vector<1x1x512x32xf32>,
    %broadcast_in_dim3A_80 = vector.shape_cast %get3A_4 : vector<32xf32> to vector<1x32xf32>
    %mul3A_81 = vector.broadcast %broadcast_in_dim3A_80 : vector<1x32xf32> to vector<512x32xf32>
    %mul3A_82 = arith.mulf %add3A_72, %mul3A_81 : vector<512x32xf32>
    %slice3A_83 = vector.extract_strided_slice %get3A_7 {offsets = [0, 96], sizes = [512, 32], strides = [1, 1]} : vector<512x128xf32> to vector<512x32xf32>
    %add3A_84 = arith.addf %mul3A_82, %slice3A_83 : vector<512x32xf32>
    %swap3A_85 = arith.constant 0 : index
    %swap3A_86 = arith.constant 6 : index
    %swap3A_87 = arith.constant 0 : index
    %swap3A_88 = arith.constant 0 : index
    %swap3A_89 = vector.load %arg7[%swap3A_85, %swap3A_86, %swap3A_87, %swap3A_88] : memref<1x16x512x32xf32, #tpu.memory_space<vmem>>, vector<1x1x512x32xf32>
    %swap3A_90 = vector.shape_cast %swap3A_89 : vector<1x1x512x32xf32> to vector<512x32xf32>
    %swap3A_91 = vector.shape_cast %add3A_84 : vector<512x32xf32> to vector<1x1x512x32xf32>
    tpu.vector_store %arg7[%swap3A_85, %swap3A_86, %swap3A_87, %swap3A_88], %swap3A_91 {strides = array<i32>} : memref<1x16x512x32xf32, #tpu.memory_space<vmem>>, vector<1x1x512x32xf32>,
    %broadcast_in_dim3A_92 = vector.shape_cast %get3A_4 : vector<32xf32> to vector<1x32xf32>
    %mul3A_93 = vector.broadcast %broadcast_in_dim3A_92 : vector<1x32xf32> to vector<512x32xf32>
    %mul3A_94 = arith.mulf %add3A_84, %mul3A_93 : vector<512x32xf32>
    %slice3A_95 = vector.extract_strided_slice %get3A_10 {offsets = [0, 96], sizes = [512, 32], strides = [1, 1]} : vector<512x128xf32> to vector<512x32xf32>
    %add3A_96 = arith.addf %mul3A_94, %slice3A_95 : vector<512x32xf32>
    %swap3A_97 = arith.constant 0 : index
    %swap3A_98 = arith.constant 7 : index
    %swap3A_99 = arith.constant 0 : index
    %swap3A_100 = arith.constant 0 : index
    %swap3A_101 = vector.load %arg7[%swap3A_97, %swap3A_98, %swap3A_99, %swap3A_100] : memref<1x16x512x32xf32, #tpu.memory_space<vmem>>, vector<1x1x512x32xf32>
    %swap3A_102 = vector.shape_cast %swap3A_101 : vector<1x1x512x32xf32> to vector<512x32xf32>
    %swap3A_103 = vector.shape_cast %add3A_96 : vector<512x32xf32> to vector<1x1x512x32xf32>
    tpu.vector_store %arg7[%swap3A_97, %swap3A_98, %swap3A_99, %swap3A_100], %swap3A_103 {strides = array<i32>} : memref<1x16x512x32xf32, #tpu.memory_space<vmem>>, vector<1x1x512x32xf32>,
    %broadcast_in_dim3A_104 = vector.shape_cast %get3A_4 : vector<32xf32> to vector<1x32xf32>
    %mul3A_105 = vector.broadcast %broadcast_in_dim3A_104 : vector<1x32xf32> to vector<512x32xf32>
    %mul3A_106 = arith.mulf %add3A_96, %mul3A_105 : vector<512x32xf32>
    %slice3A_107 = vector.extract_strided_slice %get3A_13 {offsets = [0, 0], sizes = [512, 32], strides = [1, 1]} : vector<512x128xf32> to vector<512x32xf32>
    %add3A_108 = arith.addf %mul3A_106, %slice3A_107 : vector<512x32xf32>
    %swap3A_109 = arith.constant 0 : index
    %swap3A_110 = arith.constant 8 : index
    %swap3A_111 = arith.constant 0 : index
    %swap3A_112 = arith.constant 0 : index
    %swap3A_113 = vector.load %arg7[%swap3A_109, %swap3A_110, %swap3A_111, %swap3A_112] : memref<1x16x512x32xf32, #tpu.memory_space<vmem>>, vector<1x1x512x32xf32>
    %swap3A_114 = vector.shape_cast %swap3A_113 : vector<1x1x512x32xf32> to vector<512x32xf32>
    %swap3A_115 = vector.shape_cast %add3A_108 : vector<512x32xf32> to vector<1x1x512x32xf32>
    tpu.vector_store %arg7[%swap3A_109, %swap3A_110, %swap3A_111, %swap3A_112], %swap3A_115 {strides = array<i32>} : memref<1x16x512x32xf32, #tpu.memory_space<vmem>>, vector<1x1x512x32xf32>,
    %broadcast_in_dim3A_116 = vector.shape_cast %get3A_4 : vector<32xf32> to vector<1x32xf32>
    %mul3A_117 = vector.broadcast %broadcast_in_dim3A_116 : vector<1x32xf32> to vector<512x32xf32>
    %mul3A_118 = arith.mulf %add3A_108, %mul3A_117 : vector<512x32xf32>
    %slice3A_119 = vector.extract_strided_slice %get3A_16 {offsets = [0, 0], sizes = [512, 32], strides = [1, 1]} : vector<512x128xf32> to vector<512x32xf32>
    %add3A_120 = arith.addf %mul3A_118, %slice3A_119 : vector<512x32xf32>
    %swap3A_121 = arith.constant 0 : index
    %swap3A_122 = arith.constant 9 : index
    %swap3A_123 = arith.constant 0 : index
    %swap3A_124 = arith.constant 0 : index
    %swap3A_125 = vector.load %arg7[%swap3A_121, %swap3A_122, %swap3A_123, %swap3A_124] : memref<1x16x512x32xf32, #tpu.memory_space<vmem>>, vector<1x1x512x32xf32>
    %swap3A_126 = vector.shape_cast %swap3A_125 : vector<1x1x512x32xf32> to vector<512x32xf32>
    %swap3A_127 = vector.shape_cast %add3A_120 : vector<512x32xf32> to vector<1x1x512x32xf32>
    tpu.vector_store %arg7[%swap3A_121, %swap3A_122, %swap3A_123, %swap3A_124], %swap3A_127 {strides = array<i32>} : memref<1x16x512x32xf32, #tpu.memory_space<vmem>>, vector<1x1x512x32xf32>,
    %broadcast_in_dim3A_128 = vector.shape_cast %get3A_4 : vector<32xf32> to vector<1x32xf32>
    %mul3A_129 = vector.broadcast %broadcast_in_dim3A_128 : vector<1x32xf32> to vector<512x32xf32>
    %mul3A_130 = arith.mulf %add3A_120, %mul3A_129 : vector<512x32xf32>
    %slice3A_131 = vector.extract_strided_slice %get3A_13 {offsets = [0, 32], sizes = [512, 32], strides = [1, 1]} : vector<512x128xf32> to vector<512x32xf32>
    %add3A_132 = arith.addf %mul3A_130, %slice3A_131 : vector<512x32xf32>
    %swap3A_133 = arith.constant 0 : index
    %swap3A_134 = arith.constant 10 : index
    %swap3A_135 = arith.constant 0 : index
    %swap3A_136 = arith.constant 0 : index
    %swap3A_137 = vector.load %arg7[%swap3A_133, %swap3A_134, %swap3A_135, %swap3A_136] : memref<1x16x512x32xf32, #tpu.memory_space<vmem>>, vector<1x1x512x32xf32>
    %swap3A_138 = vector.shape_cast %swap3A_137 : vector<1x1x512x32xf32> to vector<512x32xf32>
    %swap3A_139 = vector.shape_cast %add3A_132 : vector<512x32xf32> to vector<1x1x512x32xf32>
    tpu.vector_store %arg7[%swap3A_133, %swap3A_134, %swap3A_135, %swap3A_136], %swap3A_139 {strides = array<i32>} : memref<1x16x512x32xf32, #tpu.memory_space<vmem>>, vector<1x1x512x32xf32>,
    %broadcast_in_dim3A_140 = vector.shape_cast %get3A_4 : vector<32xf32> to vector<1x32xf32>
    %mul3A_141 = vector.broadcast %broadcast_in_dim3A_140 : vector<1x32xf32> to vector<512x32xf32>
    %mul3A_142 = arith.mulf %add3A_132, %mul3A_141 : vector<512x32xf32>
    %slice3A_143 = vector.extract_strided_slice %get3A_16 {offsets = [0, 32], sizes = [512, 32], strides = [1, 1]} : vector<512x128xf32> to vector<512x32xf32>
    %add3A_144 = arith.addf %mul3A_142, %slice3A_143 : vector<512x32xf32>
    %swap3A_145 = arith.constant 0 : index
    %swap3A_146 = arith.constant 11 : index
    %swap3A_147 = arith.constant 0 : index
    %swap3A_148 = arith.constant 0 : index
    %swap3A_149 = vector.load %arg7[%swap3A_145, %swap3A_146, %swap3A_147, %swap3A_148] : memref<1x16x512x32xf32, #tpu.memory_space<vmem>>, vector<1x1x512x32xf32>
    %swap3A_150 = vector.shape_cast %swap3A_149 : vector<1x1x512x32xf32> to vector<512x32xf32>
    %swap3A_151 = vector.shape_cast %add3A_144 : vector<512x32xf32> to vector<1x1x512x32xf32>
    tpu.vector_store %arg7[%swap3A_145, %swap3A_146, %swap3A_147, %swap3A_148], %swap3A_151 {strides = array<i32>} : memref<1x16x512x32xf32, #tpu.memory_space<vmem>>, vector<1x1x512x32xf32>,
    %broadcast_in_dim3A_152 = vector.shape_cast %get3A_4 : vector<32xf32> to vector<1x32xf32>
    %mul3A_153 = vector.broadcast %broadcast_in_dim3A_152 : vector<1x32xf32> to vector<512x32xf32>
    %mul3A_154 = arith.mulf %add3A_144, %mul3A_153 : vector<512x32xf32>
    %slice3A_155 = vector.extract_strided_slice %get3A_13 {offsets = [0, 64], sizes = [512, 32], strides = [1, 1]} : vector<512x128xf32> to vector<512x32xf32>
    %add3A_156 = arith.addf %mul3A_154, %slice3A_155 : vector<512x32xf32>
    %swap3A_157 = arith.constant 0 : index
    %swap3A_158 = arith.constant 12 : index
    %swap3A_159 = arith.constant 0 : index
    %swap3A_160 = arith.constant 0 : index
    %swap3A_161 = vector.load %arg7[%swap3A_157, %swap3A_158, %swap3A_159, %swap3A_160] : memref<1x16x512x32xf32, #tpu.memory_space<vmem>>, vector<1x1x512x32xf32>
    %swap3A_162 = vector.shape_cast %swap3A_161 : vector<1x1x512x32xf32> to vector<512x32xf32>
    %swap3A_163 = vector.shape_cast %add3A_156 : vector<512x32xf32> to vector<1x1x512x32xf32>
    tpu.vector_store %arg7[%swap3A_157, %swap3A_158, %swap3A_159, %swap3A_160], %swap3A_163 {strides = array<i32>} : memref<1x16x512x32xf32, #tpu.memory_space<vmem>>, vector<1x1x512x32xf32>,
    %broadcast_in_dim3A_164 = vector.shape_cast %get3A_4 : vector<32xf32> to vector<1x32xf32>
    %mul3A_165 = vector.broadcast %broadcast_in_dim3A_164 : vector<1x32xf32> to vector<512x32xf32>
    %mul3A_166 = arith.mulf %add3A_156, %mul3A_165 : vector<512x32xf32>
    %slice3A_167 = vector.extract_strided_slice %get3A_16 {offsets = [0, 64], sizes = [512, 32], strides = [1, 1]} : vector<512x128xf32> to vector<512x32xf32>
    %add3A_168 = arith.addf %mul3A_166, %slice3A_167 : vector<512x32xf32>
    %swap3A_169 = arith.constant 0 : index
    %swap3A_170 = arith.constant 13 : index
    %swap3A_171 = arith.constant 0 : index
    %swap3A_172 = arith.constant 0 : index
    %swap3A_173 = vector.load %arg7[%swap3A_169, %swap3A_170, %swap3A_171, %swap3A_172] : memref<1x16x512x32xf32, #tpu.memory_space<vmem>>, vector<1x1x512x32xf32>
    %swap3A_174 = vector.shape_cast %swap3A_173 : vector<1x1x512x32xf32> to vector<512x32xf32>
    %swap3A_175 = vector.shape_cast %add3A_168 : vector<512x32xf32> to vector<1x1x512x32xf32>
    tpu.vector_store %arg7[%swap3A_169, %swap3A_170, %swap3A_171, %swap3A_172], %swap3A_175 {strides = array<i32>} : memref<1x16x512x32xf32, #tpu.memory_space<vmem>>, vector<1x1x512x32xf32>,
    %broadcast_in_dim3A_176 = vector.shape_cast %get3A_4 : vector<32xf32> to vector<1x32xf32>
    %mul3A_177 = vector.broadcast %broadcast_in_dim3A_176 : vector<1x32xf32> to vector<512x32xf32>
    %mul3A_178 = arith.mulf %add3A_168, %mul3A_177 : vector<512x32xf32>
    %slice3A_179 = vector.extract_strided_slice %get3A_13 {offsets = [0, 96], sizes = [512, 32], strides = [1, 1]} : vector<512x128xf32> to vector<512x32xf32>
    %add3A_180 = arith.addf %mul3A_178, %slice3A_179 : vector<512x32xf32>
    %swap3A_181 = arith.constant 0 : index
    %swap3A_182 = arith.constant 14 : index
    %swap3A_183 = arith.constant 0 : index
    %swap3A_184 = arith.constant 0 : index
    %swap3A_185 = vector.load %arg7[%swap3A_181, %swap3A_182, %swap3A_183, %swap3A_184] : memref<1x16x512x32xf32, #tpu.memory_space<vmem>>, vector<1x1x512x32xf32>
    %swap3A_186 = vector.shape_cast %swap3A_185 : vector<1x1x512x32xf32> to vector<512x32xf32>
    %swap3A_187 = vector.shape_cast %add3A_180 : vector<512x32xf32> to vector<1x1x512x32xf32>
    tpu.vector_store %arg7[%swap3A_181, %swap3A_182, %swap3A_183, %swap3A_184], %swap3A_187 {strides = array<i32>} : memref<1x16x512x32xf32, #tpu.memory_space<vmem>>, vector<1x1x512x32xf32>,
    %broadcast_in_dim3A_188 = vector.shape_cast %get3A_4 : vector<32xf32> to vector<1x32xf32>
    %mul3A_189 = vector.broadcast %broadcast_in_dim3A_188 : vector<1x32xf32> to vector<512x32xf32>
    %mul3A_190 = arith.mulf %add3A_180, %mul3A_189 : vector<512x32xf32>
    %slice3A_191 = vector.extract_strided_slice %get3A_16 {offsets = [0, 96], sizes = [512, 32], strides = [1, 1]} : vector<512x128xf32> to vector<512x32xf32>
    %add3A_192 = arith.addf %mul3A_190, %slice3A_191 : vector<512x32xf32>
    %swap3A_193 = arith.constant 0 : index
    %swap3A_194 = arith.constant 15 : index
    %swap3A_195 = arith.constant 0 : index
    %swap3A_196 = arith.constant 0 : index
    %swap3A_197 = vector.load %arg7[%swap3A_193, %swap3A_194, %swap3A_195, %swap3A_196] : memref<1x16x512x32xf32, #tpu.memory_space<vmem>>, vector<1x1x512x32xf32>
    %swap3A_198 = vector.shape_cast %swap3A_197 : vector<1x1x512x32xf32> to vector<512x32xf32>
    %swap3A_199 = vector.shape_cast %add3A_192 : vector<512x32xf32> to vector<1x1x512x32xf32>
    tpu.vector_store %arg7[%swap3A_193, %swap3A_194, %swap3A_195, %swap3A_196], %swap3A_199 {strides = array<i32>} : memref<1x16x512x32xf32, #tpu.memory_space<vmem>>, vector<1x1x512x32xf32>,
    return
  }
  func.func @transform_0(%arg0: i32, %arg1: i32) -> (i32, i32, i32, i32) {
    %c0_i32 = arith.constant 0 : i32
    %c0_i32_0 = arith.constant 0 : i32
    %c0_i32_1 = arith.constant 0 : i32
    %c0_i32_2 = arith.constant 0 : i32
    return %arg0, %c0_i32, %c0_i32_0, %c0_i32_1 : i32, i32, i32, i32
  }
  func.func @transform_1(%arg0: i32, %arg1: i32) -> (i32, i32) {
    %mul3A = arith.constant 2 : i32
    %mul3A_0 = arith.muli %mul3A, %arg0 : i32
    %add3A = arith.constant 0 : i32
    %add3A_1 = arith.addi %mul3A_0, %add3A : i32
    %mul3A_2 = arith.constant 8192 : i32
    %mul3A_3 = arith.muli %add3A_1, %mul3A_2 : i32
    %add3A_4 = arith.constant 0 : i32
    %add3A_5 = arith.addi %mul3A_3, %add3A_4 : i32
    %jit3A = arith.constant 512 : i32
    %div3A = arith.divsi %add3A_5, %jit3A : i32
    %sign3A = arith.constant 0 : i32
    %sign3A_6 = arith.cmpi sgt, %add3A_5, %sign3A : i32
    %sign3A_7 = arith.extui %sign3A_6 : i1 to i32
    %sign3A_8 = arith.constant 0 : i32
    %sign3A_9 = arith.cmpi slt, %add3A_5, %sign3A_8 : i32
    %sign3A_10 = arith.extui %sign3A_9 : i1 to i32
    %sign3A_11 = arith.subi %sign3A_7, %sign3A_10 : i32
    %sign3A_12 = arith.constant 0 : i32
    %sign3A_13 = arith.cmpi sgt, %jit3A, %sign3A_12 : i32
    %sign3A_14 = arith.extui %sign3A_13 : i1 to i32
    %sign3A_15 = arith.constant 0 : i32
    %sign3A_16 = arith.cmpi slt, %jit3A, %sign3A_15 : i32
    %sign3A_17 = arith.extui %sign3A_16 : i1 to i32
    %sign3A_18 = arith.subi %sign3A_14, %sign3A_17 : i32
    %ne3A = arith.cmpi ne, %sign3A_11, %sign3A_18 : i32
    %rem3A = arith.remsi %add3A_5, %jit3A : i32
    %ne3A_19 = arith.constant 0 : i32
    %ne3A_20 = arith.cmpi ne, %rem3A, %ne3A_19 : i32
    %and3A = arith.andi %ne3A, %ne3A_20 : i1
    %sub3A = arith.constant 1 : i32
    %sub3A_21 = arith.subi %div3A, %sub3A : i32
    %select_n3A = arith.select %and3A, %sub3A_21, %div3A : i32
    %add3A_22 = arith.addi %select_n3A, %arg1 : i32
    %c0_i32 = arith.constant 0 : i32
    %c0_i32_23 = arith.constant 0 : i32
    return %add3A_22, %c0_i32 : i32, i32
  }
  func.func @transform_2(%arg0: i32, %arg1: i32) -> (i32, i32) {
    %mul3A = arith.constant 2 : i32
    %mul3A_0 = arith.muli %mul3A, %arg0 : i32
    %add3A = arith.constant 0 : i32
    %add3A_1 = arith.addi %mul3A_0, %add3A : i32
    %mul3A_2 = arith.constant 8192 : i32
    %mul3A_3 = arith.muli %add3A_1, %mul3A_2 : i32
    %add3A_4 = arith.constant 4096 : i32
    %add3A_5 = arith.addi %mul3A_3, %add3A_4 : i32
    %jit3A = arith.constant 512 : i32
    %div3A = arith.divsi %add3A_5, %jit3A : i32
    %sign3A = arith.constant 0 : i32
    %sign3A_6 = arith.cmpi sgt, %add3A_5, %sign3A : i32
    %sign3A_7 = arith.extui %sign3A_6 : i1 to i32
    %sign3A_8 = arith.constant 0 : i32
    %sign3A_9 = arith.cmpi slt, %add3A_5, %sign3A_8 : i32
    %sign3A_10 = arith.extui %sign3A_9 : i1 to i32
    %sign3A_11 = arith.subi %sign3A_7, %sign3A_10 : i32
    %sign3A_12 = arith.constant 0 : i32
    %sign3A_13 = arith.cmpi sgt, %jit3A, %sign3A_12 : i32
    %sign3A_14 = arith.extui %sign3A_13 : i1 to i32
    %sign3A_15 = arith.constant 0 : i32
    %sign3A_16 = arith.cmpi slt, %jit3A, %sign3A_15 : i32
    %sign3A_17 = arith.extui %sign3A_16 : i1 to i32
    %sign3A_18 = arith.subi %sign3A_14, %sign3A_17 : i32
    %ne3A = arith.cmpi ne, %sign3A_11, %sign3A_18 : i32
    %rem3A = arith.remsi %add3A_5, %jit3A : i32
    %ne3A_19 = arith.constant 0 : i32
    %ne3A_20 = arith.cmpi ne, %rem3A, %ne3A_19 : i32
    %and3A = arith.andi %ne3A, %ne3A_20 : i1
    %sub3A = arith.constant 1 : i32
    %sub3A_21 = arith.subi %div3A, %sub3A : i32
    %select_n3A = arith.select %and3A, %sub3A_21, %div3A : i32
    %add3A_22 = arith.addi %select_n3A, %arg1 : i32
    %c0_i32 = arith.constant 0 : i32
    %c0_i32_23 = arith.constant 0 : i32
    return %add3A_22, %c0_i32 : i32, i32
  }
  func.func @transform_3(%arg0: i32, %arg1: i32) -> (i32, i32) {
    %mul3A = arith.constant 2 : i32
    %mul3A_0 = arith.muli %mul3A, %arg0 : i32
    %add3A = arith.constant 1 : i32
    %add3A_1 = arith.addi %mul3A_0, %add3A : i32
    %mul3A_2 = arith.constant 8192 : i32
    %mul3A_3 = arith.muli %add3A_1, %mul3A_2 : i32
    %add3A_4 = arith.constant 0 : i32
    %add3A_5 = arith.addi %mul3A_3, %add3A_4 : i32
    %jit3A = arith.constant 512 : i32
    %div3A = arith.divsi %add3A_5, %jit3A : i32
    %sign3A = arith.constant 0 : i32
    %sign3A_6 = arith.cmpi sgt, %add3A_5, %sign3A : i32
    %sign3A_7 = arith.extui %sign3A_6 : i1 to i32
    %sign3A_8 = arith.constant 0 : i32
    %sign3A_9 = arith.cmpi slt, %add3A_5, %sign3A_8 : i32
    %sign3A_10 = arith.extui %sign3A_9 : i1 to i32
    %sign3A_11 = arith.subi %sign3A_7, %sign3A_10 : i32
    %sign3A_12 = arith.constant 0 : i32
    %sign3A_13 = arith.cmpi sgt, %jit3A, %sign3A_12 : i32
    %sign3A_14 = arith.extui %sign3A_13 : i1 to i32
    %sign3A_15 = arith.constant 0 : i32
    %sign3A_16 = arith.cmpi slt, %jit3A, %sign3A_15 : i32
    %sign3A_17 = arith.extui %sign3A_16 : i1 to i32
    %sign3A_18 = arith.subi %sign3A_14, %sign3A_17 : i32
    %ne3A = arith.cmpi ne, %sign3A_11, %sign3A_18 : i32
    %rem3A = arith.remsi %add3A_5, %jit3A : i32
    %ne3A_19 = arith.constant 0 : i32
    %ne3A_20 = arith.cmpi ne, %rem3A, %ne3A_19 : i32
    %and3A = arith.andi %ne3A, %ne3A_20 : i1
    %sub3A = arith.constant 1 : i32
    %sub3A_21 = arith.subi %div3A, %sub3A : i32
    %select_n3A = arith.select %and3A, %sub3A_21, %div3A : i32
    %add3A_22 = arith.addi %select_n3A, %arg1 : i32
    %c0_i32 = arith.constant 0 : i32
    %c0_i32_23 = arith.constant 0 : i32
    return %add3A_22, %c0_i32 : i32, i32
  }
  func.func @transform_4(%arg0: i32, %arg1: i32) -> (i32, i32) {
    %mul3A = arith.constant 2 : i32
    %mul3A_0 = arith.muli %mul3A, %arg0 : i32
    %add3A = arith.constant 1 : i32
    %add3A_1 = arith.addi %mul3A_0, %add3A : i32
    %mul3A_2 = arith.constant 8192 : i32
    %mul3A_3 = arith.muli %add3A_1, %mul3A_2 : i32
    %add3A_4 = arith.constant 4096 : i32
    %add3A_5 = arith.addi %mul3A_3, %add3A_4 : i32
    %jit3A = arith.constant 512 : i32
    %div3A = arith.divsi %add3A_5, %jit3A : i32
    %sign3A = arith.constant 0 : i32
    %sign3A_6 = arith.cmpi sgt, %add3A_5, %sign3A : i32
    %sign3A_7 = arith.extui %sign3A_6 : i1 to i32
    %sign3A_8 = arith.constant 0 : i32
    %sign3A_9 = arith.cmpi slt, %add3A_5, %sign3A_8 : i32
    %sign3A_10 = arith.extui %sign3A_9 : i1 to i32
    %sign3A_11 = arith.subi %sign3A_7, %sign3A_10 : i32
    %sign3A_12 = arith.constant 0 : i32
    %sign3A_13 = arith.cmpi sgt, %jit3A, %sign3A_12 : i32
    %sign3A_14 = arith.extui %sign3A_13 : i1 to i32
    %sign3A_15 = arith.constant 0 : i32
    %sign3A_16 = arith.cmpi slt, %jit3A, %sign3A_15 : i32
    %sign3A_17 = arith.extui %sign3A_16 : i1 to i32
    %sign3A_18 = arith.subi %sign3A_14, %sign3A_17 : i32
    %ne3A = arith.cmpi ne, %sign3A_11, %sign3A_18 : i32
    %rem3A = arith.remsi %add3A_5, %jit3A : i32
    %ne3A_19 = arith.constant 0 : i32
    %ne3A_20 = arith.cmpi ne, %rem3A, %ne3A_19 : i32
    %and3A = arith.andi %ne3A, %ne3A_20 : i1
    %sub3A = arith.constant 1 : i32
    %sub3A_21 = arith.subi %div3A, %sub3A : i32
    %select_n3A = arith.select %and3A, %sub3A_21, %div3A : i32
    %add3A_22 = arith.addi %select_n3A, %arg1 : i32
    %c0_i32 = arith.constant 0 : i32
    %c0_i32_23 = arith.constant 0 : i32
    return %add3A_22, %c0_i32 : i32, i32
  }
  func.func @transform_5(%arg0: i32, %arg1: i32) -> (i32, i32, i32, i32) {
    %c0_i32 = arith.constant 0 : i32
    %c0_i32_0 = arith.constant 0 : i32
    %c0_i32_1 = arith.constant 0 : i32
    return %arg0, %c0_i32, %arg1, %c0_i32_0 : i32, i32, i32, i32
  }
}

</mosaic_0001>

<sc_bundles>
// kernel: kernel.5.cloned.1.call-start
scs
__scs_entry_jumppad:
0x0: {  	(pc) =	sbr.rel $0x88, $3  }
0x1: {  	(tag) =	ssettag $0x0;
	lr =	simm.s32 $0x1  }
0x2: {  	[smem:$0x3F9A] =	sst lr;
	_ =	strace $0xD0000000  }
0x3: {  	_ = 	snop  }
0x4: {  	_ = 	snop  }
0x5: {  	_ = 	snop  }
0x6: {  	_ = 	snop  }
0x7: {  	_ = 	snop  }
__scs_overlays_trampoline_lowered:
0x8: {  	[smem:$0x3FA9] =	sst s0  }
0x9: {  	[smem:$0x3FAA] =	sst s1  }
0xa: {  	[smem:$0x3FAB] =	sst s2  }
0xb: {  	[smem:$0x3FAC] =	sst s3  }
0xc: {  	[smem:$0x3FAD] =	sst s4  }
0xd: {  	[smem:$0x3FAE] =	sst s5  }
0xe: {  	[smem:$0x3FAF] =	sst s6  }
0xf: {  	[smem:$0x3FB0] =	sst s7  }
0x10: {  	[smem:$0x3FB1] =	sst s8  }
0x11: {  	[smem:$0x3FB2] =	sst s9;
	s0 =	simm.s32 @!p0 $0x0  }
0x12: {  	s1 =	sld [smem:$0x3F98];
	s0 =	simm.s32 @p0 $0x1  }
0x13: {  	[smem:$0x3FB3] =	sst s0;
	s0 =	simm.s32 @!p1 $0x0  }
0x14: {  	s2 =	sld [smem:$0x3F97];
	s0 =	simm.s32 @p1 $0x1  }
0x15: {  	[smem:$0x3FB4] =	sst s0;
	s0 =	simm.s32 @!p2 $0x0  }
0x16: {  	s3 =	sld [smem:$0x3FDB];
	s0 =	simm.s32 @p2 $0x1  }
0x17: {  	s4 =	simm.s32 $0x1BF5;
	[smem:$0x3FB6] =	sst s0  }
0x18: {  	s0 =	sld [smem:$0x3F99];
	_ =	swait.ge [sflag:s4], $0x0  }
0x19: {  	s7 =	sld [smem:$0x3F9A]  }
0x1a: {  	s8 =	sadd.s32 $0xFFFFE003, lr  }
0x1b: {  	s9 =	sadd.s32 $0xFFFFFEF7, lr;
	s5 =	simm.s32 $0xFFFFFFFF;
	p2 =	slt.u32 s8, $0xFFFFF086  }
0x1c: {  	p1 =	slt.u32 s9, $0xF7A;
	s5 =	simm.s32 @!p2 $0x0  }
0x1d: {  	s5 =	simm.s32 @p1 $0x1;
	p0 =	seq.s32 s7, s2  }
0x1e: {  	s7 =	smul.u32 @!p0 $0xF7A, s2;
	p2 =	seq.s32 @!p0 s5, $0x0  }
0x1f: {  	s9 =	smul.u32 $0xF7A, s1;
	s8 =	simm.s32 @!p0 $0x1BF5;
	p2 =	por !p2, p0  }
0x20: {  	[sflag:s8] =	ssyncset.s32 @!p0 $0xFFFFF086;
	s6 =	sadd.s32 @!p0 s3, s7;
	s7 =	simm.s32 @!p0 $0x108  }
0x21: {  	s3 =	sadd.s32 s3, s9;
	s6 =	sadd.s32 @!p0 $0x88, s6;
	s7 =	simm.s32 @p2 $0x1082  }
0x22: {  	[simem:s7], [sflag:s8] =	dma.local @!p0 [hbm:s6], $0xF7A  }
0x23: {  	s9 =	sor.u32 $0xD0000000, s2;
	s6 =	simm.s32 $0x108;
	_ =	swait.ge @!p0 [sflag:s8], $0x0  }
0x24: {  	s3 =	sadd.s32 $0x88, s3;
	s6 =	simm.s32 @!p1 $0x1082;
	[sflag:s4] =	ssyncset.s32 $0xFFFFF086  }
0x25: {  	[simem:s6], [sflag:s4] =	dma.local [hbm:s3], $0xF7A  }
0x26: {  	[smem:$0x3F9A] =	sst s1;
	(tag) =	ssettag s2;
	_ =	strace s9  }
0x27: {  	s1 =	sld [smem:$0x3FAA]  }
0x28: {  	s2 =	sld [smem:$0x3FAB]  }
0x29: {  	s4 =	sld [smem:$0x3FAD]  }
0x2a: {  	p0 =	seq.s32 s5, $0x0;
	s5 =	sld [smem:$0x3FAE]  }
0x2b: {  	s6 =	sld [smem:$0x3FAF]  }
0x2c: {  	s7 =	sld [smem:$0x3FB0]  }
0x2d: {  	s3 =	simm.s32 $0x108;
	s8 =	sld [smem:$0x3FB1]  }
0x2e: {  	s3 =	simm.s32 @!p0 $0x1082;
	s9 =	sld [smem:$0x3FB2]  }
0x2f: {  	lr =	sadd.s32 s0, s3;
	s0 =	sld [smem:$0x3FA9]  }
0x30: {  	s3 =	sld [smem:$0x3FAC]  }
0x31: {  	[smem:$0x3FB5] =	sst s10  }
0x32: {  	s10 =	sld [smem:$0x3FB3];
	_ =	sdelay $0x3  }
0x33: {  	p0 =	seq.s32 s10, $0x1;
	s10 =	sld [smem:$0x3FB5];
	_ =	sdelay $0x3  }
0x34: {  	[smem:$0x3FB5] =	sst s10  }
0x35: {  	s10 =	sld [smem:$0x3FB4];
	_ =	sdelay $0x3  }
0x36: {  	p1 =	seq.s32 s10, $0x1;
	s10 =	sld [smem:$0x3FB5];
	_ =	sdelay $0x3  }
0x37: {  	[smem:$0x3FB5] =	sst s10  }
0x38: {  	s10 =	sld [smem:$0x3FB6]  }
0x39: {  	_ = 	snop;
	(pc) =	sbr.ind lr, $3  }
0x3a: {  	_ = 	snop  }
0x3b: {  	_ = 	snop  }
0x3c: {  	p2 =	seq.s32 s10, $0x1;
	s10 =	sld [smem:$0x3FB5]  }
0x3d: {  	_ =	shalt  }
0x3e: {  	_ =	shalt  }
0x3f: {  	_ =	shalt  }
0x40: {  	_ =	shalt  }
0x41: {  	_ =	shalt  }
0x42: {  	_ =	shalt  }
0x43: {  	_ =	shalt  }
0x44: {  	_ =	shalt  }
0x45: {  	_ =	shalt  }
0x46: {  	_ =	shalt  }
0x47: {  	_ =	shalt  }
0x48: {  	_ =	shalt  }
0x49: {  	_ =	shalt  }
0x4a: {  	_ =	shalt  }
0x4b: {  	_ =	shalt  }
0x4c: {  	_ =	shalt  }
0x4d: {  	_ =	shalt  }
0x4e: {  	_ =	shalt  }
0x4f: {  	_ =	shalt  }
0x50: {  	_ =	shalt  }
0x51: {  	_ =	shalt  }
0x52: {  	_ =	shalt  }
0x53: {  	_ =	shalt  }
0x54: {  	_ =	shalt  }
0x55: {  	_ =	shalt  }
0x56: {  	_ =	shalt  }
0x57: {  	_ =	shalt  }
0x58: {  	_ =	shalt  }
0x59: {  	_ =	shalt  }
0x5a: {  	_ =	shalt  }
0x5b: {  	_ =	shalt  }
0x5c: {  	_ =	shalt  }
0x5d: {  	_ =	shalt  }
0x5e: {  	_ =	shalt  }
0x5f: {  	_ =	shalt  }
0x60: {  	_ =	shalt  }
0x61: {  	_ =	shalt  }
0x62: {  	_ =	shalt  }
0x63: {  	_ =	shalt  }
0x64: {  	_ =	shalt  }
0x65: {  	_ =	shalt  }
0x66: {  	_ =	shalt  }
0x67: {  	_ =	shalt  }
0x68: {  	_ =	shalt  }
0x69: {  	_ =	shalt  }
0x6a: {  	_ =	shalt  }
0x6b: {  	_ =	shalt  }
0x6c: {  	_ =	shalt  }
0x6d: {  	_ =	shalt  }
0x6e: {  	_ =	shalt  }
0x6f: {  	_ =	shalt  }
0x70: {  	_ =	shalt  }
0x71: {  	_ =	shalt  }
0x72: {  	_ =	shalt  }
0x73: {  	_ =	shalt  }
0x74: {  	_ =	shalt  }
0x75: {  	_ =	shalt  }
0x76: {  	_ =	shalt  }
0x77: {  	_ =	shalt  }
0x78: {  	_ =	shalt  }
0x79: {  	_ =	shalt  }
0x7a: {  	_ =	shalt  }
0x7b: {  	_ =	shalt  }
0x7c: {  	_ =	shalt  }
0x7d: {  	_ =	shalt  }
0x7e: {  	_ =	shalt  }
0x7f: {  	_ =	shalt  }
0x80: {  	_ =	shalt  }
0x81: {  	_ =	shalt  }
0x82: {  	_ =	shalt  }
0x83: {  	_ =	shalt  }
0x84: {  	_ =	shalt  }
0x85: {  	_ =	shalt  }
0x86: {  	_ =	shalt  }
0x87: {  	_ =	shalt  }
.Lfunc_end0:
.L_simem_size_0:
called_computation_lowered:
.L_overlay_start_0:
0x88: {  	s2 =	sld [smem:$0x3FD9]  }
0x89: {  	s3 =	sld [smem:$0x3FFE];
	_ =	sdelay $0x1  }
0x8a: {  	s1 =	srdreg.scid  }
0x8b: {  	s0 =	sand.u32 $0x1, s1  }
0x8c: {  	s17 =	sshll.u32 s0, $0xA;
	s2 =	sadd.s32 s3, s2  }
0x8d: {  	s2 =	sadd.s32 s2, s17  }
0x8e: {  	[smem:$0x3FC1] =	sst s2  }
0x8f: {  	_ = 	snop  }
0x90: {  	s2 =	sld [smem:$0x3FD0];
	(tm) =	ssettm $0x1  }
0x91: {  	s18 =	sld [smem:$0x3FFB];
	_ =	sdelay $0x3  }
0x92: {  	_ =	strace s18  }
0x93: {  	s3 =	sld [smem:$0x3FFC];
	_ =	sdelay $0x3  }
0x94: {  	_ =	strace s3  }
0x95: {  	s3 =	sld [smem:$0x3FFD];
	_ =	sdelay $0x3  }
0x96: {  	_ =	strace s3  }
0x97: {  	_ =	strace $0x8FFFFFFF  }
0x98: {  	s19 =	sld [smem:$0x3FDB];
	_ =	sdelay $0x1  }
0x99: {  	s4 =	simm.s32 $_scs_section_size  }
0x9a: {  	s5 =	simm.s32 $_size__tile_overlayer_lowered;
	s6 =	simm.s32 $_tile_overlayer_lowered  }
0x9b: {  	s22 =	simm.s32 $0x1BFF;
	s21 =	sshll.u32 s6, $0x1;
	s3 =	sadd.s32 s4, s19  }
0x9c: {  	s7 =	simm.s32 $0x0;
	s20 =	sshll.u32 s5, $0x1;
	s5 =	sadd.s32 s21, s3  }
0x9d: {  	[timem:s7], [sflag:s22] =	dma.local [hbm:s5], s20  }
0x9e: {  	_ =	swait.ge [sflag:s22], s20  }
0x9f: {  	s4 =	ssub.s32 $0x0, s20;
	[sflag:s22] =	ssyncset.done $0x0  }
0xa0: {  	[sflag:s22] =	ssyncadd.s32 s4;
	_ =	sdelay $0x1  }
0xa1: {  	s23 =	simm.s32 $0x1B8B  }
0xa2: {  	_ =	swait.ge [sflag:s23], $0x1  }
0xa3: {  	[sflag:s23] =	ssyncset.done $0x0  }
0xa4: {  	s25 =	simm.s32 $0x1B8E;
	s24 =	sld [smem:$0x3FFE];
	[sflag:s23] =	ssyncadd.s32 $0xFFFFFFFF  }
0xa5: {  	s26 =	simm.s32 $execute0_lowered;
	[smem:$0x3FD2] =	sst s25  }
0xa6: {  	s5 =	sshll.u32 s26, $0x1;
	_ =	strace $0x80000046;
	[dreg:$0x1] =	wrdreg $0xFFFFFFFF  }
0xa7: {  	s28 =	simm.s32 $_size_execute0_lowered;
	s3 =	sadd.s32 s3, s5;
	[dreg:$0x0] =	wrdreg $0x0  }
0xa8: {  	s5 =	sshll.u32 s28, $0x1;
	[dreg:$0x2] =	wrdreg s3  }
0xa9: {  	[dreg:$0x3] =	wrdreg s5  }
0xaa: {  	[dreg:$0x4] =	wrdreg $0xC0  }
0xab: {  	_ =	task [dreg:s7], $0x5FFFF  }
0xac: {  	[dreg:$0x1] =	wrdreg $0xFFFFFFFF  }
0xad: {  	[dreg:$0x0] =	wrdreg $0x60  }
0xae: {  	[dreg:$0x2] =	wrdreg s2  }
0xaf: {  	[dreg:$0x3] =	wrdreg s24  }
0xb0: {  	[dreg:$0x4] =	wrdreg $0x0  }
0xb1: {  	[dreg:$0x5] =	wrdreg $0x9  }
0xb2: {  	_ =	task.clear_ibuf [dreg:s7], $0x6FFFF;
	_ =	strace $0x90000046  }
0xb3: {  	s29 =	simm.s32 $0x9;
	_ =	strace $0x80000048  }
0xb4: {  	_ =	swait.ge [sflag:s29], $0x1  }
0xb5: {  	[sflag:s29] =	ssyncadd.s32 $0xFFFFFFFF  }
0xb6: {  	_ =	strace $0x90000048  }
0xb7: {  	_ =	sfence  }
0xb8: {  	s30 =	sld [smem:$0x0];
	_ =	sdelay $0x2  }
0xb9: {  	s31 =	sshll.u32 s1, $0xD;
	s1 =	sshrl.u32 s1, $0x2  }
0xba: {  	s3 =	sand.u32 $0x4000, s31;
	s1 =	sadd.s32 s1, s30  }
0xbb: {  	s0 =	sor.u32 s3, s0;
	s1 =	sshll.u32 s1, $0x11  }
0xbc: {  	s0 =	sor.u32 s1, s0  }
0xbd: {  	s0 =	sadd.s32 $0x8F2B, s0  }
0xbe: {  	[sflag:s0] =	ssyncadd.remote.s32 $0x1  }
0xbf: {  	_ =	sfence.sel $0xFFFF  }
0xc0: {  	[dreg:$0x0] =	wrdreg $0xFFFFFFFF;
	(pc) =	sbr.abs _section_cstart, $3  }
0xc1: {  	[dreg:$0x1] =	wrdreg $0xFFFFFFFF  }
0xc2: {  	_ =	task.clear_ibuf [dreg:s7], $0x2FFFF;
	_ =	strace $0x9FFFFFFF  }
0xc3: {  	(tm) =	ssettm $0x7FFFFFFF  }
tec
execute0_lowered:
.L_overlay_start_1:
0x0: {  	(tag) =	ssettag $0x1  }
0x1: {  	s0 =	rddreg [dreg:$0x1]  }
0x2: {  	s5 =	rddreg [dreg:$0x2];
	s7 =	simm.s32 $0x0  }
0x3: {  	s1 =	srdreg.scid;
	s6 =	stileid.u32;
	s14 =	simm.s32 $0x18140  }
0x4: {  	[smem:$0x7FF] =	sst s7;
	s1 =	sand.u32 $0x1, s1;
	s2 =	sadd.s32 $0x1A00, s0  }
0x5: {  	s24 =	sshll.u32 s6, $0xD;
	s4 =	sshll.u32 s6, $0x10;
	s26 =	sshll.u32 s6, $0xF  }
0x6: {  	_ =	strace $0x80000047;
	[dreg:$0x5] =	wrdreg s2;
	s3 =	ssub.s32 $0x2, s1  }
0x7: {  	s0 =	sadd.s32 s24, s0;
	[dreg:$0x6] =	wrdreg s26;
	s1 =	sshll.u32 s1, $0x3  }
0x8: {  	s25 =	sshrl.u32 s3, $0x1;
	[dreg:$0x8] =	wrdreg s1;
	s0 =	sadd.s32 $0x11A00, s0  }
0x9: {  	s2 =	ssub.s32 s3, s25;
	s3 =	sadd.s32 s4, s5;
	[dreg:$0xc] =	wrdreg s0  }
.Ltmp0:
0xa: {  	s28 =	sadd.s32 $0x4000, s3;
	[dreg:$0x7] =	wrdreg s3;
	(pc) =	sbr.rel .LBB2_1-.Ltmp0, $4  }
0xb: {  	s16 =	simm.s32 $0x10040;
	s29 =	sadd.s32 $0x8000, s3;
	[dreg:$0x9] =	wrdreg s28  }
0xc: {  	s21 =	simm.s32 $0x14140;
	s30 =	sadd.s32 $0xC000, s3;
	[dreg:$0xa] =	wrdreg s29  }
0xd: {  	s6 =	simm.s32 $0x80;
	s31 =	smax.u32 s2, $0x1;
	[dreg:$0xb] =	wrdreg s30  }
0xe: {  	v0 =	vimm.f32 $0.0e+00;
	v1 =	vlaneseq.u32;
	s4 =	simm.s32 $0x2;
	s5 =	simm.s32 $0x12040;
	[dreg:$0xd] =	wrdreg s31  }
.LBB2_15:
0xf: {  	s7 =	rddreg [dreg:$0x4]  }
0x10: {  	s0 =	rddreg [dreg:$0xd];
	s7 =	sadd.s32 $0x1, s7  }
0x11: {  	p0 =	sne.s32 s7, s0  }
.Ltmp1:
0x12: {  	_ = 	snop;
	(pc) =	sbr.rel @!p0 .LBB2_16-.Ltmp1, $1  }
0x13: {  	_ =	sdelay $0x3  }
.LBB2_1:
0x14: {  	[dreg:$0x4] =	wrdreg s7;
	s0 =	simm.s32 $0x0;
	s1 =	simm.s32 $0x200  }
.LBB2_2:
0x15: {  	p0 =	sne.s32 s1, $0xFE00;
	[tilespmem:s0+$0x181B0] =	vst v0  }
0x16: {  	[tilespmem:s0+$0x18140] =	vst v0  }
0x17: {  	[tilespmem:s0+$0x18150] =	vst v0  }
.Ltmp2:
0x18: {  	[tilespmem:s0+$0x18160] =	vst v0;
	(pc) =	sbr.rel @p0 .LBB2_2-.Ltmp2, $4  }
0x19: {  	[tilespmem:s0+$0x18170] =	vst v0  }
0x1a: {  	[tilespmem:s0+$0x18180] =	vst v0  }
0x1b: {  	[tilespmem:s0+$0x18190] =	vst v0  }
0x1c: {  	[tilespmem:s0+$0x181A0] =	vst v0;
	s0 =	sshra.s32 s1, $0x2;
	s1 =	sadd.s32 $0x200, s1  }
0x1d: {  	[tilespmem:s0+$0x181B0] =	vst v0  }
0x1e: {  	[tilespmem:s0+$0x18140] =	vst v0  }
0x1f: {  	[tilespmem:s0+$0x18150] =	vst v0  }
.Ltmp3:
0x20: {  	[tilespmem:s0+$0x18160] =	vst v0;
	(pc) =	sbr.rel .LBB2_4-.Ltmp3, $4  }
0x21: {  	[tilespmem:s0+$0x18170] =	vst v0  }
0x22: {  	[tilespmem:s0+$0x18180] =	vst v0  }
0x23: {  	[tilespmem:s0+$0x18190] =	vst v0  }
0x24: {  	s1 =	simm.s32 $0x0;
	[tilespmem:s0+$0x181A0] =	vst v0  }
.LBB2_14:
0x25: {  	s0 =	rddreg [dreg:$0xf];
	[bflag:$0x0] =	sbarrier.arrive $0xFFFF  }
0x26: {  	s1 =	stileid.u32;
	s2 =	rddreg [dreg:$0xc]  }
0x27: {  	s0 =	sshll.u32 s0, $0x11;
	s1 =	sshll.u32 s1, $0x6;
	s3 =	rddreg [dreg:$0x7]  }
0x28: {  	s0 =	sadd.s32 s0, s2;
	s1 =	sor.u32 $0x1C02, s1;
	s30 =	sshrl.u32 s3, $0x3  }
0x29: {  	[hbm:s0], [sflag:s1] =	dma.local [spmem:s30], $0x2000  }
0x2a: {  	_ =	swait.ge [sflag:s4], $0x2000  }
0x2b: {  	s31 =	rddreg [dreg:$0xe]  }
0x2c: {  	s1 =	sadd.s32 $0x1, s31  }
0x2d: {  	p0 =	sne.s32 s1, $0x8  }
.Ltmp4:
0x2e: {  	_ = 	snop;
	(pc) =	sbr.rel @!p0 .LBB2_15-.Ltmp4, $3  }
0x2f: {  	[sflag:s4] =	ssyncset.done $0x0  }
0x30: {  	[sflag:s4] =	ssyncadd.s32 $0xFFFFE000  }
0x31: {  	[bflag:$0x0] =	sbarrier.arrive $0xFFFF;
	_ =	sdelay $0x1  }
.LBB2_4:
0x32: {  	[spmem:s3] =	stream.linear.scatter [tilespmem:s14], [sflag:$0x2], $0x4000, $0x38;
	[tilespmem:$0x1C240] =	vst v63  }
0x33: {  	_ =	swait.ge [sflag:s4], $0x4000  }
0x34: {  	[sflag:s4] =	ssyncset.done $0x0  }
0x35: {  	s0 =	rddreg [dreg:$0x9];
	[sflag:s4] =	ssyncadd.s32 $0xFFFFC000  }
0x36: {  	[spmem:s0] =	stream.linear.scatter [tilespmem:s14], [sflag:$0x2], $0x4000, $0x38;
	[tilespmem:$0x1C240] =	vst v63  }
0x37: {  	_ =	swait.ge [sflag:s4], $0x4000  }
0x38: {  	[sflag:s4] =	ssyncset.done $0x0  }
0x39: {  	s29 =	rddreg [dreg:$0xa];
	[sflag:s4] =	ssyncadd.s32 $0xFFFFC000  }
0x3a: {  	[spmem:s29] =	stream.linear.scatter [tilespmem:s14], [sflag:$0x2], $0x4000, $0x38;
	[tilespmem:$0x1C240] =	vst v63  }
0x3b: {  	_ =	swait.ge [sflag:s4], $0x4000  }
0x3c: {  	[sflag:s4] =	ssyncset.done $0x0  }
0x3d: {  	s30 =	rddreg [dreg:$0xb];
	[sflag:s4] =	ssyncadd.s32 $0xFFFFC000  }
0x3e: {  	[spmem:s30] =	stream.linear.scatter [tilespmem:s14], [sflag:$0x2], $0x4000, $0x38;
	[tilespmem:$0x1C240] =	vst v63  }
0x3f: {  	_ =	swait.ge [sflag:s4], $0x4000  }
.Ltmp5:
0x40: {  	s31 =	rddreg [dreg:$0x8];
	(pc) =	sbr.rel .LBB2_5-.Ltmp5, $4  }
0x41: {  	[dreg:$0xe] =	wrdreg s1;
	[sflag:s4] =	ssyncset.done $0x0;
	s0 =	sadd.s32 s31, s1  }
0x42: {  	[sflag:s4] =	ssyncadd.s32 $0xFFFFC000;
	[dreg:$0xf] =	wrdreg s0  }
0x43: {  	s0 =	sshll.u32 s0, $0xF;
	[bflag:$0x0] =	sbarrier.arrive $0xFFFF  }
0x44: {  	v2 =	vmov s0;
	s0 =	simm.s32 $0x0  }
.LBB2_13:
0x45: {  	s0 =	rddreg [dreg:$0x10]  }
0x46: {  	s0 =	sadd.s32 $0x1, s0  }
0x47: {  	p0 =	sne.s32 s0, $0x4  }
.Ltmp6:
0x48: {  	_ = 	snop;
	(pc) =	sbr.rel @!p0 .LBB2_14-.Ltmp6, $2  }
0x49: {  	_ =	sdelay $0x2  }
0x4a: {  	s5 =	simm.s32 $0x12040  }
.LBB2_5:
0x4b: {  	s26 =	sshll.u32 s0, $0xD;
	s1 =	rddreg [dreg:$0x6]  }
0x4c: {  	[dreg:$0x10] =	wrdreg s0;
	s1 =	sadd.s32 s1, s26  }
0x4d: {  	s2 =	rddreg [dreg:$0x5];
	s0 =	sshrl.u32 s1, $0x3  }
0x4e: {  	s28 =	simm.s32 $0x0;
	s0 =	sadd.s32 s2, s0  }
0x4f: {  	[tilespmem:s16], [sflag:$0x2] =	stream.linear.gather [hbm4b:s0+s28], $0x2000, $0x38;
	[tilespmem:$0x1C240] =	vst v63  }
0x50: {  	_ =	swait.ge [sflag:s4], $0x2000  }
0x51: {  	[sflag:s4] =	ssyncset.done $0x0  }
0x52: {  	s29 =	simm.s32 $0x10060;
	[sflag:s4] =	ssyncadd.s32 $0xFFFFE000  }
0x53: {  	v3 =	vld [tilespmem:s29+$0xFFFFFFE0];
	_ =	sdelay $0x4  }
0x54: {  	v3 =	vsub.s32 v3, v2  }
0x55: {  	v4 =	vadd.s32 $0xFFFF8000, v3  }
0x56: {  	vm0 =	vlt.s32 v3, $0x0;
	v3 =	vshrl.u32 v4, $0x1F  }
0x57: {  	v3 =	vsel vm0, $0x0, v3  }
0x58: {  	(xrf0) =	vadd.scan.msk.s32 $0xffff, v3;
	_ =	sdelay $0x2  }
0x59: {  	v4 =	vmov s28  }
0x5a: {  	v4 =	vadd.s32 $0xFFFFFFFF, v4  }
0x5b: {  	v4 =	vbroadcast v4, $0x0  }
0x5c: {  	v5, _, _ =	vpop (xrf0)  }
0x5d: {  	v6 =	vxor.u32 $0x1, v3;
	v4 =	vadd.s32 v5, v4  }
0x5e: {  	v3 =	vmul.u32 v3, v4;
	v4 =	vmul.u32 $0x2080, v6;
	_ =	sdelay $0x1  }
0x5f: {  	v3 =	vadd.s32 v4, v3  }
0x60: {  	(v2sf) =	vpush v5, $0xF;
	_ =	sdelay $0x2  }
0x61: {  	v4 =	vor.u32 s1, v1  }
0x62: {  	[tilespmem:v3+s5+$0x0] =	vst.idx.msk $0xffff, v4  }
0x63: {  	v3 =	vld [tilespmem:s29+$0xFFFFFFF0];
	_ =	sdelay $0x4  }
0x64: {  	v3 =	vsub.s32 v3, v2  }
0x65: {  	v5 =	vadd.s32 $0xFFFF8000, v3  }
0x66: {  	vm0 =	vlt.s32 v3, $0x0;
	v5 =	vshrl.u32 v5, $0x1F  }
0x67: {  	v3 =	vsel vm0, $0x0, v5  }
0x68: {  	(xrf0) =	vadd.scan.msk.s32 $0xffff, v3  }
0x69: {  	s30 =	spop (v2sf)  }
0x6a: {  	s2 =	sadd.s32 $0x0, s30  }
0x6b: {  	v5 =	vmov s2  }
0x6c: {  	v5 =	vadd.s32 $0xFFFFFFFF, v5  }
0x6d: {  	v5 =	vbroadcast v5, $0x0  }
0x6e: {  	v6, _, _ =	vpop (xrf0)  }
0x6f: {  	v7 =	vxor.u32 $0x1, v3;
	v5 =	vadd.s32 v6, v5  }
0x70: {  	v3 =	vmul.u32 v3, v5;
	v5 =	vmul.u32 $0x2080, v7;
	_ =	sdelay $0x1  }
0x71: {  	v3 =	vadd.s32 v5, v3  }
0x72: {  	(v2sf) =	vpush v6, $0xF;
	_ =	sdelay $0x2  }
0x73: {  	v5 =	vadd.s32 $0x10, v4  }
0x74: {  	[tilespmem:v3+s5+$0x0] =	vst.idx.msk $0xffff, v5  }
0x75: {  	v3 =	vld [tilespmem:s29+$0x0];
	_ =	sdelay $0x4  }
0x76: {  	v3 =	vsub.s32 v3, v2  }
0x77: {  	v5 =	vadd.s32 $0xFFFF8000, v3  }
0x78: {  	vm0 =	vlt.s32 v3, $0x0;
	v5 =	vshrl.u32 v5, $0x1F  }
0x79: {  	v3 =	vsel vm0, $0x0, v5  }
0x7a: {  	(xrf0) =	vadd.scan.msk.s32 $0xffff, v3  }
0x7b: {  	s3 =	spop (v2sf)  }
0x7c: {  	s2 =	sadd.s32 s2, s3  }
0x7d: {  	v5 =	vmov s2  }
0x7e: {  	v5 =	vadd.s32 $0xFFFFFFFF, v5  }
0x7f: {  	v5 =	vbroadcast v5, $0x0  }
0x80: {  	v6, _, _ =	vpop (xrf0)  }
0x81: {  	v7 =	vxor.u32 $0x1, v3;
	v5 =	vadd.s32 v6, v5  }
0x82: {  	v3 =	vmul.u32 v3, v5;
	v5 =	vmul.u32 $0x2080, v7;
	_ =	sdelay $0x1  }
0x83: {  	v3 =	vadd.s32 v5, v3  }
0x84: {  	(v2sf) =	vpush v6, $0xF;
	_ =	sdelay $0x2  }
0x85: {  	v5 =	vadd.s32 $0x20, v4  }
0x86: {  	[tilespmem:v3+s5+$0x0] =	vst.idx.msk $0xffff, v5  }
0x87: {  	v3 =	vld [tilespmem:s29+$0x10];
	_ =	sdelay $0x4  }
0x88: {  	v3 =	vsub.s32 v3, v2  }
0x89: {  	v5 =	vadd.s32 $0xFFFF8000, v3  }
0x8a: {  	vm0 =	vlt.s32 v3, $0x0;
	v5 =	vshrl.u32 v5, $0x1F  }
0x8b: {  	v3 =	vsel vm0, $0x0, v5  }
0x8c: {  	(xrf0) =	vadd.scan.msk.s32 $0xffff, v3  }
0x8d: {  	s31 =	spop (v2sf)  }
0x8e: {  	s2 =	sadd.s32 s2, s31  }
0x8f: {  	v5 =	vmov s2  }
0x90: {  	v5 =	vadd.s32 $0xFFFFFFFF, v5  }
0x91: {  	v5 =	vbroadcast v5, $0x0  }
0x92: {  	v6, _, _ =	vpop (xrf0)  }
0x93: {  	v7 =	vxor.u32 $0x1, v3;
	v5 =	vadd.s32 v6, v5;
	(v2sf) =	vpush v6, $0xF  }
0x94: {  	v3 =	vmul.u32 v3, v5;
	v5 =	vmul.u32 $0x2080, v7;
	_ =	sdelay $0x1  }
0x95: {  	v3 =	vadd.s32 v5, v3;
	_ =	sdelay $0x3  }
0x96: {  	v5 =	vadd.s32 $0x30, v4  }
0x97: {  	s0 =	simm.s32 $0x100A0;
	[tilespmem:v3+s5+$0x0] =	vst.idx.msk $0xffff, v5  }
0x98: {  	v3 =	vld [tilespmem:s0+$0xFFFFFFE0];
	_ =	sdelay $0x4  }
0x99: {  	v6 =	vsub.s32 v3, v2  }
0x9a: {  	v3 =	vmov s1;
	s1 =	simm.s32 $0x4;
	v5 =	vadd.s32 $0xFFFF8000, v6;
	vm0 =	vlt.s32 v6, $0x0;
	s3 =	spop (v2sf)  }
.LBB2_6:
0x9b: {  	s1 =	sadd.s32 $0x4, s1;
	v5 =	vshrl.u32 v5, $0x1F;
	s2 =	sadd.s32 s2, s3;
	v4 =	vadd.s32 $0x40, v4  }
0x9c: {  	p0 =	slt.u32 s1, $0x1FC;
	v5 =	vsel vm0, $0x0, v5;
	v6 =	vmov s2  }
0x9d: {  	v6 =	vadd.s32 $0xFFFFFFFF, v6;
	v7 =	vxor.u32 $0x1, v5;
	(xrf0) =	vadd.scan.msk.s32 $0xffff, v5;
	_ =	sdelay $0x4  }
0x9e: {  	v6 =	vbroadcast v6, $0x0  }
0x9f: {  	v8, _, _ =	vpop (xrf0)  }
0xa0: {  	v6 =	vadd.s32 v8, v6;
	(v2sf) =	vpush v8, $0xF  }
0xa1: {  	v5 =	vmul.u32 v5, v6;
	v6 =	vmul.u32 $0x2080, v7;
	_ =	sdelay $0x1  }
0xa2: {  	v5 =	vadd.s32 v6, v5;
	_ =	sdelay $0x4  }
0xa3: {  	[tilespmem:v5+s5+$0x0] =	vst.idx.msk $0xffff, v4  }
0xa4: {  	v5 =	vld [tilespmem:s0+$0xFFFFFFF0];
	_ =	sdelay $0x4  }
0xa5: {  	v5 =	vsub.s32 v5, v2  }
0xa6: {  	v6 =	vadd.s32 $0xFFFF8000, v5;
	s3 =	spop (v2sf)  }
0xa7: {  	vm0 =	vlt.s32 v5, $0x0;
	s2 =	sadd.s32 s2, s3;
	v6 =	vshrl.u32 v6, $0x1F  }
0xa8: {  	v5 =	vsel vm0, $0x0, v6;
	v6 =	vmov s2  }
0xa9: {  	v6 =	vadd.s32 $0xFFFFFFFF, v6;
	v7 =	vxor.u32 $0x1, v5;
	(xrf0) =	vadd.scan.msk.s32 $0xffff, v5;
	_ =	sdelay $0x4  }
0xaa: {  	v6 =	vbroadcast v6, $0x0  }
0xab: {  	v8, _, _ =	vpop (xrf0)  }
0xac: {  	v6 =	vadd.s32 v8, v6;
	(v2sf) =	vpush v8, $0xF  }
0xad: {  	v5 =	vmul.u32 v5, v6;
	v6 =	vmul.u32 $0x2080, v7;
	_ =	sdelay $0x1  }
0xae: {  	v5 =	vadd.s32 v6, v5;
	_ =	sdelay $0x3  }
0xaf: {  	v6 =	vadd.s32 $0x10, v4  }
0xb0: {  	[tilespmem:v5+s5+$0x0] =	vst.idx.msk $0xffff, v6  }
0xb1: {  	v5 =	vld [tilespmem:s0+$0x0];
	_ =	sdelay $0x4  }
0xb2: {  	v5 =	vsub.s32 v5, v2  }
0xb3: {  	v6 =	vadd.s32 $0xFFFF8000, v5;
	s3 =	spop (v2sf)  }
0xb4: {  	vm0 =	vlt.s32 v5, $0x0;
	s2 =	sadd.s32 s2, s3;
	v6 =	vshrl.u32 v6, $0x1F  }
0xb5: {  	v5 =	vsel vm0, $0x0, v6;
	v6 =	vmov s2  }
0xb6: {  	v6 =	vadd.s32 $0xFFFFFFFF, v6;
	v7 =	vxor.u32 $0x1, v5;
	(xrf0) =	vadd.scan.msk.s32 $0xffff, v5;
	_ =	sdelay $0x4  }
0xb7: {  	v6 =	vbroadcast v6, $0x0  }
0xb8: {  	v8, _, _ =	vpop (xrf0)  }
0xb9: {  	v6 =	vadd.s32 v8, v6;
	(v2sf) =	vpush v8, $0xF  }
0xba: {  	v5 =	vmul.u32 v5, v6;
	v6 =	vmul.u32 $0x2080, v7;
	_ =	sdelay $0x1  }
0xbb: {  	v5 =	vadd.s32 v6, v5;
	_ =	sdelay $0x3  }
0xbc: {  	v6 =	vadd.s32 $0x20, v4  }
0xbd: {  	[tilespmem:v5+s5+$0x0] =	vst.idx.msk $0xffff, v6  }
0xbe: {  	v5 =	vld [tilespmem:s0+$0x10];
	_ =	sdelay $0x4  }
0xbf: {  	v5 =	vsub.s32 v5, v2  }
0xc0: {  	v6 =	vadd.s32 $0xFFFF8000, v5;
	s3 =	spop (v2sf)  }
0xc1: {  	vm0 =	vlt.s32 v5, $0x0;
	s2 =	sadd.s32 s2, s3;
	v6 =	vshrl.u32 v6, $0x1F  }
0xc2: {  	v5 =	vsel vm0, $0x0, v6;
	v6 =	vmov s2  }
0xc3: {  	v6 =	vadd.s32 $0xFFFFFFFF, v6;
	v7 =	vxor.u32 $0x1, v5;
	(xrf0) =	vadd.scan.msk.s32 $0xffff, v5;
	_ =	sdelay $0x4  }
0xc4: {  	v6 =	vbroadcast v6, $0x0  }
0xc5: {  	v8, _, _ =	vpop (xrf0)  }
0xc6: {  	v6 =	vadd.s32 v8, v6;
	(v2sf) =	vpush v8, $0xF  }
0xc7: {  	v5 =	vmul.u32 v5, v6;
	v6 =	vmul.u32 $0x2080, v7;
	_ =	sdelay $0x1  }
0xc8: {  	v5 =	vadd.s32 v6, v5;
	_ =	sdelay $0x3  }
0xc9: {  	v6 =	vadd.s32 $0x30, v4  }
0xca: {  	s0 =	sadd.s32 $0x40, s0;
	[tilespmem:v5+s5+$0x0] =	vst.idx.msk $0xffff, v6  }
0xcb: {  	v5 =	vld [tilespmem:s0+$0xFFFFFFE0];
	_ =	sdelay $0x1  }
.Ltmp7:
0xcc: {  	(pc) =	sbr.rel @p0 .LBB2_6-.Ltmp7, $3  }
0xcd: {  	_ =	sdelay $0x1  }
0xce: {  	v6 =	vsub.s32 v5, v2  }
0xcf: {  	v5 =	vadd.s32 $0xFFFF8000, v6;
	vm0 =	vlt.s32 v6, $0x0;
	s3 =	spop (v2sf)  }
0xd0: {  	v5 =	vshrl.u32 v5, $0x1F  }
0xd1: {  	v5 =	vsel vm0, $0x0, v5  }
0xd2: {  	(xrf0) =	vadd.scan.msk.s32 $0xffff, v5;
	_ =	sdelay $0x1  }
0xd3: {  	s1 =	sadd.s32 s2, s3  }
0xd4: {  	v6 =	vmov s1  }
0xd5: {  	v6 =	vadd.s32 $0xFFFFFFFF, v6  }
0xd6: {  	v6 =	vbroadcast v6, $0x0  }
0xd7: {  	v7, _, _ =	vpop (xrf0)  }
0xd8: {  	v8 =	vxor.u32 $0x1, v5;
	v6 =	vadd.s32 v7, v6  }
0xd9: {  	v41 =	vmul.u32 $0x2080, v8;
	v5 =	vmul.u32 v5, v6;
	_ =	sdelay $0x1  }
0xda: {  	v5 =	vadd.s32 v41, v5  }
0xdb: {  	(v2sf) =	vpush v7, $0xF;
	_ =	sdelay $0x2  }
0xdc: {  	v4 =	vadd.s32 $0x40, v4  }
0xdd: {  	[tilespmem:v5+s5+$0x0] =	vst.idx.msk $0xffff, v4  }
0xde: {  	v5 =	vld [tilespmem:s0+$0xFFFFFFF0];
	_ =	sdelay $0x4  }
0xdf: {  	v5 =	vsub.s32 v5, v2  }
0xe0: {  	v42 =	vadd.s32 $0xFFFF8000, v5  }
0xe1: {  	vm13 =	vlt.s32 v5, $0x0;
	v6 =	vshrl.u32 v42, $0x1F  }
0xe2: {  	v5 =	vsel vm13, $0x0, v6  }
0xe3: {  	(xrf0) =	vadd.scan.msk.s32 $0xffff, v5  }
0xe4: {  	s13 =	spop (v2sf)  }
0xe5: {  	s1 =	sadd.s32 s1, s13  }
0xe6: {  	v43 =	vmov s1  }
0xe7: {  	v6 =	vadd.s32 $0xFFFFFFFF, v43  }
0xe8: {  	v6 =	vbroadcast v6, $0x0  }
0xe9: {  	v44, _, _ =	vpop (xrf0)  }
0xea: {  	v45 =	vxor.u32 $0x1, v5;
	v6 =	vadd.s32 v44, v6  }
0xeb: {  	v46 =	vmul.u32 $0x2080, v45;
	v5 =	vmul.u32 v5, v6;
	_ =	sdelay $0x1  }
0xec: {  	v5 =	vadd.s32 v46, v5  }
0xed: {  	(v2sf) =	vpush v44, $0xF;
	_ =	sdelay $0x2  }
0xee: {  	v47 =	vadd.s32 $0x10, v4  }
0xef: {  	[tilespmem:v5+s5+$0x0] =	vst.idx.msk $0xffff, v47  }
0xf0: {  	v5 =	vld [tilespmem:s0+$0x0];
	_ =	sdelay $0x4  }
0xf1: {  	v5 =	vsub.s32 v5, v2  }
0xf2: {  	v48 =	vadd.s32 $0xFFFF8000, v5  }
0xf3: {  	vm14 =	vlt.s32 v5, $0x0;
	v6 =	vshrl.u32 v48, $0x1F  }
0xf4: {  	v5 =	vsel vm14, $0x0, v6  }
0xf5: {  	(xrf0) =	vadd.scan.msk.s32 $0xffff, v5  }
0xf6: {  	s15 =	spop (v2sf)  }
0xf7: {  	s1 =	sadd.s32 s1, s15  }
0xf8: {  	v49 =	vmov s1  }
0xf9: {  	v6 =	vadd.s32 $0xFFFFFFFF, v49  }
0xfa: {  	v6 =	vbroadcast v6, $0x0  }
0xfb: {  	v50, _, _ =	vpop (xrf0)  }
0xfc: {  	v51 =	vxor.u32 $0x1, v5;
	v6 =	vadd.s32 v50, v6  }
0xfd: {  	v52 =	vmul.u32 $0x2080, v51;
	v5 =	vmul.u32 v5, v6;
	_ =	sdelay $0x1  }
0xfe: {  	v5 =	vadd.s32 v52, v5;
	_ =	sdelay $0x3  }
0xff: {  	v53 =	vadd.s32 $0x20, v4  }
0x100: {  	[tilespmem:v5+s5+$0x0] =	vst.idx.msk $0xffff, v53  }
0x101: {  	v5 =	vld [tilespmem:s0+$0x10];
	_ =	sdelay $0x4  }
0x102: {  	v5 =	vsub.s32 v5, v2  }
0x103: {  	v54 =	vadd.s32 $0xFFFF8000, v5  }
0x104: {  	vm15 =	vlt.s32 v5, $0x0;
	v6 =	vshrl.u32 v54, $0x1F  }
0x105: {  	(v2sf) =	vpush v50, $0xF;
	v5 =	vsel vm15, $0x0, v6  }
0x106: {  	(xrf0) =	vadd.scan.msk.s32 $0xffff, v5;
	_ =	sdelay $0x5  }
0x107: {  	v55, _, _ =	vpop (xrf0)  }
0x108: {  	(v2sf) =	vpush v55, $0xF;
	_ =	sdelay $0x6  }
0x109: {  	s17 =	spop (v2sf)  }
0x10a: {  	s0 =	sadd.s32 s1, s17  }
0x10b: {  	v56 =	vmov s0  }
0x10c: {  	v7 =	vadd.s32 $0xFFFFFFFF, v56  }
0x10d: {  	v7 =	vbroadcast v7, $0x0;
	_ =	sdelay $0x1  }
0x10e: {  	v57 =	vxor.u32 $0x1, v5;
	v6 =	vadd.s32 v55, v7  }
0x10f: {  	v58 =	vmul.u32 $0x2080, v57;
	v5 =	vmul.u32 v5, v6  }
0x110: {  	s18 =	spop (v2sf)  }
0x111: {  	s28 =	simm.s32 $0x12040;
	v5 =	vadd.s32 v58, v5;
	s26 =	sadd.s32 s0, s18  }
0x112: {  	v59 =	vadd.s32 s26, v1;
	s0 =	sadd.s32 $0x10, s26;
	s19 =	sadd.s32 $0x20, s26;
	s1 =	sadd.s32 $0x7F, s26  }
0x113: {  	s20 =	sadd.s32 $0x30, s26;
	s22 =	sadd.s32 $0x40, s26;
	v60 =	vadd.s32 s0, v1;
	s29 =	sand.u32 $0x7F, s1  }
0x114: {  	v61 =	vadd.s32 s19, v1;
	s31 =	sshra.s32 s1, $0x1F;
	p1 =	slt.s32 s1, $0x1;
	p0 =	sne.s32 s29, $0x0  }
0x115: {  	v4 =	vadd.s32 $0x30, v4;
	s23 =	sadd.s32 $0x50, s26;
	v9 =	vadd.s32 s20, v1;
	s0 =	sshrl.u32 s31, $0x19;
	p0 =	por !p1, !p0  }
0x116: {  	[tilespmem:v5+s5+$0x0] =	vst.idx.msk $0xffff, v4;
	v4 =	vadd.s32 s22, v1;
	s0 =	sadd.s32 s0, s1;
	s1 =	simm.s32 $0x1;
	p0 =	por !p0, !p0  }
0x117: {  	s24 =	sadd.s32 $0x60, s26;
	v5 =	vadd.s32 s23, v1;
	s0 =	sshra.s32 s0, $0x7;
	[tilespmem:v59+s28+$0x0] =	vst.idx.msk $0xffff, v3;
	s1 =	simm.s32 @!p0 $0x0  }
0x118: {  	s25 =	sadd.s32 $0x70, s26;
	v62 =	vadd.s32 s24, v1;
	[tilespmem:v60+s28+$0x0] =	vst.idx.msk $0xffff, v3;
	s0 =	ssub.s32 s0, s1  }
0x119: {  	v63 =	vadd.s32 s25, v1;
	[tilespmem:v61+s28+$0x0] =	vst.idx.msk $0xffff, v3;
	p0 =	slt.s32 s0, $0x1  }
.Ltmp8:
0x11a: {  	[tilespmem:v9+s28+$0x0] =	vst.idx.msk $0xffff, v3;
	(pc) =	sbr.rel @p0 .LBB2_13-.Ltmp8, $4  }
0x11b: {  	[tilespmem:v4+s28+$0x0] =	vst.idx.msk $0xffff, v3  }
0x11c: {  	[tilespmem:v5+s28+$0x0] =	vst.idx.msk $0xffff, v3  }
0x11d: {  	[tilespmem:v62+s28+$0x0] =	vst.idx.msk $0xffff, v3  }
0x11e: {  	s30 =	simm.s32 $0x0;
	s1 =	simm.s32 $0x0;
	[dreg:$0x12] =	wrdreg s0;
	[tilespmem:v63+s28+$0x0] =	vst.idx.msk $0xffff, v3  }
.LBB2_8:
0x11f: {  	s0 =	sshll.u32 s1, $0x9  }
0x120: {  	s0 =	sshra.s32 s0, $0x2  }
0x121: {  	v4 =	vld [tilespmem:s0+$0x12040];
	_ =	sdelay $0x4  }
0x122: {  	v5 =	vshra.s32 v4, $0x2  }
0x123: {  	v4 =	vand.u32 $0x3FF, v4;
	v5 =	vand.u32 $0xFFFFFC00, v5  }
0x124: {  	v4 =	vor.u32 v4, v5  }
0x125: {  	[tilespmem:$0x1C1C0] =	vst v4  }
0x126: {  	v4 =	vld [tilespmem:s0+$0x12050];
	_ =	sdelay $0x4  }
0x127: {  	v5 =	vshra.s32 v4, $0x2  }
0x128: {  	v4 =	vand.u32 $0x3FF, v4;
	v5 =	vand.u32 $0xFFFFFC00, v5  }
0x129: {  	v4 =	vor.u32 v4, v5  }
0x12a: {  	[tilespmem:$0x1C1D0] =	vst v4  }
0x12b: {  	v4 =	vld [tilespmem:s0+$0x12060];
	_ =	sdelay $0x4  }
0x12c: {  	v5 =	vshra.s32 v4, $0x2  }
0x12d: {  	v4 =	vand.u32 $0x3FF, v4;
	v5 =	vand.u32 $0xFFFFFC00, v5  }
0x12e: {  	v4 =	vor.u32 v4, v5  }
0x12f: {  	[tilespmem:$0x1C1E0] =	vst v4  }
0x130: {  	v4 =	vld [tilespmem:s0+$0x12070];
	_ =	sdelay $0x4  }
0x131: {  	v5 =	vshra.s32 v4, $0x2  }
0x132: {  	v4 =	vand.u32 $0x3FF, v4;
	v5 =	vand.u32 $0xFFFFFC00, v5  }
0x133: {  	v4 =	vor.u32 v4, v5  }
0x134: {  	[tilespmem:$0x1C1F0] =	vst v4  }
0x135: {  	v4 =	vld [tilespmem:s0+$0x12080];
	_ =	sdelay $0x4  }
0x136: {  	v5 =	vshra.s32 v4, $0x2  }
0x137: {  	v4 =	vand.u32 $0x3FF, v4;
	v5 =	vand.u32 $0xFFFFFC00, v5  }
0x138: {  	v4 =	vor.u32 v4, v5  }
0x139: {  	[tilespmem:$0x1C200] =	vst v4  }
0x13a: {  	v4 =	vld [tilespmem:s0+$0x12090];
	_ =	sdelay $0x4  }
0x13b: {  	v5 =	vshra.s32 v4, $0x2  }
0x13c: {  	v4 =	vand.u32 $0x3FF, v4;
	v5 =	vand.u32 $0xFFFFFC00, v5  }
0x13d: {  	v4 =	vor.u32 v4, v5  }
0x13e: {  	[tilespmem:$0x1C210] =	vst v4  }
0x13f: {  	v4 =	vld [tilespmem:s0+$0x120A0];
	_ =	sdelay $0x4  }
0x140: {  	v5 =	vshra.s32 v4, $0x2  }
0x141: {  	v4 =	vand.u32 $0x3FF, v4;
	v5 =	vand.u32 $0xFFFFFC00, v5  }
0x142: {  	v4 =	vor.u32 v4, v5  }
0x143: {  	[tilespmem:$0x1C220] =	vst v4  }
0x144: {  	v4 =	vld [tilespmem:s0+$0x120B0];
	_ =	sdelay $0x4  }
0x145: {  	v5 =	vshra.s32 v4, $0x2  }
0x146: {  	v4 =	vand.u32 $0x3FF, v4;
	v5 =	vand.u32 $0xFFFFFC00, v5  }
0x147: {  	[dreg:$0x13] =	wrdreg s1;
	v4 =	vor.u32 v4, v5  }
0x148: {  	s18 =	rddreg [dreg:$0x0];
	s19 =	simm.s32 $0x1C1C0;
	s20 =	simm.s32 $0x1;
	[tilespmem:$0x1C230] =	vst v4  }
0x149: {  	[tilespmem:s21], [sflag:$0x1] =	stream.indirect.gather [hbm4b:s18+s6], $0x80, s19, s6, $0xb8;
	[tilespmem:$0x1C240] =	vst v63  }
0x14a: {  	_ =	swait.ge [sflag:s20], $0x4000  }
0x14b: {  	[sflag:s20] =	ssyncset.done $0x0  }
0x14c: {  	[sflag:s20] =	ssyncadd.s32 $0xFFFFC000  }
0x14d: {  	v4 =	vld [tilespmem:s28+$0x0];
	_ =	sdelay $0x4  }
0x14e: {  	v5 =	vsub.s32 v4, v3  }
0x14f: {  	v6 =	vand.u32 $0x7F, v4;
	v5 =	vand.u32 $0xFFFFFF80, v5  }
0x150: {  	v5 =	vor.u32 v6, v5;
	_ =	sdelay $0x2  }
0x151: {  	v4 =	vshrl.u32 v4, $0x5  }
0x152: {  	v4 =	vand.u32 $0x60, v4  }
0x153: {  	(v2sf) =	vpush v4, $0x0;
	v5 =	vld.idx.msk [tilespmem:v5+s16+$0x0], $0xffff  }
0x154: {  	s22 =	sadd.s32 $0xF, s30;
	(v2sf) =	vpush v4, $0x1  }
0x155: {  	s0 =	ssub.s32 s22, s26;
	(v2sf) =	vpush v4, $0x2  }
0x156: {  	s0 =	sadd.s32 $0xFFFFFFF1, s0;
	(v2sf) =	vpush v4, $0x3  }
0x157: {  	v6 =	vadd.s32 s0, v1;
	(v2sf) =	vpush v4, $0x4  }
0x158: {  	vm1 =	vlt.s32 v6, $0x0;
	(v2sf) =	vpush v4, $0x5;
	v5 =	vsub.s32 v5, v2  }
0x159: {  	(v2sf) =	vpush v4, $0x6;
	v7 =	vadd.s32 $0xFFFF8000, v5;
	vm0 =	vgt.s32 v5, $0xFFFFFFFF  }
0x15a: {  	(v2sf) =	vpush v4, $0x7;
	v6 =	vshrl.u32 v7, $0x1F;
	vm0 =	vmand vm1, vm0  }
0x15b: {  	(v2sf) =	vpush v4, $0x9;
	v6 =	vnsel vm0, $0x0, v6  }
0x15c: {  	(v2sf) =	vpush v4, $0xA;
	v7 =	vmul.u32 v5, v6  }
0x15d: {  	(v2sf) =	vpush v4, $0xD  }
0x15e: {  	(v2sf) =	vpush v4, $0xF;
	v5 =	vshra.s32 v7, $0x8  }
0x15f: {  	(v2sf) =	vpush v4, $0xC;
	v5 =	vand.u32 $0xFFFFFFE0, v5  }
0x160: {  	(v2sf) =	vpush v4, $0xB;
	v5 =	vmul.u32 v6, v5  }
0x161: {  	(v2sf) =	vpush v4, $0x8  }
0x162: {  	s23 =	spop (v2sf);
	(v2sf) =	vpush v5, $0x0  }
0x163: {  	s18 =	spop (v2sf)  }
0x164: {  	s15 =	spop (v2sf)  }
0x165: {  	s13 =	spop (v2sf)  }
0x166: {  	s12 =	spop (v2sf)  }
0x167: {  	s6 =	spop (v2sf)  }
0x168: {  	s5 =	spop (v2sf)  }
0x169: {  	(v2sf) =	vpush v5, $0x1;
	s2 =	spop (v2sf)  }
0x16a: {  	s7 =	spop (v2sf)  }
0x16b: {  	s19 =	simm.s32 $0x0;
	s11 =	spop (v2sf)  }
0x16c: {  	v8 =	vor.u32 s19, v4;
	s8 =	spop (v2sf)  }
0x16d: {  	v8 =	vbroadcast v8, $0x0;
	s3 =	spop (v2sf)  }
0x16e: {  	v7 =	vand.u32 $0x1FFF, v7;
	s9 =	spop (v2sf)  }
0x16f: {  	v8 =	vor.u32 v1, v8;
	s0 =	sor.u32 s19, s23;
	v7 =	vor.u32 $0x2000, v7;
	s10 =	spop (v2sf)  }
0x170: {  	s0 =	sor.u32 $0x10, s0;
	v6 =	vmul.u32 v6, v7;
	v7 =	vbroadcast v5, $0x0;
	(v2sf) =	vpush v5, $0x2;
	s1 =	spop (v2sf)  }
0x171: {  	v9 =	vor.u32 s0, v1;
	s24 =	spop (v2sf)  }
0x172: {  	v10 =	vbroadcast v4, $0x1;
	v6 =	vxor.u32 $0x2000, v6;
	v11 =	vor.u32 v1, v7;
	s20 =	sor.u32 $0x10, s24  }
0x173: {  	s0 =	simm.s32 $0x1C140;
	v7 =	vand.u32 $0xFFFFFF80, v7;
	v11 =	vand.u32 $0x6F, v11;
	v12 =	vmov s20  }
0x174: {  	[tilespmem:s0+$0x0] =	vst v6;
	v7 =	vadd.s32 s19, v7;
	v6 =	vor.u32 s20, v1;
	v12 =	vand.u32 $0xFFFFFF80, v12  }
0x175: {  	s25 =	simm.s32 $0x80;
	v8 =	vld.idx.msk [tilespmem:v8+s21+$0x0], $0xffff;
	v7 =	vor.u32 v11, v7;
	v6 =	vand.u32 $0x7F, v6;
	v34 =	vadd.s32 s19, v12  }
0x176: {  	v10 =	vor.u32 s25, v10;
	s18 =	sor.u32 s25, s18;
	v9 =	vld.idx.msk [tilespmem:v9+s21+$0x0], $0xffff;
	v6 =	vor.u32 v6, v34  }
0x177: {  	v10 =	vor.u32 v1, v10;
	s18 =	sor.u32 $0x10, s18;
	v36 =	vbroadcast v5, $0x1;
	(v2sf) =	vpush v5, $0x3  }
0x178: {  	v35 =	vor.u32 s18, v1;
	s29 =	spop (v2sf)  }
0x179: {  	v15 =	vbroadcast v4, $0x2;
	v16 =	vor.u32 v1, v36;
	s31 =	sor.u32 $0x10, s29  }
0x17a: {  	[tilespmem:v7+s14+$0x0] =	vst.idx.msk $0xffff, v8;
	v7 =	vand.u32 $0x6F, v16;
	v13 =	vmov s31;
	v12 =	vand.u32 $0xFFFFFF80, v36  }
0x17b: {  	v14 =	vor.u32 s31, v1;
	v38 =	vand.u32 $0xFFFFFF80, v13;
	v37 =	vadd.s32 s25, v12;
	[tilespmem:v6+s14+$0x0] =	vst.idx.msk $0xffff, v9  }
0x17c: {  	s4 =	simm.s32 $0x100;
	v40 =	vand.u32 $0x7F, v14;
	v7 =	vor.u32 v7, v37;
	v6 =	vadd.s32 s25, v38;
	v39 =	vld.idx.msk [tilespmem:v10+s21+$0x0], $0xffff  }
0x17d: {  	v41 =	vor.u32 s4, v15;
	s15 =	sor.u32 s4, s15;
	v11 =	vld.idx.msk [tilespmem:v35+s21+$0x0], $0xffff;
	v6 =	vor.u32 v40, v6  }
0x17e: {  	s15 =	sor.u32 $0x10, s15;
	v42 =	vbroadcast v5, $0x2;
	(v2sf) =	vpush v5, $0x4;
	v10 =	vor.u32 v1, v41  }
0x17f: {  	v43 =	vor.u32 s15, v1;
	s17 =	spop (v2sf)  }
0x180: {  	v44 =	vbroadcast v4, $0x3;
	v45 =	vor.u32 v1, v42;
	s15 =	sor.u32 $0x10, s17  }
0x181: {  	v14 =	vand.u32 $0x6F, v45;
	v46 =	vmov s15;
	v9 =	vand.u32 $0xFFFFFF80, v42;
	[tilespmem:v7+s14+$0x0] =	vst.idx.msk $0xffff, v39  }
0x182: {  	v47 =	vor.u32 s15, v1;
	v48 =	vand.u32 $0xFFFFFF80, v46;
	v7 =	vadd.s32 s4, v9;
	[tilespmem:v6+s14+$0x0] =	vst.idx.msk $0xffff, v11  }
0x183: {  	s19 =	simm.s32 $0x180;
	v8 =	vand.u32 $0x7F, v47;
	v6 =	vor.u32 v14, v7;
	v7 =	vadd.s32 s4, v48;
	v49 =	vld.idx.msk [tilespmem:v10+s21+$0x0], $0xffff  }
0x184: {  	v50 =	vor.u32 s19, v44;
	s13 =	sor.u32 s19, s13;
	v11 =	vld.idx.msk [tilespmem:v43+s21+$0x0], $0xffff;
	v7 =	vor.u32 v8, v7  }
0x185: {  	v53 =	vbroadcast v5, $0x3;
	(v2sf) =	vpush v5, $0x5;
	s13 =	sor.u32 $0x10, s13;
	v51 =	vor.u32 v1, v50  }
0x186: {  	v52 =	vor.u32 s13, v1;
	s20 =	spop (v2sf)  }
0x187: {  	v56 =	vbroadcast v4, $0x4;
	v12 =	vand.u32 $0xFFFFFF80, v53;
	s22 =	sor.u32 $0x10, s20  }
0x188: {  	v57 =	vor.u32 v1, v53;
	v58 =	vadd.s32 s19, v12;
	v54 =	vmov s22;
	[tilespmem:v6+s14+$0x0] =	vst.idx.msk $0xffff, v49  }
0x189: {  	v55 =	vor.u32 s22, v1;
	v59 =	vand.u32 $0xFFFFFF80, v54;
	v6 =	vand.u32 $0x6F, v57;
	[tilespmem:v7+s14+$0x0] =	vst.idx.msk $0xffff, v11  }
0x18a: {  	s23 =	simm.s32 $0x200;
	v60 =	vand.u32 $0x7F, v55;
	v7 =	vadd.s32 s19, v59;
	v6 =	vor.u32 v6, v58;
	v8 =	vld.idx.msk [tilespmem:v51+s21+$0x0], $0xffff  }
0x18b: {  	v61 =	vor.u32 s23, v56;
	s12 =	sor.u32 s23, s12;
	v10 =	vld.idx.msk [tilespmem:v52+s21+$0x0], $0xffff;
	v7 =	vor.u32 v60, v7  }
0x18c: {  	v62 =	vbroadcast v5, $0x4;
	s12 =	sor.u32 $0x10, s12;
	(v2sf) =	vpush v5, $0x6;
	v11 =	vor.u32 v1, v61  }
0x18d: {  	v63 =	vor.u32 s12, v1;
	s24 =	spop (v2sf)  }
0x18e: {  	v18 =	vbroadcast v4, $0x5;
	v26 =	vbroadcast v5, $0x5;
	v19 =	vor.u32 v1, v62;
	s12 =	sor.u32 $0x10, s24  }
0x18f: {  	v9 =	vand.u32 $0xFFFFFF80, v62;
	v14 =	vand.u32 $0x6F, v19;
	v20 =	vmov s12;
	[tilespmem:v6+s14+$0x0] =	vst.idx.msk $0xffff, v8  }
0x190: {  	v21 =	vor.u32 s12, v1;
	v22 =	vand.u32 $0xFFFFFF80, v20;
	v6 =	vadd.s32 s23, v9;
	[tilespmem:v7+s14+$0x0] =	vst.idx.msk $0xffff, v10  }
0x191: {  	s25 =	simm.s32 $0x280;
	v8 =	vand.u32 $0x7F, v21;
	v6 =	vor.u32 v14, v6;
	v7 =	vadd.s32 s23, v22;
	v23 =	vld.idx.msk [tilespmem:v11+s21+$0x0], $0xffff  }
0x192: {  	v24 =	vor.u32 s25, v18;
	s6 =	sor.u32 s25, s6;
	(v2sf) =	vpush v5, $0x7;
	v25 =	vld.idx.msk [tilespmem:v63+s21+$0x0], $0xffff;
	v7 =	vor.u32 v8, v7  }
0x193: {  	s6 =	sor.u32 $0x10, s6;
	v10 =	vor.u32 v1, v24  }
0x194: {  	v28 =	vor.u32 v1, v26;
	v27 =	vor.u32 s6, v1;
	s29 =	spop (v2sf)  }
0x195: {  	v13 =	vand.u32 $0x6F, v28;
	s31 =	sor.u32 $0x10, s29  }
0x196: {  	v29 =	vmov s31;
	v30 =	vor.u32 s31, v1;
	v8 =	vand.u32 $0xFFFFFF80, v26;
	[tilespmem:v6+s14+$0x0] =	vst.idx.msk $0xffff, v23  }
0x197: {  	v31 =	vand.u32 $0xFFFFFF80, v29;
	v6 =	vadd.s32 s25, v8;
	[tilespmem:v7+s14+$0x0] =	vst.idx.msk $0xffff, v25;
	v7 =	vbroadcast v4, $0x6  }
0x198: {  	s4 =	simm.s32 $0x300;
	v32 =	vand.u32 $0x7F, v30;
	v8 =	vadd.s32 s25, v31;
	v6 =	vor.u32 v13, v6;
	v9 =	vld.idx.msk [tilespmem:v10+s21+$0x0], $0xffff  }
0x199: {  	s5 =	sor.u32 s4, s5;
	v8 =	vor.u32 v32, v8;
	v11 =	vld.idx.msk [tilespmem:v27+s21+$0x0], $0xffff;
	v7 =	vor.u32 s4, v7  }
0x19a: {  	v33 =	vbroadcast v5, $0x6;
	(v2sf) =	vpush v5, $0x8;
	s5 =	sor.u32 $0x10, s5;
	v7 =	vor.u32 v1, v7  }
0x19b: {  	v34 =	vor.u32 s5, v1;
	s12 =	spop (v2sf)  }
0x19c: {  	v36 =	vor.u32 v1, v33;
	v35 =	vbroadcast v4, $0x7;
	s5 =	sor.u32 $0x10, s12  }
0x19d: {  	v14 =	vand.u32 $0x6F, v36;
	v37 =	vmov s5;
	v10 =	vand.u32 $0xFFFFFF80, v33;
	[tilespmem:v6+s14+$0x0] =	vst.idx.msk $0xffff, v9  }
0x19e: {  	v38 =	vor.u32 s5, v1;
	v39 =	vadd.s32 s4, v10;
	v6 =	vand.u32 $0xFFFFFF80, v37;
	[tilespmem:v8+s14+$0x0] =	vst.idx.msk $0xffff, v11  }
0x19f: {  	s13 =	simm.s32 $0x380;
	v9 =	vand.u32 $0x7F, v38;
	v8 =	vor.u32 v14, v39;
	v6 =	vadd.s32 s4, v6;
	v7 =	vld.idx.msk [tilespmem:v7+s21+$0x0], $0xffff  }
0x1a0: {  	s2 =	sor.u32 s13, s2;
	v40 =	vor.u32 s13, v35;
	v11 =	vld.idx.msk [tilespmem:v34+s21+$0x0], $0xffff;
	v6 =	vor.u32 v9, v6  }
0x1a1: {  	s2 =	sor.u32 $0x10, s2;
	v41 =	vbroadcast v5, $0x7;
	(v2sf) =	vpush v5, $0x9;
	s15 =	spop (v2sf);
	v10 =	vor.u32 v1, v40  }
0x1a2: {  	v42 =	vor.u32 s2, v1;
	s17 =	sor.u32 $0x10, s15  }
0x1a3: {  	v43 =	vor.u32 v1, v41;
	v44 =	vmov s17  }
0x1a4: {  	v45 =	vor.u32 s17, v1;
	v13 =	vand.u32 $0x6F, v43;
	v9 =	vand.u32 $0xFFFFFF80, v41;
	[tilespmem:v8+s14+$0x0] =	vst.idx.msk $0xffff, v7  }
0x1a5: {  	v46 =	vadd.s32 s13, v9;
	v7 =	vand.u32 $0xFFFFFF80, v44;
	[tilespmem:v6+s14+$0x0] =	vst.idx.msk $0xffff, v11;
	v6 =	vbroadcast v4, $0x8  }
0x1a6: {  	s18 =	simm.s32 $0x400;
	v48 =	vand.u32 $0x7F, v45;
	v8 =	vor.u32 v13, v46;
	v7 =	vadd.s32 s13, v7;
	v47 =	vld.idx.msk [tilespmem:v10+s21+$0x0], $0xffff  }
0x1a7: {  	s1 =	sor.u32 s18, s1;
	(v2sf) =	vpush v5, $0xA;
	v11 =	vld.idx.msk [tilespmem:v42+s21+$0x0], $0xffff;
	v7 =	vor.u32 v48, v7;
	v6 =	vor.u32 s18, v6  }
0x1a8: {  	s1 =	sor.u32 $0x10, s1;
	v49 =	vbroadcast v5, $0x8;
	v6 =	vor.u32 v1, v6  }
0x1a9: {  	v50 =	vor.u32 s1, v1;
	s19 =	spop (v2sf)  }
0x1aa: {  	v55 =	vbroadcast v4, $0x9;
	v51 =	vor.u32 v1, v49;
	s1 =	sor.u32 $0x10, s19  }
0x1ab: {  	v52 =	vmov s1;
	v53 =	vor.u32 s1, v1;
	v10 =	vand.u32 $0xFFFFFF80, v49;
	[tilespmem:v8+s14+$0x0] =	vst.idx.msk $0xffff, v47  }
0x1ac: {  	v54 =	vand.u32 $0xFFFFFF80, v52;
	v13 =	vand.u32 $0x6F, v51;
	v10 =	vadd.s32 s18, v10;
	[tilespmem:v7+s14+$0x0] =	vst.idx.msk $0xffff, v11  }
0x1ad: {  	s20 =	simm.s32 $0x480;
	v9 =	vadd.s32 s18, v54;
	v8 =	vand.u32 $0x7F, v53;
	v7 =	vor.u32 v13, v10;
	v6 =	vld.idx.msk [tilespmem:v6+s21+$0x0], $0xffff  }
0x1ae: {  	s22 =	sor.u32 s20, s7;
	v56 =	vor.u32 s20, v55;
	(v2sf) =	vpush v5, $0xB;
	v8 =	vor.u32 v8, v9;
	v11 =	vld.idx.msk [tilespmem:v50+s21+$0x0], $0xffff  }
0x1af: {  	s2 =	sor.u32 $0x10, s22;
	v57 =	vor.u32 v1, v56;
	v59 =	vbroadcast v5, $0x9  }
0x1b0: {  	v58 =	vor.u32 s2, v1;
	s23 =	spop (v2sf)  }
0x1b1: {  	v62 =	vbroadcast v4, $0xA;
	v63 =	vor.u32 v1, v59;
	s24 =	sor.u32 $0x10, s23  }
0x1b2: {  	v12 =	vand.u32 $0xFFFFFF80, v59;
	v18 =	vand.u32 $0x6F, v63;
	v60 =	vmov s24;
	[tilespmem:v7+s14+$0x0] =	vst.idx.msk $0xffff, v6  }
0x1b3: {  	v61 =	vor.u32 s24, v1;
	v6 =	vand.u32 $0xFFFFFF80, v60;
	v7 =	vadd.s32 s20, v12;
	[tilespmem:v8+s14+$0x0] =	vst.idx.msk $0xffff, v11  }
0x1b4: {  	s25 =	simm.s32 $0x500;
	v19 =	vand.u32 $0x7F, v61;
	v6 =	vadd.s32 s20, v6;
	v7 =	vor.u32 v18, v7;
	v9 =	vld.idx.msk [tilespmem:v57+s21+$0x0], $0xffff  }
0x1b5: {  	v21 =	vor.u32 s25, v62;
	s29 =	sor.u32 s25, s11;
	v10 =	vld.idx.msk [tilespmem:v58+s21+$0x0], $0xffff;
	v6 =	vor.u32 v19, v6  }
0x1b6: {  	v20 =	vbroadcast v5, $0xA;
	s2 =	sor.u32 $0x10, s29;
	v22 =	vor.u32 v1, v21;
	(v2sf) =	vpush v5, $0xC;
	s31 =	spop (v2sf)  }
0x1b7: {  	v24 =	vor.u32 s2, v1;
	s2 =	sor.u32 $0x10, s31  }
0x1b8: {  	v23 =	vor.u32 v1, v20;
	v25 =	vmov s2  }
0x1b9: {  	v26 =	vand.u32 $0xFFFFFF80, v25;
	v12 =	vand.u32 $0x6F, v23;
	v11 =	vand.u32 $0xFFFFFF80, v20;
	[tilespmem:v7+s14+$0x0] =	vst.idx.msk $0xffff, v9  }
0x1ba: {  	v11 =	vadd.s32 s25, v11;
	v7 =	vbroadcast v4, $0xB;
	[tilespmem:v6+s14+$0x0] =	vst.idx.msk $0xffff, v10;
	v6 =	vor.u32 s2, v1  }
0x1bb: {  	s4 =	simm.s32 $0x580;
	v11 =	vor.u32 v12, v11;
	v9 =	vadd.s32 s25, v26;
	v8 =	vld.idx.msk [tilespmem:v22+s21+$0x0], $0xffff;
	v6 =	vand.u32 $0x7F, v6  }
0x1bc: {  	v27 =	vbroadcast v5, $0xB;
	s5 =	sor.u32 s4, s10;
	v7 =	vor.u32 s4, v7;
	v28 =	vld.idx.msk [tilespmem:v24+s21+$0x0], $0xffff;
	v6 =	vor.u32 v6, v9  }
0x1bd: {  	(v2sf) =	vpush v5, $0xD;
	s6 =	spop (v2sf);
	s2 =	sor.u32 $0x10, s5;
	v7 =	vor.u32 v1, v7  }
0x1be: {  	v30 =	vor.u32 v1, v27;
	(v2sf) =	vpush v5, $0xE;
	s7 =	sor.u32 $0x10, s6;
	v29 =	vor.u32 s2, v1  }
0x1bf: {  	v34 =	vbroadcast v4, $0xC;
	(v2sf) =	vpush v5, $0xF;
	v31 =	vmov s7  }
0x1c0: {  	(v2sf) =	vpush v4, $0xE;
	v32 =	vor.u32 s7, v1;
	v10 =	vand.u32 $0xFFFFFF80, v27;
	[tilespmem:v11+s14+$0x0] =	vst.idx.msk $0xffff, v8  }
0x1c1: {  	v14 =	vand.u32 $0xFFFFFF80, v31;
	v33 =	vadd.s32 s4, v10;
	[tilespmem:v6+s14+$0x0] =	vst.idx.msk $0xffff, v28;
	v6 =	vand.u32 $0x6F, v30  }
0x1c2: {  	s10 =	simm.s32 $0x600;
	v36 =	vand.u32 $0x7F, v32;
	v35 =	vadd.s32 s4, v14;
	v7 =	vld.idx.msk [tilespmem:v7+s21+$0x0], $0xffff;
	v6 =	vor.u32 v6, v33  }
0x1c3: {  	v37 =	vbroadcast v5, $0xC;
	s11 =	sor.u32 s10, s9;
	v10 =	vor.u32 s10, v34;
	v8 =	vor.u32 v36, v35;
	v9 =	vld.idx.msk [tilespmem:v29+s21+$0x0], $0xffff  }
0x1c4: {  	s2 =	sor.u32 $0x10, s11;
	v10 =	vor.u32 v1, v10  }
0x1c5: {  	v39 =	vor.u32 v1, v37;
	s12 =	spop (v2sf);
	v38 =	vor.u32 s2, v1  }
0x1c6: {  	v13 =	vand.u32 $0x6F, v39;
	s13 =	sor.u32 $0x10, s12  }
0x1c7: {  	v40 =	vmov s13;
	v41 =	vor.u32 s13, v1;
	v11 =	vand.u32 $0xFFFFFF80, v37;
	[tilespmem:v6+s14+$0x0] =	vst.idx.msk $0xffff, v7  }
0x1c8: {  	v11 =	vadd.s32 s10, v11;
	v6 =	vand.u32 $0xFFFFFF80, v40;
	v7 =	vbroadcast v4, $0xD;
	[tilespmem:v8+s14+$0x0] =	vst.idx.msk $0xffff, v9  }
0x1c9: {  	s15 =	simm.s32 $0x680;
	v43 =	vand.u32 $0x7F, v41;
	v42 =	vor.u32 v13, v11;
	v6 =	vadd.s32 s10, v6;
	v9 =	vld.idx.msk [tilespmem:v10+s21+$0x0], $0xffff  }
0x1ca: {  	s17 =	sor.u32 s15, s8;
	v7 =	vor.u32 s15, v7;
	v44 =	vld.idx.msk [tilespmem:v38+s21+$0x0], $0xffff;
	v6 =	vor.u32 v43, v6  }
0x1cb: {  	v45 =	vbroadcast v5, $0xD;
	s2 =	sor.u32 $0x10, s17;
	v7 =	vor.u32 v1, v7  }
0x1cc: {  	s18 =	spop (v2sf);
	v46 =	vor.u32 s2, v1  }
0x1cd: {  	v49 =	vbroadcast v4, $0xE;
	v47 =	vor.u32 v1, v45;
	s5 =	sor.u32 $0x10, s18  }
0x1ce: {  	s19 =	spop (v2sf);
	v48 =	vmov s5;
	v50 =	vor.u32 s5, v1;
	v10 =	vand.u32 $0xFFFFFF80, v45;
	[tilespmem:v42+s14+$0x0] =	vst.idx.msk $0xffff, v9  }
0x1cf: {  	s20 =	spop (v2sf);
	v14 =	vand.u32 $0xFFFFFF80, v48;
	v51 =	vadd.s32 s15, v10;
	[tilespmem:v6+s14+$0x0] =	vst.idx.msk $0xffff, v44;
	v6 =	vand.u32 $0x6F, v47  }
0x1d0: {  	s23 =	simm.s32 $0x700;
	s22 =	spop (v2sf);
	v52 =	vadd.s32 s15, v14;
	v8 =	vand.u32 $0x7F, v50;
	v7 =	vld.idx.msk [tilespmem:v7+s21+$0x0], $0xffff;
	v6 =	vor.u32 v6, v51  }
0x1d1: {  	v53 =	vor.u32 s23, v49;
	s1 =	sor.u32 s23, s22;
	v8 =	vor.u32 v8, v52;
	v11 =	vld.idx.msk [tilespmem:v46+s21+$0x0], $0xffff  }
0x1d2: {  	v55 =	vbroadcast v5, $0xE;
	s1 =	sor.u32 $0x10, s1;
	v9 =	vor.u32 v1, v53  }
0x1d3: {  	s24 =	sor.u32 $0x10, s19;
	v54 =	vor.u32 s1, v1  }
0x1d4: {  	v56 =	vmov s24;
	v58 =	vor.u32 v1, v55  }
0x1d5: {  	v57 =	vor.u32 s24, v1;
	v12 =	vand.u32 $0xFFFFFF80, v55;
	v59 =	vand.u32 $0x6F, v58;
	[tilespmem:v6+s14+$0x0] =	vst.idx.msk $0xffff, v7  }
0x1d6: {  	v4 =	vbroadcast v4, $0xF;
	v6 =	vand.u32 $0xFFFFFF80, v56;
	v7 =	vadd.s32 s23, v12;
	[tilespmem:v8+s14+$0x0] =	vst.idx.msk $0xffff, v11  }
0x1d7: {  	v60 =	vand.u32 $0x7F, v57;
	s25 =	simm.s32 $0x780;
	v6 =	vadd.s32 s23, v6;
	v7 =	vor.u32 v59, v7;
	v9 =	vld.idx.msk [tilespmem:v9+s21+$0x0], $0xffff  }
0x1d8: {  	v4 =	vor.u32 s25, v4;
	v10 =	vld.idx.msk [tilespmem:v54+s21+$0x0], $0xffff;
	v6 =	vor.u32 v60, v6  }
0x1d9: {  	v4 =	vor.u32 v1, v4  }
0x1da: {  	s29 =	sor.u32 s25, s3  }
0x1db: {  	v5 =	vbroadcast v5, $0xF;
	s2 =	sor.u32 $0x10, s29  }
0x1dc: {  	[tilespmem:v7+s14+$0x0] =	vst.idx.msk $0xffff, v9;
	v7 =	vor.u32 s2, v1  }
0x1dd: {  	v61 =	vor.u32 v1, v5;
	v5 =	vand.u32 $0xFFFFFF80, v5;
	s31 =	sor.u32 $0x10, s20;
	[tilespmem:v6+s14+$0x0] =	vst.idx.msk $0xffff, v10  }
0x1de: {  	v5 =	vadd.s32 s25, v5;
	v6 =	vand.u32 $0x6F, v61;
	v62 =	vld.idx.msk [tilespmem:v4+s21+$0x0], $0xffff;
	v4 =	vmov s31  }
0x1df: {  	v6 =	vor.u32 v6, v5;
	v5 =	vor.u32 s31, v1;
	v4 =	vand.u32 $0xFFFFFF80, v4  }
0x1e0: {  	v5 =	vand.u32 $0x7F, v5;
	v63 =	vadd.s32 s25, v4  }
0x1e1: {  	v4 =	vld.idx.msk [tilespmem:v7+s21+$0x0], $0xffff;
	v5 =	vor.u32 v5, v63;
	_ =	sdelay $0x3  }
0x1e2: {  	[dreg:$0x11] =	wrdreg s28;
	s13 =	simm.s32 $0x1F;
	[tilespmem:v6+s14+$0x0] =	vst.idx.msk $0xffff, v62  }
.LBB2_9:
0x1e3: {  	p0 =	sne.s32 s13, $0x7F;
	[tilespmem:v5+s14+$0x0] =	vst.idx.msk $0xffff, v4;
	s28 =	sadd.s32 $0x10, s28;
	s0 =	sadd.s32 $0x10, s0  }
0x1e4: {  	s1 =	smov.u32 s13;
	s13 =	sadd.s32 $0x10, s13;
	v4 =	vld [tilespmem:s28+$0x0];
	_ =	sdelay $0x4  }
0x1e5: {  	v5 =	vsub.s32 v4, v3;
	v6 =	vshrl.u32 v4, $0x5  }
0x1e6: {  	v7 =	vand.u32 $0x7F, v4;
	v5 =	vand.u32 $0xFFFFFF80, v5;
	v4 =	vand.u32 $0x60, v6  }
0x1e7: {  	v5 =	vor.u32 v7, v5;
	v6 =	vbroadcast v4, $0x1;
	(v2sf) =	vpush v4, $0x0  }
0x1e8: {  	v7 =	vbroadcast v4, $0x2;
	(v2sf) =	vpush v4, $0x1  }
0x1e9: {  	(v2sf) =	vpush v4, $0x2  }
0x1ea: {  	(v2sf) =	vpush v4, $0x3  }
0x1eb: {  	(v2sf) =	vpush v4, $0x4  }
0x1ec: {  	v8 =	vld.idx.msk [tilespmem:v5+s16+$0x0], $0xffff;
	(v2sf) =	vpush v4, $0x5  }
0x1ed: {  	(v2sf) =	vpush v4, $0x6  }
0x1ee: {  	(v2sf) =	vpush v4, $0x7  }
0x1ef: {  	s2 =	sadd.s32 s1, s30;
	(v2sf) =	vpush v4, $0x9  }
0x1f0: {  	s2 =	ssub.s32 s2, s26;
	(v2sf) =	vpush v4, $0xA  }
0x1f1: {  	s2 =	sadd.s32 $0xFFFFFFF1, s2;
	v5 =	vbroadcast v4, $0xF;
	(v2sf) =	vpush v4, $0xD  }
0x1f2: {  	v9 =	vadd.s32 s2, v1;
	v8 =	vsub.s32 v8, v2;
	(v2sf) =	vpush v4, $0xF  }
0x1f3: {  	vm1 =	vlt.s32 v9, $0x0;
	v10 =	vadd.s32 $0xFFFF8000, v8;
	vm0 =	vgt.s32 v8, $0xFFFFFFFF  }
0x1f4: {  	v9 =	vshrl.u32 v10, $0x1F;
	vm0 =	vmand vm1, vm0;
	(v2sf) =	vpush v4, $0xC  }
0x1f5: {  	s8 =	sshll.u32 s1, $0x7;
	v11 =	vbroadcast v4, $0x3;
	v9 =	vnsel vm0, $0x0, v9;
	(v2sf) =	vpush v4, $0xB  }
0x1f6: {  	s29 =	sadd.s32 $0xFFFFF880, s8;
	s2 =	sadd.s32 $0xFFFFF980, s8;
	v10 =	vbroadcast v4, $0xA;
	v8 =	vmul.u32 v8, v9;
	s1 =	spop (v2sf);
	(v2sf) =	vpush v4, $0x8  }
0x1f7: {  	s18 =	sadd.s32 $0xFFFFF900, s8;
	v12 =	vor.u32 s29, v4;
	v13 =	vbroadcast v4, $0x4;
	v14 =	vbroadcast v4, $0x7;
	s1 =	sor.u32 s29, s1;
	s3 =	spop (v2sf)  }
0x1f8: {  	v18 =	vbroadcast v12, $0x0;
	v15 =	vshra.s32 v8, $0x8;
	v8 =	vand.u32 $0x1FFF, v8;
	s12 =	sor.u32 $0x10, s1;
	s20 =	sor.u32 s18, s3;
	s1 =	spop (v2sf)  }
0x1f9: {  	s24 =	sadd.s32 $0xFFFFFA00, s8;
	v12 =	vor.u32 s2, v7;
	v15 =	vand.u32 $0xFFFFFFE0, v15;
	v16 =	vor.u32 $0x2000, v8;
	s1 =	sor.u32 s2, s1;
	s3 =	spop (v2sf)  }
0x1fa: {  	s19 =	sadd.s32 $0xFFFFFA80, s8;
	v8 =	vmul.u32 v9, v15;
	v7 =	vmul.u32 v9, v16;
	v9 =	vor.u32 s18, v6;
	s1 =	sor.u32 $0x10, s1;
	s5 =	spop (v2sf)  }
0x1fb: {  	v17 =	vor.u32 s24, v11;
	v11 =	vor.u32 s19, v13;
	v6 =	vbroadcast v4, $0x5;
	s3 =	sor.u32 s24, s3;
	s5 =	sor.u32 s19, s5;
	s31 =	spop (v2sf)  }
0x1fc: {  	v15 =	vxor.u32 $0x2000, v7;
	v7 =	vbroadcast v8, $0x0;
	s6 =	sor.u32 $0x10, s3;
	s5 =	sor.u32 $0x10, s5;
	(v2sf) =	vpush v8, $0x0;
	s9 =	spop (v2sf)  }
0x1fd: {  	v13 =	vbroadcast v8, $0x1;
	v19 =	vbroadcast v8, $0x2;
	(v2sf) =	vpush v8, $0x1;
	s25 =	spop (v2sf)  }
0x1fe: {  	v16 =	vor.u32 v1, v7;
	v7 =	vand.u32 $0xFFFFFF80, v7;
	(v2sf) =	vpush v8, $0x2;
	s7 =	spop (v2sf)  }
0x1ff: {  	v20 =	vor.u32 v1, v13;
	v16 =	vand.u32 $0x6F, v16;
	v7 =	vadd.s32 s29, v7;
	s22 =	spop (v2sf)  }
0x200: {  	v21 =	vor.u32 v16, v7;
	v7 =	vand.u32 $0xFFFFFF80, v13;
	v13 =	vand.u32 $0x6F, v20;
	s10 =	spop (v2sf)  }
0x201: {  	v20 =	vor.u32 v1, v19;
	v7 =	vadd.s32 s18, v7;
	(v2sf) =	vpush v8, $0x3;
	s3 =	spop (v2sf)  }
0x202: {  	v16 =	vor.u32 v13, v7;
	v7 =	vand.u32 $0xFFFFFF80, v19;
	v13 =	vand.u32 $0x6F, v20;
	s3 =	sor.u32 s8, s3  }
0x203: {  	v19 =	vbroadcast v8, $0x3;
	v7 =	vadd.s32 s2, v7;
	s3 =	sor.u32 $0x10, s3;
	(v2sf) =	vpush v8, $0x4;
	s11 =	spop (v2sf)  }
0x204: {  	v25 =	vor.u32 v13, v7;
	v7 =	vbroadcast v8, $0x4;
	(v2sf) =	vpush v8, $0x5;
	s23 =	spop (v2sf)  }
0x205: {  	v13 =	vor.u32 v1, v19;
	v19 =	vand.u32 $0xFFFFFF80, v19;
	(v2sf) =	vpush v8, $0x6;
	s15 =	spop (v2sf)  }
0x206: {  	v13 =	vand.u32 $0x6F, v13;
	v19 =	vadd.s32 s24, v19;
	v20 =	vor.u32 v1, v7  }
0x207: {  	v24 =	vor.u32 v13, v19;
	v7 =	vand.u32 $0xFFFFFF80, v7;
	v13 =	vand.u32 $0x6F, v20  }
0x208: {  	v19 =	vbroadcast v8, $0x5;
	v7 =	vadd.s32 s19, v7;
	(v2sf) =	vpush v8, $0x7  }
0x209: {  	v18 =	vor.u32 v1, v18;
	v20 =	vbroadcast v8, $0x6;
	v13 =	vor.u32 v13, v7  }
0x20a: {  	v23 =	vor.u32 s12, v1;
	s12 =	sadd.s32 $0xFFFFFB00, s8;
	v7 =	vor.u32 v1, v19;
	v19 =	vand.u32 $0xFFFFFF80, v19  }
0x20b: {  	v22 =	vor.u32 s12, v6;
	s31 =	sor.u32 s12, s31;
	v6 =	vand.u32 $0x6F, v7;
	v7 =	vadd.s32 s12, v19;
	s4 =	spop (v2sf)  }
0x20c: {  	s20 =	sor.u32 $0x10, s20;
	v19 =	vor.u32 v1, v20;
	v7 =	vor.u32 v6, v7;
	v6 =	vand.u32 $0xFFFFFF80, v20;
	s4 =	sor.u32 $0x10, s4;
	s17 =	spop (v2sf)  }
0x20d: {  	v26 =	vor.u32 s20, v1;
	s20 =	sor.u32 $0x10, s31;
	[tilespmem:s0+$0x0] =	vst v15;
	v15 =	vmov s4;
	v20 =	vor.u32 s4, v1;
	s4 =	sor.u32 $0x10, s17;
	s17 =	spop (v2sf)  }
0x20e: {  	v18 =	vld.idx.msk [tilespmem:v18+s21+$0x0], $0xffff;
	v15 =	vand.u32 $0xFFFFFF80, v15;
	v27 =	vmov s4;
	v29 =	vor.u32 s4, v1;
	s4 =	sor.u32 $0x10, s17  }
0x20f: {  	v20 =	vand.u32 $0x7F, v20;
	v23 =	vld.idx.msk [tilespmem:v23+s21+$0x0], $0xffff;
	v15 =	vadd.s32 s29, v15;
	v27 =	vand.u32 $0xFFFFFF80, v27  }
0x210: {  	v15 =	vor.u32 v20, v15;
	v20 =	vadd.s32 s18, v27;
	v27 =	vmov s4;
	s17 =	spop (v2sf)  }
0x211: {  	v28 =	vor.u32 v1, v9;
	v32 =	vor.u32 s4, v1;
	v9 =	vand.u32 $0xFFFFFF80, v27;
	s4 =	sor.u32 $0x10, s17  }
0x212: {  	v33 =	vadd.s32 s2, v9;
	v9 =	vmov s4;
	v34 =	vor.u32 s4, v1;
	s2 =	spop (v2sf)  }
0x213: {  	v35 =	vand.u32 $0xFFFFFF80, v9;
	s2 =	sor.u32 $0x10, s2;
	v9 =	vand.u32 $0x6F, v19;
	s4 =	spop (v2sf);
	(v2sf) =	vpush v8, $0x8  }
0x214: {  	v19 =	vbroadcast v8, $0x7;
	[tilespmem:v21+s14+$0x0] =	vst.idx.msk $0xffff, v18;
	v18 =	vmov s2;
	v30 =	vor.u32 s2, v1;
	s2 =	sor.u32 $0x10, s4;
	s4 =	spop (v2sf)  }
0x215: {  	[tilespmem:v15+s14+$0x0] =	vst.idx.msk $0xffff, v23;
	v15 =	vand.u32 $0xFFFFFF80, v18;
	v18 =	vmov s2;
	v27 =	vor.u32 s2, v1;
	s2 =	sor.u32 $0x10, s4  }
0x216: {  	v23 =	vld.idx.msk [tilespmem:v28+s21+$0x0], $0xffff;
	v31 =	vadd.s32 s19, v15;
	v28 =	vand.u32 $0xFFFFFF80, v18;
	v15 =	vmov s2  }
0x217: {  	v21 =	vand.u32 $0x7F, v29;
	v26 =	vld.idx.msk [tilespmem:v26+s21+$0x0], $0xffff;
	v18 =	vand.u32 $0xFFFFFF80, v15;
	v15 =	vor.u32 v1, v19;
	s4 =	spop (v2sf)  }
0x218: {  	v20 =	vor.u32 v21, v20;
	v21 =	vor.u32 s2, v1;
	v19 =	vand.u32 $0xFFFFFF80, v19;
	s2 =	sor.u32 $0x10, s4  }
0x219: {  	v29 =	vor.u32 v1, v12;
	v36 =	vmov s2;
	v12 =	vor.u32 s2, v1  }
0x21a: {  	v37 =	vor.u32 s1, v1;
	s1 =	sadd.s32 $0xFFFFFC00, s8;
	v38 =	vand.u32 $0x6F, v15;
	v15 =	vand.u32 $0xFFFFFF80, v36  }
0x21b: {  	v19 =	vadd.s32 s1, v19;
	s2 =	sor.u32 s1, s25;
	v15 =	vadd.s32 s1, v15;
	(v2sf) =	vpush v8, $0x9  }
0x21c: {  	[tilespmem:v16+s14+$0x0] =	vst.idx.msk $0xffff, v23;
	v23 =	vor.u32 s1, v14;
	s1 =	sor.u32 $0x10, s2;
	v14 =	vor.u32 v38, v19;
	v16 =	vbroadcast v8, $0x8  }
0x21d: {  	[tilespmem:v20+s14+$0x0] =	vst.idx.msk $0xffff, v26;
	v20 =	vbroadcast v8, $0x9;
	v26 =	vbroadcast v8, $0xA;
	(v2sf) =	vpush v8, $0xA  }
0x21e: {  	s25 =	sadd.s32 $0xFFFFFC80, s8;
	v29 =	vld.idx.msk [tilespmem:v29+s21+$0x0], $0xffff;
	v19 =	vor.u32 v1, v16;
	v16 =	vand.u32 $0xFFFFFF80, v16;
	(v2sf) =	vpush v8, $0xB  }
0x21f: {  	v32 =	vand.u32 $0x7F, v32;
	s2 =	sor.u32 s25, s15;
	v36 =	vld.idx.msk [tilespmem:v37+s21+$0x0], $0xffff;
	v19 =	vand.u32 $0x6F, v19;
	v16 =	vadd.s32 s25, v16  }
0x220: {  	v32 =	vor.u32 v32, v33;
	s2 =	sor.u32 $0x10, s2;
	v19 =	vor.u32 v19, v16;
	v16 =	vor.u32 v1, v20  }
0x221: {  	v17 =	vor.u32 v1, v17;
	v33 =	vand.u32 $0xFFFFFF80, v20;
	v20 =	vor.u32 v1, v26  }
0x222: {  	s15 =	sadd.s32 $0xFFFFFD80, s8;
	v37 =	vor.u32 s6, v1;
	v26 =	vand.u32 $0xFFFFFF80, v26;
	v38 =	vand.u32 $0x6F, v20;
	s4 =	spop (v2sf)  }
0x223: {  	s6 =	sor.u32 s15, s22;
	v20 =	vor.u32 s15, v10;
	v10 =	vadd.s32 s15, v26;
	s4 =	sor.u32 $0x10, s4;
	(v2sf) =	vpush v8, $0xC  }
0x224: {  	s6 =	sor.u32 $0x10, s6;
	v10 =	vor.u32 v38, v10;
	[tilespmem:v25+s14+$0x0] =	vst.idx.msk $0xffff, v29;
	v26 =	vmov s4;
	v25 =	vor.u32 s4, v1  }
0x225: {  	v29 =	vbroadcast v8, $0xB;
	[tilespmem:v32+s14+$0x0] =	vst.idx.msk $0xffff, v36;
	v26 =	vand.u32 $0xFFFFFF80, v26;
	(v2sf) =	vpush v8, $0xD  }
0x226: {  	v36 =	vbroadcast v8, $0xC;
	v32 =	vld.idx.msk [tilespmem:v17+s21+$0x0], $0xffff;
	v26 =	vadd.s32 s25, v26;
	(v2sf) =	vpush v8, $0xE  }
0x227: {  	v34 =	vand.u32 $0x7F, v34;
	v35 =	vadd.s32 s24, v35;
	v17 =	vor.u32 v1, v29;
	v37 =	vld.idx.msk [tilespmem:v37+s21+$0x0], $0xffff  }
0x228: {  	v34 =	vor.u32 v34, v35;
	v38 =	vand.u32 $0xFFFFFF80, v29;
	v29 =	vor.u32 v1, v36  }
0x229: {  	v11 =	vor.u32 v1, v11;
	v36 =	vand.u32 $0xFFFFFF80, v36;
	v39 =	vand.u32 $0x6F, v29  }
0x22a: {  	v40 =	vbroadcast v8, $0xD;
	v35 =	vor.u32 s5, v1;
	s4 =	spop (v2sf);
	(v2sf) =	vpush v8, $0xF  }
0x22b: {  	v42 =	vbroadcast v8, $0xE;
	v44 =	vbroadcast v8, $0xF;
	s4 =	sor.u32 $0x10, s4;
	(v2sf) =	vpush v4, $0xE  }
0x22c: {  	v8 =	vor.u32 v1, v40;
	[tilespmem:v24+s14+$0x0] =	vst.idx.msk $0xffff, v32;
	v24 =	vmov s4;
	v29 =	vor.u32 s4, v1;
	s4 =	spop (v2sf)  }
0x22d: {  	v43 =	vbroadcast v4, $0xB;
	s17 =	sadd.s32 $0xFFFFFD00, s8;
	v32 =	vbroadcast v4, $0x9;
	[tilespmem:v34+s14+$0x0] =	vst.idx.msk $0xffff, v37;
	v24 =	vand.u32 $0xFFFFFF80, v24;
	s5 =	sor.u32 $0x10, s4;
	s4 =	spop (v2sf)  }
0x22e: {  	s7 =	sor.u32 s17, s7;
	v37 =	vadd.s32 s17, v33;
	v45 =	vld.idx.msk [tilespmem:v11+s21+$0x0], $0xffff;
	v34 =	vadd.s32 s17, v24;
	v11 =	vmov s5;
	s4 =	sor.u32 $0x10, s4  }
0x22f: {  	s18 =	sor.u32 $0x10, s7;
	v24 =	vand.u32 $0x7F, v30;
	v41 =	vor.u32 s17, v32;
	v33 =	vld.idx.msk [tilespmem:v35+s21+$0x0], $0xffff;
	v11 =	vand.u32 $0xFFFFFF80, v11  }
0x230: {  	v32 =	vor.u32 v24, v31;
	v31 =	vadd.s32 s15, v11;
	v11 =	vmov s4  }
0x231: {  	v46 =	vor.u32 v1, v22;
	s7 =	sadd.s32 $0xFFFFFE00, s8;
	v22 =	vor.u32 s4, v1;
	v11 =	vand.u32 $0xFFFFFF80, v11  }
0x232: {  	v47 =	vor.u32 s20, v1;
	v35 =	vor.u32 s7, v43;
	s4 =	sor.u32 s7, s23;
	v24 =	vadd.s32 s7, v11;
	s15 =	spop (v2sf)  }
0x233: {  	v30 =	vadd.s32 s7, v38;
	v38 =	vand.u32 $0xFFFFFF80, v42;
	s20 =	sor.u32 $0x10, s4;
	v11 =	vor.u32 v1, v42;
	s4 =	sor.u32 $0x10, s15  }
0x234: {  	v43 =	vbroadcast v4, $0xE;
	[tilespmem:v13+s14+$0x0] =	vst.idx.msk $0xffff, v45;
	v42 =	vmov s4;
	v13 =	vor.u32 s4, v1;
	s4 =	spop (v2sf)  }
0x235: {  	v40 =	vand.u32 $0xFFFFFF80, v40;
	s7 =	sadd.s32 $0xFFFFFE80, s8;
	[tilespmem:v32+s14+$0x0] =	vst.idx.msk $0xffff, v33;
	v32 =	vand.u32 $0xFFFFFF80, v42;
	v33 =	vbroadcast v4, $0xD;
	s4 =	sor.u32 $0x10, s4;
	s15 =	spop (v2sf)  }
0x236: {  	s11 =	sor.u32 s7, s11;
	v42 =	vbroadcast v4, $0x6;
	v45 =	vld.idx.msk [tilespmem:v46+s21+$0x0], $0xffff;
	v32 =	vadd.s32 s7, v32;
	v46 =	vmov s4;
	s15 =	sor.u32 $0x10, s15  }
0x237: {  	v27 =	vand.u32 $0x7F, v27;
	v28 =	vadd.s32 s12, v28;
	s12 =	sadd.s32 $0xFFFFFB80, s8;
	s17 =	sadd.s32 $0xFFFFFF00, s8;
	s11 =	sor.u32 $0x10, s11;
	v47 =	vld.idx.msk [tilespmem:v47+s21+$0x0], $0xffff;
	v46 =	vand.u32 $0xFFFFFF80, v46  }
0x238: {  	v48 =	vor.u32 v27, v28;
	s9 =	sor.u32 s12, s9;
	s10 =	sor.u32 s17, s10;
	v28 =	vor.u32 s12, v42;
	v27 =	vadd.s32 s17, v46  }
0x239: {  	s19 =	sor.u32 $0x10, s9;
	s9 =	sor.u32 $0x10, s10;
	v46 =	vor.u32 v1, v28;
	v28 =	vadd.s32 s7, v36;
	v36 =	vor.u32 s4, v1;
	s4 =	spop (v2sf)  }
0x23a: {  	v49 =	vor.u32 s19, v1;
	v50 =	vmov s15;
	v39 =	vor.u32 v39, v28;
	s4 =	sor.u32 $0x10, s4;
	s10 =	spop (v2sf)  }
0x23b: {  	s19 =	sadd.s32 $0xFFFFFF80, s8;
	v42 =	vor.u32 s17, v33;
	v33 =	vand.u32 $0xFFFFFF80, v50;
	v28 =	vor.u32 s15, v1  }
0x23c: {  	v40 =	vadd.s32 s17, v40;
	v33 =	vadd.s32 s19, v33;
	s10 =	sor.u32 s19, s10;
	[tilespmem:v7+s14+$0x0] =	vst.idx.msk $0xffff, v45;
	v45 =	vmov s4  }
0x23d: {  	v38 =	vadd.s32 s19, v38;
	v7 =	vor.u32 s4, v1;
	[tilespmem:v48+s14+$0x0] =	vst.idx.msk $0xffff, v47;
	v45 =	vand.u32 $0xFFFFFF80, v45  }
0x23e: {  	v43 =	vor.u32 s19, v43;
	v47 =	vadd.s32 s12, v6;
	v46 =	vld.idx.msk [tilespmem:v46+s21+$0x0], $0xffff;
	v6 =	vadd.s32 s8, v45  }
0x23f: {  	v18 =	vadd.s32 s12, v18;
	v47 =	vor.u32 v9, v47;
	v9 =	vand.u32 $0x7F, v21;
	v45 =	vld.idx.msk [tilespmem:v49+s21+$0x0], $0xffff  }
0x240: {  	v21 =	vor.u32 v9, v18;
	v9 =	vor.u32 v1, v44;
	v44 =	vand.u32 $0xFFFFFF80, v44  }
0x241: {  	v23 =	vor.u32 v1, v23;
	v18 =	vor.u32 s8, v5;
	v5 =	vadd.s32 s8, v44  }
0x242: {  	v44 =	vor.u32 s1, v1;
	_ =	sdelay $0x1  }
0x243: {  	[tilespmem:v47+s14+$0x0] =	vst.idx.msk $0xffff, v46  }
0x244: {  	[tilespmem:v21+s14+$0x0] =	vst.idx.msk $0xffff, v45  }
0x245: {  	v21 =	vld.idx.msk [tilespmem:v23+s21+$0x0], $0xffff;
	v23 =	vbroadcast v4, $0x8  }
0x246: {  	v12 =	vand.u32 $0x7F, v12;
	v44 =	vld.idx.msk [tilespmem:v44+s21+$0x0], $0xffff  }
0x247: {  	v12 =	vor.u32 v12, v15;
	v15 =	vor.u32 s25, v23  }
0x248: {  	v15 =	vor.u32 v1, v15  }
0x249: {  	v23 =	vor.u32 s2, v1;
	_ =	sdelay $0x1  }
0x24a: {  	[tilespmem:v14+s14+$0x0] =	vst.idx.msk $0xffff, v21  }
0x24b: {  	[tilespmem:v12+s14+$0x0] =	vst.idx.msk $0xffff, v44  }
0x24c: {  	v12 =	vld.idx.msk [tilespmem:v15+s21+$0x0], $0xffff  }
0x24d: {  	v15 =	vand.u32 $0x7F, v25;
	v14 =	vld.idx.msk [tilespmem:v23+s21+$0x0], $0xffff  }
0x24e: {  	v15 =	vor.u32 v15, v26  }
0x24f: {  	v21 =	vor.u32 v1, v41  }
0x250: {  	v23 =	vor.u32 s18, v1;
	_ =	sdelay $0x1  }
0x251: {  	[tilespmem:v19+s14+$0x0] =	vst.idx.msk $0xffff, v12  }
0x252: {  	[tilespmem:v15+s14+$0x0] =	vst.idx.msk $0xffff, v14  }
0x253: {  	v14 =	vand.u32 $0x6F, v16;
	v12 =	vld.idx.msk [tilespmem:v21+s21+$0x0], $0xffff  }
0x254: {  	v16 =	vand.u32 $0x7F, v29;
	v14 =	vor.u32 v14, v37;
	v15 =	vld.idx.msk [tilespmem:v23+s21+$0x0], $0xffff  }
0x255: {  	v16 =	vor.u32 v16, v34  }
0x256: {  	v19 =	vor.u32 v1, v20  }
0x257: {  	v20 =	vor.u32 s6, v1;
	_ =	sdelay $0x1  }
0x258: {  	[tilespmem:v14+s14+$0x0] =	vst.idx.msk $0xffff, v12  }
0x259: {  	[tilespmem:v16+s14+$0x0] =	vst.idx.msk $0xffff, v15  }
0x25a: {  	v14 =	vor.u32 s5, v1;
	v12 =	vld.idx.msk [tilespmem:v19+s21+$0x0], $0xffff  }
0x25b: {  	v14 =	vand.u32 $0x7F, v14;
	v15 =	vld.idx.msk [tilespmem:v20+s21+$0x0], $0xffff  }
0x25c: {  	v14 =	vor.u32 v14, v31  }
0x25d: {  	v16 =	vor.u32 v1, v35  }
0x25e: {  	v19 =	vor.u32 s20, v1;
	_ =	sdelay $0x1  }
0x25f: {  	[tilespmem:v10+s14+$0x0] =	vst.idx.msk $0xffff, v12  }
0x260: {  	[tilespmem:v14+s14+$0x0] =	vst.idx.msk $0xffff, v15  }
0x261: {  	v4 =	vbroadcast v4, $0xC;
	v12 =	vand.u32 $0x6F, v17;
	v10 =	vld.idx.msk [tilespmem:v16+s21+$0x0], $0xffff  }
0x262: {  	v12 =	vor.u32 v12, v30;
	v15 =	vand.u32 $0x7F, v22;
	v14 =	vld.idx.msk [tilespmem:v19+s21+$0x0], $0xffff  }
0x263: {  	v4 =	vor.u32 s7, v4;
	v15 =	vor.u32 v15, v24  }
0x264: {  	v4 =	vor.u32 v1, v4  }
0x265: {  	v16 =	vor.u32 s11, v1;
	_ =	sdelay $0x1  }
0x266: {  	[tilespmem:v12+s14+$0x0] =	vst.idx.msk $0xffff, v10  }
0x267: {  	[tilespmem:v15+s14+$0x0] =	vst.idx.msk $0xffff, v14  }
0x268: {  	v4 =	vld.idx.msk [tilespmem:v4+s21+$0x0], $0xffff  }
0x269: {  	v12 =	vand.u32 $0x7F, v13;
	v10 =	vld.idx.msk [tilespmem:v16+s21+$0x0], $0xffff  }
0x26a: {  	v12 =	vor.u32 v12, v32  }
0x26b: {  	v13 =	vor.u32 v1, v42  }
0x26c: {  	v14 =	vor.u32 s9, v1;
	_ =	sdelay $0x1  }
0x26d: {  	[tilespmem:v39+s14+$0x0] =	vst.idx.msk $0xffff, v4  }
0x26e: {  	[tilespmem:v12+s14+$0x0] =	vst.idx.msk $0xffff, v10  }
0x26f: {  	v8 =	vand.u32 $0x6F, v8;
	v4 =	vld.idx.msk [tilespmem:v13+s21+$0x0], $0xffff  }
0x270: {  	v8 =	vor.u32 v8, v40;
	v12 =	vand.u32 $0x7F, v36;
	v10 =	vld.idx.msk [tilespmem:v14+s21+$0x0], $0xffff  }
0x271: {  	v12 =	vor.u32 v12, v27  }
0x272: {  	s1 =	sor.u32 $0x10, s10;
	v13 =	vor.u32 v1, v43  }
0x273: {  	v14 =	vor.u32 s1, v1;
	_ =	sdelay $0x1  }
0x274: {  	[tilespmem:v8+s14+$0x0] =	vst.idx.msk $0xffff, v4  }
0x275: {  	[tilespmem:v12+s14+$0x0] =	vst.idx.msk $0xffff, v10  }
0x276: {  	v8 =	vand.u32 $0x6F, v11;
	v4 =	vld.idx.msk [tilespmem:v13+s21+$0x0], $0xffff  }
0x277: {  	v11 =	vand.u32 $0x7F, v28;
	v8 =	vor.u32 v8, v38;
	v10 =	vld.idx.msk [tilespmem:v14+s21+$0x0], $0xffff  }
0x278: {  	v11 =	vor.u32 v11, v33  }
0x279: {  	v12 =	vor.u32 v1, v18  }
0x27a: {  	v13 =	vor.u32 s3, v1;
	_ =	sdelay $0x1  }
0x27b: {  	[tilespmem:v8+s14+$0x0] =	vst.idx.msk $0xffff, v4  }
0x27c: {  	[tilespmem:v11+s14+$0x0] =	vst.idx.msk $0xffff, v10  }
0x27d: {  	v9 =	vand.u32 $0x6F, v9;
	v8 =	vld.idx.msk [tilespmem:v12+s21+$0x0], $0xffff  }
0x27e: {  	v9 =	vor.u32 v9, v5;
	v5 =	vand.u32 $0x7F, v7;
	v4 =	vld.idx.msk [tilespmem:v13+s21+$0x0], $0xffff  }
.Ltmp9:
0x27f: {  	v5 =	vor.u32 v5, v6;
	(pc) =	sbr.rel @p0 .LBB2_9-.Ltmp9, $2  }
0x280: {  	_ =	sdelay $0x2  }
0x281: {  	[tilespmem:v9+s14+$0x0] =	vst.idx.msk $0xffff, v8  }
0x282: {  	_ =	sdelay $0x2  }
0x283: {  	s0 =	rddreg [dreg:$0x2]  }
0x284: {  	[tilespmem:v5+s14+$0x0] =	vst.idx.msk $0xffff, v4;
	s6 =	simm.s32 $0x80;
	s1 =	simm.s32 $0x1C140;
	s4 =	simm.s32 $0x2  }
0x285: {  	[spmem:s0] =	stream.indirect.scatter.add.f32 [tilespmem:s14], [sflag:$0x2], $0x80, s1, s6, $0xb8;
	[tilespmem:$0x1C240] =	vst v63  }
0x286: {  	_ =	swait.ge [sflag:s4], $0x4000  }
0x287: {  	[sflag:s4] =	ssyncset.done $0x0;
	s28 =	rddreg [dreg:$0x11]  }
0x288: {  	s0 =	simm.s32 $0xF;
	[sflag:s4] =	ssyncadd.s32 $0xFFFFC000;
	s3 =	smov.u32 s28  }
.LBB2_11:
0x289: {  	v4 =	vld [tilespmem:s3+$0x0];
	_ =	sdelay $0x4  }
0x28a: {  	v5 =	vsub.s32 v4, v3  }
0x28b: {  	v4 =	vand.u32 $0x7F, v4;
	v5 =	vand.u32 $0xFFFFFF80, v5  }
0x28c: {  	v4 =	vor.u32 v4, v5;
	_ =	sdelay $0x4  }
0x28d: {  	v4 =	vld.idx.msk [tilespmem:v4+s16+$0x0], $0xffff;
	_ =	sdelay $0x1  }
0x28e: {  	s1 =	sadd.s32 s0, s30  }
0x28f: {  	s1 =	ssub.s32 s1, s26  }
0x290: {  	s1 =	sadd.s32 $0xFFFFFFF1, s1  }
0x291: {  	v5 =	vadd.s32 s1, v1;
	v4 =	vsub.s32 v4, v2  }
0x292: {  	vm1 =	vlt.s32 v5, $0x0;
	v6 =	vadd.s32 $0xFFFF8000, v4;
	vm0 =	vgt.s32 v4, $0xFFFFFFFF  }
0x293: {  	v5 =	vshrl.u32 v6, $0x1F;
	vm0 =	vmand vm1, vm0  }
0x294: {  	v5 =	vnsel vm0, $0x0, v5  }
0x295: {  	v4 =	vmul.u32 v4, v5;
	_ =	sdelay $0x1  }
0x296: {  	v4 =	vshra.s32 v4, $0x8  }
0x297: {  	v4 =	vand.u32 $0xFFFFFFE0, v4  }
0x298: {  	v4 =	vmul.u32 v5, v4;
	_ =	sdelay $0x1  }
0x299: {  	(v2sf) =	vpush v4, $0x0  }
0x29a: {  	(v2sf) =	vpush v4, $0x1  }
0x29b: {  	v5 =	vbroadcast v4, $0x0;
	v8 =	vbroadcast v4, $0x1;
	(v2sf) =	vpush v4, $0x2  }
0x29c: {  	v11 =	vbroadcast v4, $0x2;
	v13 =	vbroadcast v4, $0x3  }
0x29d: {  	v14 =	vbroadcast v4, $0x4;
	v17 =	vbroadcast v4, $0x5;
	(v2sf) =	vpush v4, $0x3  }
0x29e: {  	v19 =	vbroadcast v4, $0x6;
	v20 =	vbroadcast v4, $0x7  }
0x29f: {  	v23 =	vor.u32 v1, v5;
	v5 =	vand.u32 $0xFFFFFF80, v5;
	v9 =	vor.u32 v1, v8  }
0x2a0: {  	v25 =	vand.u32 $0xFFFFFF80, v8;
	v29 =	vor.u32 v1, v11;
	v30 =	vand.u32 $0xFFFFFF80, v11  }
0x2a1: {  	v34 =	vor.u32 v1, v13;
	v13 =	vand.u32 $0xFFFFFF80, v13;
	v15 =	vor.u32 v1, v14  }
0x2a2: {  	s8 =	sshll.u32 s0, $0x7;
	v39 =	vand.u32 $0xFFFFFF80, v14;
	v43 =	vor.u32 v1, v17;
	v44 =	vand.u32 $0xFFFFFF80, v17  }
0x2a3: {  	s2 =	sadd.s32 $0xFFFFF880, s8;
	v48 =	vor.u32 v1, v19;
	v19 =	vand.u32 $0xFFFFFF80, v19;
	v21 =	vor.u32 v1, v20  }
0x2a4: {  	s23 =	sadd.s32 $0xFFFFFA00, s8;
	v53 =	vand.u32 $0xFFFFFF80, v20;
	v6 =	vand.u32 $0x6F, v23;
	v5 =	vadd.s32 s2, v5  }
0x2a5: {  	s5 =	sadd.s32 $0xFFFFFB80, s8;
	v26 =	vand.u32 $0x6F, v9;
	v35 =	vand.u32 $0x6F, v34;
	v36 =	vadd.s32 s23, v13  }
0x2a6: {  	v40 =	vand.u32 $0x6F, v15;
	v49 =	vand.u32 $0x6F, v48;
	v50 =	vadd.s32 s5, v19  }
0x2a7: {  	v54 =	vand.u32 $0x6F, v21;
	v23 =	vbroadcast v4, $0x8;
	v5 =	vor.u32 v6, v5  }
0x2a8: {  	v11 =	vor.u32 v35, v36;
	v17 =	vor.u32 v49, v50;
	s15 =	spop (v2sf);
	(v2sf) =	vpush v4, $0x4  }
0x2a9: {  	v57 =	vor.u32 v1, v23;
	v58 =	vand.u32 $0xFFFFFF80, v23;
	s1 =	sor.u32 $0x10, s15;
	s17 =	spop (v2sf);
	(v2sf) =	vpush v4, $0x5  }
0x2aa: {  	v7 =	vmov s1;
	v24 =	vor.u32 s1, v1;
	s1 =	sor.u32 $0x10, s17;
	s19 =	spop (v2sf);
	(v2sf) =	vpush v4, $0x6  }
0x2ab: {  	v7 =	vand.u32 $0xFFFFFF80, v7;
	v6 =	vand.u32 $0x7F, v24;
	v27 =	vmov s1  }
0x2ac: {  	v10 =	vor.u32 s1, v1;
	s22 =	spop (v2sf);
	(v2sf) =	vpush v4, $0x7;
	v24 =	vbroadcast v4, $0x9  }
0x2ad: {  	s20 =	sadd.s32 $0xFFFFF980, s8;
	s1 =	sor.u32 $0x10, s19;
	v7 =	vadd.s32 s2, v7;
	v9 =	vand.u32 $0xFFFFFF80, v27;
	v28 =	vand.u32 $0x7F, v10  }
0x2ae: {  	s18 =	sadd.s32 $0xFFFFF900, s8;
	v10 =	vadd.s32 s20, v30;
	v31 =	vmov s1;
	v12 =	vor.u32 s1, v1  }
0x2af: {  	s1 =	sor.u32 $0x10, s22;
	v6 =	vor.u32 v6, v7;
	v7 =	vadd.s32 s18, v25;
	v9 =	vadd.s32 s18, v9  }
0x2b0: {  	v32 =	vand.u32 $0xFFFFFF80, v31;
	v33 =	vand.u32 $0x7F, v12;
	v37 =	vmov s1  }
0x2b1: {  	v38 =	vor.u32 s1, v1;
	v63 =	vand.u32 $0xFFFFFF80, v24;
	v7 =	vor.u32 v26, v7  }
0x2b2: {  	v8 =	vor.u32 v28, v9;
	v9 =	vand.u32 $0x6F, v29;
	v13 =	vand.u32 $0xFFFFFF80, v37  }
0x2b3: {  	v12 =	vand.u32 $0x7F, v38;
	v9 =	vor.u32 v9, v10;
	v10 =	vadd.s32 s20, v32  }
0x2b4: {  	s13 =	sadd.s32 $0xFFFFFD00, s8;
	[tilespmem:v5+s14+$0x0] =	vst.idx.msk $0xffff, v0;
	v28 =	vbroadcast v4, $0xA;
	v13 =	vadd.s32 s23, v13;
	v10 =	vor.u32 v33, v10  }
0x2b5: {  	s25 =	sadd.s32 $0xFFFFFA80, s8;
	v62 =	vor.u32 v1, v24;
	v25 =	vadd.s32 s13, v63;
	v12 =	vor.u32 v12, v13;
	[tilespmem:v6+s14+$0x0] =	vst.idx.msk $0xffff, v0  }
0x2b6: {  	v13 =	vadd.s32 s25, v39;
	v29 =	vor.u32 v1, v28;
	v33 =	vbroadcast v4, $0xB;
	[tilespmem:v7+s14+$0x0] =	vst.idx.msk $0xffff, v0  }
0x2b7: {  	v30 =	vand.u32 $0xFFFFFF80, v28;
	v39 =	vbroadcast v4, $0xC;
	[tilespmem:v8+s14+$0x0] =	vst.idx.msk $0xffff, v0;
	s24 =	spop (v2sf);
	(v2sf) =	vpush v4, $0x8  }
0x2b8: {  	s17 =	sadd.s32 $0xFFFFFD80, s8;
	v13 =	vor.u32 v40, v13;
	v35 =	vor.u32 v1, v33;
	v7 =	vand.u32 $0x6F, v62;
	[tilespmem:v9+s14+$0x0] =	vst.idx.msk $0xffff, v0  }
0x2b9: {  	v9 =	vand.u32 $0x6F, v29;
	[tilespmem:v10+s14+$0x0] =	vst.idx.msk $0xffff, v0;
	v10 =	vadd.s32 s17, v30;
	s29 =	spop (v2sf);
	(v2sf) =	vpush v4, $0x9  }
0x2ba: {  	v36 =	vand.u32 $0xFFFFFF80, v33;
	v7 =	vor.u32 v7, v25;
	v9 =	vor.u32 v9, v10;
	s1 =	sor.u32 $0x10, s24  }
0x2bb: {  	s19 =	sadd.s32 $0xFFFFFE00, s8;
	[tilespmem:v11+s14+$0x0] =	vst.idx.msk $0xffff, v0;
	v41 =	vmov s1;
	v16 =	vor.u32 s1, v1;
	s2 =	spop (v2sf);
	(v2sf) =	vpush v4, $0xA  }
0x2bc: {  	s31 =	sadd.s32 $0xFFFFFB00, s8;
	[tilespmem:v12+s14+$0x0] =	vst.idx.msk $0xffff, v0;
	v12 =	vadd.s32 s19, v36;
	s1 =	sor.u32 $0x10, s29;
	v15 =	vand.u32 $0xFFFFFF80, v41;
	v42 =	vand.u32 $0x7F, v16  }
0x2bd: {  	v16 =	vadd.s32 s31, v44;
	v45 =	vmov s1;
	s7 =	spop (v2sf);
	(v2sf) =	vpush v4, $0xB  }
0x2be: {  	v18 =	vor.u32 s1, v1;
	s1 =	sor.u32 $0x10, s2;
	v41 =	vor.u32 v1, v39;
	v15 =	vadd.s32 s25, v15  }
0x2bf: {  	v46 =	vand.u32 $0xFFFFFF80, v45;
	v47 =	vand.u32 $0x7F, v18;
	v51 =	vmov s1  }
0x2c0: {  	v52 =	vor.u32 s1, v1;
	v45 =	vbroadcast v4, $0xD;
	v14 =	vor.u32 v42, v15  }
0x2c1: {  	s1 =	sor.u32 $0x10, s7;
	v15 =	vand.u32 $0x6F, v43;
	v19 =	vand.u32 $0xFFFFFF80, v51;
	v18 =	vand.u32 $0x7F, v52  }
0x2c2: {  	v55 =	vmov s1;
	v22 =	vor.u32 s1, v1;
	v42 =	vand.u32 $0xFFFFFF80, v39  }
0x2c3: {  	v52 =	vbroadcast v4, $0xE;
	v15 =	vor.u32 v15, v16;
	v16 =	vadd.s32 s31, v46  }
0x2c4: {  	s11 =	sadd.s32 $0xFFFFFC80, s8;
	s22 =	sadd.s32 $0xFFFFFE80, s8;
	v19 =	vadd.s32 s5, v19;
	v21 =	vand.u32 $0xFFFFFF80, v55;
	v56 =	vand.u32 $0x7F, v22  }
0x2c5: {  	s9 =	sadd.s32 $0xFFFFFC00, s8;
	v22 =	vadd.s32 s11, v58;
	v46 =	vadd.s32 s22, v42;
	v16 =	vor.u32 v47, v16  }
0x2c6: {  	v18 =	vor.u32 v18, v19;
	v19 =	vadd.s32 s9, v53;
	s10 =	spop (v2sf);
	(v2sf) =	vpush v4, $0xC  }
0x2c7: {  	v49 =	vor.u32 v1, v45;
	v21 =	vadd.s32 s9, v21;
	v19 =	vor.u32 v54, v19  }
0x2c8: {  	[tilespmem:v13+s14+$0x0] =	vst.idx.msk $0xffff, v0;
	v20 =	vor.u32 v56, v21;
	v21 =	vand.u32 $0x6F, v57;
	s12 =	spop (v2sf);
	(v2sf) =	vpush v4, $0xD  }
0x2c9: {  	v55 =	vand.u32 $0xFFFFFF80, v52;
	v54 =	vor.u32 v1, v52;
	v60 =	vor.u32 v21, v22;
	[tilespmem:v14+s14+$0x0] =	vst.idx.msk $0xffff, v0;
	s1 =	sor.u32 $0x10, s10  }
0x2ca: {  	[tilespmem:v15+s14+$0x0] =	vst.idx.msk $0xffff, v0;
	v5 =	vmov s1;
	v59 =	vor.u32 s1, v1;
	s1 =	sor.u32 $0x10, s12;
	s15 =	spop (v2sf);
	(v2sf) =	vpush v4, $0xE  }
0x2cb: {  	[tilespmem:v16+s14+$0x0] =	vst.idx.msk $0xffff, v0;
	v5 =	vand.u32 $0xFFFFFF80, v5;
	v61 =	vand.u32 $0x7F, v59;
	v24 =	vmov s1  }
0x2cc: {  	[tilespmem:v17+s14+$0x0] =	vst.idx.msk $0xffff, v0;
	v26 =	vor.u32 s1, v1;
	s18 =	spop (v2sf);
	(v2sf) =	vpush v4, $0xF;
	v4 =	vbroadcast v4, $0xF  }
0x2cd: {  	[tilespmem:v18+s14+$0x0] =	vst.idx.msk $0xffff, v0;
	s1 =	sor.u32 $0x10, s15;
	v5 =	vadd.s32 s11, v5;
	v8 =	vand.u32 $0xFFFFFF80, v24;
	v27 =	vand.u32 $0x7F, v26  }
0x2ce: {  	[tilespmem:v19+s14+$0x0] =	vst.idx.msk $0xffff, v0;
	v31 =	vmov s1;
	v32 =	vor.u32 s1, v1;
	v8 =	vadd.s32 s13, v8  }
0x2cf: {  	[tilespmem:v20+s14+$0x0] =	vst.idx.msk $0xffff, v0;
	s1 =	sor.u32 $0x10, s18;
	v5 =	vor.u32 v61, v5;
	v11 =	vand.u32 $0xFFFFFF80, v31;
	v34 =	vand.u32 $0x7F, v32  }
0x2d0: {  	[tilespmem:v60+s14+$0x0] =	vst.idx.msk $0xffff, v0;
	v37 =	vmov s1;
	v38 =	vor.u32 s1, v1;
	v60 =	vor.u32 v1, v4  }
0x2d1: {  	v4 =	vand.u32 $0xFFFFFF80, v4;
	v8 =	vor.u32 v27, v8;
	v11 =	vadd.s32 s17, v11  }
0x2d2: {  	v13 =	vand.u32 $0xFFFFFF80, v37;
	v14 =	vand.u32 $0x7F, v38;
	v4 =	vadd.s32 s8, v4  }
0x2d3: {  	v10 =	vor.u32 v34, v11;
	v11 =	vand.u32 $0x6F, v35;
	v13 =	vadd.s32 s19, v13  }
0x2d4: {  	s24 =	sadd.s32 $0xFFFFFF00, s8;
	v11 =	vor.u32 v11, v12;
	v40 =	vor.u32 v14, v13;
	[tilespmem:v5+s14+$0x0] =	vst.idx.msk $0xffff, v0;
	v5 =	vand.u32 $0xFFFFFF80, v45  }
0x2d5: {  	v13 =	vand.u32 $0x6F, v41;
	v14 =	vand.u32 $0x6F, v49;
	[tilespmem:v7+s14+$0x0] =	vst.idx.msk $0xffff, v0;
	v5 =	vadd.s32 s24, v5;
	s20 =	spop (v2sf)  }
0x2d6: {  	s29 =	sadd.s32 $0xFFFFFF80, s8;
	v6 =	vor.u32 v13, v46;
	[tilespmem:v8+s14+$0x0] =	vst.idx.msk $0xffff, v0;
	v5 =	vor.u32 v14, v5;
	v8 =	vand.u32 $0x6F, v54;
	s1 =	sor.u32 $0x10, s20  }
0x2d7: {  	[tilespmem:v9+s14+$0x0] =	vst.idx.msk $0xffff, v0;
	v9 =	vadd.s32 s29, v55;
	s23 =	spop (v2sf);
	v43 =	vmov s1;
	v44 =	vor.u32 s1, v1  }
0x2d8: {  	v8 =	vor.u32 v8, v9;
	s1 =	sor.u32 $0x10, s23;
	v15 =	vand.u32 $0xFFFFFF80, v43;
	v47 =	vand.u32 $0x7F, v44  }
0x2d9: {  	s25 =	spop (v2sf);
	v50 =	vmov s1;
	v51 =	vor.u32 s1, v1;
	v15 =	vadd.s32 s22, v15  }
0x2da: {  	s1 =	sor.u32 $0x10, s25;
	v7 =	vand.u32 $0x7F, v51;
	v48 =	vor.u32 v47, v15;
	v15 =	vand.u32 $0xFFFFFF80, v50  }
0x2db: {  	[tilespmem:v10+s14+$0x0] =	vst.idx.msk $0xffff, v0;
	s31 =	spop (v2sf);
	v56 =	vmov s1;
	v57 =	vor.u32 s1, v1;
	v53 =	vadd.s32 s24, v15  }
0x2dc: {  	[tilespmem:v11+s14+$0x0] =	vst.idx.msk $0xffff, v0;
	s1 =	sor.u32 $0x10, s31;
	v14 =	vand.u32 $0xFFFFFF80, v56;
	v10 =	vand.u32 $0x7F, v57;
	v7 =	vor.u32 v7, v53  }
0x2dd: {  	[tilespmem:v40+s14+$0x0] =	vst.idx.msk $0xffff, v0;
	v61 =	vmov s1;
	v62 =	vor.u32 s1, v1;
	v58 =	vadd.s32 s29, v14  }
0x2de: {  	[tilespmem:v6+s14+$0x0] =	vst.idx.msk $0xffff, v0;
	v11 =	vand.u32 $0xFFFFFF80, v61;
	v59 =	vor.u32 v10, v58;
	v10 =	vand.u32 $0x6F, v60  }
0x2df: {  	v6 =	vand.u32 $0x7F, v62;
	v63 =	vadd.s32 s8, v11;
	v4 =	vor.u32 v10, v4;
	[tilespmem:v48+s14+$0x0] =	vst.idx.msk $0xffff, v0  }
0x2e0: {  	p0 =	sne.s32 s0, $0x7F;
	[tilespmem:v5+s14+$0x0] =	vst.idx.msk $0xffff, v0;
	v5 =	vor.u32 v6, v63  }
.Ltmp10:
0x2e1: {  	[tilespmem:v7+s14+$0x0] =	vst.idx.msk $0xffff, v0;
	(pc) =	sbr.rel @p0 .LBB2_11-.Ltmp10, $4  }
0x2e2: {  	[tilespmem:v8+s14+$0x0] =	vst.idx.msk $0xffff, v0  }
0x2e3: {  	[tilespmem:v59+s14+$0x0] =	vst.idx.msk $0xffff, v0  }
0x2e4: {  	[tilespmem:v4+s14+$0x0] =	vst.idx.msk $0xffff, v0  }
0x2e5: {  	s3 =	sadd.s32 $0x10, s3;
	s0 =	sadd.s32 $0x10, s0;
	[tilespmem:v5+s14+$0x0] =	vst.idx.msk $0xffff, v0  }
0x2e6: {  	s1 =	rddreg [dreg:$0x13]  }
0x2e7: {  	s0 =	rddreg [dreg:$0x12];
	s1 =	sadd.s32 $0x1, s1  }
0x2e8: {  	p0 =	sne.s32 s1, s0  }
.Ltmp11:
0x2e9: {  	_ = 	snop;
	(pc) =	sbr.rel @p0 .LBB2_8-.Ltmp11, $4  }
.Ltmp12:
0x2ea: {  	_ = 	snop;
	(pc) =	sbr.rel @!p0 .LBB2_13-.Ltmp12, $4  }
0x2eb: {  	_ = 	snop  }
0x2ec: {  	_ = 	snop  }
0x2ed: {  	s28 =	sadd.s32 $0x80, s28;
	s30 =	sadd.s32 $0x80, s30  }
0x2ee: {  	_ = 	snop  }
.LBB2_16:
0x2ef: {  	_ =	sfence.sel $0x180000  }
0x2f0: {  	[bflag:$0x0] =	sbarrier.arrive $0xFFFF  }
0x2f1: {  	_ =	strace $0x90000047  }
0x2f2: {  	s0 =	stileid.u32;
	[bflag:$0x2] =	sbarrier.arrive $0xFFFF  }
0x2f3: {  	p0 =	sne.s32 s0, $0x0;
	s0 =	rddreg [dreg:$0x3]  }
0x2f4: {  	s0 =	sadd.s32 @!p0 $0x100000, s0  }
0x2f5: {  	[sflag:s0] =	ssyncadd.tile.s32 @!p0 $0x1;
	_ =	shalt  }
.Lfunc_end2:
_tile_overlayer_lowered:
.L_overlay_start_2:
0x2f6: {  	(tag) =	ssettag $0x2  }
0x2f7: {  	s0 =	rddreg [dreg:$0x0];
	s2 =	stileid.u32  }
0x2f8: {  	s1 =	rddreg [dreg:$0x1];
	p0 =	sne.s32 s2, $0x0  }
0x2f9: {  	s3 =	rddreg [dreg:$0x2];
	[bflag:$0x3] =	sbarrier.arrive $0xFFFF;
	s2 =	simm.s32 @!p0 $0x1C02  }
0x2fa: {  	[timem:s3], [sflag:s2] =	dma.local @!p0 [hbm:s0], s1  }
0x2fb: {  	s0 =	simm.s32 @!p0 $0x2  }
0x2fc: {  	_ =	swait.ge @!p0 [sflag:s0], s1  }
0x2fd: {  	s1 =	ssub.s32 @!p0 $0x0, s1;
	[sflag:s0] =	ssyncset.done @!p0 $0x0  }
0x2fe: {  	[sflag:s0] =	ssyncadd.s32 @!p0 s1  }
0x2ff: {  	[bflag:$0x3] =	sbarrier.arrive $0xFFFF  }
0x300: {  	_ =	shalt  }

</sc_bundles>
